<compile_context>
chip_gen: v7x
topology: tpu7x:2x2x1
jax: 0.10.2.dev20260603
libtpu: 0.0.44.dev20260713+nightly
codegen_flags: <defaults>
</compile_context>

<pallas_src>
import functools

import jax
import jax.numpy as jnp
from jax import lax
from jax.experimental import pallas as pl
from jax.experimental.pallas import tpu as pltpu
from jax.experimental.pallas import tpu_sc as plsc

_L = 16
_D = 16
_JB = 8
_IB = 128
_NB = 4


@functools.lru_cache(maxsize=None)
def _build_lookup(n_i: int, n_j: int, n_vocab: int):
  info = plsc.get_sparse_core_info()
  nc, ns = info.num_cores, info.num_subcores
  nw = nc * ns
  assert n_i % (nw * _IB) == 0 and n_j % _JB == 0, (n_i, n_j)
  iblocks_per_w = n_i // (nw * _IB)
  jblocks = n_j // _JB
  n_units = iblocks_per_w * jblocks
  n_groups = _IB // _L
  assert n_units % _NB == 0 and n_units >= 2 * _NB

  mesh = plsc.VectorSubcoreMesh(core_axis_name="c", subcore_axis_name="s")

  @functools.partial(
      pl.kernel,
      mesh=mesh,
      compiler_params=pltpu.CompilerParams(
          needs_layout_passes=False, use_tc_tiling_on_sc=True),
      out_type=jax.ShapeDtypeStruct((n_j, _D, n_i), jnp.float32),
      scratch_types=[
          pltpu.VMEM((_D, n_vocab), jnp.float32),
      ] + [pltpu.VMEM((_JB, _IB), jnp.int32)] * _NB
        + [pltpu.VMEM((_JB, _D, _IB), jnp.float32)] * _NB
        + [pltpu.SemaphoreType.DMA] * (2 * _NB),
  )
  def lookup(table_hbm, idx_hbm, out_hbm, table_v, *bufs):
    idx_v = bufs[:_NB]
    stage_v = bufs[_NB:2 * _NB]
    isem = bufs[2 * _NB:3 * _NB]
    osem = bufs[3 * _NB:4 * _NB]
    wid = lax.axis_index("s") * nc + lax.axis_index("c")
    pltpu.sync_copy(table_hbm, table_v)

    def unit_coords(u):
      ib = u // jblocks
      j0 = pl.multiple_of((u % jblocks) * _JB, _JB)
      i0 = pl.multiple_of((wid * iblocks_per_w + ib) * _IB, _IB)
      return j0, i0

    def idx_copy(u, s):
      j0, i0 = unit_coords(u)
      return pltpu.make_async_copy(
          idx_hbm.at[pl.ds(j0, _JB), pl.ds(i0, _IB)], idx_v[s], isem[s])

    def out_copy(u, s):
      j0, i0 = unit_coords(u)
      return pltpu.make_async_copy(
          stage_v[s], out_hbm.at[pl.ds(j0, _JB), :, pl.ds(i0, _IB)], osem[s])

    def compute(s):
      iv, sv = idx_v[s], stage_v[s]

      @plsc.parallel_loop(0, _JB * n_groups, unroll=2)
      def _(gu):
        jj = lax.shift_right_logical(gu, 3)
        off = pl.multiple_of((gu & (n_groups - 1)) * _L, _L)
        src = iv[jj, pl.ds(off, _L)]
        for d in range(_D):
          row = jnp.full((_L,), d, jnp.int32)
          sv[jj, d, pl.ds(off, _L)] = plsc.load_gather(table_v, [row, src])

    for s in range(_NB):
      idx_copy(s, s).start()
    for s in range(_NB):
      idx_copy(s, s).wait()
      compute(s)
      out_copy(s, s).start()
      idx_copy(s + _NB, s).start()

    last = n_units - 1

    def ring_body(p, carry):
      for s in range(_NB):
        u = _NB * p + s
        idx_copy(u, s).wait()
        out_copy(u, s).wait()
        compute(s)
        out_copy(u, s).start()
        up = jnp.minimum(u + _NB, last)
        idx_copy(up, s).start()
      return carry

    lax.fori_loop(1, n_units // _NB, ring_body, 0)

    for s in range(_NB):
      idx_copy(last, s).wait()
      out_copy(last, s).wait()

  return lookup


def kernel(x, embedding):
  n_i, n_j = x.shape
  xt = x.T.astype(jnp.int32)
  emb = embedding.astype(jnp.float32).T
  fn = _build_lookup(n_i, n_j, emb.shape[1])
  out = fn(emb, xt)
  return out.transpose(2, 0, 1)

# --- scband reference (transcript-rebuilt; emitter-appended) ---
"""Pipeline reference for scband-my-model-87522843558961 (READ-ONLY COPY).

The authoritative reference and input builder live on the scoring server;
editing this copy changes nothing except your own understanding.
"""

import jax, jax.numpy as jnp
import numpy as np

def setup_inputs(seed: int = 0) -> dict:
    key = jax.random.key(seed)
    k1, k2 = jax.random.split(key)
    x = jax.random.randint(k1, (16384, 200), 0, 50, dtype=jnp.int64)
    embedding = jax.random.uniform(k2, (50, 16), dtype=jnp.float32)
    return {"x": x, "embedding": embedding}

def reference(x, embedding):
    # tf.nn.embedding_lookup(embedding, x) -> gather rows of table by index
    return jnp.take(embedding, x, axis=0)

if __name__ == "__main__":
    import jax
    _d = setup_inputs()
    print(jax.jit(kernel)(*tuple(_d.values())))

</pallas_src>

<mosaic_0001>
#map = affine_map<(d0, d1) -> (0, 0)>
#map1 = affine_map<(d0, d1) -> (0, 0, 0)>
module attributes {stable_mosaic.version = 14 : i64} {
  func.func @lookup(%arg0: i32, %arg1: i32, %arg2: memref<16x50xf32, #tpu.memory_space<hbm>>, %arg3: memref<200x16384xi32, #tpu.memory_space<hbm>>, %arg4: memref<200x16x16384xf32, #tpu.memory_space<hbm>>, %arg5: memref<16x50xf32, #tpu.memory_space<vmem>>, %arg6: memref<8x128xi32, #tpu.memory_space<vmem>>, %arg7: memref<8x128xi32, #tpu.memory_space<vmem>>, %arg8: memref<8x128xi32, #tpu.memory_space<vmem>>, %arg9: memref<8x128xi32, #tpu.memory_space<vmem>>, %arg10: memref<8x16x128xf32, #tpu.memory_space<vmem>>, %arg11: memref<8x16x128xf32, #tpu.memory_space<vmem>>, %arg12: memref<8x16x128xf32, #tpu.memory_space<vmem>>, %arg13: memref<8x16x128xf32, #tpu.memory_space<vmem>>, %arg14: memref<!tpu.dma_semaphore, #tpu.memory_space<semaphore_mem>>, %arg15: memref<!tpu.dma_semaphore, #tpu.memory_space<semaphore_mem>>, %arg16: memref<!tpu.dma_semaphore, #tpu.memory_space<semaphore_mem>>, %arg17: memref<!tpu.dma_semaphore, #tpu.memory_space<semaphore_mem>>, %arg18: memref<!tpu.dma_semaphore, #tpu.memory_space<semaphore_mem>>, %arg19: memref<!tpu.dma_semaphore, #tpu.memory_space<semaphore_mem>>, %arg20: memref<!tpu.dma_semaphore, #tpu.memory_space<semaphore_mem>>, %arg21: memref<!tpu.dma_semaphore, #tpu.memory_space<semaphore_mem>>) attributes {dimension_semantics = [#tpu.dimension_semantics<core_parallel>, #tpu.dimension_semantics<subcore_parallel>], iteration_bounds = array<i64: 2, 16>, scalar_prefetch = 0 : i64, scratch_operands = 17 : i64, tpu.core_type = #tpu.core_type<sc_vector_subcore>, window_params = [{transform_indices = #map}, {transform_indices = #map}, {transform_indices = #map1}]} {
    %mul3A = arith.constant 2 : i32
    %mul3A_0 = arith.muli %arg1, %mul3A : i32
    %add3A = arith.addi %mul3A_0, %arg0 : i32
    "tpu.region"() ({
      %run_scoped3A = tpu.sem_alloc : memref<!tpu.dma_semaphore, #tpu.memory_space<semaphore_mem>>
      tpu.enqueue_dma source(%arg2 : memref<16x50xf32, #tpu.memory_space<hbm>>) target(%arg5 : memref<16x50xf32, #tpu.memory_space<vmem>>) target_semaphore(%run_scoped3A : memref<!tpu.dma_semaphore, #tpu.memory_space<semaphore_mem>>)
      tpu.wait_dma2 semaphore(%run_scoped3A : memref<!tpu.dma_semaphore, #tpu.memory_space<semaphore_mem>>) src(%arg2 : memref<16x50xf32, #tpu.memory_space<hbm>>) dst(%arg5 : memref<16x50xf32, #tpu.memory_space<vmem>>)
      tpu.yield
    }) : () -> ()
    %multiple_of3A = arith.constant 0 : i32
    %multiple_of3A_1 = tpu.assume_multiple %multiple_of3A, 8 : i32
    %mul3A_2 = arith.constant 4 : i32
    %mul3A_3 = arith.muli %add3A, %mul3A_2 : i32
    %add3A_4 = arith.constant 0 : i32
    %add3A_5 = arith.addi %mul3A_3, %add3A_4 : i32
    %mul3A_6 = arith.constant 128 : i32
    %mul3A_7 = arith.muli %add3A_5, %mul3A_6 : i32
    %multiple_of3A_8 = tpu.assume_multiple %mul3A_7, 128 : i32
    %dma_start3A = tpu.memref_slice %arg3[%multiple_of3A_1, %multiple_of3A_8] : memref<200x16384xi32, #tpu.memory_space<hbm>> -> memref<8x128xi32, #tpu.memory_space<hbm>>
    %dma_start3A_9 = tpu.memref_slice %arg3[%multiple_of3A_1, %multiple_of3A_8] : memref<200x16384xi32, #tpu.memory_space<hbm>> -> memref<8x128xi32, #tpu.memory_space<hbm>>
    tpu.enqueue_dma source(%dma_start3A_9 : memref<8x128xi32, #tpu.memory_space<hbm>>) target(%arg6 : memref<8x128xi32, #tpu.memory_space<vmem>>) target_semaphore(%arg14 : memref<!tpu.dma_semaphore, #tpu.memory_space<semaphore_mem>>)
    %multiple_of3A_10 = arith.constant 8 : i32
    %multiple_of3A_11 = tpu.assume_multiple %multiple_of3A_10, 8 : i32
    %mul3A_12 = arith.constant 4 : i32
    %mul3A_13 = arith.muli %add3A, %mul3A_12 : i32
    %add3A_14 = arith.constant 0 : i32
    %add3A_15 = arith.addi %mul3A_13, %add3A_14 : i32
    %mul3A_16 = arith.constant 128 : i32
    %mul3A_17 = arith.muli %add3A_15, %mul3A_16 : i32
    %multiple_of3A_18 = tpu.assume_multiple %mul3A_17, 128 : i32
    %dma_start3A_19 = tpu.memref_slice %arg3[%multiple_of3A_11, %multiple_of3A_18] : memref<200x16384xi32, #tpu.memory_space<hbm>> -> memref<8x128xi32, #tpu.memory_space<hbm>>
    %dma_start3A_20 = tpu.memref_slice %arg3[%multiple_of3A_11, %multiple_of3A_18] : memref<200x16384xi32, #tpu.memory_space<hbm>> -> memref<8x128xi32, #tpu.memory_space<hbm>>
    tpu.enqueue_dma source(%dma_start3A_20 : memref<8x128xi32, #tpu.memory_space<hbm>>) target(%arg7 : memref<8x128xi32, #tpu.memory_space<vmem>>) target_semaphore(%arg15 : memref<!tpu.dma_semaphore, #tpu.memory_space<semaphore_mem>>)
    %multiple_of3A_21 = arith.constant 16 : i32
    %multiple_of3A_22 = tpu.assume_multiple %multiple_of3A_21, 8 : i32
    %mul3A_23 = arith.constant 4 : i32
    %mul3A_24 = arith.muli %add3A, %mul3A_23 : i32
    %add3A_25 = arith.constant 0 : i32
    %add3A_26 = arith.addi %mul3A_24, %add3A_25 : i32
    %mul3A_27 = arith.constant 128 : i32
    %mul3A_28 = arith.muli %add3A_26, %mul3A_27 : i32
    %multiple_of3A_29 = tpu.assume_multiple %mul3A_28, 128 : i32
    %dma_start3A_30 = tpu.memref_slice %arg3[%multiple_of3A_22, %multiple_of3A_29] : memref<200x16384xi32, #tpu.memory_space<hbm>> -> memref<8x128xi32, #tpu.memory_space<hbm>>
    %dma_start3A_31 = tpu.memref_slice %arg3[%multiple_of3A_22, %multiple_of3A_29] : memref<200x16384xi32, #tpu.memory_space<hbm>> -> memref<8x128xi32, #tpu.memory_space<hbm>>
    tpu.enqueue_dma source(%dma_start3A_31 : memref<8x128xi32, #tpu.memory_space<hbm>>) target(%arg8 : memref<8x128xi32, #tpu.memory_space<vmem>>) target_semaphore(%arg16 : memref<!tpu.dma_semaphore, #tpu.memory_space<semaphore_mem>>)
    %multiple_of3A_32 = arith.constant 24 : i32
    %multiple_of3A_33 = tpu.assume_multiple %multiple_of3A_32, 8 : i32
    %mul3A_34 = arith.constant 4 : i32
    %mul3A_35 = arith.muli %add3A, %mul3A_34 : i32
    %add3A_36 = arith.constant 0 : i32
    %add3A_37 = arith.addi %mul3A_35, %add3A_36 : i32
    %mul3A_38 = arith.constant 128 : i32
    %mul3A_39 = arith.muli %add3A_37, %mul3A_38 : i32
    %multiple_of3A_40 = tpu.assume_multiple %mul3A_39, 128 : i32
    %dma_start3A_41 = tpu.memref_slice %arg3[%multiple_of3A_33, %multiple_of3A_40] : memref<200x16384xi32, #tpu.memory_space<hbm>> -> memref<8x128xi32, #tpu.memory_space<hbm>>
    %dma_start3A_42 = tpu.memref_slice %arg3[%multiple_of3A_33, %multiple_of3A_40] : memref<200x16384xi32, #tpu.memory_space<hbm>> -> memref<8x128xi32, #tpu.memory_space<hbm>>
    tpu.enqueue_dma source(%dma_start3A_42 : memref<8x128xi32, #tpu.memory_space<hbm>>) target(%arg9 : memref<8x128xi32, #tpu.memory_space<vmem>>) target_semaphore(%arg17 : memref<!tpu.dma_semaphore, #tpu.memory_space<semaphore_mem>>)
    %multiple_of3A_43 = arith.constant 0 : i32
    %multiple_of3A_44 = tpu.assume_multiple %multiple_of3A_43, 8 : i32
    %mul3A_45 = arith.constant 4 : i32
    %mul3A_46 = arith.muli %add3A, %mul3A_45 : i32
    %add3A_47 = arith.constant 0 : i32
    %add3A_48 = arith.addi %mul3A_46, %add3A_47 : i32
    %mul3A_49 = arith.constant 128 : i32
    %mul3A_50 = arith.muli %add3A_48, %mul3A_49 : i32
    %multiple_of3A_51 = tpu.assume_multiple %mul3A_50, 128 : i32
    %dma_wait3A = tpu.memref_slice %arg3[%multiple_of3A_44, %multiple_of3A_51] : memref<200x16384xi32, #tpu.memory_space<hbm>> -> memref<8x128xi32, #tpu.memory_space<hbm>>
    %dma_wait3A_52 = tpu.memref_slice %arg3[%multiple_of3A_44, %multiple_of3A_51] : memref<200x16384xi32, #tpu.memory_space<hbm>> -> memref<8x128xi32, #tpu.memory_space<hbm>>
    tpu.wait_dma2 semaphore(%arg14 : memref<!tpu.dma_semaphore, #tpu.memory_space<semaphore_mem>>) src(%dma_wait3A_52 : memref<8x128xi32, #tpu.memory_space<hbm>>) dst(%arg6 : memref<8x128xi32, #tpu.memory_space<vmem>>)
    %parallel_loop3A = arith.constant 0 : i32
    %parallel_loop3A_53 = arith.constant 64 : i32
    %parallel_loop3A_54 = arith.constant 1 : i32
    scf.for %parallel_loop3A_294 = %parallel_loop3A to %parallel_loop3A_53 step %parallel_loop3A_54  : i32 {
      %parallel_loop3A_295 = arith.constant 3 : i32
      %parallel_loop3A_296 = arith.shrui %parallel_loop3A_294, %parallel_loop3A_295 : i32
      %parallel_loop3A_297 = arith.constant 7 : i32
      %parallel_loop3A_298 = arith.andi %parallel_loop3A_294, %parallel_loop3A_297 : i32
      %parallel_loop3A_299 = arith.constant 16 : i32
      %parallel_loop3A_300 = arith.muli %parallel_loop3A_298, %parallel_loop3A_299 : i32
      %parallel_loop3A_301 = tpu.assume_multiple %parallel_loop3A_300, 16 : i32
      %parallel_loop3A_302 = arith.index_cast %parallel_loop3A_296 : i32 to index
      %parallel_loop3A_303 = arith.index_cast %parallel_loop3A_301 : i32 to index
      %parallel_loop3A_304 = tpu.vector_load %arg6[%parallel_loop3A_302, %parallel_loop3A_303] {strides = array<i32>} : memref<8x128xi32, #tpu.memory_space<vmem>>, vector<16xi32>,
      %parallel_loop3A_305 = arith.constant 0 : i32
      %parallel_loop3A_306 = vector.broadcast %parallel_loop3A_305 : i32 to vector<16xi32>
      %parallel_loop3A_307 = tpu.vector_load_idx %arg5[%parallel_loop3A_306, %parallel_loop3A_304] : memref<16x50xf32, #tpu.memory_space<vmem>>[vector<16xi32>, vector<16xi32>], vector<16xf32>,
      %parallel_loop3A_308 = arith.constant 0 : i32
      %parallel_loop3A_309 = arith.index_cast %parallel_loop3A_296 : i32 to index
      %parallel_loop3A_310 = arith.index_cast %parallel_loop3A_308 : i32 to index
      %parallel_loop3A_311 = arith.index_cast %parallel_loop3A_301 : i32 to index
      %parallel_loop3A_312 = tpu.vector_load %arg10[%parallel_loop3A_309, %parallel_loop3A_310, %parallel_loop3A_311] {strides = array<i32>} : memref<8x16x128xf32, #tpu.memory_space<vmem>>, vector<16xf32>,
      tpu.vector_store %arg10[%parallel_loop3A_309, %parallel_loop3A_310, %parallel_loop3A_311], %parallel_loop3A_307 {strides = array<i32>} : memref<8x16x128xf32, #tpu.memory_space<vmem>>, vector<16xf32>,
      %parallel_loop3A_313 = arith.constant 1 : i32
      %parallel_loop3A_314 = vector.broadcast %parallel_loop3A_313 : i32 to vector<16xi32>
      %parallel_loop3A_315 = tpu.vector_load_idx %arg5[%parallel_loop3A_314, %parallel_loop3A_304] : memref<16x50xf32, #tpu.memory_space<vmem>>[vector<16xi32>, vector<16xi32>], vector<16xf32>,
      %parallel_loop3A_316 = arith.constant 1 : i32
      %parallel_loop3A_317 = arith.index_cast %parallel_loop3A_296 : i32 to index
      %parallel_loop3A_318 = arith.index_cast %parallel_loop3A_316 : i32 to index
      %parallel_loop3A_319 = arith.index_cast %parallel_loop3A_301 : i32 to index
      %parallel_loop3A_320 = tpu.vector_load %arg10[%parallel_loop3A_317, %parallel_loop3A_318, %parallel_loop3A_319] {strides = array<i32>} : memref<8x16x128xf32, #tpu.memory_space<vmem>>, vector<16xf32>,
      tpu.vector_store %arg10[%parallel_loop3A_317, %parallel_loop3A_318, %parallel_loop3A_319], %parallel_loop3A_315 {strides = array<i32>} : memref<8x16x128xf32, #tpu.memory_space<vmem>>, vector<16xf32>,
      %parallel_loop3A_321 = arith.constant 2 : i32
      %parallel_loop3A_322 = vector.broadcast %parallel_loop3A_321 : i32 to vector<16xi32>
      %parallel_loop3A_323 = tpu.vector_load_idx %arg5[%parallel_loop3A_322, %parallel_loop3A_304] : memref<16x50xf32, #tpu.memory_space<vmem>>[vector<16xi32>, vector<16xi32>], vector<16xf32>,
      %parallel_loop3A_324 = arith.constant 2 : i32
      %parallel_loop3A_325 = arith.index_cast %parallel_loop3A_296 : i32 to index
      %parallel_loop3A_326 = arith.index_cast %parallel_loop3A_324 : i32 to index
      %parallel_loop3A_327 = arith.index_cast %parallel_loop3A_301 : i32 to index
      %parallel_loop3A_328 = tpu.vector_load %arg10[%parallel_loop3A_325, %parallel_loop3A_326, %parallel_loop3A_327] {strides = array<i32>} : memref<8x16x128xf32, #tpu.memory_space<vmem>>, vector<16xf32>,
      tpu.vector_store %arg10[%parallel_loop3A_325, %parallel_loop3A_326, %parallel_loop3A_327], %parallel_loop3A_323 {strides = array<i32>} : memref<8x16x128xf32, #tpu.memory_space<vmem>>, vector<16xf32>,
      %parallel_loop3A_329 = arith.constant 3 : i32
      %parallel_loop3A_330 = vector.broadcast %parallel_loop3A_329 : i32 to vector<16xi32>
      %parallel_loop3A_331 = tpu.vector_load_idx %arg5[%parallel_loop3A_330, %parallel_loop3A_304] : memref<16x50xf32, #tpu.memory_space<vmem>>[vector<16xi32>, vector<16xi32>], vector<16xf32>,
      %parallel_loop3A_332 = arith.constant 3 : i32
      %parallel_loop3A_333 = arith.index_cast %parallel_loop3A_296 : i32 to index
      %parallel_loop3A_334 = arith.index_cast %parallel_loop3A_332 : i32 to index
      %parallel_loop3A_335 = arith.index_cast %parallel_loop3A_301 : i32 to index
      %parallel_loop3A_336 = tpu.vector_load %arg10[%parallel_loop3A_333, %parallel_loop3A_334, %parallel_loop3A_335] {strides = array<i32>} : memref<8x16x128xf32, #tpu.memory_space<vmem>>, vector<16xf32>,
      tpu.vector_store %arg10[%parallel_loop3A_333, %parallel_loop3A_334, %parallel_loop3A_335], %parallel_loop3A_331 {strides = array<i32>} : memref<8x16x128xf32, #tpu.memory_space<vmem>>, vector<16xf32>,
      %parallel_loop3A_337 = arith.constant 4 : i32
      %parallel_loop3A_338 = vector.broadcast %parallel_loop3A_337 : i32 to vector<16xi32>
      %parallel_loop3A_339 = tpu.vector_load_idx %arg5[%parallel_loop3A_338, %parallel_loop3A_304] : memref<16x50xf32, #tpu.memory_space<vmem>>[vector<16xi32>, vector<16xi32>], vector<16xf32>,
      %parallel_loop3A_340 = arith.constant 4 : i32
      %parallel_loop3A_341 = arith.index_cast %parallel_loop3A_296 : i32 to index
      %parallel_loop3A_342 = arith.index_cast %parallel_loop3A_340 : i32 to index
      %parallel_loop3A_343 = arith.index_cast %parallel_loop3A_301 : i32 to index
      %parallel_loop3A_344 = tpu.vector_load %arg10[%parallel_loop3A_341, %parallel_loop3A_342, %parallel_loop3A_343] {strides = array<i32>} : memref<8x16x128xf32, #tpu.memory_space<vmem>>, vector<16xf32>,
      tpu.vector_store %arg10[%parallel_loop3A_341, %parallel_loop3A_342, %parallel_loop3A_343], %parallel_loop3A_339 {strides = array<i32>} : memref<8x16x128xf32, #tpu.memory_space<vmem>>, vector<16xf32>,
      %parallel_loop3A_345 = arith.constant 5 : i32
      %parallel_loop3A_346 = vector.broadcast %parallel_loop3A_345 : i32 to vector<16xi32>
      %parallel_loop3A_347 = tpu.vector_load_idx %arg5[%parallel_loop3A_346, %parallel_loop3A_304] : memref<16x50xf32, #tpu.memory_space<vmem>>[vector<16xi32>, vector<16xi32>], vector<16xf32>,
      %parallel_loop3A_348 = arith.constant 5 : i32
      %parallel_loop3A_349 = arith.index_cast %parallel_loop3A_296 : i32 to index
      %parallel_loop3A_350 = arith.index_cast %parallel_loop3A_348 : i32 to index
      %parallel_loop3A_351 = arith.index_cast %parallel_loop3A_301 : i32 to index
      %parallel_loop3A_352 = tpu.vector_load %arg10[%parallel_loop3A_349, %parallel_loop3A_350, %parallel_loop3A_351] {strides = array<i32>} : memref<8x16x128xf32, #tpu.memory_space<vmem>>, vector<16xf32>,
      tpu.vector_store %arg10[%parallel_loop3A_349, %parallel_loop3A_350, %parallel_loop3A_351], %parallel_loop3A_347 {strides = array<i32>} : memref<8x16x128xf32, #tpu.memory_space<vmem>>, vector<16xf32>,
      %parallel_loop3A_353 = arith.constant 6 : i32
      %parallel_loop3A_354 = vector.broadcast %parallel_loop3A_353 : i32 to vector<16xi32>
      %parallel_loop3A_355 = tpu.vector_load_idx %arg5[%parallel_loop3A_354, %parallel_loop3A_304] : memref<16x50xf32, #tpu.memory_space<vmem>>[vector<16xi32>, vector<16xi32>], vector<16xf32>,
      %parallel_loop3A_356 = arith.constant 6 : i32
      %parallel_loop3A_357 = arith.index_cast %parallel_loop3A_296 : i32 to index
      %parallel_loop3A_358 = arith.index_cast %parallel_loop3A_356 : i32 to index
      %parallel_loop3A_359 = arith.index_cast %parallel_loop3A_301 : i32 to index
      %parallel_loop3A_360 = tpu.vector_load %arg10[%parallel_loop3A_357, %parallel_loop3A_358, %parallel_loop3A_359] {strides = array<i32>} : memref<8x16x128xf32, #tpu.memory_space<vmem>>, vector<16xf32>,
      tpu.vector_store %arg10[%parallel_loop3A_357, %parallel_loop3A_358, %parallel_loop3A_359], %parallel_loop3A_355 {strides = array<i32>} : memref<8x16x128xf32, #tpu.memory_space<vmem>>, vector<16xf32>,
      %parallel_loop3A_361 = arith.constant 7 : i32
      %parallel_loop3A_362 = vector.broadcast %parallel_loop3A_361 : i32 to vector<16xi32>
      %parallel_loop3A_363 = tpu.vector_load_idx %arg5[%parallel_loop3A_362, %parallel_loop3A_304] : memref<16x50xf32, #tpu.memory_space<vmem>>[vector<16xi32>, vector<16xi32>], vector<16xf32>,
      %parallel_loop3A_364 = arith.constant 7 : i32
      %parallel_loop3A_365 = arith.index_cast %parallel_loop3A_296 : i32 to index
      %parallel_loop3A_366 = arith.index_cast %parallel_loop3A_364 : i32 to index
      %parallel_loop3A_367 = arith.index_cast %parallel_loop3A_301 : i32 to index
      %parallel_loop3A_368 = tpu.vector_load %arg10[%parallel_loop3A_365, %parallel_loop3A_366, %parallel_loop3A_367] {strides = array<i32>} : memref<8x16x128xf32, #tpu.memory_space<vmem>>, vector<16xf32>,
      tpu.vector_store %arg10[%parallel_loop3A_365, %parallel_loop3A_366, %parallel_loop3A_367], %parallel_loop3A_363 {strides = array<i32>} : memref<8x16x128xf32, #tpu.memory_space<vmem>>, vector<16xf32>,
      %parallel_loop3A_369 = arith.constant 8 : i32
      %parallel_loop3A_370 = vector.broadcast %parallel_loop3A_369 : i32 to vector<16xi32>
      %parallel_loop3A_371 = tpu.vector_load_idx %arg5[%parallel_loop3A_370, %parallel_loop3A_304] : memref<16x50xf32, #tpu.memory_space<vmem>>[vector<16xi32>, vector<16xi32>], vector<16xf32>,
      %parallel_loop3A_372 = arith.constant 8 : i32
      %parallel_loop3A_373 = arith.index_cast %parallel_loop3A_296 : i32 to index
      %parallel_loop3A_374 = arith.index_cast %parallel_loop3A_372 : i32 to index
      %parallel_loop3A_375 = arith.index_cast %parallel_loop3A_301 : i32 to index
      %parallel_loop3A_376 = tpu.vector_load %arg10[%parallel_loop3A_373, %parallel_loop3A_374, %parallel_loop3A_375] {strides = array<i32>} : memref<8x16x128xf32, #tpu.memory_space<vmem>>, vector<16xf32>,
      tpu.vector_store %arg10[%parallel_loop3A_373, %parallel_loop3A_374, %parallel_loop3A_375], %parallel_loop3A_371 {strides = array<i32>} : memref<8x16x128xf32, #tpu.memory_space<vmem>>, vector<16xf32>,
      %parallel_loop3A_377 = arith.constant 9 : i32
      %parallel_loop3A_378 = vector.broadcast %parallel_loop3A_377 : i32 to vector<16xi32>
      %parallel_loop3A_379 = tpu.vector_load_idx %arg5[%parallel_loop3A_378, %parallel_loop3A_304] : memref<16x50xf32, #tpu.memory_space<vmem>>[vector<16xi32>, vector<16xi32>], vector<16xf32>,
      %parallel_loop3A_380 = arith.constant 9 : i32
      %parallel_loop3A_381 = arith.index_cast %parallel_loop3A_296 : i32 to index
      %parallel_loop3A_382 = arith.index_cast %parallel_loop3A_380 : i32 to index
      %parallel_loop3A_383 = arith.index_cast %parallel_loop3A_301 : i32 to index
      %parallel_loop3A_384 = tpu.vector_load %arg10[%parallel_loop3A_381, %parallel_loop3A_382, %parallel_loop3A_383] {strides = array<i32>} : memref<8x16x128xf32, #tpu.memory_space<vmem>>, vector<16xf32>,
      tpu.vector_store %arg10[%parallel_loop3A_381, %parallel_loop3A_382, %parallel_loop3A_383], %parallel_loop3A_379 {strides = array<i32>} : memref<8x16x128xf32, #tpu.memory_space<vmem>>, vector<16xf32>,
      %parallel_loop3A_385 = arith.constant 10 : i32
      %parallel_loop3A_386 = vector.broadcast %parallel_loop3A_385 : i32 to vector<16xi32>
      %parallel_loop3A_387 = tpu.vector_load_idx %arg5[%parallel_loop3A_386, %parallel_loop3A_304] : memref<16x50xf32, #tpu.memory_space<vmem>>[vector<16xi32>, vector<16xi32>], vector<16xf32>,
      %parallel_loop3A_388 = arith.constant 10 : i32
      %parallel_loop3A_389 = arith.index_cast %parallel_loop3A_296 : i32 to index
      %parallel_loop3A_390 = arith.index_cast %parallel_loop3A_388 : i32 to index
      %parallel_loop3A_391 = arith.index_cast %parallel_loop3A_301 : i32 to index
      %parallel_loop3A_392 = tpu.vector_load %arg10[%parallel_loop3A_389, %parallel_loop3A_390, %parallel_loop3A_391] {strides = array<i32>} : memref<8x16x128xf32, #tpu.memory_space<vmem>>, vector<16xf32>,
      tpu.vector_store %arg10[%parallel_loop3A_389, %parallel_loop3A_390, %parallel_loop3A_391], %parallel_loop3A_387 {strides = array<i32>} : memref<8x16x128xf32, #tpu.memory_space<vmem>>, vector<16xf32>,
      %parallel_loop3A_393 = arith.constant 11 : i32
      %parallel_loop3A_394 = vector.broadcast %parallel_loop3A_393 : i32 to vector<16xi32>
      %parallel_loop3A_395 = tpu.vector_load_idx %arg5[%parallel_loop3A_394, %parallel_loop3A_304] : memref<16x50xf32, #tpu.memory_space<vmem>>[vector<16xi32>, vector<16xi32>], vector<16xf32>,
      %parallel_loop3A_396 = arith.constant 11 : i32
      %parallel_loop3A_397 = arith.index_cast %parallel_loop3A_296 : i32 to index
      %parallel_loop3A_398 = arith.index_cast %parallel_loop3A_396 : i32 to index
      %parallel_loop3A_399 = arith.index_cast %parallel_loop3A_301 : i32 to index
      %parallel_loop3A_400 = tpu.vector_load %arg10[%parallel_loop3A_397, %parallel_loop3A_398, %parallel_loop3A_399] {strides = array<i32>} : memref<8x16x128xf32, #tpu.memory_space<vmem>>, vector<16xf32>,
      tpu.vector_store %arg10[%parallel_loop3A_397, %parallel_loop3A_398, %parallel_loop3A_399], %parallel_loop3A_395 {strides = array<i32>} : memref<8x16x128xf32, #tpu.memory_space<vmem>>, vector<16xf32>,
      %parallel_loop3A_401 = arith.constant 12 : i32
      %parallel_loop3A_402 = vector.broadcast %parallel_loop3A_401 : i32 to vector<16xi32>
      %parallel_loop3A_403 = tpu.vector_load_idx %arg5[%parallel_loop3A_402, %parallel_loop3A_304] : memref<16x50xf32, #tpu.memory_space<vmem>>[vector<16xi32>, vector<16xi32>], vector<16xf32>,
      %parallel_loop3A_404 = arith.constant 12 : i32
      %parallel_loop3A_405 = arith.index_cast %parallel_loop3A_296 : i32 to index
      %parallel_loop3A_406 = arith.index_cast %parallel_loop3A_404 : i32 to index
      %parallel_loop3A_407 = arith.index_cast %parallel_loop3A_301 : i32 to index
      %parallel_loop3A_408 = tpu.vector_load %arg10[%parallel_loop3A_405, %parallel_loop3A_406, %parallel_loop3A_407] {strides = array<i32>} : memref<8x16x128xf32, #tpu.memory_space<vmem>>, vector<16xf32>,
      tpu.vector_store %arg10[%parallel_loop3A_405, %parallel_loop3A_406, %parallel_loop3A_407], %parallel_loop3A_403 {strides = array<i32>} : memref<8x16x128xf32, #tpu.memory_space<vmem>>, vector<16xf32>,
      %parallel_loop3A_409 = arith.constant 13 : i32
      %parallel_loop3A_410 = vector.broadcast %parallel_loop3A_409 : i32 to vector<16xi32>
      %parallel_loop3A_411 = tpu.vector_load_idx %arg5[%parallel_loop3A_410, %parallel_loop3A_304] : memref<16x50xf32, #tpu.memory_space<vmem>>[vector<16xi32>, vector<16xi32>], vector<16xf32>,
      %parallel_loop3A_412 = arith.constant 13 : i32
      %parallel_loop3A_413 = arith.index_cast %parallel_loop3A_296 : i32 to index
      %parallel_loop3A_414 = arith.index_cast %parallel_loop3A_412 : i32 to index
      %parallel_loop3A_415 = arith.index_cast %parallel_loop3A_301 : i32 to index
      %parallel_loop3A_416 = tpu.vector_load %arg10[%parallel_loop3A_413, %parallel_loop3A_414, %parallel_loop3A_415] {strides = array<i32>} : memref<8x16x128xf32, #tpu.memory_space<vmem>>, vector<16xf32>,
      tpu.vector_store %arg10[%parallel_loop3A_413, %parallel_loop3A_414, %parallel_loop3A_415], %parallel_loop3A_411 {strides = array<i32>} : memref<8x16x128xf32, #tpu.memory_space<vmem>>, vector<16xf32>,
      %parallel_loop3A_417 = arith.constant 14 : i32
      %parallel_loop3A_418 = vector.broadcast %parallel_loop3A_417 : i32 to vector<16xi32>
      %parallel_loop3A_419 = tpu.vector_load_idx %arg5[%parallel_loop3A_418, %parallel_loop3A_304] : memref<16x50xf32, #tpu.memory_space<vmem>>[vector<16xi32>, vector<16xi32>], vector<16xf32>,
      %parallel_loop3A_420 = arith.constant 14 : i32
      %parallel_loop3A_421 = arith.index_cast %parallel_loop3A_296 : i32 to index
      %parallel_loop3A_422 = arith.index_cast %parallel_loop3A_420 : i32 to index
      %parallel_loop3A_423 = arith.index_cast %parallel_loop3A_301 : i32 to index
      %parallel_loop3A_424 = tpu.vector_load %arg10[%parallel_loop3A_421, %parallel_loop3A_422, %parallel_loop3A_423] {strides = array<i32>} : memref<8x16x128xf32, #tpu.memory_space<vmem>>, vector<16xf32>,
      tpu.vector_store %arg10[%parallel_loop3A_421, %parallel_loop3A_422, %parallel_loop3A_423], %parallel_loop3A_419 {strides = array<i32>} : memref<8x16x128xf32, #tpu.memory_space<vmem>>, vector<16xf32>,
      %parallel_loop3A_425 = arith.constant 15 : i32
      %parallel_loop3A_426 = vector.broadcast %parallel_loop3A_425 : i32 to vector<16xi32>
      %parallel_loop3A_427 = tpu.vector_load_idx %arg5[%parallel_loop3A_426, %parallel_loop3A_304] : memref<16x50xf32, #tpu.memory_space<vmem>>[vector<16xi32>, vector<16xi32>], vector<16xf32>,
      %parallel_loop3A_428 = arith.constant 15 : i32
      %parallel_loop3A_429 = arith.index_cast %parallel_loop3A_296 : i32 to index
      %parallel_loop3A_430 = arith.index_cast %parallel_loop3A_428 : i32 to index
      %parallel_loop3A_431 = arith.index_cast %parallel_loop3A_301 : i32 to index
      %parallel_loop3A_432 = tpu.vector_load %arg10[%parallel_loop3A_429, %parallel_loop3A_430, %parallel_loop3A_431] {strides = array<i32>} : memref<8x16x128xf32, #tpu.memory_space<vmem>>, vector<16xf32>,
      tpu.vector_store %arg10[%parallel_loop3A_429, %parallel_loop3A_430, %parallel_loop3A_431], %parallel_loop3A_427 {strides = array<i32>} : memref<8x16x128xf32, #tpu.memory_space<vmem>>, vector<16xf32>,
    } {sc.loop_unroll_factor = 2 : i64, sc.parallel_access}
    %multiple_of3A_55 = arith.constant 0 : i32
    %multiple_of3A_56 = tpu.assume_multiple %multiple_of3A_55, 8 : i32
    %mul3A_57 = arith.constant 4 : i32
    %mul3A_58 = arith.muli %add3A, %mul3A_57 : i32
    %add3A_59 = arith.constant 0 : i32
    %add3A_60 = arith.addi %mul3A_58, %add3A_59 : i32
    %mul3A_61 = arith.constant 128 : i32
    %mul3A_62 = arith.muli %add3A_60, %mul3A_61 : i32
    %multiple_of3A_63 = tpu.assume_multiple %mul3A_62, 128 : i32
    %dma_start3A_64 = arith.constant 0 : i32
    %dma_start3A_65 = tpu.memref_slice %arg4[%multiple_of3A_56, %dma_start3A_64, %multiple_of3A_63] : memref<200x16x16384xf32, #tpu.memory_space<hbm>> -> memref<8x16x128xf32, #tpu.memory_space<hbm>>
    %dma_start3A_66 = arith.constant 0 : i32
    %dma_start3A_67 = tpu.memref_slice %arg4[%multiple_of3A_56, %dma_start3A_66, %multiple_of3A_63] : memref<200x16x16384xf32, #tpu.memory_space<hbm>> -> memref<8x16x128xf32, #tpu.memory_space<hbm>>
    tpu.enqueue_dma source(%arg10 : memref<8x16x128xf32, #tpu.memory_space<vmem>>) target(%dma_start3A_67 : memref<8x16x128xf32, #tpu.memory_space<hbm>>) target_semaphore(%arg18 : memref<!tpu.dma_semaphore, #tpu.memory_space<semaphore_mem>>)
    %multiple_of3A_68 = arith.constant 32 : i32
    %multiple_of3A_69 = tpu.assume_multiple %multiple_of3A_68, 8 : i32
    %mul3A_70 = arith.constant 4 : i32
    %mul3A_71 = arith.muli %add3A, %mul3A_70 : i32
    %add3A_72 = arith.constant 0 : i32
    %add3A_73 = arith.addi %mul3A_71, %add3A_72 : i32
    %mul3A_74 = arith.constant 128 : i32
    %mul3A_75 = arith.muli %add3A_73, %mul3A_74 : i32
    %multiple_of3A_76 = tpu.assume_multiple %mul3A_75, 128 : i32
    %dma_start3A_77 = tpu.memref_slice %arg3[%multiple_of3A_69, %multiple_of3A_76] : memref<200x16384xi32, #tpu.memory_space<hbm>> -> memref<8x128xi32, #tpu.memory_space<hbm>>
    %dma_start3A_78 = tpu.memref_slice %arg3[%multiple_of3A_69, %multiple_of3A_76] : memref<200x16384xi32, #tpu.memory_space<hbm>> -> memref<8x128xi32, #tpu.memory_space<hbm>>
    tpu.enqueue_dma source(%dma_start3A_78 : memref<8x128xi32, #tpu.memory_space<hbm>>) target(%arg6 : memref<8x128xi32, #tpu.memory_space<vmem>>) target_semaphore(%arg14 : memref<!tpu.dma_semaphore, #tpu.memory_space<semaphore_mem>>)
    %multiple_of3A_79 = arith.constant 8 : i32
    %multiple_of3A_80 = tpu.assume_multiple %multiple_of3A_79, 8 : i32
    %mul3A_81 = arith.constant 4 : i32
    %mul3A_82 = arith.muli %add3A, %mul3A_81 : i32
    %add3A_83 = arith.constant 0 : i32
    %add3A_84 = arith.addi %mul3A_82, %add3A_83 : i32
    %mul3A_85 = arith.constant 128 : i32
    %mul3A_86 = arith.muli %add3A_84, %mul3A_85 : i32
    %multiple_of3A_87 = tpu.assume_multiple %mul3A_86, 128 : i32
    %dma_wait3A_88 = tpu.memref_slice %arg3[%multiple_of3A_80, %multiple_of3A_87] : memref<200x16384xi32, #tpu.memory_space<hbm>> -> memref<8x128xi32, #tpu.memory_space<hbm>>
    %dma_wait3A_89 = tpu.memref_slice %arg3[%multiple_of3A_80, %multiple_of3A_87] : memref<200x16384xi32, #tpu.memory_space<hbm>> -> memref<8x128xi32, #tpu.memory_space<hbm>>
    tpu.wait_dma2 semaphore(%arg15 : memref<!tpu.dma_semaphore, #tpu.memory_space<semaphore_mem>>) src(%dma_wait3A_89 : memref<8x128xi32, #tpu.memory_space<hbm>>) dst(%arg7 : memref<8x128xi32, #tpu.memory_space<vmem>>)
    %parallel_loop3A_90 = arith.constant 0 : i32
    %parallel_loop3A_91 = arith.constant 64 : i32
    %parallel_loop3A_92 = arith.constant 1 : i32
    scf.for %parallel_loop3A_294 = %parallel_loop3A_90 to %parallel_loop3A_91 step %parallel_loop3A_92  : i32 {
      %parallel_loop3A_295 = arith.constant 3 : i32
      %parallel_loop3A_296 = arith.shrui %parallel_loop3A_294, %parallel_loop3A_295 : i32
      %parallel_loop3A_297 = arith.constant 7 : i32
      %parallel_loop3A_298 = arith.andi %parallel_loop3A_294, %parallel_loop3A_297 : i32
      %parallel_loop3A_299 = arith.constant 16 : i32
      %parallel_loop3A_300 = arith.muli %parallel_loop3A_298, %parallel_loop3A_299 : i32
      %parallel_loop3A_301 = tpu.assume_multiple %parallel_loop3A_300, 16 : i32
      %parallel_loop3A_302 = arith.index_cast %parallel_loop3A_296 : i32 to index
      %parallel_loop3A_303 = arith.index_cast %parallel_loop3A_301 : i32 to index
      %parallel_loop3A_304 = tpu.vector_load %arg7[%parallel_loop3A_302, %parallel_loop3A_303] {strides = array<i32>} : memref<8x128xi32, #tpu.memory_space<vmem>>, vector<16xi32>,
      %parallel_loop3A_305 = arith.constant 0 : i32
      %parallel_loop3A_306 = vector.broadcast %parallel_loop3A_305 : i32 to vector<16xi32>
      %parallel_loop3A_307 = tpu.vector_load_idx %arg5[%parallel_loop3A_306, %parallel_loop3A_304] : memref<16x50xf32, #tpu.memory_space<vmem>>[vector<16xi32>, vector<16xi32>], vector<16xf32>,
      %parallel_loop3A_308 = arith.constant 0 : i32
      %parallel_loop3A_309 = arith.index_cast %parallel_loop3A_296 : i32 to index
      %parallel_loop3A_310 = arith.index_cast %parallel_loop3A_308 : i32 to index
      %parallel_loop3A_311 = arith.index_cast %parallel_loop3A_301 : i32 to index
      %parallel_loop3A_312 = tpu.vector_load %arg11[%parallel_loop3A_309, %parallel_loop3A_310, %parallel_loop3A_311] {strides = array<i32>} : memref<8x16x128xf32, #tpu.memory_space<vmem>>, vector<16xf32>,
      tpu.vector_store %arg11[%parallel_loop3A_309, %parallel_loop3A_310, %parallel_loop3A_311], %parallel_loop3A_307 {strides = array<i32>} : memref<8x16x128xf32, #tpu.memory_space<vmem>>, vector<16xf32>,
      %parallel_loop3A_313 = arith.constant 1 : i32
      %parallel_loop3A_314 = vector.broadcast %parallel_loop3A_313 : i32 to vector<16xi32>
      %parallel_loop3A_315 = tpu.vector_load_idx %arg5[%parallel_loop3A_314, %parallel_loop3A_304] : memref<16x50xf32, #tpu.memory_space<vmem>>[vector<16xi32>, vector<16xi32>], vector<16xf32>,
      %parallel_loop3A_316 = arith.constant 1 : i32
      %parallel_loop3A_317 = arith.index_cast %parallel_loop3A_296 : i32 to index
      %parallel_loop3A_318 = arith.index_cast %parallel_loop3A_316 : i32 to index
      %parallel_loop3A_319 = arith.index_cast %parallel_loop3A_301 : i32 to index
      %parallel_loop3A_320 = tpu.vector_load %arg11[%parallel_loop3A_317, %parallel_loop3A_318, %parallel_loop3A_319] {strides = array<i32>} : memref<8x16x128xf32, #tpu.memory_space<vmem>>, vector<16xf32>,
      tpu.vector_store %arg11[%parallel_loop3A_317, %parallel_loop3A_318, %parallel_loop3A_319], %parallel_loop3A_315 {strides = array<i32>} : memref<8x16x128xf32, #tpu.memory_space<vmem>>, vector<16xf32>,
      %parallel_loop3A_321 = arith.constant 2 : i32
      %parallel_loop3A_322 = vector.broadcast %parallel_loop3A_321 : i32 to vector<16xi32>
      %parallel_loop3A_323 = tpu.vector_load_idx %arg5[%parallel_loop3A_322, %parallel_loop3A_304] : memref<16x50xf32, #tpu.memory_space<vmem>>[vector<16xi32>, vector<16xi32>], vector<16xf32>,
      %parallel_loop3A_324 = arith.constant 2 : i32
      %parallel_loop3A_325 = arith.index_cast %parallel_loop3A_296 : i32 to index
      %parallel_loop3A_326 = arith.index_cast %parallel_loop3A_324 : i32 to index
      %parallel_loop3A_327 = arith.index_cast %parallel_loop3A_301 : i32 to index
      %parallel_loop3A_328 = tpu.vector_load %arg11[%parallel_loop3A_325, %parallel_loop3A_326, %parallel_loop3A_327] {strides = array<i32>} : memref<8x16x128xf32, #tpu.memory_space<vmem>>, vector<16xf32>,
      tpu.vector_store %arg11[%parallel_loop3A_325, %parallel_loop3A_326, %parallel_loop3A_327], %parallel_loop3A_323 {strides = array<i32>} : memref<8x16x128xf32, #tpu.memory_space<vmem>>, vector<16xf32>,
      %parallel_loop3A_329 = arith.constant 3 : i32
      %parallel_loop3A_330 = vector.broadcast %parallel_loop3A_329 : i32 to vector<16xi32>
      %parallel_loop3A_331 = tpu.vector_load_idx %arg5[%parallel_loop3A_330, %parallel_loop3A_304] : memref<16x50xf32, #tpu.memory_space<vmem>>[vector<16xi32>, vector<16xi32>], vector<16xf32>,
      %parallel_loop3A_332 = arith.constant 3 : i32
      %parallel_loop3A_333 = arith.index_cast %parallel_loop3A_296 : i32 to index
      %parallel_loop3A_334 = arith.index_cast %parallel_loop3A_332 : i32 to index
      %parallel_loop3A_335 = arith.index_cast %parallel_loop3A_301 : i32 to index
      %parallel_loop3A_336 = tpu.vector_load %arg11[%parallel_loop3A_333, %parallel_loop3A_334, %parallel_loop3A_335] {strides = array<i32>} : memref<8x16x128xf32, #tpu.memory_space<vmem>>, vector<16xf32>,
      tpu.vector_store %arg11[%parallel_loop3A_333, %parallel_loop3A_334, %parallel_loop3A_335], %parallel_loop3A_331 {strides = array<i32>} : memref<8x16x128xf32, #tpu.memory_space<vmem>>, vector<16xf32>,
      %parallel_loop3A_337 = arith.constant 4 : i32
      %parallel_loop3A_338 = vector.broadcast %parallel_loop3A_337 : i32 to vector<16xi32>
      %parallel_loop3A_339 = tpu.vector_load_idx %arg5[%parallel_loop3A_338, %parallel_loop3A_304] : memref<16x50xf32, #tpu.memory_space<vmem>>[vector<16xi32>, vector<16xi32>], vector<16xf32>,
      %parallel_loop3A_340 = arith.constant 4 : i32
      %parallel_loop3A_341 = arith.index_cast %parallel_loop3A_296 : i32 to index
      %parallel_loop3A_342 = arith.index_cast %parallel_loop3A_340 : i32 to index
      %parallel_loop3A_343 = arith.index_cast %parallel_loop3A_301 : i32 to index
      %parallel_loop3A_344 = tpu.vector_load %arg11[%parallel_loop3A_341, %parallel_loop3A_342, %parallel_loop3A_343] {strides = array<i32>} : memref<8x16x128xf32, #tpu.memory_space<vmem>>, vector<16xf32>,
      tpu.vector_store %arg11[%parallel_loop3A_341, %parallel_loop3A_342, %parallel_loop3A_343], %parallel_loop3A_339 {strides = array<i32>} : memref<8x16x128xf32, #tpu.memory_space<vmem>>, vector<16xf32>,
      %parallel_loop3A_345 = arith.constant 5 : i32
      %parallel_loop3A_346 = vector.broadcast %parallel_loop3A_345 : i32 to vector<16xi32>
      %parallel_loop3A_347 = tpu.vector_load_idx %arg5[%parallel_loop3A_346, %parallel_loop3A_304] : memref<16x50xf32, #tpu.memory_space<vmem>>[vector<16xi32>, vector<16xi32>], vector<16xf32>,
      %parallel_loop3A_348 = arith.constant 5 : i32
      %parallel_loop3A_349 = arith.index_cast %parallel_loop3A_296 : i32 to index
      %parallel_loop3A_350 = arith.index_cast %parallel_loop3A_348 : i32 to index
      %parallel_loop3A_351 = arith.index_cast %parallel_loop3A_301 : i32 to index
      %parallel_loop3A_352 = tpu.vector_load %arg11[%parallel_loop3A_349, %parallel_loop3A_350, %parallel_loop3A_351] {strides = array<i32>} : memref<8x16x128xf32, #tpu.memory_space<vmem>>, vector<16xf32>,
      tpu.vector_store %arg11[%parallel_loop3A_349, %parallel_loop3A_350, %parallel_loop3A_351], %parallel_loop3A_347 {strides = array<i32>} : memref<8x16x128xf32, #tpu.memory_space<vmem>>, vector<16xf32>,
      %parallel_loop3A_353 = arith.constant 6 : i32
      %parallel_loop3A_354 = vector.broadcast %parallel_loop3A_353 : i32 to vector<16xi32>
      %parallel_loop3A_355 = tpu.vector_load_idx %arg5[%parallel_loop3A_354, %parallel_loop3A_304] : memref<16x50xf32, #tpu.memory_space<vmem>>[vector<16xi32>, vector<16xi32>], vector<16xf32>,
      %parallel_loop3A_356 = arith.constant 6 : i32
      %parallel_loop3A_357 = arith.index_cast %parallel_loop3A_296 : i32 to index
      %parallel_loop3A_358 = arith.index_cast %parallel_loop3A_356 : i32 to index
      %parallel_loop3A_359 = arith.index_cast %parallel_loop3A_301 : i32 to index
      %parallel_loop3A_360 = tpu.vector_load %arg11[%parallel_loop3A_357, %parallel_loop3A_358, %parallel_loop3A_359] {strides = array<i32>} : memref<8x16x128xf32, #tpu.memory_space<vmem>>, vector<16xf32>,
      tpu.vector_store %arg11[%parallel_loop3A_357, %parallel_loop3A_358, %parallel_loop3A_359], %parallel_loop3A_355 {strides = array<i32>} : memref<8x16x128xf32, #tpu.memory_space<vmem>>, vector<16xf32>,
      %parallel_loop3A_361 = arith.constant 7 : i32
      %parallel_loop3A_362 = vector.broadcast %parallel_loop3A_361 : i32 to vector<16xi32>
      %parallel_loop3A_363 = tpu.vector_load_idx %arg5[%parallel_loop3A_362, %parallel_loop3A_304] : memref<16x50xf32, #tpu.memory_space<vmem>>[vector<16xi32>, vector<16xi32>], vector<16xf32>,
      %parallel_loop3A_364 = arith.constant 7 : i32
      %parallel_loop3A_365 = arith.index_cast %parallel_loop3A_296 : i32 to index
      %parallel_loop3A_366 = arith.index_cast %parallel_loop3A_364 : i32 to index
      %parallel_loop3A_367 = arith.index_cast %parallel_loop3A_301 : i32 to index
      %parallel_loop3A_368 = tpu.vector_load %arg11[%parallel_loop3A_365, %parallel_loop3A_366, %parallel_loop3A_367] {strides = array<i32>} : memref<8x16x128xf32, #tpu.memory_space<vmem>>, vector<16xf32>,
      tpu.vector_store %arg11[%parallel_loop3A_365, %parallel_loop3A_366, %parallel_loop3A_367], %parallel_loop3A_363 {strides = array<i32>} : memref<8x16x128xf32, #tpu.memory_space<vmem>>, vector<16xf32>,
      %parallel_loop3A_369 = arith.constant 8 : i32
      %parallel_loop3A_370 = vector.broadcast %parallel_loop3A_369 : i32 to vector<16xi32>
      %parallel_loop3A_371 = tpu.vector_load_idx %arg5[%parallel_loop3A_370, %parallel_loop3A_304] : memref<16x50xf32, #tpu.memory_space<vmem>>[vector<16xi32>, vector<16xi32>], vector<16xf32>,
      %parallel_loop3A_372 = arith.constant 8 : i32
      %parallel_loop3A_373 = arith.index_cast %parallel_loop3A_296 : i32 to index
      %parallel_loop3A_374 = arith.index_cast %parallel_loop3A_372 : i32 to index
      %parallel_loop3A_375 = arith.index_cast %parallel_loop3A_301 : i32 to index
      %parallel_loop3A_376 = tpu.vector_load %arg11[%parallel_loop3A_373, %parallel_loop3A_374, %parallel_loop3A_375] {strides = array<i32>} : memref<8x16x128xf32, #tpu.memory_space<vmem>>, vector<16xf32>,
      tpu.vector_store %arg11[%parallel_loop3A_373, %parallel_loop3A_374, %parallel_loop3A_375], %parallel_loop3A_371 {strides = array<i32>} : memref<8x16x128xf32, #tpu.memory_space<vmem>>, vector<16xf32>,
      %parallel_loop3A_377 = arith.constant 9 : i32
      %parallel_loop3A_378 = vector.broadcast %parallel_loop3A_377 : i32 to vector<16xi32>
      %parallel_loop3A_379 = tpu.vector_load_idx %arg5[%parallel_loop3A_378, %parallel_loop3A_304] : memref<16x50xf32, #tpu.memory_space<vmem>>[vector<16xi32>, vector<16xi32>], vector<16xf32>,
      %parallel_loop3A_380 = arith.constant 9 : i32
      %parallel_loop3A_381 = arith.index_cast %parallel_loop3A_296 : i32 to index
      %parallel_loop3A_382 = arith.index_cast %parallel_loop3A_380 : i32 to index
      %parallel_loop3A_383 = arith.index_cast %parallel_loop3A_301 : i32 to index
      %parallel_loop3A_384 = tpu.vector_load %arg11[%parallel_loop3A_381, %parallel_loop3A_382, %parallel_loop3A_383] {strides = array<i32>} : memref<8x16x128xf32, #tpu.memory_space<vmem>>, vector<16xf32>,
      tpu.vector_store %arg11[%parallel_loop3A_381, %parallel_loop3A_382, %parallel_loop3A_383], %parallel_loop3A_379 {strides = array<i32>} : memref<8x16x128xf32, #tpu.memory_space<vmem>>, vector<16xf32>,
      %parallel_loop3A_385 = arith.constant 10 : i32
      %parallel_loop3A_386 = vector.broadcast %parallel_loop3A_385 : i32 to vector<16xi32>
      %parallel_loop3A_387 = tpu.vector_load_idx %arg5[%parallel_loop3A_386, %parallel_loop3A_304] : memref<16x50xf32, #tpu.memory_space<vmem>>[vector<16xi32>, vector<16xi32>], vector<16xf32>,
      %parallel_loop3A_388 = arith.constant 10 : i32
      %parallel_loop3A_389 = arith.index_cast %parallel_loop3A_296 : i32 to index
      %parallel_loop3A_390 = arith.index_cast %parallel_loop3A_388 : i32 to index
      %parallel_loop3A_391 = arith.index_cast %parallel_loop3A_301 : i32 to index
      %parallel_loop3A_392 = tpu.vector_load %arg11[%parallel_loop3A_389, %parallel_loop3A_390, %parallel_loop3A_391] {strides = array<i32>} : memref<8x16x128xf32, #tpu.memory_space<vmem>>, vector<16xf32>,
      tpu.vector_store %arg11[%parallel_loop3A_389, %parallel_loop3A_390, %parallel_loop3A_391], %parallel_loop3A_387 {strides = array<i32>} : memref<8x16x128xf32, #tpu.memory_space<vmem>>, vector<16xf32>,
      %parallel_loop3A_393 = arith.constant 11 : i32
      %parallel_loop3A_394 = vector.broadcast %parallel_loop3A_393 : i32 to vector<16xi32>
      %parallel_loop3A_395 = tpu.vector_load_idx %arg5[%parallel_loop3A_394, %parallel_loop3A_304] : memref<16x50xf32, #tpu.memory_space<vmem>>[vector<16xi32>, vector<16xi32>], vector<16xf32>,
      %parallel_loop3A_396 = arith.constant 11 : i32
      %parallel_loop3A_397 = arith.index_cast %parallel_loop3A_296 : i32 to index
      %parallel_loop3A_398 = arith.index_cast %parallel_loop3A_396 : i32 to index
      %parallel_loop3A_399 = arith.index_cast %parallel_loop3A_301 : i32 to index
      %parallel_loop3A_400 = tpu.vector_load %arg11[%parallel_loop3A_397, %parallel_loop3A_398, %parallel_loop3A_399] {strides = array<i32>} : memref<8x16x128xf32, #tpu.memory_space<vmem>>, vector<16xf32>,
      tpu.vector_store %arg11[%parallel_loop3A_397, %parallel_loop3A_398, %parallel_loop3A_399], %parallel_loop3A_395 {strides = array<i32>} : memref<8x16x128xf32, #tpu.memory_space<vmem>>, vector<16xf32>,
      %parallel_loop3A_401 = arith.constant 12 : i32
      %parallel_loop3A_402 = vector.broadcast %parallel_loop3A_401 : i32 to vector<16xi32>
      %parallel_loop3A_403 = tpu.vector_load_idx %arg5[%parallel_loop3A_402, %parallel_loop3A_304] : memref<16x50xf32, #tpu.memory_space<vmem>>[vector<16xi32>, vector<16xi32>], vector<16xf32>,
      %parallel_loop3A_404 = arith.constant 12 : i32
      %parallel_loop3A_405 = arith.index_cast %parallel_loop3A_296 : i32 to index
      %parallel_loop3A_406 = arith.index_cast %parallel_loop3A_404 : i32 to index
      %parallel_loop3A_407 = arith.index_cast %parallel_loop3A_301 : i32 to index
      %parallel_loop3A_408 = tpu.vector_load %arg11[%parallel_loop3A_405, %parallel_loop3A_406, %parallel_loop3A_407] {strides = array<i32>} : memref<8x16x128xf32, #tpu.memory_space<vmem>>, vector<16xf32>,
      tpu.vector_store %arg11[%parallel_loop3A_405, %parallel_loop3A_406, %parallel_loop3A_407], %parallel_loop3A_403 {strides = array<i32>} : memref<8x16x128xf32, #tpu.memory_space<vmem>>, vector<16xf32>,
      %parallel_loop3A_409 = arith.constant 13 : i32
      %parallel_loop3A_410 = vector.broadcast %parallel_loop3A_409 : i32 to vector<16xi32>
      %parallel_loop3A_411 = tpu.vector_load_idx %arg5[%parallel_loop3A_410, %parallel_loop3A_304] : memref<16x50xf32, #tpu.memory_space<vmem>>[vector<16xi32>, vector<16xi32>], vector<16xf32>,
      %parallel_loop3A_412 = arith.constant 13 : i32
      %parallel_loop3A_413 = arith.index_cast %parallel_loop3A_296 : i32 to index
      %parallel_loop3A_414 = arith.index_cast %parallel_loop3A_412 : i32 to index
      %parallel_loop3A_415 = arith.index_cast %parallel_loop3A_301 : i32 to index
      %parallel_loop3A_416 = tpu.vector_load %arg11[%parallel_loop3A_413, %parallel_loop3A_414, %parallel_loop3A_415] {strides = array<i32>} : memref<8x16x128xf32, #tpu.memory_space<vmem>>, vector<16xf32>,
      tpu.vector_store %arg11[%parallel_loop3A_413, %parallel_loop3A_414, %parallel_loop3A_415], %parallel_loop3A_411 {strides = array<i32>} : memref<8x16x128xf32, #tpu.memory_space<vmem>>, vector<16xf32>,
      %parallel_loop3A_417 = arith.constant 14 : i32
      %parallel_loop3A_418 = vector.broadcast %parallel_loop3A_417 : i32 to vector<16xi32>
      %parallel_loop3A_419 = tpu.vector_load_idx %arg5[%parallel_loop3A_418, %parallel_loop3A_304] : memref<16x50xf32, #tpu.memory_space<vmem>>[vector<16xi32>, vector<16xi32>], vector<16xf32>,
      %parallel_loop3A_420 = arith.constant 14 : i32
      %parallel_loop3A_421 = arith.index_cast %parallel_loop3A_296 : i32 to index
      %parallel_loop3A_422 = arith.index_cast %parallel_loop3A_420 : i32 to index
      %parallel_loop3A_423 = arith.index_cast %parallel_loop3A_301 : i32 to index
      %parallel_loop3A_424 = tpu.vector_load %arg11[%parallel_loop3A_421, %parallel_loop3A_422, %parallel_loop3A_423] {strides = array<i32>} : memref<8x16x128xf32, #tpu.memory_space<vmem>>, vector<16xf32>,
      tpu.vector_store %arg11[%parallel_loop3A_421, %parallel_loop3A_422, %parallel_loop3A_423], %parallel_loop3A_419 {strides = array<i32>} : memref<8x16x128xf32, #tpu.memory_space<vmem>>, vector<16xf32>,
      %parallel_loop3A_425 = arith.constant 15 : i32
      %parallel_loop3A_426 = vector.broadcast %parallel_loop3A_425 : i32 to vector<16xi32>
      %parallel_loop3A_427 = tpu.vector_load_idx %arg5[%parallel_loop3A_426, %parallel_loop3A_304] : memref<16x50xf32, #tpu.memory_space<vmem>>[vector<16xi32>, vector<16xi32>], vector<16xf32>,
      %parallel_loop3A_428 = arith.constant 15 : i32
      %parallel_loop3A_429 = arith.index_cast %parallel_loop3A_296 : i32 to index
      %parallel_loop3A_430 = arith.index_cast %parallel_loop3A_428 : i32 to index
      %parallel_loop3A_431 = arith.index_cast %parallel_loop3A_301 : i32 to index
      %parallel_loop3A_432 = tpu.vector_load %arg11[%parallel_loop3A_429, %parallel_loop3A_430, %parallel_loop3A_431] {strides = array<i32>} : memref<8x16x128xf32, #tpu.memory_space<vmem>>, vector<16xf32>,
      tpu.vector_store %arg11[%parallel_loop3A_429, %parallel_loop3A_430, %parallel_loop3A_431], %parallel_loop3A_427 {strides = array<i32>} : memref<8x16x128xf32, #tpu.memory_space<vmem>>, vector<16xf32>,
    } {sc.loop_unroll_factor = 2 : i64, sc.parallel_access}
    %multiple_of3A_93 = arith.constant 8 : i32
    %multiple_of3A_94 = tpu.assume_multiple %multiple_of3A_93, 8 : i32
    %mul3A_95 = arith.constant 4 : i32
    %mul3A_96 = arith.muli %add3A, %mul3A_95 : i32
    %add3A_97 = arith.constant 0 : i32
    %add3A_98 = arith.addi %mul3A_96, %add3A_97 : i32
    %mul3A_99 = arith.constant 128 : i32
    %mul3A_100 = arith.muli %add3A_98, %mul3A_99 : i32
    %multiple_of3A_101 = tpu.assume_multiple %mul3A_100, 128 : i32
    %dma_start3A_102 = arith.constant 0 : i32
    %dma_start3A_103 = tpu.memref_slice %arg4[%multiple_of3A_94, %dma_start3A_102, %multiple_of3A_101] : memref<200x16x16384xf32, #tpu.memory_space<hbm>> -> memref<8x16x128xf32, #tpu.memory_space<hbm>>
    %dma_start3A_104 = arith.constant 0 : i32
    %dma_start3A_105 = tpu.memref_slice %arg4[%multiple_of3A_94, %dma_start3A_104, %multiple_of3A_101] : memref<200x16x16384xf32, #tpu.memory_space<hbm>> -> memref<8x16x128xf32, #tpu.memory_space<hbm>>
    tpu.enqueue_dma source(%arg11 : memref<8x16x128xf32, #tpu.memory_space<vmem>>) target(%dma_start3A_105 : memref<8x16x128xf32, #tpu.memory_space<hbm>>) target_semaphore(%arg19 : memref<!tpu.dma_semaphore, #tpu.memory_space<semaphore_mem>>)
    %multiple_of3A_106 = arith.constant 40 : i32
    %multiple_of3A_107 = tpu.assume_multiple %multiple_of3A_106, 8 : i32
    %mul3A_108 = arith.constant 4 : i32
    %mul3A_109 = arith.muli %add3A, %mul3A_108 : i32
    %add3A_110 = arith.constant 0 : i32
    %add3A_111 = arith.addi %mul3A_109, %add3A_110 : i32
    %mul3A_112 = arith.constant 128 : i32
    %mul3A_113 = arith.muli %add3A_111, %mul3A_112 : i32
    %multiple_of3A_114 = tpu.assume_multiple %mul3A_113, 128 : i32
    %dma_start3A_115 = tpu.memref_slice %arg3[%multiple_of3A_107, %multiple_of3A_114] : memref<200x16384xi32, #tpu.memory_space<hbm>> -> memref<8x128xi32, #tpu.memory_space<hbm>>
    %dma_start3A_116 = tpu.memref_slice %arg3[%multiple_of3A_107, %multiple_of3A_114] : memref<200x16384xi32, #tpu.memory_space<hbm>> -> memref<8x128xi32, #tpu.memory_space<hbm>>
    tpu.enqueue_dma source(%dma_start3A_116 : memref<8x128xi32, #tpu.memory_space<hbm>>) target(%arg7 : memref<8x128xi32, #tpu.memory_space<vmem>>) target_semaphore(%arg15 : memref<!tpu.dma_semaphore, #tpu.memory_space<semaphore_mem>>)
    %multiple_of3A_117 = arith.constant 16 : i32
    %multiple_of3A_118 = tpu.assume_multiple %multiple_of3A_117, 8 : i32
    %mul3A_119 = arith.constant 4 : i32
    %mul3A_120 = arith.muli %add3A, %mul3A_119 : i32
    %add3A_121 = arith.constant 0 : i32
    %add3A_122 = arith.addi %mul3A_120, %add3A_121 : i32
    %mul3A_123 = arith.constant 128 : i32
    %mul3A_124 = arith.muli %add3A_122, %mul3A_123 : i32
    %multiple_of3A_125 = tpu.assume_multiple %mul3A_124, 128 : i32
    %dma_wait3A_126 = tpu.memref_slice %arg3[%multiple_of3A_118, %multiple_of3A_125] : memref<200x16384xi32, #tpu.memory_space<hbm>> -> memref<8x128xi32, #tpu.memory_space<hbm>>
    %dma_wait3A_127 = tpu.memref_slice %arg3[%multiple_of3A_118, %multiple_of3A_125] : memref<200x16384xi32, #tpu.memory_space<hbm>> -> memref<8x128xi32, #tpu.memory_space<hbm>>
    tpu.wait_dma2 semaphore(%arg16 : memref<!tpu.dma_semaphore, #tpu.memory_space<semaphore_mem>>) src(%dma_wait3A_127 : memref<8x128xi32, #tpu.memory_space<hbm>>) dst(%arg8 : memref<8x128xi32, #tpu.memory_space<vmem>>)
    %parallel_loop3A_128 = arith.constant 0 : i32
    %parallel_loop3A_129 = arith.constant 64 : i32
    %parallel_loop3A_130 = arith.constant 1 : i32
    scf.for %parallel_loop3A_294 = %parallel_loop3A_128 to %parallel_loop3A_129 step %parallel_loop3A_130  : i32 {
      %parallel_loop3A_295 = arith.constant 3 : i32
      %parallel_loop3A_296 = arith.shrui %parallel_loop3A_294, %parallel_loop3A_295 : i32
      %parallel_loop3A_297 = arith.constant 7 : i32
      %parallel_loop3A_298 = arith.andi %parallel_loop3A_294, %parallel_loop3A_297 : i32
      %parallel_loop3A_299 = arith.constant 16 : i32
      %parallel_loop3A_300 = arith.muli %parallel_loop3A_298, %parallel_loop3A_299 : i32
      %parallel_loop3A_301 = tpu.assume_multiple %parallel_loop3A_300, 16 : i32
      %parallel_loop3A_302 = arith.index_cast %parallel_loop3A_296 : i32 to index
      %parallel_loop3A_303 = arith.index_cast %parallel_loop3A_301 : i32 to index
      %parallel_loop3A_304 = tpu.vector_load %arg8[%parallel_loop3A_302, %parallel_loop3A_303] {strides = array<i32>} : memref<8x128xi32, #tpu.memory_space<vmem>>, vector<16xi32>,
      %parallel_loop3A_305 = arith.constant 0 : i32
      %parallel_loop3A_306 = vector.broadcast %parallel_loop3A_305 : i32 to vector<16xi32>
      %parallel_loop3A_307 = tpu.vector_load_idx %arg5[%parallel_loop3A_306, %parallel_loop3A_304] : memref<16x50xf32, #tpu.memory_space<vmem>>[vector<16xi32>, vector<16xi32>], vector<16xf32>,
      %parallel_loop3A_308 = arith.constant 0 : i32
      %parallel_loop3A_309 = arith.index_cast %parallel_loop3A_296 : i32 to index
      %parallel_loop3A_310 = arith.index_cast %parallel_loop3A_308 : i32 to index
      %parallel_loop3A_311 = arith.index_cast %parallel_loop3A_301 : i32 to index
      %parallel_loop3A_312 = tpu.vector_load %arg12[%parallel_loop3A_309, %parallel_loop3A_310, %parallel_loop3A_311] {strides = array<i32>} : memref<8x16x128xf32, #tpu.memory_space<vmem>>, vector<16xf32>,
      tpu.vector_store %arg12[%parallel_loop3A_309, %parallel_loop3A_310, %parallel_loop3A_311], %parallel_loop3A_307 {strides = array<i32>} : memref<8x16x128xf32, #tpu.memory_space<vmem>>, vector<16xf32>,
      %parallel_loop3A_313 = arith.constant 1 : i32
      %parallel_loop3A_314 = vector.broadcast %parallel_loop3A_313 : i32 to vector<16xi32>
      %parallel_loop3A_315 = tpu.vector_load_idx %arg5[%parallel_loop3A_314, %parallel_loop3A_304] : memref<16x50xf32, #tpu.memory_space<vmem>>[vector<16xi32>, vector<16xi32>], vector<16xf32>,
      %parallel_loop3A_316 = arith.constant 1 : i32
      %parallel_loop3A_317 = arith.index_cast %parallel_loop3A_296 : i32 to index
      %parallel_loop3A_318 = arith.index_cast %parallel_loop3A_316 : i32 to index
      %parallel_loop3A_319 = arith.index_cast %parallel_loop3A_301 : i32 to index
      %parallel_loop3A_320 = tpu.vector_load %arg12[%parallel_loop3A_317, %parallel_loop3A_318, %parallel_loop3A_319] {strides = array<i32>} : memref<8x16x128xf32, #tpu.memory_space<vmem>>, vector<16xf32>,
      tpu.vector_store %arg12[%parallel_loop3A_317, %parallel_loop3A_318, %parallel_loop3A_319], %parallel_loop3A_315 {strides = array<i32>} : memref<8x16x128xf32, #tpu.memory_space<vmem>>, vector<16xf32>,
      %parallel_loop3A_321 = arith.constant 2 : i32
      %parallel_loop3A_322 = vector.broadcast %parallel_loop3A_321 : i32 to vector<16xi32>
      %parallel_loop3A_323 = tpu.vector_load_idx %arg5[%parallel_loop3A_322, %parallel_loop3A_304] : memref<16x50xf32, #tpu.memory_space<vmem>>[vector<16xi32>, vector<16xi32>], vector<16xf32>,
      %parallel_loop3A_324 = arith.constant 2 : i32
      %parallel_loop3A_325 = arith.index_cast %parallel_loop3A_296 : i32 to index
      %parallel_loop3A_326 = arith.index_cast %parallel_loop3A_324 : i32 to index
      %parallel_loop3A_327 = arith.index_cast %parallel_loop3A_301 : i32 to index
      %parallel_loop3A_328 = tpu.vector_load %arg12[%parallel_loop3A_325, %parallel_loop3A_326, %parallel_loop3A_327] {strides = array<i32>} : memref<8x16x128xf32, #tpu.memory_space<vmem>>, vector<16xf32>,
      tpu.vector_store %arg12[%parallel_loop3A_325, %parallel_loop3A_326, %parallel_loop3A_327], %parallel_loop3A_323 {strides = array<i32>} : memref<8x16x128xf32, #tpu.memory_space<vmem>>, vector<16xf32>,
      %parallel_loop3A_329 = arith.constant 3 : i32
      %parallel_loop3A_330 = vector.broadcast %parallel_loop3A_329 : i32 to vector<16xi32>
      %parallel_loop3A_331 = tpu.vector_load_idx %arg5[%parallel_loop3A_330, %parallel_loop3A_304] : memref<16x50xf32, #tpu.memory_space<vmem>>[vector<16xi32>, vector<16xi32>], vector<16xf32>,
      %parallel_loop3A_332 = arith.constant 3 : i32
      %parallel_loop3A_333 = arith.index_cast %parallel_loop3A_296 : i32 to index
      %parallel_loop3A_334 = arith.index_cast %parallel_loop3A_332 : i32 to index
      %parallel_loop3A_335 = arith.index_cast %parallel_loop3A_301 : i32 to index
      %parallel_loop3A_336 = tpu.vector_load %arg12[%parallel_loop3A_333, %parallel_loop3A_334, %parallel_loop3A_335] {strides = array<i32>} : memref<8x16x128xf32, #tpu.memory_space<vmem>>, vector<16xf32>,
      tpu.vector_store %arg12[%parallel_loop3A_333, %parallel_loop3A_334, %parallel_loop3A_335], %parallel_loop3A_331 {strides = array<i32>} : memref<8x16x128xf32, #tpu.memory_space<vmem>>, vector<16xf32>,
      %parallel_loop3A_337 = arith.constant 4 : i32
      %parallel_loop3A_338 = vector.broadcast %parallel_loop3A_337 : i32 to vector<16xi32>
      %parallel_loop3A_339 = tpu.vector_load_idx %arg5[%parallel_loop3A_338, %parallel_loop3A_304] : memref<16x50xf32, #tpu.memory_space<vmem>>[vector<16xi32>, vector<16xi32>], vector<16xf32>,
      %parallel_loop3A_340 = arith.constant 4 : i32
      %parallel_loop3A_341 = arith.index_cast %parallel_loop3A_296 : i32 to index
      %parallel_loop3A_342 = arith.index_cast %parallel_loop3A_340 : i32 to index
      %parallel_loop3A_343 = arith.index_cast %parallel_loop3A_301 : i32 to index
      %parallel_loop3A_344 = tpu.vector_load %arg12[%parallel_loop3A_341, %parallel_loop3A_342, %parallel_loop3A_343] {strides = array<i32>} : memref<8x16x128xf32, #tpu.memory_space<vmem>>, vector<16xf32>,
      tpu.vector_store %arg12[%parallel_loop3A_341, %parallel_loop3A_342, %parallel_loop3A_343], %parallel_loop3A_339 {strides = array<i32>} : memref<8x16x128xf32, #tpu.memory_space<vmem>>, vector<16xf32>,
      %parallel_loop3A_345 = arith.constant 5 : i32
      %parallel_loop3A_346 = vector.broadcast %parallel_loop3A_345 : i32 to vector<16xi32>
      %parallel_loop3A_347 = tpu.vector_load_idx %arg5[%parallel_loop3A_346, %parallel_loop3A_304] : memref<16x50xf32, #tpu.memory_space<vmem>>[vector<16xi32>, vector<16xi32>], vector<16xf32>,
      %parallel_loop3A_348 = arith.constant 5 : i32
      %parallel_loop3A_349 = arith.index_cast %parallel_loop3A_296 : i32 to index
      %parallel_loop3A_350 = arith.index_cast %parallel_loop3A_348 : i32 to index
      %parallel_loop3A_351 = arith.index_cast %parallel_loop3A_301 : i32 to index
      %parallel_loop3A_352 = tpu.vector_load %arg12[%parallel_loop3A_349, %parallel_loop3A_350, %parallel_loop3A_351] {strides = array<i32>} : memref<8x16x128xf32, #tpu.memory_space<vmem>>, vector<16xf32>,
      tpu.vector_store %arg12[%parallel_loop3A_349, %parallel_loop3A_350, %parallel_loop3A_351], %parallel_loop3A_347 {strides = array<i32>} : memref<8x16x128xf32, #tpu.memory_space<vmem>>, vector<16xf32>,
      %parallel_loop3A_353 = arith.constant 6 : i32
      %parallel_loop3A_354 = vector.broadcast %parallel_loop3A_353 : i32 to vector<16xi32>
      %parallel_loop3A_355 = tpu.vector_load_idx %arg5[%parallel_loop3A_354, %parallel_loop3A_304] : memref<16x50xf32, #tpu.memory_space<vmem>>[vector<16xi32>, vector<16xi32>], vector<16xf32>,
      %parallel_loop3A_356 = arith.constant 6 : i32
      %parallel_loop3A_357 = arith.index_cast %parallel_loop3A_296 : i32 to index
      %parallel_loop3A_358 = arith.index_cast %parallel_loop3A_356 : i32 to index
      %parallel_loop3A_359 = arith.index_cast %parallel_loop3A_301 : i32 to index
      %parallel_loop3A_360 = tpu.vector_load %arg12[%parallel_loop3A_357, %parallel_loop3A_358, %parallel_loop3A_359] {strides = array<i32>} : memref<8x16x128xf32, #tpu.memory_space<vmem>>, vector<16xf32>,
      tpu.vector_store %arg12[%parallel_loop3A_357, %parallel_loop3A_358, %parallel_loop3A_359], %parallel_loop3A_355 {strides = array<i32>} : memref<8x16x128xf32, #tpu.memory_space<vmem>>, vector<16xf32>,
      %parallel_loop3A_361 = arith.constant 7 : i32
      %parallel_loop3A_362 = vector.broadcast %parallel_loop3A_361 : i32 to vector<16xi32>
      %parallel_loop3A_363 = tpu.vector_load_idx %arg5[%parallel_loop3A_362, %parallel_loop3A_304] : memref<16x50xf32, #tpu.memory_space<vmem>>[vector<16xi32>, vector<16xi32>], vector<16xf32>,
      %parallel_loop3A_364 = arith.constant 7 : i32
      %parallel_loop3A_365 = arith.index_cast %parallel_loop3A_296 : i32 to index
      %parallel_loop3A_366 = arith.index_cast %parallel_loop3A_364 : i32 to index
      %parallel_loop3A_367 = arith.index_cast %parallel_loop3A_301 : i32 to index
      %parallel_loop3A_368 = tpu.vector_load %arg12[%parallel_loop3A_365, %parallel_loop3A_366, %parallel_loop3A_367] {strides = array<i32>} : memref<8x16x128xf32, #tpu.memory_space<vmem>>, vector<16xf32>,
      tpu.vector_store %arg12[%parallel_loop3A_365, %parallel_loop3A_366, %parallel_loop3A_367], %parallel_loop3A_363 {strides = array<i32>} : memref<8x16x128xf32, #tpu.memory_space<vmem>>, vector<16xf32>,
      %parallel_loop3A_369 = arith.constant 8 : i32
      %parallel_loop3A_370 = vector.broadcast %parallel_loop3A_369 : i32 to vector<16xi32>
      %parallel_loop3A_371 = tpu.vector_load_idx %arg5[%parallel_loop3A_370, %parallel_loop3A_304] : memref<16x50xf32, #tpu.memory_space<vmem>>[vector<16xi32>, vector<16xi32>], vector<16xf32>,
      %parallel_loop3A_372 = arith.constant 8 : i32
      %parallel_loop3A_373 = arith.index_cast %parallel_loop3A_296 : i32 to index
      %parallel_loop3A_374 = arith.index_cast %parallel_loop3A_372 : i32 to index
      %parallel_loop3A_375 = arith.index_cast %parallel_loop3A_301 : i32 to index
      %parallel_loop3A_376 = tpu.vector_load %arg12[%parallel_loop3A_373, %parallel_loop3A_374, %parallel_loop3A_375] {strides = array<i32>} : memref<8x16x128xf32, #tpu.memory_space<vmem>>, vector<16xf32>,
      tpu.vector_store %arg12[%parallel_loop3A_373, %parallel_loop3A_374, %parallel_loop3A_375], %parallel_loop3A_371 {strides = array<i32>} : memref<8x16x128xf32, #tpu.memory_space<vmem>>, vector<16xf32>,
      %parallel_loop3A_377 = arith.constant 9 : i32
      %parallel_loop3A_378 = vector.broadcast %parallel_loop3A_377 : i32 to vector<16xi32>
      %parallel_loop3A_379 = tpu.vector_load_idx %arg5[%parallel_loop3A_378, %parallel_loop3A_304] : memref<16x50xf32, #tpu.memory_space<vmem>>[vector<16xi32>, vector<16xi32>], vector<16xf32>,
      %parallel_loop3A_380 = arith.constant 9 : i32
      %parallel_loop3A_381 = arith.index_cast %parallel_loop3A_296 : i32 to index
      %parallel_loop3A_382 = arith.index_cast %parallel_loop3A_380 : i32 to index
      %parallel_loop3A_383 = arith.index_cast %parallel_loop3A_301 : i32 to index
      %parallel_loop3A_384 = tpu.vector_load %arg12[%parallel_loop3A_381, %parallel_loop3A_382, %parallel_loop3A_383] {strides = array<i32>} : memref<8x16x128xf32, #tpu.memory_space<vmem>>, vector<16xf32>,
      tpu.vector_store %arg12[%parallel_loop3A_381, %parallel_loop3A_382, %parallel_loop3A_383], %parallel_loop3A_379 {strides = array<i32>} : memref<8x16x128xf32, #tpu.memory_space<vmem>>, vector<16xf32>,
      %parallel_loop3A_385 = arith.constant 10 : i32
      %parallel_loop3A_386 = vector.broadcast %parallel_loop3A_385 : i32 to vector<16xi32>
      %parallel_loop3A_387 = tpu.vector_load_idx %arg5[%parallel_loop3A_386, %parallel_loop3A_304] : memref<16x50xf32, #tpu.memory_space<vmem>>[vector<16xi32>, vector<16xi32>], vector<16xf32>,
      %parallel_loop3A_388 = arith.constant 10 : i32
      %parallel_loop3A_389 = arith.index_cast %parallel_loop3A_296 : i32 to index
      %parallel_loop3A_390 = arith.index_cast %parallel_loop3A_388 : i32 to index
      %parallel_loop3A_391 = arith.index_cast %parallel_loop3A_301 : i32 to index
      %parallel_loop3A_392 = tpu.vector_load %arg12[%parallel_loop3A_389, %parallel_loop3A_390, %parallel_loop3A_391] {strides = array<i32>} : memref<8x16x128xf32, #tpu.memory_space<vmem>>, vector<16xf32>,
      tpu.vector_store %arg12[%parallel_loop3A_389, %parallel_loop3A_390, %parallel_loop3A_391], %parallel_loop3A_387 {strides = array<i32>} : memref<8x16x128xf32, #tpu.memory_space<vmem>>, vector<16xf32>,
      %parallel_loop3A_393 = arith.constant 11 : i32
      %parallel_loop3A_394 = vector.broadcast %parallel_loop3A_393 : i32 to vector<16xi32>
      %parallel_loop3A_395 = tpu.vector_load_idx %arg5[%parallel_loop3A_394, %parallel_loop3A_304] : memref<16x50xf32, #tpu.memory_space<vmem>>[vector<16xi32>, vector<16xi32>], vector<16xf32>,
      %parallel_loop3A_396 = arith.constant 11 : i32
      %parallel_loop3A_397 = arith.index_cast %parallel_loop3A_296 : i32 to index
      %parallel_loop3A_398 = arith.index_cast %parallel_loop3A_396 : i32 to index
      %parallel_loop3A_399 = arith.index_cast %parallel_loop3A_301 : i32 to index
      %parallel_loop3A_400 = tpu.vector_load %arg12[%parallel_loop3A_397, %parallel_loop3A_398, %parallel_loop3A_399] {strides = array<i32>} : memref<8x16x128xf32, #tpu.memory_space<vmem>>, vector<16xf32>,
      tpu.vector_store %arg12[%parallel_loop3A_397, %parallel_loop3A_398, %parallel_loop3A_399], %parallel_loop3A_395 {strides = array<i32>} : memref<8x16x128xf32, #tpu.memory_space<vmem>>, vector<16xf32>,
      %parallel_loop3A_401 = arith.constant 12 : i32
      %parallel_loop3A_402 = vector.broadcast %parallel_loop3A_401 : i32 to vector<16xi32>
      %parallel_loop3A_403 = tpu.vector_load_idx %arg5[%parallel_loop3A_402, %parallel_loop3A_304] : memref<16x50xf32, #tpu.memory_space<vmem>>[vector<16xi32>, vector<16xi32>], vector<16xf32>,
      %parallel_loop3A_404 = arith.constant 12 : i32
      %parallel_loop3A_405 = arith.index_cast %parallel_loop3A_296 : i32 to index
      %parallel_loop3A_406 = arith.index_cast %parallel_loop3A_404 : i32 to index
      %parallel_loop3A_407 = arith.index_cast %parallel_loop3A_301 : i32 to index
      %parallel_loop3A_408 = tpu.vector_load %arg12[%parallel_loop3A_405, %parallel_loop3A_406, %parallel_loop3A_407] {strides = array<i32>} : memref<8x16x128xf32, #tpu.memory_space<vmem>>, vector<16xf32>,
      tpu.vector_store %arg12[%parallel_loop3A_405, %parallel_loop3A_406, %parallel_loop3A_407], %parallel_loop3A_403 {strides = array<i32>} : memref<8x16x128xf32, #tpu.memory_space<vmem>>, vector<16xf32>,
      %parallel_loop3A_409 = arith.constant 13 : i32
      %parallel_loop3A_410 = vector.broadcast %parallel_loop3A_409 : i32 to vector<16xi32>
      %parallel_loop3A_411 = tpu.vector_load_idx %arg5[%parallel_loop3A_410, %parallel_loop3A_304] : memref<16x50xf32, #tpu.memory_space<vmem>>[vector<16xi32>, vector<16xi32>], vector<16xf32>,
      %parallel_loop3A_412 = arith.constant 13 : i32
      %parallel_loop3A_413 = arith.index_cast %parallel_loop3A_296 : i32 to index
      %parallel_loop3A_414 = arith.index_cast %parallel_loop3A_412 : i32 to index
      %parallel_loop3A_415 = arith.index_cast %parallel_loop3A_301 : i32 to index
      %parallel_loop3A_416 = tpu.vector_load %arg12[%parallel_loop3A_413, %parallel_loop3A_414, %parallel_loop3A_415] {strides = array<i32>} : memref<8x16x128xf32, #tpu.memory_space<vmem>>, vector<16xf32>,
      tpu.vector_store %arg12[%parallel_loop3A_413, %parallel_loop3A_414, %parallel_loop3A_415], %parallel_loop3A_411 {strides = array<i32>} : memref<8x16x128xf32, #tpu.memory_space<vmem>>, vector<16xf32>,
      %parallel_loop3A_417 = arith.constant 14 : i32
      %parallel_loop3A_418 = vector.broadcast %parallel_loop3A_417 : i32 to vector<16xi32>
      %parallel_loop3A_419 = tpu.vector_load_idx %arg5[%parallel_loop3A_418, %parallel_loop3A_304] : memref<16x50xf32, #tpu.memory_space<vmem>>[vector<16xi32>, vector<16xi32>], vector<16xf32>,
      %parallel_loop3A_420 = arith.constant 14 : i32
      %parallel_loop3A_421 = arith.index_cast %parallel_loop3A_296 : i32 to index
      %parallel_loop3A_422 = arith.index_cast %parallel_loop3A_420 : i32 to index
      %parallel_loop3A_423 = arith.index_cast %parallel_loop3A_301 : i32 to index
      %parallel_loop3A_424 = tpu.vector_load %arg12[%parallel_loop3A_421, %parallel_loop3A_422, %parallel_loop3A_423] {strides = array<i32>} : memref<8x16x128xf32, #tpu.memory_space<vmem>>, vector<16xf32>,
      tpu.vector_store %arg12[%parallel_loop3A_421, %parallel_loop3A_422, %parallel_loop3A_423], %parallel_loop3A_419 {strides = array<i32>} : memref<8x16x128xf32, #tpu.memory_space<vmem>>, vector<16xf32>,
      %parallel_loop3A_425 = arith.constant 15 : i32
      %parallel_loop3A_426 = vector.broadcast %parallel_loop3A_425 : i32 to vector<16xi32>
      %parallel_loop3A_427 = tpu.vector_load_idx %arg5[%parallel_loop3A_426, %parallel_loop3A_304] : memref<16x50xf32, #tpu.memory_space<vmem>>[vector<16xi32>, vector<16xi32>], vector<16xf32>,
      %parallel_loop3A_428 = arith.constant 15 : i32
      %parallel_loop3A_429 = arith.index_cast %parallel_loop3A_296 : i32 to index
      %parallel_loop3A_430 = arith.index_cast %parallel_loop3A_428 : i32 to index
      %parallel_loop3A_431 = arith.index_cast %parallel_loop3A_301 : i32 to index
      %parallel_loop3A_432 = tpu.vector_load %arg12[%parallel_loop3A_429, %parallel_loop3A_430, %parallel_loop3A_431] {strides = array<i32>} : memref<8x16x128xf32, #tpu.memory_space<vmem>>, vector<16xf32>,
      tpu.vector_store %arg12[%parallel_loop3A_429, %parallel_loop3A_430, %parallel_loop3A_431], %parallel_loop3A_427 {strides = array<i32>} : memref<8x16x128xf32, #tpu.memory_space<vmem>>, vector<16xf32>,
    } {sc.loop_unroll_factor = 2 : i64, sc.parallel_access}
    %multiple_of3A_131 = arith.constant 16 : i32
    %multiple_of3A_132 = tpu.assume_multiple %multiple_of3A_131, 8 : i32
    %mul3A_133 = arith.constant 4 : i32
    %mul3A_134 = arith.muli %add3A, %mul3A_133 : i32
    %add3A_135 = arith.constant 0 : i32
    %add3A_136 = arith.addi %mul3A_134, %add3A_135 : i32
    %mul3A_137 = arith.constant 128 : i32
    %mul3A_138 = arith.muli %add3A_136, %mul3A_137 : i32
    %multiple_of3A_139 = tpu.assume_multiple %mul3A_138, 128 : i32
    %dma_start3A_140 = arith.constant 0 : i32
    %dma_start3A_141 = tpu.memref_slice %arg4[%multiple_of3A_132, %dma_start3A_140, %multiple_of3A_139] : memref<200x16x16384xf32, #tpu.memory_space<hbm>> -> memref<8x16x128xf32, #tpu.memory_space<hbm>>
    %dma_start3A_142 = arith.constant 0 : i32
    %dma_start3A_143 = tpu.memref_slice %arg4[%multiple_of3A_132, %dma_start3A_142, %multiple_of3A_139] : memref<200x16x16384xf32, #tpu.memory_space<hbm>> -> memref<8x16x128xf32, #tpu.memory_space<hbm>>
    tpu.enqueue_dma source(%arg12 : memref<8x16x128xf32, #tpu.memory_space<vmem>>) target(%dma_start3A_143 : memref<8x16x128xf32, #tpu.memory_space<hbm>>) target_semaphore(%arg20 : memref<!tpu.dma_semaphore, #tpu.memory_space<semaphore_mem>>)
    %multiple_of3A_144 = arith.constant 48 : i32
    %multiple_of3A_145 = tpu.assume_multiple %multiple_of3A_144, 8 : i32
    %mul3A_146 = arith.constant 4 : i32
    %mul3A_147 = arith.muli %add3A, %mul3A_146 : i32
    %add3A_148 = arith.constant 0 : i32
    %add3A_149 = arith.addi %mul3A_147, %add3A_148 : i32
    %mul3A_150 = arith.constant 128 : i32
    %mul3A_151 = arith.muli %add3A_149, %mul3A_150 : i32
    %multiple_of3A_152 = tpu.assume_multiple %mul3A_151, 128 : i32
    %dma_start3A_153 = tpu.memref_slice %arg3[%multiple_of3A_145, %multiple_of3A_152] : memref<200x16384xi32, #tpu.memory_space<hbm>> -> memref<8x128xi32, #tpu.memory_space<hbm>>
    %dma_start3A_154 = tpu.memref_slice %arg3[%multiple_of3A_145, %multiple_of3A_152] : memref<200x16384xi32, #tpu.memory_space<hbm>> -> memref<8x128xi32, #tpu.memory_space<hbm>>
    tpu.enqueue_dma source(%dma_start3A_154 : memref<8x128xi32, #tpu.memory_space<hbm>>) target(%arg8 : memref<8x128xi32, #tpu.memory_space<vmem>>) target_semaphore(%arg16 : memref<!tpu.dma_semaphore, #tpu.memory_space<semaphore_mem>>)
    %multiple_of3A_155 = arith.constant 24 : i32
    %multiple_of3A_156 = tpu.assume_multiple %multiple_of3A_155, 8 : i32
    %mul3A_157 = arith.constant 4 : i32
    %mul3A_158 = arith.muli %add3A, %mul3A_157 : i32
    %add3A_159 = arith.constant 0 : i32
    %add3A_160 = arith.addi %mul3A_158, %add3A_159 : i32
    %mul3A_161 = arith.constant 128 : i32
    %mul3A_162 = arith.muli %add3A_160, %mul3A_161 : i32
    %multiple_of3A_163 = tpu.assume_multiple %mul3A_162, 128 : i32
    %dma_wait3A_164 = tpu.memref_slice %arg3[%multiple_of3A_156, %multiple_of3A_163] : memref<200x16384xi32, #tpu.memory_space<hbm>> -> memref<8x128xi32, #tpu.memory_space<hbm>>
    %dma_wait3A_165 = tpu.memref_slice %arg3[%multiple_of3A_156, %multiple_of3A_163] : memref<200x16384xi32, #tpu.memory_space<hbm>> -> memref<8x128xi32, #tpu.memory_space<hbm>>
    tpu.wait_dma2 semaphore(%arg17 : memref<!tpu.dma_semaphore, #tpu.memory_space<semaphore_mem>>) src(%dma_wait3A_165 : memref<8x128xi32, #tpu.memory_space<hbm>>) dst(%arg9 : memref<8x128xi32, #tpu.memory_space<vmem>>)
    %parallel_loop3A_166 = arith.constant 0 : i32
    %parallel_loop3A_167 = arith.constant 64 : i32
    %parallel_loop3A_168 = arith.constant 1 : i32
    scf.for %parallel_loop3A_294 = %parallel_loop3A_166 to %parallel_loop3A_167 step %parallel_loop3A_168  : i32 {
      %parallel_loop3A_295 = arith.constant 3 : i32
      %parallel_loop3A_296 = arith.shrui %parallel_loop3A_294, %parallel_loop3A_295 : i32
      %parallel_loop3A_297 = arith.constant 7 : i32
      %parallel_loop3A_298 = arith.andi %parallel_loop3A_294, %parallel_loop3A_297 : i32
      %parallel_loop3A_299 = arith.constant 16 : i32
      %parallel_loop3A_300 = arith.muli %parallel_loop3A_298, %parallel_loop3A_299 : i32
      %parallel_loop3A_301 = tpu.assume_multiple %parallel_loop3A_300, 16 : i32
      %parallel_loop3A_302 = arith.index_cast %parallel_loop3A_296 : i32 to index
      %parallel_loop3A_303 = arith.index_cast %parallel_loop3A_301 : i32 to index
      %parallel_loop3A_304 = tpu.vector_load %arg9[%parallel_loop3A_302, %parallel_loop3A_303] {strides = array<i32>} : memref<8x128xi32, #tpu.memory_space<vmem>>, vector<16xi32>,
      %parallel_loop3A_305 = arith.constant 0 : i32
      %parallel_loop3A_306 = vector.broadcast %parallel_loop3A_305 : i32 to vector<16xi32>
      %parallel_loop3A_307 = tpu.vector_load_idx %arg5[%parallel_loop3A_306, %parallel_loop3A_304] : memref<16x50xf32, #tpu.memory_space<vmem>>[vector<16xi32>, vector<16xi32>], vector<16xf32>,
      %parallel_loop3A_308 = arith.constant 0 : i32
      %parallel_loop3A_309 = arith.index_cast %parallel_loop3A_296 : i32 to index
      %parallel_loop3A_310 = arith.index_cast %parallel_loop3A_308 : i32 to index
      %parallel_loop3A_311 = arith.index_cast %parallel_loop3A_301 : i32 to index
      %parallel_loop3A_312 = tpu.vector_load %arg13[%parallel_loop3A_309, %parallel_loop3A_310, %parallel_loop3A_311] {strides = array<i32>} : memref<8x16x128xf32, #tpu.memory_space<vmem>>, vector<16xf32>,
      tpu.vector_store %arg13[%parallel_loop3A_309, %parallel_loop3A_310, %parallel_loop3A_311], %parallel_loop3A_307 {strides = array<i32>} : memref<8x16x128xf32, #tpu.memory_space<vmem>>, vector<16xf32>,
      %parallel_loop3A_313 = arith.constant 1 : i32
      %parallel_loop3A_314 = vector.broadcast %parallel_loop3A_313 : i32 to vector<16xi32>
      %parallel_loop3A_315 = tpu.vector_load_idx %arg5[%parallel_loop3A_314, %parallel_loop3A_304] : memref<16x50xf32, #tpu.memory_space<vmem>>[vector<16xi32>, vector<16xi32>], vector<16xf32>,
      %parallel_loop3A_316 = arith.constant 1 : i32
      %parallel_loop3A_317 = arith.index_cast %parallel_loop3A_296 : i32 to index
      %parallel_loop3A_318 = arith.index_cast %parallel_loop3A_316 : i32 to index
      %parallel_loop3A_319 = arith.index_cast %parallel_loop3A_301 : i32 to index
      %parallel_loop3A_320 = tpu.vector_load %arg13[%parallel_loop3A_317, %parallel_loop3A_318, %parallel_loop3A_319] {strides = array<i32>} : memref<8x16x128xf32, #tpu.memory_space<vmem>>, vector<16xf32>,
      tpu.vector_store %arg13[%parallel_loop3A_317, %parallel_loop3A_318, %parallel_loop3A_319], %parallel_loop3A_315 {strides = array<i32>} : memref<8x16x128xf32, #tpu.memory_space<vmem>>, vector<16xf32>,
      %parallel_loop3A_321 = arith.constant 2 : i32
      %parallel_loop3A_322 = vector.broadcast %parallel_loop3A_321 : i32 to vector<16xi32>
      %parallel_loop3A_323 = tpu.vector_load_idx %arg5[%parallel_loop3A_322, %parallel_loop3A_304] : memref<16x50xf32, #tpu.memory_space<vmem>>[vector<16xi32>, vector<16xi32>], vector<16xf32>,
      %parallel_loop3A_324 = arith.constant 2 : i32
      %parallel_loop3A_325 = arith.index_cast %parallel_loop3A_296 : i32 to index
      %parallel_loop3A_326 = arith.index_cast %parallel_loop3A_324 : i32 to index
      %parallel_loop3A_327 = arith.index_cast %parallel_loop3A_301 : i32 to index
      %parallel_loop3A_328 = tpu.vector_load %arg13[%parallel_loop3A_325, %parallel_loop3A_326, %parallel_loop3A_327] {strides = array<i32>} : memref<8x16x128xf32, #tpu.memory_space<vmem>>, vector<16xf32>,
      tpu.vector_store %arg13[%parallel_loop3A_325, %parallel_loop3A_326, %parallel_loop3A_327], %parallel_loop3A_323 {strides = array<i32>} : memref<8x16x128xf32, #tpu.memory_space<vmem>>, vector<16xf32>,
      %parallel_loop3A_329 = arith.constant 3 : i32
      %parallel_loop3A_330 = vector.broadcast %parallel_loop3A_329 : i32 to vector<16xi32>
      %parallel_loop3A_331 = tpu.vector_load_idx %arg5[%parallel_loop3A_330, %parallel_loop3A_304] : memref<16x50xf32, #tpu.memory_space<vmem>>[vector<16xi32>, vector<16xi32>], vector<16xf32>,
      %parallel_loop3A_332 = arith.constant 3 : i32
      %parallel_loop3A_333 = arith.index_cast %parallel_loop3A_296 : i32 to index
      %parallel_loop3A_334 = arith.index_cast %parallel_loop3A_332 : i32 to index
      %parallel_loop3A_335 = arith.index_cast %parallel_loop3A_301 : i32 to index
      %parallel_loop3A_336 = tpu.vector_load %arg13[%parallel_loop3A_333, %parallel_loop3A_334, %parallel_loop3A_335] {strides = array<i32>} : memref<8x16x128xf32, #tpu.memory_space<vmem>>, vector<16xf32>,
      tpu.vector_store %arg13[%parallel_loop3A_333, %parallel_loop3A_334, %parallel_loop3A_335], %parallel_loop3A_331 {strides = array<i32>} : memref<8x16x128xf32, #tpu.memory_space<vmem>>, vector<16xf32>,
      %parallel_loop3A_337 = arith.constant 4 : i32
      %parallel_loop3A_338 = vector.broadcast %parallel_loop3A_337 : i32 to vector<16xi32>
      %parallel_loop3A_339 = tpu.vector_load_idx %arg5[%parallel_loop3A_338, %parallel_loop3A_304] : memref<16x50xf32, #tpu.memory_space<vmem>>[vector<16xi32>, vector<16xi32>], vector<16xf32>,
      %parallel_loop3A_340 = arith.constant 4 : i32
      %parallel_loop3A_341 = arith.index_cast %parallel_loop3A_296 : i32 to index
      %parallel_loop3A_342 = arith.index_cast %parallel_loop3A_340 : i32 to index
      %parallel_loop3A_343 = arith.index_cast %parallel_loop3A_301 : i32 to index
      %parallel_loop3A_344 = tpu.vector_load %arg13[%parallel_loop3A_341, %parallel_loop3A_342, %parallel_loop3A_343] {strides = array<i32>} : memref<8x16x128xf32, #tpu.memory_space<vmem>>, vector<16xf32>,
      tpu.vector_store %arg13[%parallel_loop3A_341, %parallel_loop3A_342, %parallel_loop3A_343], %parallel_loop3A_339 {strides = array<i32>} : memref<8x16x128xf32, #tpu.memory_space<vmem>>, vector<16xf32>,
      %parallel_loop3A_345 = arith.constant 5 : i32
      %parallel_loop3A_346 = vector.broadcast %parallel_loop3A_345 : i32 to vector<16xi32>
      %parallel_loop3A_347 = tpu.vector_load_idx %arg5[%parallel_loop3A_346, %parallel_loop3A_304] : memref<16x50xf32, #tpu.memory_space<vmem>>[vector<16xi32>, vector<16xi32>], vector<16xf32>,
      %parallel_loop3A_348 = arith.constant 5 : i32
      %parallel_loop3A_349 = arith.index_cast %parallel_loop3A_296 : i32 to index
      %parallel_loop3A_350 = arith.index_cast %parallel_loop3A_348 : i32 to index
      %parallel_loop3A_351 = arith.index_cast %parallel_loop3A_301 : i32 to index
      %parallel_loop3A_352 = tpu.vector_load %arg13[%parallel_loop3A_349, %parallel_loop3A_350, %parallel_loop3A_351] {strides = array<i32>} : memref<8x16x128xf32, #tpu.memory_space<vmem>>, vector<16xf32>,
      tpu.vector_store %arg13[%parallel_loop3A_349, %parallel_loop3A_350, %parallel_loop3A_351], %parallel_loop3A_347 {strides = array<i32>} : memref<8x16x128xf32, #tpu.memory_space<vmem>>, vector<16xf32>,
      %parallel_loop3A_353 = arith.constant 6 : i32
      %parallel_loop3A_354 = vector.broadcast %parallel_loop3A_353 : i32 to vector<16xi32>
      %parallel_loop3A_355 = tpu.vector_load_idx %arg5[%parallel_loop3A_354, %parallel_loop3A_304] : memref<16x50xf32, #tpu.memory_space<vmem>>[vector<16xi32>, vector<16xi32>], vector<16xf32>,
      %parallel_loop3A_356 = arith.constant 6 : i32
      %parallel_loop3A_357 = arith.index_cast %parallel_loop3A_296 : i32 to index
      %parallel_loop3A_358 = arith.index_cast %parallel_loop3A_356 : i32 to index
      %parallel_loop3A_359 = arith.index_cast %parallel_loop3A_301 : i32 to index
      %parallel_loop3A_360 = tpu.vector_load %arg13[%parallel_loop3A_357, %parallel_loop3A_358, %parallel_loop3A_359] {strides = array<i32>} : memref<8x16x128xf32, #tpu.memory_space<vmem>>, vector<16xf32>,
      tpu.vector_store %arg13[%parallel_loop3A_357, %parallel_loop3A_358, %parallel_loop3A_359], %parallel_loop3A_355 {strides = array<i32>} : memref<8x16x128xf32, #tpu.memory_space<vmem>>, vector<16xf32>,
      %parallel_loop3A_361 = arith.constant 7 : i32
      %parallel_loop3A_362 = vector.broadcast %parallel_loop3A_361 : i32 to vector<16xi32>
      %parallel_loop3A_363 = tpu.vector_load_idx %arg5[%parallel_loop3A_362, %parallel_loop3A_304] : memref<16x50xf32, #tpu.memory_space<vmem>>[vector<16xi32>, vector<16xi32>], vector<16xf32>,
      %parallel_loop3A_364 = arith.constant 7 : i32
      %parallel_loop3A_365 = arith.index_cast %parallel_loop3A_296 : i32 to index
      %parallel_loop3A_366 = arith.index_cast %parallel_loop3A_364 : i32 to index
      %parallel_loop3A_367 = arith.index_cast %parallel_loop3A_301 : i32 to index
      %parallel_loop3A_368 = tpu.vector_load %arg13[%parallel_loop3A_365, %parallel_loop3A_366, %parallel_loop3A_367] {strides = array<i32>} : memref<8x16x128xf32, #tpu.memory_space<vmem>>, vector<16xf32>,
      tpu.vector_store %arg13[%parallel_loop3A_365, %parallel_loop3A_366, %parallel_loop3A_367], %parallel_loop3A_363 {strides = array<i32>} : memref<8x16x128xf32, #tpu.memory_space<vmem>>, vector<16xf32>,
      %parallel_loop3A_369 = arith.constant 8 : i32
      %parallel_loop3A_370 = vector.broadcast %parallel_loop3A_369 : i32 to vector<16xi32>
      %parallel_loop3A_371 = tpu.vector_load_idx %arg5[%parallel_loop3A_370, %parallel_loop3A_304] : memref<16x50xf32, #tpu.memory_space<vmem>>[vector<16xi32>, vector<16xi32>], vector<16xf32>,
      %parallel_loop3A_372 = arith.constant 8 : i32
      %parallel_loop3A_373 = arith.index_cast %parallel_loop3A_296 : i32 to index
      %parallel_loop3A_374 = arith.index_cast %parallel_loop3A_372 : i32 to index
      %parallel_loop3A_375 = arith.index_cast %parallel_loop3A_301 : i32 to index
      %parallel_loop3A_376 = tpu.vector_load %arg13[%parallel_loop3A_373, %parallel_loop3A_374, %parallel_loop3A_375] {strides = array<i32>} : memref<8x16x128xf32, #tpu.memory_space<vmem>>, vector<16xf32>,
      tpu.vector_store %arg13[%parallel_loop3A_373, %parallel_loop3A_374, %parallel_loop3A_375], %parallel_loop3A_371 {strides = array<i32>} : memref<8x16x128xf32, #tpu.memory_space<vmem>>, vector<16xf32>,
      %parallel_loop3A_377 = arith.constant 9 : i32
      %parallel_loop3A_378 = vector.broadcast %parallel_loop3A_377 : i32 to vector<16xi32>
      %parallel_loop3A_379 = tpu.vector_load_idx %arg5[%parallel_loop3A_378, %parallel_loop3A_304] : memref<16x50xf32, #tpu.memory_space<vmem>>[vector<16xi32>, vector<16xi32>], vector<16xf32>,
      %parallel_loop3A_380 = arith.constant 9 : i32
      %parallel_loop3A_381 = arith.index_cast %parallel_loop3A_296 : i32 to index
      %parallel_loop3A_382 = arith.index_cast %parallel_loop3A_380 : i32 to index
      %parallel_loop3A_383 = arith.index_cast %parallel_loop3A_301 : i32 to index
      %parallel_loop3A_384 = tpu.vector_load %arg13[%parallel_loop3A_381, %parallel_loop3A_382, %parallel_loop3A_383] {strides = array<i32>} : memref<8x16x128xf32, #tpu.memory_space<vmem>>, vector<16xf32>,
      tpu.vector_store %arg13[%parallel_loop3A_381, %parallel_loop3A_382, %parallel_loop3A_383], %parallel_loop3A_379 {strides = array<i32>} : memref<8x16x128xf32, #tpu.memory_space<vmem>>, vector<16xf32>,
      %parallel_loop3A_385 = arith.constant 10 : i32
      %parallel_loop3A_386 = vector.broadcast %parallel_loop3A_385 : i32 to vector<16xi32>
      %parallel_loop3A_387 = tpu.vector_load_idx %arg5[%parallel_loop3A_386, %parallel_loop3A_304] : memref<16x50xf32, #tpu.memory_space<vmem>>[vector<16xi32>, vector<16xi32>], vector<16xf32>,
      %parallel_loop3A_388 = arith.constant 10 : i32
      %parallel_loop3A_389 = arith.index_cast %parallel_loop3A_296 : i32 to index
      %parallel_loop3A_390 = arith.index_cast %parallel_loop3A_388 : i32 to index
      %parallel_loop3A_391 = arith.index_cast %parallel_loop3A_301 : i32 to index
      %parallel_loop3A_392 = tpu.vector_load %arg13[%parallel_loop3A_389, %parallel_loop3A_390, %parallel_loop3A_391] {strides = array<i32>} : memref<8x16x128xf32, #tpu.memory_space<vmem>>, vector<16xf32>,
      tpu.vector_store %arg13[%parallel_loop3A_389, %parallel_loop3A_390, %parallel_loop3A_391], %parallel_loop3A_387 {strides = array<i32>} : memref<8x16x128xf32, #tpu.memory_space<vmem>>, vector<16xf32>,
      %parallel_loop3A_393 = arith.constant 11 : i32
      %parallel_loop3A_394 = vector.broadcast %parallel_loop3A_393 : i32 to vector<16xi32>
      %parallel_loop3A_395 = tpu.vector_load_idx %arg5[%parallel_loop3A_394, %parallel_loop3A_304] : memref<16x50xf32, #tpu.memory_space<vmem>>[vector<16xi32>, vector<16xi32>], vector<16xf32>,
      %parallel_loop3A_396 = arith.constant 11 : i32
      %parallel_loop3A_397 = arith.index_cast %parallel_loop3A_296 : i32 to index
      %parallel_loop3A_398 = arith.index_cast %parallel_loop3A_396 : i32 to index
      %parallel_loop3A_399 = arith.index_cast %parallel_loop3A_301 : i32 to index
      %parallel_loop3A_400 = tpu.vector_load %arg13[%parallel_loop3A_397, %parallel_loop3A_398, %parallel_loop3A_399] {strides = array<i32>} : memref<8x16x128xf32, #tpu.memory_space<vmem>>, vector<16xf32>,
      tpu.vector_store %arg13[%parallel_loop3A_397, %parallel_loop3A_398, %parallel_loop3A_399], %parallel_loop3A_395 {strides = array<i32>} : memref<8x16x128xf32, #tpu.memory_space<vmem>>, vector<16xf32>,
      %parallel_loop3A_401 = arith.constant 12 : i32
      %parallel_loop3A_402 = vector.broadcast %parallel_loop3A_401 : i32 to vector<16xi32>
      %parallel_loop3A_403 = tpu.vector_load_idx %arg5[%parallel_loop3A_402, %parallel_loop3A_304] : memref<16x50xf32, #tpu.memory_space<vmem>>[vector<16xi32>, vector<16xi32>], vector<16xf32>,
      %parallel_loop3A_404 = arith.constant 12 : i32
      %parallel_loop3A_405 = arith.index_cast %parallel_loop3A_296 : i32 to index
      %parallel_loop3A_406 = arith.index_cast %parallel_loop3A_404 : i32 to index
      %parallel_loop3A_407 = arith.index_cast %parallel_loop3A_301 : i32 to index
      %parallel_loop3A_408 = tpu.vector_load %arg13[%parallel_loop3A_405, %parallel_loop3A_406, %parallel_loop3A_407] {strides = array<i32>} : memref<8x16x128xf32, #tpu.memory_space<vmem>>, vector<16xf32>,
      tpu.vector_store %arg13[%parallel_loop3A_405, %parallel_loop3A_406, %parallel_loop3A_407], %parallel_loop3A_403 {strides = array<i32>} : memref<8x16x128xf32, #tpu.memory_space<vmem>>, vector<16xf32>,
      %parallel_loop3A_409 = arith.constant 13 : i32
      %parallel_loop3A_410 = vector.broadcast %parallel_loop3A_409 : i32 to vector<16xi32>
      %parallel_loop3A_411 = tpu.vector_load_idx %arg5[%parallel_loop3A_410, %parallel_loop3A_304] : memref<16x50xf32, #tpu.memory_space<vmem>>[vector<16xi32>, vector<16xi32>], vector<16xf32>,
      %parallel_loop3A_412 = arith.constant 13 : i32
      %parallel_loop3A_413 = arith.index_cast %parallel_loop3A_296 : i32 to index
      %parallel_loop3A_414 = arith.index_cast %parallel_loop3A_412 : i32 to index
      %parallel_loop3A_415 = arith.index_cast %parallel_loop3A_301 : i32 to index
      %parallel_loop3A_416 = tpu.vector_load %arg13[%parallel_loop3A_413, %parallel_loop3A_414, %parallel_loop3A_415] {strides = array<i32>} : memref<8x16x128xf32, #tpu.memory_space<vmem>>, vector<16xf32>,
      tpu.vector_store %arg13[%parallel_loop3A_413, %parallel_loop3A_414, %parallel_loop3A_415], %parallel_loop3A_411 {strides = array<i32>} : memref<8x16x128xf32, #tpu.memory_space<vmem>>, vector<16xf32>,
      %parallel_loop3A_417 = arith.constant 14 : i32
      %parallel_loop3A_418 = vector.broadcast %parallel_loop3A_417 : i32 to vector<16xi32>
      %parallel_loop3A_419 = tpu.vector_load_idx %arg5[%parallel_loop3A_418, %parallel_loop3A_304] : memref<16x50xf32, #tpu.memory_space<vmem>>[vector<16xi32>, vector<16xi32>], vector<16xf32>,
      %parallel_loop3A_420 = arith.constant 14 : i32
      %parallel_loop3A_421 = arith.index_cast %parallel_loop3A_296 : i32 to index
      %parallel_loop3A_422 = arith.index_cast %parallel_loop3A_420 : i32 to index
      %parallel_loop3A_423 = arith.index_cast %parallel_loop3A_301 : i32 to index
      %parallel_loop3A_424 = tpu.vector_load %arg13[%parallel_loop3A_421, %parallel_loop3A_422, %parallel_loop3A_423] {strides = array<i32>} : memref<8x16x128xf32, #tpu.memory_space<vmem>>, vector<16xf32>,
      tpu.vector_store %arg13[%parallel_loop3A_421, %parallel_loop3A_422, %parallel_loop3A_423], %parallel_loop3A_419 {strides = array<i32>} : memref<8x16x128xf32, #tpu.memory_space<vmem>>, vector<16xf32>,
      %parallel_loop3A_425 = arith.constant 15 : i32
      %parallel_loop3A_426 = vector.broadcast %parallel_loop3A_425 : i32 to vector<16xi32>
      %parallel_loop3A_427 = tpu.vector_load_idx %arg5[%parallel_loop3A_426, %parallel_loop3A_304] : memref<16x50xf32, #tpu.memory_space<vmem>>[vector<16xi32>, vector<16xi32>], vector<16xf32>,
      %parallel_loop3A_428 = arith.constant 15 : i32
      %parallel_loop3A_429 = arith.index_cast %parallel_loop3A_296 : i32 to index
      %parallel_loop3A_430 = arith.index_cast %parallel_loop3A_428 : i32 to index
      %parallel_loop3A_431 = arith.index_cast %parallel_loop3A_301 : i32 to index
      %parallel_loop3A_432 = tpu.vector_load %arg13[%parallel_loop3A_429, %parallel_loop3A_430, %parallel_loop3A_431] {strides = array<i32>} : memref<8x16x128xf32, #tpu.memory_space<vmem>>, vector<16xf32>,
      tpu.vector_store %arg13[%parallel_loop3A_429, %parallel_loop3A_430, %parallel_loop3A_431], %parallel_loop3A_427 {strides = array<i32>} : memref<8x16x128xf32, #tpu.memory_space<vmem>>, vector<16xf32>,
    } {sc.loop_unroll_factor = 2 : i64, sc.parallel_access}
    %multiple_of3A_169 = arith.constant 24 : i32
    %multiple_of3A_170 = tpu.assume_multiple %multiple_of3A_169, 8 : i32
    %mul3A_171 = arith.constant 4 : i32
    %mul3A_172 = arith.muli %add3A, %mul3A_171 : i32
    %add3A_173 = arith.constant 0 : i32
    %add3A_174 = arith.addi %mul3A_172, %add3A_173 : i32
    %mul3A_175 = arith.constant 128 : i32
    %mul3A_176 = arith.muli %add3A_174, %mul3A_175 : i32
    %multiple_of3A_177 = tpu.assume_multiple %mul3A_176, 128 : i32
    %dma_start3A_178 = arith.constant 0 : i32
    %dma_start3A_179 = tpu.memref_slice %arg4[%multiple_of3A_170, %dma_start3A_178, %multiple_of3A_177] : memref<200x16x16384xf32, #tpu.memory_space<hbm>> -> memref<8x16x128xf32, #tpu.memory_space<hbm>>
    %dma_start3A_180 = arith.constant 0 : i32
    %dma_start3A_181 = tpu.memref_slice %arg4[%multiple_of3A_170, %dma_start3A_180, %multiple_of3A_177] : memref<200x16x16384xf32, #tpu.memory_space<hbm>> -> memref<8x16x128xf32, #tpu.memory_space<hbm>>
    tpu.enqueue_dma source(%arg13 : memref<8x16x128xf32, #tpu.memory_space<vmem>>) target(%dma_start3A_181 : memref<8x16x128xf32, #tpu.memory_space<hbm>>) target_semaphore(%arg21 : memref<!tpu.dma_semaphore, #tpu.memory_space<semaphore_mem>>)
    %multiple_of3A_182 = arith.constant 56 : i32
    %multiple_of3A_183 = tpu.assume_multiple %multiple_of3A_182, 8 : i32
    %mul3A_184 = arith.constant 4 : i32
    %mul3A_185 = arith.muli %add3A, %mul3A_184 : i32
    %add3A_186 = arith.constant 0 : i32
    %add3A_187 = arith.addi %mul3A_185, %add3A_186 : i32
    %mul3A_188 = arith.constant 128 : i32
    %mul3A_189 = arith.muli %add3A_187, %mul3A_188 : i32
    %multiple_of3A_190 = tpu.assume_multiple %mul3A_189, 128 : i32
    %dma_start3A_191 = tpu.memref_slice %arg3[%multiple_of3A_183, %multiple_of3A_190] : memref<200x16384xi32, #tpu.memory_space<hbm>> -> memref<8x128xi32, #tpu.memory_space<hbm>>
    %dma_start3A_192 = tpu.memref_slice %arg3[%multiple_of3A_183, %multiple_of3A_190] : memref<200x16384xi32, #tpu.memory_space<hbm>> -> memref<8x128xi32, #tpu.memory_space<hbm>>
    tpu.enqueue_dma source(%dma_start3A_192 : memref<8x128xi32, #tpu.memory_space<hbm>>) target(%arg9 : memref<8x128xi32, #tpu.memory_space<vmem>>) target_semaphore(%arg17 : memref<!tpu.dma_semaphore, #tpu.memory_space<semaphore_mem>>)
    %scan3A = arith.constant 0 : i32
    %scan3A_193 = arith.constant 1 : i32
    %scan3A_194 = arith.constant 24 : i32
    %scan3A_195 = arith.addi %scan3A_193, %scan3A_194 : i32
    %scan3A_196 = arith.constant 1 : i32
    scf.for %scan3A_294 = %scan3A_193 to %scan3A_195 step %scan3A_196  : i32 {
      %mul3A_295 = arith.constant 4 : i32
      %mul3A_296 = arith.muli %mul3A_295, %scan3A_294 : i32
      %add3A_297 = arith.constant 0 : i32
      %add3A_298 = arith.addi %mul3A_296, %add3A_297 : i32
      %jit3A = arith.constant 25 : i32
      %div3A = arith.divsi %add3A_298, %jit3A : i32
      %sign3A = arith.constant 0 : i32
      %sign3A_299 = arith.cmpi sgt, %add3A_298, %sign3A : i32
      %sign3A_300 = arith.extui %sign3A_299 : i1 to i32
      %sign3A_301 = arith.constant 0 : i32
      %sign3A_302 = arith.cmpi slt, %add3A_298, %sign3A_301 : i32
      %sign3A_303 = arith.extui %sign3A_302 : i1 to i32
      %sign3A_304 = arith.subi %sign3A_300, %sign3A_303 : i32
      %sign3A_305 = arith.constant 0 : i32
      %sign3A_306 = arith.cmpi sgt, %jit3A, %sign3A_305 : i32
      %sign3A_307 = arith.extui %sign3A_306 : i1 to i32
      %sign3A_308 = arith.constant 0 : i32
      %sign3A_309 = arith.cmpi slt, %jit3A, %sign3A_308 : i32
      %sign3A_310 = arith.extui %sign3A_309 : i1 to i32
      %sign3A_311 = arith.subi %sign3A_307, %sign3A_310 : i32
      %ne3A = arith.cmpi ne, %sign3A_304, %sign3A_311 : i32
      %rem3A = arith.remsi %add3A_298, %jit3A : i32
      %ne3A_312 = arith.constant 0 : i32
      %ne3A_313 = arith.cmpi ne, %rem3A, %ne3A_312 : i32
      %and3A = arith.andi %ne3A, %ne3A_313 : i1
      %sub3A = arith.constant 1 : i32
      %sub3A_314 = arith.subi %div3A, %sub3A : i32
      %select_n3A = arith.select %and3A, %sub3A_314, %div3A : i32
      %jit3A_315 = arith.constant 25 : i32
      %eq3A = arith.constant 0 : i32
      %eq3A_316 = arith.cmpi eq, %jit3A_315, %eq3A : i32
      %jit3A_317 = arith.constant 1 : i32
      %select_n3A_318 = arith.select %eq3A_316, %jit3A_317, %jit3A_315 : i32
      %rem3A_319 = arith.remsi %add3A_298, %select_n3A_318 : i32
      %ne3A_320 = arith.constant 0 : i32
      %ne3A_321 = arith.cmpi ne, %rem3A_319, %ne3A_320 : i32
      %lt3A = arith.constant 0 : i32
      %lt3A_322 = arith.cmpi slt, %rem3A_319, %lt3A : i32
      %lt3A_323 = arith.constant 0 : i32
      %lt3A_324 = arith.cmpi slt, %select_n3A_318, %lt3A_323 : i32
      %ne3A_325 = arith.xori %lt3A_322, %lt3A_324 : i1
      %and3A_326 = arith.andi %ne3A_325, %ne3A_321 : i1
      %add3A_327 = arith.addi %rem3A_319, %select_n3A_318 : i32
      %select_n3A_328 = arith.select %and3A_326, %add3A_327, %rem3A_319 : i32
      %mul3A_329 = arith.constant 8 : i32
      %mul3A_330 = arith.muli %select_n3A_328, %mul3A_329 : i32
      %multiple_of3A_331 = tpu.assume_multiple %mul3A_330, 8 : i32
      %mul3A_332 = arith.constant 4 : i32
      %mul3A_333 = arith.muli %add3A, %mul3A_332 : i32
      %add3A_334 = arith.addi %mul3A_333, %select_n3A : i32
      %mul3A_335 = arith.constant 128 : i32
      %mul3A_336 = arith.muli %add3A_334, %mul3A_335 : i32
      %multiple_of3A_337 = tpu.assume_multiple %mul3A_336, 128 : i32
      %dma_wait3A_338 = tpu.memref_slice %arg3[%multiple_of3A_331, %multiple_of3A_337] : memref<200x16384xi32, #tpu.memory_space<hbm>> -> memref<8x128xi32, #tpu.memory_space<hbm>>
      %dma_wait3A_339 = tpu.memref_slice %arg3[%multiple_of3A_331, %multiple_of3A_337] : memref<200x16384xi32, #tpu.memory_space<hbm>> -> memref<8x128xi32, #tpu.memory_space<hbm>>
      tpu.wait_dma2 semaphore(%arg14 : memref<!tpu.dma_semaphore, #tpu.memory_space<semaphore_mem>>) src(%dma_wait3A_339 : memref<8x128xi32, #tpu.memory_space<hbm>>) dst(%arg6 : memref<8x128xi32, #tpu.memory_space<vmem>>)
      %jit3A_340 = arith.constant 25 : i32
      %div3A_341 = arith.divsi %add3A_298, %jit3A_340 : i32
      %sign3A_342 = arith.constant 0 : i32
      %sign3A_343 = arith.cmpi sgt, %add3A_298, %sign3A_342 : i32
      %sign3A_344 = arith.extui %sign3A_343 : i1 to i32
      %sign3A_345 = arith.constant 0 : i32
      %sign3A_346 = arith.cmpi slt, %add3A_298, %sign3A_345 : i32
      %sign3A_347 = arith.extui %sign3A_346 : i1 to i32
      %sign3A_348 = arith.subi %sign3A_344, %sign3A_347 : i32
      %sign3A_349 = arith.constant 0 : i32
      %sign3A_350 = arith.cmpi sgt, %jit3A_340, %sign3A_349 : i32
      %sign3A_351 = arith.extui %sign3A_350 : i1 to i32
      %sign3A_352 = arith.constant 0 : i32
      %sign3A_353 = arith.cmpi slt, %jit3A_340, %sign3A_352 : i32
      %sign3A_354 = arith.extui %sign3A_353 : i1 to i32
      %sign3A_355 = arith.subi %sign3A_351, %sign3A_354 : i32
      %ne3A_356 = arith.cmpi ne, %sign3A_348, %sign3A_355 : i32
      %rem3A_357 = arith.remsi %add3A_298, %jit3A_340 : i32
      %ne3A_358 = arith.constant 0 : i32
      %ne3A_359 = arith.cmpi ne, %rem3A_357, %ne3A_358 : i32
      %and3A_360 = arith.andi %ne3A_356, %ne3A_359 : i1
      %sub3A_361 = arith.constant 1 : i32
      %sub3A_362 = arith.subi %div3A_341, %sub3A_361 : i32
      %select_n3A_363 = arith.select %and3A_360, %sub3A_362, %div3A_341 : i32
      %jit3A_364 = arith.constant 25 : i32
      %eq3A_365 = arith.constant 0 : i32
      %eq3A_366 = arith.cmpi eq, %jit3A_364, %eq3A_365 : i32
      %jit3A_367 = arith.constant 1 : i32
      %select_n3A_368 = arith.select %eq3A_366, %jit3A_367, %jit3A_364 : i32
      %rem3A_369 = arith.remsi %add3A_298, %select_n3A_368 : i32
      %ne3A_370 = arith.constant 0 : i32
      %ne3A_371 = arith.cmpi ne, %rem3A_369, %ne3A_370 : i32
      %lt3A_372 = arith.constant 0 : i32
      %lt3A_373 = arith.cmpi slt, %rem3A_369, %lt3A_372 : i32
      %lt3A_374 = arith.constant 0 : i32
      %lt3A_375 = arith.cmpi slt, %select_n3A_368, %lt3A_374 : i32
      %ne3A_376 = arith.xori %lt3A_373, %lt3A_375 : i1
      %and3A_377 = arith.andi %ne3A_376, %ne3A_371 : i1
      %add3A_378 = arith.addi %rem3A_369, %select_n3A_368 : i32
      %select_n3A_379 = arith.select %and3A_377, %add3A_378, %rem3A_369 : i32
      %mul3A_380 = arith.constant 8 : i32
      %mul3A_381 = arith.muli %select_n3A_379, %mul3A_380 : i32
      %multiple_of3A_382 = tpu.assume_multiple %mul3A_381, 8 : i32
      %mul3A_383 = arith.constant 4 : i32
      %mul3A_384 = arith.muli %add3A, %mul3A_383 : i32
      %add3A_385 = arith.addi %mul3A_384, %select_n3A_363 : i32
      %mul3A_386 = arith.constant 128 : i32
      %mul3A_387 = arith.muli %add3A_385, %mul3A_386 : i32
      %multiple_of3A_388 = tpu.assume_multiple %mul3A_387, 128 : i32
      %dma_wait3A_389 = arith.constant 0 : i32
      %dma_wait3A_390 = tpu.memref_slice %arg4[%multiple_of3A_382, %dma_wait3A_389, %multiple_of3A_388] : memref<200x16x16384xf32, #tpu.memory_space<hbm>> -> memref<8x16x128xf32, #tpu.memory_space<hbm>>
      %dma_wait3A_391 = arith.constant 0 : i32
      %dma_wait3A_392 = tpu.memref_slice %arg4[%multiple_of3A_382, %dma_wait3A_391, %multiple_of3A_388] : memref<200x16x16384xf32, #tpu.memory_space<hbm>> -> memref<8x16x128xf32, #tpu.memory_space<hbm>>
      tpu.wait_dma2 semaphore(%arg18 : memref<!tpu.dma_semaphore, #tpu.memory_space<semaphore_mem>>) src(%arg10 : memref<8x16x128xf32, #tpu.memory_space<vmem>>) dst(%dma_wait3A_392 : memref<8x16x128xf32, #tpu.memory_space<hbm>>)
      %parallel_loop3A_393 = arith.constant 0 : i32
      %parallel_loop3A_394 = arith.constant 64 : i32
      %parallel_loop3A_395 = arith.constant 1 : i32
      scf.for %parallel_loop3A_1160 = %parallel_loop3A_393 to %parallel_loop3A_394 step %parallel_loop3A_395  : i32 {
        %parallel_loop3A_1161 = arith.constant 3 : i32
        %parallel_loop3A_1162 = arith.shrui %parallel_loop3A_1160, %parallel_loop3A_1161 : i32
        %parallel_loop3A_1163 = arith.constant 7 : i32
        %parallel_loop3A_1164 = arith.andi %parallel_loop3A_1160, %parallel_loop3A_1163 : i32
        %parallel_loop3A_1165 = arith.constant 16 : i32
        %parallel_loop3A_1166 = arith.muli %parallel_loop3A_1164, %parallel_loop3A_1165 : i32
        %parallel_loop3A_1167 = tpu.assume_multiple %parallel_loop3A_1166, 16 : i32
        %parallel_loop3A_1168 = arith.index_cast %parallel_loop3A_1162 : i32 to index
        %parallel_loop3A_1169 = arith.index_cast %parallel_loop3A_1167 : i32 to index
        %parallel_loop3A_1170 = tpu.vector_load %arg6[%parallel_loop3A_1168, %parallel_loop3A_1169] {strides = array<i32>} : memref<8x128xi32, #tpu.memory_space<vmem>>, vector<16xi32>,
        %parallel_loop3A_1171 = arith.constant 0 : i32
        %parallel_loop3A_1172 = vector.broadcast %parallel_loop3A_1171 : i32 to vector<16xi32>
        %parallel_loop3A_1173 = tpu.vector_load_idx %arg5[%parallel_loop3A_1172, %parallel_loop3A_1170] : memref<16x50xf32, #tpu.memory_space<vmem>>[vector<16xi32>, vector<16xi32>], vector<16xf32>,
        %parallel_loop3A_1174 = arith.constant 0 : i32
        %parallel_loop3A_1175 = arith.index_cast %parallel_loop3A_1162 : i32 to index
        %parallel_loop3A_1176 = arith.index_cast %parallel_loop3A_1174 : i32 to index
        %parallel_loop3A_1177 = arith.index_cast %parallel_loop3A_1167 : i32 to index
        %parallel_loop3A_1178 = tpu.vector_load %arg10[%parallel_loop3A_1175, %parallel_loop3A_1176, %parallel_loop3A_1177] {strides = array<i32>} : memref<8x16x128xf32, #tpu.memory_space<vmem>>, vector<16xf32>,
        tpu.vector_store %arg10[%parallel_loop3A_1175, %parallel_loop3A_1176, %parallel_loop3A_1177], %parallel_loop3A_1173 {strides = array<i32>} : memref<8x16x128xf32, #tpu.memory_space<vmem>>, vector<16xf32>,
        %parallel_loop3A_1179 = arith.constant 1 : i32
        %parallel_loop3A_1180 = vector.broadcast %parallel_loop3A_1179 : i32 to vector<16xi32>
        %parallel_loop3A_1181 = tpu.vector_load_idx %arg5[%parallel_loop3A_1180, %parallel_loop3A_1170] : memref<16x50xf32, #tpu.memory_space<vmem>>[vector<16xi32>, vector<16xi32>], vector<16xf32>,
        %parallel_loop3A_1182 = arith.constant 1 : i32
        %parallel_loop3A_1183 = arith.index_cast %parallel_loop3A_1162 : i32 to index
        %parallel_loop3A_1184 = arith.index_cast %parallel_loop3A_1182 : i32 to index
        %parallel_loop3A_1185 = arith.index_cast %parallel_loop3A_1167 : i32 to index
        %parallel_loop3A_1186 = tpu.vector_load %arg10[%parallel_loop3A_1183, %parallel_loop3A_1184, %parallel_loop3A_1185] {strides = array<i32>} : memref<8x16x128xf32, #tpu.memory_space<vmem>>, vector<16xf32>,
        tpu.vector_store %arg10[%parallel_loop3A_1183, %parallel_loop3A_1184, %parallel_loop3A_1185], %parallel_loop3A_1181 {strides = array<i32>} : memref<8x16x128xf32, #tpu.memory_space<vmem>>, vector<16xf32>,
        %parallel_loop3A_1187 = arith.constant 2 : i32
        %parallel_loop3A_1188 = vector.broadcast %parallel_loop3A_1187 : i32 to vector<16xi32>
        %parallel_loop3A_1189 = tpu.vector_load_idx %arg5[%parallel_loop3A_1188, %parallel_loop3A_1170] : memref<16x50xf32, #tpu.memory_space<vmem>>[vector<16xi32>, vector<16xi32>], vector<16xf32>,
        %parallel_loop3A_1190 = arith.constant 2 : i32
        %parallel_loop3A_1191 = arith.index_cast %parallel_loop3A_1162 : i32 to index
        %parallel_loop3A_1192 = arith.index_cast %parallel_loop3A_1190 : i32 to index
        %parallel_loop3A_1193 = arith.index_cast %parallel_loop3A_1167 : i32 to index
        %parallel_loop3A_1194 = tpu.vector_load %arg10[%parallel_loop3A_1191, %parallel_loop3A_1192, %parallel_loop3A_1193] {strides = array<i32>} : memref<8x16x128xf32, #tpu.memory_space<vmem>>, vector<16xf32>,
        tpu.vector_store %arg10[%parallel_loop3A_1191, %parallel_loop3A_1192, %parallel_loop3A_1193], %parallel_loop3A_1189 {strides = array<i32>} : memref<8x16x128xf32, #tpu.memory_space<vmem>>, vector<16xf32>,
        %parallel_loop3A_1195 = arith.constant 3 : i32
        %parallel_loop3A_1196 = vector.broadcast %parallel_loop3A_1195 : i32 to vector<16xi32>
        %parallel_loop3A_1197 = tpu.vector_load_idx %arg5[%parallel_loop3A_1196, %parallel_loop3A_1170] : memref<16x50xf32, #tpu.memory_space<vmem>>[vector<16xi32>, vector<16xi32>], vector<16xf32>,
        %parallel_loop3A_1198 = arith.constant 3 : i32
        %parallel_loop3A_1199 = arith.index_cast %parallel_loop3A_1162 : i32 to index
        %parallel_loop3A_1200 = arith.index_cast %parallel_loop3A_1198 : i32 to index
        %parallel_loop3A_1201 = arith.index_cast %parallel_loop3A_1167 : i32 to index
        %parallel_loop3A_1202 = tpu.vector_load %arg10[%parallel_loop3A_1199, %parallel_loop3A_1200, %parallel_loop3A_1201] {strides = array<i32>} : memref<8x16x128xf32, #tpu.memory_space<vmem>>, vector<16xf32>,
        tpu.vector_store %arg10[%parallel_loop3A_1199, %parallel_loop3A_1200, %parallel_loop3A_1201], %parallel_loop3A_1197 {strides = array<i32>} : memref<8x16x128xf32, #tpu.memory_space<vmem>>, vector<16xf32>,
        %parallel_loop3A_1203 = arith.constant 4 : i32
        %parallel_loop3A_1204 = vector.broadcast %parallel_loop3A_1203 : i32 to vector<16xi32>
        %parallel_loop3A_1205 = tpu.vector_load_idx %arg5[%parallel_loop3A_1204, %parallel_loop3A_1170] : memref<16x50xf32, #tpu.memory_space<vmem>>[vector<16xi32>, vector<16xi32>], vector<16xf32>,
        %parallel_loop3A_1206 = arith.constant 4 : i32
        %parallel_loop3A_1207 = arith.index_cast %parallel_loop3A_1162 : i32 to index
        %parallel_loop3A_1208 = arith.index_cast %parallel_loop3A_1206 : i32 to index
        %parallel_loop3A_1209 = arith.index_cast %parallel_loop3A_1167 : i32 to index
        %parallel_loop3A_1210 = tpu.vector_load %arg10[%parallel_loop3A_1207, %parallel_loop3A_1208, %parallel_loop3A_1209] {strides = array<i32>} : memref<8x16x128xf32, #tpu.memory_space<vmem>>, vector<16xf32>,
        tpu.vector_store %arg10[%parallel_loop3A_1207, %parallel_loop3A_1208, %parallel_loop3A_1209], %parallel_loop3A_1205 {strides = array<i32>} : memref<8x16x128xf32, #tpu.memory_space<vmem>>, vector<16xf32>,
        %parallel_loop3A_1211 = arith.constant 5 : i32
        %parallel_loop3A_1212 = vector.broadcast %parallel_loop3A_1211 : i32 to vector<16xi32>
        %parallel_loop3A_1213 = tpu.vector_load_idx %arg5[%parallel_loop3A_1212, %parallel_loop3A_1170] : memref<16x50xf32, #tpu.memory_space<vmem>>[vector<16xi32>, vector<16xi32>], vector<16xf32>,
        %parallel_loop3A_1214 = arith.constant 5 : i32
        %parallel_loop3A_1215 = arith.index_cast %parallel_loop3A_1162 : i32 to index
        %parallel_loop3A_1216 = arith.index_cast %parallel_loop3A_1214 : i32 to index
        %parallel_loop3A_1217 = arith.index_cast %parallel_loop3A_1167 : i32 to index
        %parallel_loop3A_1218 = tpu.vector_load %arg10[%parallel_loop3A_1215, %parallel_loop3A_1216, %parallel_loop3A_1217] {strides = array<i32>} : memref<8x16x128xf32, #tpu.memory_space<vmem>>, vector<16xf32>,
        tpu.vector_store %arg10[%parallel_loop3A_1215, %parallel_loop3A_1216, %parallel_loop3A_1217], %parallel_loop3A_1213 {strides = array<i32>} : memref<8x16x128xf32, #tpu.memory_space<vmem>>, vector<16xf32>,
        %parallel_loop3A_1219 = arith.constant 6 : i32
        %parallel_loop3A_1220 = vector.broadcast %parallel_loop3A_1219 : i32 to vector<16xi32>
        %parallel_loop3A_1221 = tpu.vector_load_idx %arg5[%parallel_loop3A_1220, %parallel_loop3A_1170] : memref<16x50xf32, #tpu.memory_space<vmem>>[vector<16xi32>, vector<16xi32>], vector<16xf32>,
        %parallel_loop3A_1222 = arith.constant 6 : i32
        %parallel_loop3A_1223 = arith.index_cast %parallel_loop3A_1162 : i32 to index
        %parallel_loop3A_1224 = arith.index_cast %parallel_loop3A_1222 : i32 to index
        %parallel_loop3A_1225 = arith.index_cast %parallel_loop3A_1167 : i32 to index
        %parallel_loop3A_1226 = tpu.vector_load %arg10[%parallel_loop3A_1223, %parallel_loop3A_1224, %parallel_loop3A_1225] {strides = array<i32>} : memref<8x16x128xf32, #tpu.memory_space<vmem>>, vector<16xf32>,
        tpu.vector_store %arg10[%parallel_loop3A_1223, %parallel_loop3A_1224, %parallel_loop3A_1225], %parallel_loop3A_1221 {strides = array<i32>} : memref<8x16x128xf32, #tpu.memory_space<vmem>>, vector<16xf32>,
        %parallel_loop3A_1227 = arith.constant 7 : i32
        %parallel_loop3A_1228 = vector.broadcast %parallel_loop3A_1227 : i32 to vector<16xi32>
        %parallel_loop3A_1229 = tpu.vector_load_idx %arg5[%parallel_loop3A_1228, %parallel_loop3A_1170] : memref<16x50xf32, #tpu.memory_space<vmem>>[vector<16xi32>, vector<16xi32>], vector<16xf32>,
        %parallel_loop3A_1230 = arith.constant 7 : i32
        %parallel_loop3A_1231 = arith.index_cast %parallel_loop3A_1162 : i32 to index
        %parallel_loop3A_1232 = arith.index_cast %parallel_loop3A_1230 : i32 to index
        %parallel_loop3A_1233 = arith.index_cast %parallel_loop3A_1167 : i32 to index
        %parallel_loop3A_1234 = tpu.vector_load %arg10[%parallel_loop3A_1231, %parallel_loop3A_1232, %parallel_loop3A_1233] {strides = array<i32>} : memref<8x16x128xf32, #tpu.memory_space<vmem>>, vector<16xf32>,
        tpu.vector_store %arg10[%parallel_loop3A_1231, %parallel_loop3A_1232, %parallel_loop3A_1233], %parallel_loop3A_1229 {strides = array<i32>} : memref<8x16x128xf32, #tpu.memory_space<vmem>>, vector<16xf32>,
        %parallel_loop3A_1235 = arith.constant 8 : i32
        %parallel_loop3A_1236 = vector.broadcast %parallel_loop3A_1235 : i32 to vector<16xi32>
        %parallel_loop3A_1237 = tpu.vector_load_idx %arg5[%parallel_loop3A_1236, %parallel_loop3A_1170] : memref<16x50xf32, #tpu.memory_space<vmem>>[vector<16xi32>, vector<16xi32>], vector<16xf32>,
        %parallel_loop3A_1238 = arith.constant 8 : i32
        %parallel_loop3A_1239 = arith.index_cast %parallel_loop3A_1162 : i32 to index
        %parallel_loop3A_1240 = arith.index_cast %parallel_loop3A_1238 : i32 to index
        %parallel_loop3A_1241 = arith.index_cast %parallel_loop3A_1167 : i32 to index
        %parallel_loop3A_1242 = tpu.vector_load %arg10[%parallel_loop3A_1239, %parallel_loop3A_1240, %parallel_loop3A_1241] {strides = array<i32>} : memref<8x16x128xf32, #tpu.memory_space<vmem>>, vector<16xf32>,
        tpu.vector_store %arg10[%parallel_loop3A_1239, %parallel_loop3A_1240, %parallel_loop3A_1241], %parallel_loop3A_1237 {strides = array<i32>} : memref<8x16x128xf32, #tpu.memory_space<vmem>>, vector<16xf32>,
        %parallel_loop3A_1243 = arith.constant 9 : i32
        %parallel_loop3A_1244 = vector.broadcast %parallel_loop3A_1243 : i32 to vector<16xi32>
        %parallel_loop3A_1245 = tpu.vector_load_idx %arg5[%parallel_loop3A_1244, %parallel_loop3A_1170] : memref<16x50xf32, #tpu.memory_space<vmem>>[vector<16xi32>, vector<16xi32>], vector<16xf32>,
        %parallel_loop3A_1246 = arith.constant 9 : i32
        %parallel_loop3A_1247 = arith.index_cast %parallel_loop3A_1162 : i32 to index
        %parallel_loop3A_1248 = arith.index_cast %parallel_loop3A_1246 : i32 to index
        %parallel_loop3A_1249 = arith.index_cast %parallel_loop3A_1167 : i32 to index
        %parallel_loop3A_1250 = tpu.vector_load %arg10[%parallel_loop3A_1247, %parallel_loop3A_1248, %parallel_loop3A_1249] {strides = array<i32>} : memref<8x16x128xf32, #tpu.memory_space<vmem>>, vector<16xf32>,
        tpu.vector_store %arg10[%parallel_loop3A_1247, %parallel_loop3A_1248, %parallel_loop3A_1249], %parallel_loop3A_1245 {strides = array<i32>} : memref<8x16x128xf32, #tpu.memory_space<vmem>>, vector<16xf32>,
        %parallel_loop3A_1251 = arith.constant 10 : i32
        %parallel_loop3A_1252 = vector.broadcast %parallel_loop3A_1251 : i32 to vector<16xi32>
        %parallel_loop3A_1253 = tpu.vector_load_idx %arg5[%parallel_loop3A_1252, %parallel_loop3A_1170] : memref<16x50xf32, #tpu.memory_space<vmem>>[vector<16xi32>, vector<16xi32>], vector<16xf32>,
        %parallel_loop3A_1254 = arith.constant 10 : i32
        %parallel_loop3A_1255 = arith.index_cast %parallel_loop3A_1162 : i32 to index
        %parallel_loop3A_1256 = arith.index_cast %parallel_loop3A_1254 : i32 to index
        %parallel_loop3A_1257 = arith.index_cast %parallel_loop3A_1167 : i32 to index
        %parallel_loop3A_1258 = tpu.vector_load %arg10[%parallel_loop3A_1255, %parallel_loop3A_1256, %parallel_loop3A_1257] {strides = array<i32>} : memref<8x16x128xf32, #tpu.memory_space<vmem>>, vector<16xf32>,
        tpu.vector_store %arg10[%parallel_loop3A_1255, %parallel_loop3A_1256, %parallel_loop3A_1257], %parallel_loop3A_1253 {strides = array<i32>} : memref<8x16x128xf32, #tpu.memory_space<vmem>>, vector<16xf32>,
        %parallel_loop3A_1259 = arith.constant 11 : i32
        %parallel_loop3A_1260 = vector.broadcast %parallel_loop3A_1259 : i32 to vector<16xi32>
        %parallel_loop3A_1261 = tpu.vector_load_idx %arg5[%parallel_loop3A_1260, %parallel_loop3A_1170] : memref<16x50xf32, #tpu.memory_space<vmem>>[vector<16xi32>, vector<16xi32>], vector<16xf32>,
        %parallel_loop3A_1262 = arith.constant 11 : i32
        %parallel_loop3A_1263 = arith.index_cast %parallel_loop3A_1162 : i32 to index
        %parallel_loop3A_1264 = arith.index_cast %parallel_loop3A_1262 : i32 to index
        %parallel_loop3A_1265 = arith.index_cast %parallel_loop3A_1167 : i32 to index
        %parallel_loop3A_1266 = tpu.vector_load %arg10[%parallel_loop3A_1263, %parallel_loop3A_1264, %parallel_loop3A_1265] {strides = array<i32>} : memref<8x16x128xf32, #tpu.memory_space<vmem>>, vector<16xf32>,
        tpu.vector_store %arg10[%parallel_loop3A_1263, %parallel_loop3A_1264, %parallel_loop3A_1265], %parallel_loop3A_1261 {strides = array<i32>} : memref<8x16x128xf32, #tpu.memory_space<vmem>>, vector<16xf32>,
        %parallel_loop3A_1267 = arith.constant 12 : i32
        %parallel_loop3A_1268 = vector.broadcast %parallel_loop3A_1267 : i32 to vector<16xi32>
        %parallel_loop3A_1269 = tpu.vector_load_idx %arg5[%parallel_loop3A_1268, %parallel_loop3A_1170] : memref<16x50xf32, #tpu.memory_space<vmem>>[vector<16xi32>, vector<16xi32>], vector<16xf32>,
        %parallel_loop3A_1270 = arith.constant 12 : i32
        %parallel_loop3A_1271 = arith.index_cast %parallel_loop3A_1162 : i32 to index
        %parallel_loop3A_1272 = arith.index_cast %parallel_loop3A_1270 : i32 to index
        %parallel_loop3A_1273 = arith.index_cast %parallel_loop3A_1167 : i32 to index
        %parallel_loop3A_1274 = tpu.vector_load %arg10[%parallel_loop3A_1271, %parallel_loop3A_1272, %parallel_loop3A_1273] {strides = array<i32>} : memref<8x16x128xf32, #tpu.memory_space<vmem>>, vector<16xf32>,
        tpu.vector_store %arg10[%parallel_loop3A_1271, %parallel_loop3A_1272, %parallel_loop3A_1273], %parallel_loop3A_1269 {strides = array<i32>} : memref<8x16x128xf32, #tpu.memory_space<vmem>>, vector<16xf32>,
        %parallel_loop3A_1275 = arith.constant 13 : i32
        %parallel_loop3A_1276 = vector.broadcast %parallel_loop3A_1275 : i32 to vector<16xi32>
        %parallel_loop3A_1277 = tpu.vector_load_idx %arg5[%parallel_loop3A_1276, %parallel_loop3A_1170] : memref<16x50xf32, #tpu.memory_space<vmem>>[vector<16xi32>, vector<16xi32>], vector<16xf32>,
        %parallel_loop3A_1278 = arith.constant 13 : i32
        %parallel_loop3A_1279 = arith.index_cast %parallel_loop3A_1162 : i32 to index
        %parallel_loop3A_1280 = arith.index_cast %parallel_loop3A_1278 : i32 to index
        %parallel_loop3A_1281 = arith.index_cast %parallel_loop3A_1167 : i32 to index
        %parallel_loop3A_1282 = tpu.vector_load %arg10[%parallel_loop3A_1279, %parallel_loop3A_1280, %parallel_loop3A_1281] {strides = array<i32>} : memref<8x16x128xf32, #tpu.memory_space<vmem>>, vector<16xf32>,
        tpu.vector_store %arg10[%parallel_loop3A_1279, %parallel_loop3A_1280, %parallel_loop3A_1281], %parallel_loop3A_1277 {strides = array<i32>} : memref<8x16x128xf32, #tpu.memory_space<vmem>>, vector<16xf32>,
        %parallel_loop3A_1283 = arith.constant 14 : i32
        %parallel_loop3A_1284 = vector.broadcast %parallel_loop3A_1283 : i32 to vector<16xi32>
        %parallel_loop3A_1285 = tpu.vector_load_idx %arg5[%parallel_loop3A_1284, %parallel_loop3A_1170] : memref<16x50xf32, #tpu.memory_space<vmem>>[vector<16xi32>, vector<16xi32>], vector<16xf32>,
        %parallel_loop3A_1286 = arith.constant 14 : i32
        %parallel_loop3A_1287 = arith.index_cast %parallel_loop3A_1162 : i32 to index
        %parallel_loop3A_1288 = arith.index_cast %parallel_loop3A_1286 : i32 to index
        %parallel_loop3A_1289 = arith.index_cast %parallel_loop3A_1167 : i32 to index
        %parallel_loop3A_1290 = tpu.vector_load %arg10[%parallel_loop3A_1287, %parallel_loop3A_1288, %parallel_loop3A_1289] {strides = array<i32>} : memref<8x16x128xf32, #tpu.memory_space<vmem>>, vector<16xf32>,
        tpu.vector_store %arg10[%parallel_loop3A_1287, %parallel_loop3A_1288, %parallel_loop3A_1289], %parallel_loop3A_1285 {strides = array<i32>} : memref<8x16x128xf32, #tpu.memory_space<vmem>>, vector<16xf32>,
        %parallel_loop3A_1291 = arith.constant 15 : i32
        %parallel_loop3A_1292 = vector.broadcast %parallel_loop3A_1291 : i32 to vector<16xi32>
        %parallel_loop3A_1293 = tpu.vector_load_idx %arg5[%parallel_loop3A_1292, %parallel_loop3A_1170] : memref<16x50xf32, #tpu.memory_space<vmem>>[vector<16xi32>, vector<16xi32>], vector<16xf32>,
        %parallel_loop3A_1294 = arith.constant 15 : i32
        %parallel_loop3A_1295 = arith.index_cast %parallel_loop3A_1162 : i32 to index
        %parallel_loop3A_1296 = arith.index_cast %parallel_loop3A_1294 : i32 to index
        %parallel_loop3A_1297 = arith.index_cast %parallel_loop3A_1167 : i32 to index
        %parallel_loop3A_1298 = tpu.vector_load %arg10[%parallel_loop3A_1295, %parallel_loop3A_1296, %parallel_loop3A_1297] {strides = array<i32>} : memref<8x16x128xf32, #tpu.memory_space<vmem>>, vector<16xf32>,
        tpu.vector_store %arg10[%parallel_loop3A_1295, %parallel_loop3A_1296, %parallel_loop3A_1297], %parallel_loop3A_1293 {strides = array<i32>} : memref<8x16x128xf32, #tpu.memory_space<vmem>>, vector<16xf32>,
      } {sc.loop_unroll_factor = 2 : i64, sc.parallel_access}
      %jit3A_396 = arith.constant 25 : i32
      %div3A_397 = arith.divsi %add3A_298, %jit3A_396 : i32
      %sign3A_398 = arith.constant 0 : i32
      %sign3A_399 = arith.cmpi sgt, %add3A_298, %sign3A_398 : i32
      %sign3A_400 = arith.extui %sign3A_399 : i1 to i32
      %sign3A_401 = arith.constant 0 : i32
      %sign3A_402 = arith.cmpi slt, %add3A_298, %sign3A_401 : i32
      %sign3A_403 = arith.extui %sign3A_402 : i1 to i32
      %sign3A_404 = arith.subi %sign3A_400, %sign3A_403 : i32
      %sign3A_405 = arith.constant 0 : i32
      %sign3A_406 = arith.cmpi sgt, %jit3A_396, %sign3A_405 : i32
      %sign3A_407 = arith.extui %sign3A_406 : i1 to i32
      %sign3A_408 = arith.constant 0 : i32
      %sign3A_409 = arith.cmpi slt, %jit3A_396, %sign3A_408 : i32
      %sign3A_410 = arith.extui %sign3A_409 : i1 to i32
      %sign3A_411 = arith.subi %sign3A_407, %sign3A_410 : i32
      %ne3A_412 = arith.cmpi ne, %sign3A_404, %sign3A_411 : i32
      %rem3A_413 = arith.remsi %add3A_298, %jit3A_396 : i32
      %ne3A_414 = arith.constant 0 : i32
      %ne3A_415 = arith.cmpi ne, %rem3A_413, %ne3A_414 : i32
      %and3A_416 = arith.andi %ne3A_412, %ne3A_415 : i1
      %sub3A_417 = arith.constant 1 : i32
      %sub3A_418 = arith.subi %div3A_397, %sub3A_417 : i32
      %select_n3A_419 = arith.select %and3A_416, %sub3A_418, %div3A_397 : i32
      %jit3A_420 = arith.constant 25 : i32
      %eq3A_421 = arith.constant 0 : i32
      %eq3A_422 = arith.cmpi eq, %jit3A_420, %eq3A_421 : i32
      %jit3A_423 = arith.constant 1 : i32
      %select_n3A_424 = arith.select %eq3A_422, %jit3A_423, %jit3A_420 : i32
      %rem3A_425 = arith.remsi %add3A_298, %select_n3A_424 : i32
      %ne3A_426 = arith.constant 0 : i32
      %ne3A_427 = arith.cmpi ne, %rem3A_425, %ne3A_426 : i32
      %lt3A_428 = arith.constant 0 : i32
      %lt3A_429 = arith.cmpi slt, %rem3A_425, %lt3A_428 : i32
      %lt3A_430 = arith.constant 0 : i32
      %lt3A_431 = arith.cmpi slt, %select_n3A_424, %lt3A_430 : i32
      %ne3A_432 = arith.xori %lt3A_429, %lt3A_431 : i1
      %and3A_433 = arith.andi %ne3A_432, %ne3A_427 : i1
      %add3A_434 = arith.addi %rem3A_425, %select_n3A_424 : i32
      %select_n3A_435 = arith.select %and3A_433, %add3A_434, %rem3A_425 : i32
      %mul3A_436 = arith.constant 8 : i32
      %mul3A_437 = arith.muli %select_n3A_435, %mul3A_436 : i32
      %multiple_of3A_438 = tpu.assume_multiple %mul3A_437, 8 : i32
      %mul3A_439 = arith.constant 4 : i32
      %mul3A_440 = arith.muli %add3A, %mul3A_439 : i32
      %add3A_441 = arith.addi %mul3A_440, %select_n3A_419 : i32
      %mul3A_442 = arith.constant 128 : i32
      %mul3A_443 = arith.muli %add3A_441, %mul3A_442 : i32
      %multiple_of3A_444 = tpu.assume_multiple %mul3A_443, 128 : i32
      %dma_start3A_445 = arith.constant 0 : i32
      %dma_start3A_446 = tpu.memref_slice %arg4[%multiple_of3A_438, %dma_start3A_445, %multiple_of3A_444] : memref<200x16x16384xf32, #tpu.memory_space<hbm>> -> memref<8x16x128xf32, #tpu.memory_space<hbm>>
      %dma_start3A_447 = arith.constant 0 : i32
      %dma_start3A_448 = tpu.memref_slice %arg4[%multiple_of3A_438, %dma_start3A_447, %multiple_of3A_444] : memref<200x16x16384xf32, #tpu.memory_space<hbm>> -> memref<8x16x128xf32, #tpu.memory_space<hbm>>
      tpu.enqueue_dma source(%arg10 : memref<8x16x128xf32, #tpu.memory_space<vmem>>) target(%dma_start3A_448 : memref<8x16x128xf32, #tpu.memory_space<hbm>>) target_semaphore(%arg18 : memref<!tpu.dma_semaphore, #tpu.memory_space<semaphore_mem>>)
      %add3A_449 = arith.constant 4 : i32
      %add3A_450 = arith.addi %add3A_298, %add3A_449 : i32
      %min3A = arith.constant 99 : i32
      %min3A_451 = arith.minsi %add3A_450, %min3A : i32
      %jit3A_452 = arith.constant 25 : i32
      %div3A_453 = arith.divsi %min3A_451, %jit3A_452 : i32
      %sign3A_454 = arith.constant 0 : i32
      %sign3A_455 = arith.cmpi sgt, %min3A_451, %sign3A_454 : i32
      %sign3A_456 = arith.extui %sign3A_455 : i1 to i32
      %sign3A_457 = arith.constant 0 : i32
      %sign3A_458 = arith.cmpi slt, %min3A_451, %sign3A_457 : i32
      %sign3A_459 = arith.extui %sign3A_458 : i1 to i32
      %sign3A_460 = arith.subi %sign3A_456, %sign3A_459 : i32
      %sign3A_461 = arith.constant 0 : i32
      %sign3A_462 = arith.cmpi sgt, %jit3A_452, %sign3A_461 : i32
      %sign3A_463 = arith.extui %sign3A_462 : i1 to i32
      %sign3A_464 = arith.constant 0 : i32
      %sign3A_465 = arith.cmpi slt, %jit3A_452, %sign3A_464 : i32
      %sign3A_466 = arith.extui %sign3A_465 : i1 to i32
      %sign3A_467 = arith.subi %sign3A_463, %sign3A_466 : i32
      %ne3A_468 = arith.cmpi ne, %sign3A_460, %sign3A_467 : i32
      %rem3A_469 = arith.remsi %min3A_451, %jit3A_452 : i32
      %ne3A_470 = arith.constant 0 : i32
      %ne3A_471 = arith.cmpi ne, %rem3A_469, %ne3A_470 : i32
      %and3A_472 = arith.andi %ne3A_468, %ne3A_471 : i1
      %sub3A_473 = arith.constant 1 : i32
      %sub3A_474 = arith.subi %div3A_453, %sub3A_473 : i32
      %select_n3A_475 = arith.select %and3A_472, %sub3A_474, %div3A_453 : i32
      %jit3A_476 = arith.constant 25 : i32
      %eq3A_477 = arith.constant 0 : i32
      %eq3A_478 = arith.cmpi eq, %jit3A_476, %eq3A_477 : i32
      %jit3A_479 = arith.constant 1 : i32
      %select_n3A_480 = arith.select %eq3A_478, %jit3A_479, %jit3A_476 : i32
      %rem3A_481 = arith.remsi %min3A_451, %select_n3A_480 : i32
      %ne3A_482 = arith.constant 0 : i32
      %ne3A_483 = arith.cmpi ne, %rem3A_481, %ne3A_482 : i32
      %lt3A_484 = arith.constant 0 : i32
      %lt3A_485 = arith.cmpi slt, %rem3A_481, %lt3A_484 : i32
      %lt3A_486 = arith.constant 0 : i32
      %lt3A_487 = arith.cmpi slt, %select_n3A_480, %lt3A_486 : i32
      %ne3A_488 = arith.xori %lt3A_485, %lt3A_487 : i1
      %and3A_489 = arith.andi %ne3A_488, %ne3A_483 : i1
      %add3A_490 = arith.addi %rem3A_481, %select_n3A_480 : i32
      %select_n3A_491 = arith.select %and3A_489, %add3A_490, %rem3A_481 : i32
      %mul3A_492 = arith.constant 8 : i32
      %mul3A_493 = arith.muli %select_n3A_491, %mul3A_492 : i32
      %multiple_of3A_494 = tpu.assume_multiple %mul3A_493, 8 : i32
      %mul3A_495 = arith.constant 4 : i32
      %mul3A_496 = arith.muli %add3A, %mul3A_495 : i32
      %add3A_497 = arith.addi %mul3A_496, %select_n3A_475 : i32
      %mul3A_498 = arith.constant 128 : i32
      %mul3A_499 = arith.muli %add3A_497, %mul3A_498 : i32
      %multiple_of3A_500 = tpu.assume_multiple %mul3A_499, 128 : i32
      %dma_start3A_501 = tpu.memref_slice %arg3[%multiple_of3A_494, %multiple_of3A_500] : memref<200x16384xi32, #tpu.memory_space<hbm>> -> memref<8x128xi32, #tpu.memory_space<hbm>>
      %dma_start3A_502 = tpu.memref_slice %arg3[%multiple_of3A_494, %multiple_of3A_500] : memref<200x16384xi32, #tpu.memory_space<hbm>> -> memref<8x128xi32, #tpu.memory_space<hbm>>
      tpu.enqueue_dma source(%dma_start3A_502 : memref<8x128xi32, #tpu.memory_space<hbm>>) target(%arg6 : memref<8x128xi32, #tpu.memory_space<vmem>>) target_semaphore(%arg14 : memref<!tpu.dma_semaphore, #tpu.memory_space<semaphore_mem>>)
      %mul3A_503 = arith.constant 4 : i32
      %mul3A_504 = arith.muli %mul3A_503, %scan3A_294 : i32
      %add3A_505 = arith.constant 1 : i32
      %add3A_506 = arith.addi %mul3A_504, %add3A_505 : i32
      %jit3A_507 = arith.constant 25 : i32
      %div3A_508 = arith.divsi %add3A_506, %jit3A_507 : i32
      %sign3A_509 = arith.constant 0 : i32
      %sign3A_510 = arith.cmpi sgt, %add3A_506, %sign3A_509 : i32
      %sign3A_511 = arith.extui %sign3A_510 : i1 to i32
      %sign3A_512 = arith.constant 0 : i32
      %sign3A_513 = arith.cmpi slt, %add3A_506, %sign3A_512 : i32
      %sign3A_514 = arith.extui %sign3A_513 : i1 to i32
      %sign3A_515 = arith.subi %sign3A_511, %sign3A_514 : i32
      %sign3A_516 = arith.constant 0 : i32
      %sign3A_517 = arith.cmpi sgt, %jit3A_507, %sign3A_516 : i32
      %sign3A_518 = arith.extui %sign3A_517 : i1 to i32
      %sign3A_519 = arith.constant 0 : i32
      %sign3A_520 = arith.cmpi slt, %jit3A_507, %sign3A_519 : i32
      %sign3A_521 = arith.extui %sign3A_520 : i1 to i32
      %sign3A_522 = arith.subi %sign3A_518, %sign3A_521 : i32
      %ne3A_523 = arith.cmpi ne, %sign3A_515, %sign3A_522 : i32
      %rem3A_524 = arith.remsi %add3A_506, %jit3A_507 : i32
      %ne3A_525 = arith.constant 0 : i32
      %ne3A_526 = arith.cmpi ne, %rem3A_524, %ne3A_525 : i32
      %and3A_527 = arith.andi %ne3A_523, %ne3A_526 : i1
      %sub3A_528 = arith.constant 1 : i32
      %sub3A_529 = arith.subi %div3A_508, %sub3A_528 : i32
      %select_n3A_530 = arith.select %and3A_527, %sub3A_529, %div3A_508 : i32
      %jit3A_531 = arith.constant 25 : i32
      %eq3A_532 = arith.constant 0 : i32
      %eq3A_533 = arith.cmpi eq, %jit3A_531, %eq3A_532 : i32
      %jit3A_534 = arith.constant 1 : i32
      %select_n3A_535 = arith.select %eq3A_533, %jit3A_534, %jit3A_531 : i32
      %rem3A_536 = arith.remsi %add3A_506, %select_n3A_535 : i32
      %ne3A_537 = arith.constant 0 : i32
      %ne3A_538 = arith.cmpi ne, %rem3A_536, %ne3A_537 : i32
      %lt3A_539 = arith.constant 0 : i32
      %lt3A_540 = arith.cmpi slt, %rem3A_536, %lt3A_539 : i32
      %lt3A_541 = arith.constant 0 : i32
      %lt3A_542 = arith.cmpi slt, %select_n3A_535, %lt3A_541 : i32
      %ne3A_543 = arith.xori %lt3A_540, %lt3A_542 : i1
      %and3A_544 = arith.andi %ne3A_543, %ne3A_538 : i1
      %add3A_545 = arith.addi %rem3A_536, %select_n3A_535 : i32
      %select_n3A_546 = arith.select %and3A_544, %add3A_545, %rem3A_536 : i32
      %mul3A_547 = arith.constant 8 : i32
      %mul3A_548 = arith.muli %select_n3A_546, %mul3A_547 : i32
      %multiple_of3A_549 = tpu.assume_multiple %mul3A_548, 8 : i32
      %mul3A_550 = arith.constant 4 : i32
      %mul3A_551 = arith.muli %add3A, %mul3A_550 : i32
      %add3A_552 = arith.addi %mul3A_551, %select_n3A_530 : i32
      %mul3A_553 = arith.constant 128 : i32
      %mul3A_554 = arith.muli %add3A_552, %mul3A_553 : i32
      %multiple_of3A_555 = tpu.assume_multiple %mul3A_554, 128 : i32
      %dma_wait3A_556 = tpu.memref_slice %arg3[%multiple_of3A_549, %multiple_of3A_555] : memref<200x16384xi32, #tpu.memory_space<hbm>> -> memref<8x128xi32, #tpu.memory_space<hbm>>
      %dma_wait3A_557 = tpu.memref_slice %arg3[%multiple_of3A_549, %multiple_of3A_555] : memref<200x16384xi32, #tpu.memory_space<hbm>> -> memref<8x128xi32, #tpu.memory_space<hbm>>
      tpu.wait_dma2 semaphore(%arg15 : memref<!tpu.dma_semaphore, #tpu.memory_space<semaphore_mem>>) src(%dma_wait3A_557 : memref<8x128xi32, #tpu.memory_space<hbm>>) dst(%arg7 : memref<8x128xi32, #tpu.memory_space<vmem>>)
      %jit3A_558 = arith.constant 25 : i32
      %div3A_559 = arith.divsi %add3A_506, %jit3A_558 : i32
      %sign3A_560 = arith.constant 0 : i32
      %sign3A_561 = arith.cmpi sgt, %add3A_506, %sign3A_560 : i32
      %sign3A_562 = arith.extui %sign3A_561 : i1 to i32
      %sign3A_563 = arith.constant 0 : i32
      %sign3A_564 = arith.cmpi slt, %add3A_506, %sign3A_563 : i32
      %sign3A_565 = arith.extui %sign3A_564 : i1 to i32
      %sign3A_566 = arith.subi %sign3A_562, %sign3A_565 : i32
      %sign3A_567 = arith.constant 0 : i32
      %sign3A_568 = arith.cmpi sgt, %jit3A_558, %sign3A_567 : i32
      %sign3A_569 = arith.extui %sign3A_568 : i1 to i32
      %sign3A_570 = arith.constant 0 : i32
      %sign3A_571 = arith.cmpi slt, %jit3A_558, %sign3A_570 : i32
      %sign3A_572 = arith.extui %sign3A_571 : i1 to i32
      %sign3A_573 = arith.subi %sign3A_569, %sign3A_572 : i32
      %ne3A_574 = arith.cmpi ne, %sign3A_566, %sign3A_573 : i32
      %rem3A_575 = arith.remsi %add3A_506, %jit3A_558 : i32
      %ne3A_576 = arith.constant 0 : i32
      %ne3A_577 = arith.cmpi ne, %rem3A_575, %ne3A_576 : i32
      %and3A_578 = arith.andi %ne3A_574, %ne3A_577 : i1
      %sub3A_579 = arith.constant 1 : i32
      %sub3A_580 = arith.subi %div3A_559, %sub3A_579 : i32
      %select_n3A_581 = arith.select %and3A_578, %sub3A_580, %div3A_559 : i32
      %jit3A_582 = arith.constant 25 : i32
      %eq3A_583 = arith.constant 0 : i32
      %eq3A_584 = arith.cmpi eq, %jit3A_582, %eq3A_583 : i32
      %jit3A_585 = arith.constant 1 : i32
      %select_n3A_586 = arith.select %eq3A_584, %jit3A_585, %jit3A_582 : i32
      %rem3A_587 = arith.remsi %add3A_506, %select_n3A_586 : i32
      %ne3A_588 = arith.constant 0 : i32
      %ne3A_589 = arith.cmpi ne, %rem3A_587, %ne3A_588 : i32
      %lt3A_590 = arith.constant 0 : i32
      %lt3A_591 = arith.cmpi slt, %rem3A_587, %lt3A_590 : i32
      %lt3A_592 = arith.constant 0 : i32
      %lt3A_593 = arith.cmpi slt, %select_n3A_586, %lt3A_592 : i32
      %ne3A_594 = arith.xori %lt3A_591, %lt3A_593 : i1
      %and3A_595 = arith.andi %ne3A_594, %ne3A_589 : i1
      %add3A_596 = arith.addi %rem3A_587, %select_n3A_586 : i32
      %select_n3A_597 = arith.select %and3A_595, %add3A_596, %rem3A_587 : i32
      %mul3A_598 = arith.constant 8 : i32
      %mul3A_599 = arith.muli %select_n3A_597, %mul3A_598 : i32
      %multiple_of3A_600 = tpu.assume_multiple %mul3A_599, 8 : i32
      %mul3A_601 = arith.constant 4 : i32
      %mul3A_602 = arith.muli %add3A, %mul3A_601 : i32
      %add3A_603 = arith.addi %mul3A_602, %select_n3A_581 : i32
      %mul3A_604 = arith.constant 128 : i32
      %mul3A_605 = arith.muli %add3A_603, %mul3A_604 : i32
      %multiple_of3A_606 = tpu.assume_multiple %mul3A_605, 128 : i32
      %dma_wait3A_607 = arith.constant 0 : i32
      %dma_wait3A_608 = tpu.memref_slice %arg4[%multiple_of3A_600, %dma_wait3A_607, %multiple_of3A_606] : memref<200x16x16384xf32, #tpu.memory_space<hbm>> -> memref<8x16x128xf32, #tpu.memory_space<hbm>>
      %dma_wait3A_609 = arith.constant 0 : i32
      %dma_wait3A_610 = tpu.memref_slice %arg4[%multiple_of3A_600, %dma_wait3A_609, %multiple_of3A_606] : memref<200x16x16384xf32, #tpu.memory_space<hbm>> -> memref<8x16x128xf32, #tpu.memory_space<hbm>>
      tpu.wait_dma2 semaphore(%arg19 : memref<!tpu.dma_semaphore, #tpu.memory_space<semaphore_mem>>) src(%arg11 : memref<8x16x128xf32, #tpu.memory_space<vmem>>) dst(%dma_wait3A_610 : memref<8x16x128xf32, #tpu.memory_space<hbm>>)
      %parallel_loop3A_611 = arith.constant 0 : i32
      %parallel_loop3A_612 = arith.constant 64 : i32
      %parallel_loop3A_613 = arith.constant 1 : i32
      scf.for %parallel_loop3A_1160 = %parallel_loop3A_611 to %parallel_loop3A_612 step %parallel_loop3A_613  : i32 {
        %parallel_loop3A_1161 = arith.constant 3 : i32
        %parallel_loop3A_1162 = arith.shrui %parallel_loop3A_1160, %parallel_loop3A_1161 : i32
        %parallel_loop3A_1163 = arith.constant 7 : i32
        %parallel_loop3A_1164 = arith.andi %parallel_loop3A_1160, %parallel_loop3A_1163 : i32
        %parallel_loop3A_1165 = arith.constant 16 : i32
        %parallel_loop3A_1166 = arith.muli %parallel_loop3A_1164, %parallel_loop3A_1165 : i32
        %parallel_loop3A_1167 = tpu.assume_multiple %parallel_loop3A_1166, 16 : i32
        %parallel_loop3A_1168 = arith.index_cast %parallel_loop3A_1162 : i32 to index
        %parallel_loop3A_1169 = arith.index_cast %parallel_loop3A_1167 : i32 to index
        %parallel_loop3A_1170 = tpu.vector_load %arg7[%parallel_loop3A_1168, %parallel_loop3A_1169] {strides = array<i32>} : memref<8x128xi32, #tpu.memory_space<vmem>>, vector<16xi32>,
        %parallel_loop3A_1171 = arith.constant 0 : i32
        %parallel_loop3A_1172 = vector.broadcast %parallel_loop3A_1171 : i32 to vector<16xi32>
        %parallel_loop3A_1173 = tpu.vector_load_idx %arg5[%parallel_loop3A_1172, %parallel_loop3A_1170] : memref<16x50xf32, #tpu.memory_space<vmem>>[vector<16xi32>, vector<16xi32>], vector<16xf32>,
        %parallel_loop3A_1174 = arith.constant 0 : i32
        %parallel_loop3A_1175 = arith.index_cast %parallel_loop3A_1162 : i32 to index
        %parallel_loop3A_1176 = arith.index_cast %parallel_loop3A_1174 : i32 to index
        %parallel_loop3A_1177 = arith.index_cast %parallel_loop3A_1167 : i32 to index
        %parallel_loop3A_1178 = tpu.vector_load %arg11[%parallel_loop3A_1175, %parallel_loop3A_1176, %parallel_loop3A_1177] {strides = array<i32>} : memref<8x16x128xf32, #tpu.memory_space<vmem>>, vector<16xf32>,
        tpu.vector_store %arg11[%parallel_loop3A_1175, %parallel_loop3A_1176, %parallel_loop3A_1177], %parallel_loop3A_1173 {strides = array<i32>} : memref<8x16x128xf32, #tpu.memory_space<vmem>>, vector<16xf32>,
        %parallel_loop3A_1179 = arith.constant 1 : i32
        %parallel_loop3A_1180 = vector.broadcast %parallel_loop3A_1179 : i32 to vector<16xi32>
        %parallel_loop3A_1181 = tpu.vector_load_idx %arg5[%parallel_loop3A_1180, %parallel_loop3A_1170] : memref<16x50xf32, #tpu.memory_space<vmem>>[vector<16xi32>, vector<16xi32>], vector<16xf32>,
        %parallel_loop3A_1182 = arith.constant 1 : i32
        %parallel_loop3A_1183 = arith.index_cast %parallel_loop3A_1162 : i32 to index
        %parallel_loop3A_1184 = arith.index_cast %parallel_loop3A_1182 : i32 to index
        %parallel_loop3A_1185 = arith.index_cast %parallel_loop3A_1167 : i32 to index
        %parallel_loop3A_1186 = tpu.vector_load %arg11[%parallel_loop3A_1183, %parallel_loop3A_1184, %parallel_loop3A_1185] {strides = array<i32>} : memref<8x16x128xf32, #tpu.memory_space<vmem>>, vector<16xf32>,
        tpu.vector_store %arg11[%parallel_loop3A_1183, %parallel_loop3A_1184, %parallel_loop3A_1185], %parallel_loop3A_1181 {strides = array<i32>} : memref<8x16x128xf32, #tpu.memory_space<vmem>>, vector<16xf32>,
        %parallel_loop3A_1187 = arith.constant 2 : i32
        %parallel_loop3A_1188 = vector.broadcast %parallel_loop3A_1187 : i32 to vector<16xi32>
        %parallel_loop3A_1189 = tpu.vector_load_idx %arg5[%parallel_loop3A_1188, %parallel_loop3A_1170] : memref<16x50xf32, #tpu.memory_space<vmem>>[vector<16xi32>, vector<16xi32>], vector<16xf32>,
        %parallel_loop3A_1190 = arith.constant 2 : i32
        %parallel_loop3A_1191 = arith.index_cast %parallel_loop3A_1162 : i32 to index
        %parallel_loop3A_1192 = arith.index_cast %parallel_loop3A_1190 : i32 to index
        %parallel_loop3A_1193 = arith.index_cast %parallel_loop3A_1167 : i32 to index
        %parallel_loop3A_1194 = tpu.vector_load %arg11[%parallel_loop3A_1191, %parallel_loop3A_1192, %parallel_loop3A_1193] {strides = array<i32>} : memref<8x16x128xf32, #tpu.memory_space<vmem>>, vector<16xf32>,
        tpu.vector_store %arg11[%parallel_loop3A_1191, %parallel_loop3A_1192, %parallel_loop3A_1193], %parallel_loop3A_1189 {strides = array<i32>} : memref<8x16x128xf32, #tpu.memory_space<vmem>>, vector<16xf32>,
        %parallel_loop3A_1195 = arith.constant 3 : i32
        %parallel_loop3A_1196 = vector.broadcast %parallel_loop3A_1195 : i32 to vector<16xi32>
        %parallel_loop3A_1197 = tpu.vector_load_idx %arg5[%parallel_loop3A_1196, %parallel_loop3A_1170] : memref<16x50xf32, #tpu.memory_space<vmem>>[vector<16xi32>, vector<16xi32>], vector<16xf32>,
        %parallel_loop3A_1198 = arith.constant 3 : i32
        %parallel_loop3A_1199 = arith.index_cast %parallel_loop3A_1162 : i32 to index
        %parallel_loop3A_1200 = arith.index_cast %parallel_loop3A_1198 : i32 to index
        %parallel_loop3A_1201 = arith.index_cast %parallel_loop3A_1167 : i32 to index
        %parallel_loop3A_1202 = tpu.vector_load %arg11[%parallel_loop3A_1199, %parallel_loop3A_1200, %parallel_loop3A_1201] {strides = array<i32>} : memref<8x16x128xf32, #tpu.memory_space<vmem>>, vector<16xf32>,
        tpu.vector_store %arg11[%parallel_loop3A_1199, %parallel_loop3A_1200, %parallel_loop3A_1201], %parallel_loop3A_1197 {strides = array<i32>} : memref<8x16x128xf32, #tpu.memory_space<vmem>>, vector<16xf32>,
        %parallel_loop3A_1203 = arith.constant 4 : i32
        %parallel_loop3A_1204 = vector.broadcast %parallel_loop3A_1203 : i32 to vector<16xi32>
        %parallel_loop3A_1205 = tpu.vector_load_idx %arg5[%parallel_loop3A_1204, %parallel_loop3A_1170] : memref<16x50xf32, #tpu.memory_space<vmem>>[vector<16xi32>, vector<16xi32>], vector<16xf32>,
        %parallel_loop3A_1206 = arith.constant 4 : i32
        %parallel_loop3A_1207 = arith.index_cast %parallel_loop3A_1162 : i32 to index
        %parallel_loop3A_1208 = arith.index_cast %parallel_loop3A_1206 : i32 to index
        %parallel_loop3A_1209 = arith.index_cast %parallel_loop3A_1167 : i32 to index
        %parallel_loop3A_1210 = tpu.vector_load %arg11[%parallel_loop3A_1207, %parallel_loop3A_1208, %parallel_loop3A_1209] {strides = array<i32>} : memref<8x16x128xf32, #tpu.memory_space<vmem>>, vector<16xf32>,
        tpu.vector_store %arg11[%parallel_loop3A_1207, %parallel_loop3A_1208, %parallel_loop3A_1209], %parallel_loop3A_1205 {strides = array<i32>} : memref<8x16x128xf32, #tpu.memory_space<vmem>>, vector<16xf32>,
        %parallel_loop3A_1211 = arith.constant 5 : i32
        %parallel_loop3A_1212 = vector.broadcast %parallel_loop3A_1211 : i32 to vector<16xi32>
        %parallel_loop3A_1213 = tpu.vector_load_idx %arg5[%parallel_loop3A_1212, %parallel_loop3A_1170] : memref<16x50xf32, #tpu.memory_space<vmem>>[vector<16xi32>, vector<16xi32>], vector<16xf32>,
        %parallel_loop3A_1214 = arith.constant 5 : i32
        %parallel_loop3A_1215 = arith.index_cast %parallel_loop3A_1162 : i32 to index
        %parallel_loop3A_1216 = arith.index_cast %parallel_loop3A_1214 : i32 to index
        %parallel_loop3A_1217 = arith.index_cast %parallel_loop3A_1167 : i32 to index
        %parallel_loop3A_1218 = tpu.vector_load %arg11[%parallel_loop3A_1215, %parallel_loop3A_1216, %parallel_loop3A_1217] {strides = array<i32>} : memref<8x16x128xf32, #tpu.memory_space<vmem>>, vector<16xf32>,
        tpu.vector_store %arg11[%parallel_loop3A_1215, %parallel_loop3A_1216, %parallel_loop3A_1217], %parallel_loop3A_1213 {strides = array<i32>} : memref<8x16x128xf32, #tpu.memory_space<vmem>>, vector<16xf32>,
        %parallel_loop3A_1219 = arith.constant 6 : i32
        %parallel_loop3A_1220 = vector.broadcast %parallel_loop3A_1219 : i32 to vector<16xi32>
        %parallel_loop3A_1221 = tpu.vector_load_idx %arg5[%parallel_loop3A_1220, %parallel_loop3A_1170] : memref<16x50xf32, #tpu.memory_space<vmem>>[vector<16xi32>, vector<16xi32>], vector<16xf32>,
        %parallel_loop3A_1222 = arith.constant 6 : i32
        %parallel_loop3A_1223 = arith.index_cast %parallel_loop3A_1162 : i32 to index
        %parallel_loop3A_1224 = arith.index_cast %parallel_loop3A_1222 : i32 to index
        %parallel_loop3A_1225 = arith.index_cast %parallel_loop3A_1167 : i32 to index
        %parallel_loop3A_1226 = tpu.vector_load %arg11[%parallel_loop3A_1223, %parallel_loop3A_1224, %parallel_loop3A_1225] {strides = array<i32>} : memref<8x16x128xf32, #tpu.memory_space<vmem>>, vector<16xf32>,
        tpu.vector_store %arg11[%parallel_loop3A_1223, %parallel_loop3A_1224, %parallel_loop3A_1225], %parallel_loop3A_1221 {strides = array<i32>} : memref<8x16x128xf32, #tpu.memory_space<vmem>>, vector<16xf32>,
        %parallel_loop3A_1227 = arith.constant 7 : i32
        %parallel_loop3A_1228 = vector.broadcast %parallel_loop3A_1227 : i32 to vector<16xi32>
        %parallel_loop3A_1229 = tpu.vector_load_idx %arg5[%parallel_loop3A_1228, %parallel_loop3A_1170] : memref<16x50xf32, #tpu.memory_space<vmem>>[vector<16xi32>, vector<16xi32>], vector<16xf32>,
        %parallel_loop3A_1230 = arith.constant 7 : i32
        %parallel_loop3A_1231 = arith.index_cast %parallel_loop3A_1162 : i32 to index
        %parallel_loop3A_1232 = arith.index_cast %parallel_loop3A_1230 : i32 to index
        %parallel_loop3A_1233 = arith.index_cast %parallel_loop3A_1167 : i32 to index
        %parallel_loop3A_1234 = tpu.vector_load %arg11[%parallel_loop3A_1231, %parallel_loop3A_1232, %parallel_loop3A_1233] {strides = array<i32>} : memref<8x16x128xf32, #tpu.memory_space<vmem>>, vector<16xf32>,
        tpu.vector_store %arg11[%parallel_loop3A_1231, %parallel_loop3A_1232, %parallel_loop3A_1233], %parallel_loop3A_1229 {strides = array<i32>} : memref<8x16x128xf32, #tpu.memory_space<vmem>>, vector<16xf32>,
        %parallel_loop3A_1235 = arith.constant 8 : i32
        %parallel_loop3A_1236 = vector.broadcast %parallel_loop3A_1235 : i32 to vector<16xi32>
        %parallel_loop3A_1237 = tpu.vector_load_idx %arg5[%parallel_loop3A_1236, %parallel_loop3A_1170] : memref<16x50xf32, #tpu.memory_space<vmem>>[vector<16xi32>, vector<16xi32>], vector<16xf32>,
        %parallel_loop3A_1238 = arith.constant 8 : i32
        %parallel_loop3A_1239 = arith.index_cast %parallel_loop3A_1162 : i32 to index
        %parallel_loop3A_1240 = arith.index_cast %parallel_loop3A_1238 : i32 to index
        %parallel_loop3A_1241 = arith.index_cast %parallel_loop3A_1167 : i32 to index
        %parallel_loop3A_1242 = tpu.vector_load %arg11[%parallel_loop3A_1239, %parallel_loop3A_1240, %parallel_loop3A_1241] {strides = array<i32>} : memref<8x16x128xf32, #tpu.memory_space<vmem>>, vector<16xf32>,
        tpu.vector_store %arg11[%parallel_loop3A_1239, %parallel_loop3A_1240, %parallel_loop3A_1241], %parallel_loop3A_1237 {strides = array<i32>} : memref<8x16x128xf32, #tpu.memory_space<vmem>>, vector<16xf32>,
        %parallel_loop3A_1243 = arith.constant 9 : i32
        %parallel_loop3A_1244 = vector.broadcast %parallel_loop3A_1243 : i32 to vector<16xi32>
        %parallel_loop3A_1245 = tpu.vector_load_idx %arg5[%parallel_loop3A_1244, %parallel_loop3A_1170] : memref<16x50xf32, #tpu.memory_space<vmem>>[vector<16xi32>, vector<16xi32>], vector<16xf32>,
        %parallel_loop3A_1246 = arith.constant 9 : i32
        %parallel_loop3A_1247 = arith.index_cast %parallel_loop3A_1162 : i32 to index
        %parallel_loop3A_1248 = arith.index_cast %parallel_loop3A_1246 : i32 to index
        %parallel_loop3A_1249 = arith.index_cast %parallel_loop3A_1167 : i32 to index
        %parallel_loop3A_1250 = tpu.vector_load %arg11[%parallel_loop3A_1247, %parallel_loop3A_1248, %parallel_loop3A_1249] {strides = array<i32>} : memref<8x16x128xf32, #tpu.memory_space<vmem>>, vector<16xf32>,
        tpu.vector_store %arg11[%parallel_loop3A_1247, %parallel_loop3A_1248, %parallel_loop3A_1249], %parallel_loop3A_1245 {strides = array<i32>} : memref<8x16x128xf32, #tpu.memory_space<vmem>>, vector<16xf32>,
        %parallel_loop3A_1251 = arith.constant 10 : i32
        %parallel_loop3A_1252 = vector.broadcast %parallel_loop3A_1251 : i32 to vector<16xi32>
        %parallel_loop3A_1253 = tpu.vector_load_idx %arg5[%parallel_loop3A_1252, %parallel_loop3A_1170] : memref<16x50xf32, #tpu.memory_space<vmem>>[vector<16xi32>, vector<16xi32>], vector<16xf32>,
        %parallel_loop3A_1254 = arith.constant 10 : i32
        %parallel_loop3A_1255 = arith.index_cast %parallel_loop3A_1162 : i32 to index
        %parallel_loop3A_1256 = arith.index_cast %parallel_loop3A_1254 : i32 to index
        %parallel_loop3A_1257 = arith.index_cast %parallel_loop3A_1167 : i32 to index
        %parallel_loop3A_1258 = tpu.vector_load %arg11[%parallel_loop3A_1255, %parallel_loop3A_1256, %parallel_loop3A_1257] {strides = array<i32>} : memref<8x16x128xf32, #tpu.memory_space<vmem>>, vector<16xf32>,
        tpu.vector_store %arg11[%parallel_loop3A_1255, %parallel_loop3A_1256, %parallel_loop3A_1257], %parallel_loop3A_1253 {strides = array<i32>} : memref<8x16x128xf32, #tpu.memory_space<vmem>>, vector<16xf32>,
        %parallel_loop3A_1259 = arith.constant 11 : i32
        %parallel_loop3A_1260 = vector.broadcast %parallel_loop3A_1259 : i32 to vector<16xi32>
        %parallel_loop3A_1261 = tpu.vector_load_idx %arg5[%parallel_loop3A_1260, %parallel_loop3A_1170] : memref<16x50xf32, #tpu.memory_space<vmem>>[vector<16xi32>, vector<16xi32>], vector<16xf32>,
        %parallel_loop3A_1262 = arith.constant 11 : i32
        %parallel_loop3A_1263 = arith.index_cast %parallel_loop3A_1162 : i32 to index
        %parallel_loop3A_1264 = arith.index_cast %parallel_loop3A_1262 : i32 to index
        %parallel_loop3A_1265 = arith.index_cast %parallel_loop3A_1167 : i32 to index
        %parallel_loop3A_1266 = tpu.vector_load %arg11[%parallel_loop3A_1263, %parallel_loop3A_1264, %parallel_loop3A_1265] {strides = array<i32>} : memref<8x16x128xf32, #tpu.memory_space<vmem>>, vector<16xf32>,
        tpu.vector_store %arg11[%parallel_loop3A_1263, %parallel_loop3A_1264, %parallel_loop3A_1265], %parallel_loop3A_1261 {strides = array<i32>} : memref<8x16x128xf32, #tpu.memory_space<vmem>>, vector<16xf32>,
        %parallel_loop3A_1267 = arith.constant 12 : i32
        %parallel_loop3A_1268 = vector.broadcast %parallel_loop3A_1267 : i32 to vector<16xi32>
        %parallel_loop3A_1269 = tpu.vector_load_idx %arg5[%parallel_loop3A_1268, %parallel_loop3A_1170] : memref<16x50xf32, #tpu.memory_space<vmem>>[vector<16xi32>, vector<16xi32>], vector<16xf32>,
        %parallel_loop3A_1270 = arith.constant 12 : i32
        %parallel_loop3A_1271 = arith.index_cast %parallel_loop3A_1162 : i32 to index
        %parallel_loop3A_1272 = arith.index_cast %parallel_loop3A_1270 : i32 to index
        %parallel_loop3A_1273 = arith.index_cast %parallel_loop3A_1167 : i32 to index
        %parallel_loop3A_1274 = tpu.vector_load %arg11[%parallel_loop3A_1271, %parallel_loop3A_1272, %parallel_loop3A_1273] {strides = array<i32>} : memref<8x16x128xf32, #tpu.memory_space<vmem>>, vector<16xf32>,
        tpu.vector_store %arg11[%parallel_loop3A_1271, %parallel_loop3A_1272, %parallel_loop3A_1273], %parallel_loop3A_1269 {strides = array<i32>} : memref<8x16x128xf32, #tpu.memory_space<vmem>>, vector<16xf32>,
        %parallel_loop3A_1275 = arith.constant 13 : i32
        %parallel_loop3A_1276 = vector.broadcast %parallel_loop3A_1275 : i32 to vector<16xi32>
        %parallel_loop3A_1277 = tpu.vector_load_idx %arg5[%parallel_loop3A_1276, %parallel_loop3A_1170] : memref<16x50xf32, #tpu.memory_space<vmem>>[vector<16xi32>, vector<16xi32>], vector<16xf32>,
        %parallel_loop3A_1278 = arith.constant 13 : i32
        %parallel_loop3A_1279 = arith.index_cast %parallel_loop3A_1162 : i32 to index
        %parallel_loop3A_1280 = arith.index_cast %parallel_loop3A_1278 : i32 to index
        %parallel_loop3A_1281 = arith.index_cast %parallel_loop3A_1167 : i32 to index
        %parallel_loop3A_1282 = tpu.vector_load %arg11[%parallel_loop3A_1279, %parallel_loop3A_1280, %parallel_loop3A_1281] {strides = array<i32>} : memref<8x16x128xf32, #tpu.memory_space<vmem>>, vector<16xf32>,
        tpu.vector_store %arg11[%parallel_loop3A_1279, %parallel_loop3A_1280, %parallel_loop3A_1281], %parallel_loop3A_1277 {strides = array<i32>} : memref<8x16x128xf32, #tpu.memory_space<vmem>>, vector<16xf32>,
        %parallel_loop3A_1283 = arith.constant 14 : i32
        %parallel_loop3A_1284 = vector.broadcast %parallel_loop3A_1283 : i32 to vector<16xi32>
        %parallel_loop3A_1285 = tpu.vector_load_idx %arg5[%parallel_loop3A_1284, %parallel_loop3A_1170] : memref<16x50xf32, #tpu.memory_space<vmem>>[vector<16xi32>, vector<16xi32>], vector<16xf32>,
        %parallel_loop3A_1286 = arith.constant 14 : i32
        %parallel_loop3A_1287 = arith.index_cast %parallel_loop3A_1162 : i32 to index
        %parallel_loop3A_1288 = arith.index_cast %parallel_loop3A_1286 : i32 to index
        %parallel_loop3A_1289 = arith.index_cast %parallel_loop3A_1167 : i32 to index
        %parallel_loop3A_1290 = tpu.vector_load %arg11[%parallel_loop3A_1287, %parallel_loop3A_1288, %parallel_loop3A_1289] {strides = array<i32>} : memref<8x16x128xf32, #tpu.memory_space<vmem>>, vector<16xf32>,
        tpu.vector_store %arg11[%parallel_loop3A_1287, %parallel_loop3A_1288, %parallel_loop3A_1289], %parallel_loop3A_1285 {strides = array<i32>} : memref<8x16x128xf32, #tpu.memory_space<vmem>>, vector<16xf32>,
        %parallel_loop3A_1291 = arith.constant 15 : i32
        %parallel_loop3A_1292 = vector.broadcast %parallel_loop3A_1291 : i32 to vector<16xi32>
        %parallel_loop3A_1293 = tpu.vector_load_idx %arg5[%parallel_loop3A_1292, %parallel_loop3A_1170] : memref<16x50xf32, #tpu.memory_space<vmem>>[vector<16xi32>, vector<16xi32>], vector<16xf32>,
        %parallel_loop3A_1294 = arith.constant 15 : i32
        %parallel_loop3A_1295 = arith.index_cast %parallel_loop3A_1162 : i32 to index
        %parallel_loop3A_1296 = arith.index_cast %parallel_loop3A_1294 : i32 to index
        %parallel_loop3A_1297 = arith.index_cast %parallel_loop3A_1167 : i32 to index
        %parallel_loop3A_1298 = tpu.vector_load %arg11[%parallel_loop3A_1295, %parallel_loop3A_1296, %parallel_loop3A_1297] {strides = array<i32>} : memref<8x16x128xf32, #tpu.memory_space<vmem>>, vector<16xf32>,
        tpu.vector_store %arg11[%parallel_loop3A_1295, %parallel_loop3A_1296, %parallel_loop3A_1297], %parallel_loop3A_1293 {strides = array<i32>} : memref<8x16x128xf32, #tpu.memory_space<vmem>>, vector<16xf32>,
      } {sc.loop_unroll_factor = 2 : i64, sc.parallel_access}
      %jit3A_614 = arith.constant 25 : i32
      %div3A_615 = arith.divsi %add3A_506, %jit3A_614 : i32
      %sign3A_616 = arith.constant 0 : i32
      %sign3A_617 = arith.cmpi sgt, %add3A_506, %sign3A_616 : i32
      %sign3A_618 = arith.extui %sign3A_617 : i1 to i32
      %sign3A_619 = arith.constant 0 : i32
      %sign3A_620 = arith.cmpi slt, %add3A_506, %sign3A_619 : i32
      %sign3A_621 = arith.extui %sign3A_620 : i1 to i32
      %sign3A_622 = arith.subi %sign3A_618, %sign3A_621 : i32
      %sign3A_623 = arith.constant 0 : i32
      %sign3A_624 = arith.cmpi sgt, %jit3A_614, %sign3A_623 : i32
      %sign3A_625 = arith.extui %sign3A_624 : i1 to i32
      %sign3A_626 = arith.constant 0 : i32
      %sign3A_627 = arith.cmpi slt, %jit3A_614, %sign3A_626 : i32
      %sign3A_628 = arith.extui %sign3A_627 : i1 to i32
      %sign3A_629 = arith.subi %sign3A_625, %sign3A_628 : i32
      %ne3A_630 = arith.cmpi ne, %sign3A_622, %sign3A_629 : i32
      %rem3A_631 = arith.remsi %add3A_506, %jit3A_614 : i32
      %ne3A_632 = arith.constant 0 : i32
      %ne3A_633 = arith.cmpi ne, %rem3A_631, %ne3A_632 : i32
      %and3A_634 = arith.andi %ne3A_630, %ne3A_633 : i1
      %sub3A_635 = arith.constant 1 : i32
      %sub3A_636 = arith.subi %div3A_615, %sub3A_635 : i32
      %select_n3A_637 = arith.select %and3A_634, %sub3A_636, %div3A_615 : i32
      %jit3A_638 = arith.constant 25 : i32
      %eq3A_639 = arith.constant 0 : i32
      %eq3A_640 = arith.cmpi eq, %jit3A_638, %eq3A_639 : i32
      %jit3A_641 = arith.constant 1 : i32
      %select_n3A_642 = arith.select %eq3A_640, %jit3A_641, %jit3A_638 : i32
      %rem3A_643 = arith.remsi %add3A_506, %select_n3A_642 : i32
      %ne3A_644 = arith.constant 0 : i32
      %ne3A_645 = arith.cmpi ne, %rem3A_643, %ne3A_644 : i32
      %lt3A_646 = arith.constant 0 : i32
      %lt3A_647 = arith.cmpi slt, %rem3A_643, %lt3A_646 : i32
      %lt3A_648 = arith.constant 0 : i32
      %lt3A_649 = arith.cmpi slt, %select_n3A_642, %lt3A_648 : i32
      %ne3A_650 = arith.xori %lt3A_647, %lt3A_649 : i1
      %and3A_651 = arith.andi %ne3A_650, %ne3A_645 : i1
      %add3A_652 = arith.addi %rem3A_643, %select_n3A_642 : i32
      %select_n3A_653 = arith.select %and3A_651, %add3A_652, %rem3A_643 : i32
      %mul3A_654 = arith.constant 8 : i32
      %mul3A_655 = arith.muli %select_n3A_653, %mul3A_654 : i32
      %multiple_of3A_656 = tpu.assume_multiple %mul3A_655, 8 : i32
      %mul3A_657 = arith.constant 4 : i32
      %mul3A_658 = arith.muli %add3A, %mul3A_657 : i32
      %add3A_659 = arith.addi %mul3A_658, %select_n3A_637 : i32
      %mul3A_660 = arith.constant 128 : i32
      %mul3A_661 = arith.muli %add3A_659, %mul3A_660 : i32
      %multiple_of3A_662 = tpu.assume_multiple %mul3A_661, 128 : i32
      %dma_start3A_663 = arith.constant 0 : i32
      %dma_start3A_664 = tpu.memref_slice %arg4[%multiple_of3A_656, %dma_start3A_663, %multiple_of3A_662] : memref<200x16x16384xf32, #tpu.memory_space<hbm>> -> memref<8x16x128xf32, #tpu.memory_space<hbm>>
      %dma_start3A_665 = arith.constant 0 : i32
      %dma_start3A_666 = tpu.memref_slice %arg4[%multiple_of3A_656, %dma_start3A_665, %multiple_of3A_662] : memref<200x16x16384xf32, #tpu.memory_space<hbm>> -> memref<8x16x128xf32, #tpu.memory_space<hbm>>
      tpu.enqueue_dma source(%arg11 : memref<8x16x128xf32, #tpu.memory_space<vmem>>) target(%dma_start3A_666 : memref<8x16x128xf32, #tpu.memory_space<hbm>>) target_semaphore(%arg19 : memref<!tpu.dma_semaphore, #tpu.memory_space<semaphore_mem>>)
      %add3A_667 = arith.constant 4 : i32
      %add3A_668 = arith.addi %add3A_506, %add3A_667 : i32
      %min3A_669 = arith.constant 99 : i32
      %min3A_670 = arith.minsi %add3A_668, %min3A_669 : i32
      %jit3A_671 = arith.constant 25 : i32
      %div3A_672 = arith.divsi %min3A_670, %jit3A_671 : i32
      %sign3A_673 = arith.constant 0 : i32
      %sign3A_674 = arith.cmpi sgt, %min3A_670, %sign3A_673 : i32
      %sign3A_675 = arith.extui %sign3A_674 : i1 to i32
      %sign3A_676 = arith.constant 0 : i32
      %sign3A_677 = arith.cmpi slt, %min3A_670, %sign3A_676 : i32
      %sign3A_678 = arith.extui %sign3A_677 : i1 to i32
      %sign3A_679 = arith.subi %sign3A_675, %sign3A_678 : i32
      %sign3A_680 = arith.constant 0 : i32
      %sign3A_681 = arith.cmpi sgt, %jit3A_671, %sign3A_680 : i32
      %sign3A_682 = arith.extui %sign3A_681 : i1 to i32
      %sign3A_683 = arith.constant 0 : i32
      %sign3A_684 = arith.cmpi slt, %jit3A_671, %sign3A_683 : i32
      %sign3A_685 = arith.extui %sign3A_684 : i1 to i32
      %sign3A_686 = arith.subi %sign3A_682, %sign3A_685 : i32
      %ne3A_687 = arith.cmpi ne, %sign3A_679, %sign3A_686 : i32
      %rem3A_688 = arith.remsi %min3A_670, %jit3A_671 : i32
      %ne3A_689 = arith.constant 0 : i32
      %ne3A_690 = arith.cmpi ne, %rem3A_688, %ne3A_689 : i32
      %and3A_691 = arith.andi %ne3A_687, %ne3A_690 : i1
      %sub3A_692 = arith.constant 1 : i32
      %sub3A_693 = arith.subi %div3A_672, %sub3A_692 : i32
      %select_n3A_694 = arith.select %and3A_691, %sub3A_693, %div3A_672 : i32
      %jit3A_695 = arith.constant 25 : i32
      %eq3A_696 = arith.constant 0 : i32
      %eq3A_697 = arith.cmpi eq, %jit3A_695, %eq3A_696 : i32
      %jit3A_698 = arith.constant 1 : i32
      %select_n3A_699 = arith.select %eq3A_697, %jit3A_698, %jit3A_695 : i32
      %rem3A_700 = arith.remsi %min3A_670, %select_n3A_699 : i32
      %ne3A_701 = arith.constant 0 : i32
      %ne3A_702 = arith.cmpi ne, %rem3A_700, %ne3A_701 : i32
      %lt3A_703 = arith.constant 0 : i32
      %lt3A_704 = arith.cmpi slt, %rem3A_700, %lt3A_703 : i32
      %lt3A_705 = arith.constant 0 : i32
      %lt3A_706 = arith.cmpi slt, %select_n3A_699, %lt3A_705 : i32
      %ne3A_707 = arith.xori %lt3A_704, %lt3A_706 : i1
      %and3A_708 = arith.andi %ne3A_707, %ne3A_702 : i1
      %add3A_709 = arith.addi %rem3A_700, %select_n3A_699 : i32
      %select_n3A_710 = arith.select %and3A_708, %add3A_709, %rem3A_700 : i32
      %mul3A_711 = arith.constant 8 : i32
      %mul3A_712 = arith.muli %select_n3A_710, %mul3A_711 : i32
      %multiple_of3A_713 = tpu.assume_multiple %mul3A_712, 8 : i32
      %mul3A_714 = arith.constant 4 : i32
      %mul3A_715 = arith.muli %add3A, %mul3A_714 : i32
      %add3A_716 = arith.addi %mul3A_715, %select_n3A_694 : i32
      %mul3A_717 = arith.constant 128 : i32
      %mul3A_718 = arith.muli %add3A_716, %mul3A_717 : i32
      %multiple_of3A_719 = tpu.assume_multiple %mul3A_718, 128 : i32
      %dma_start3A_720 = tpu.memref_slice %arg3[%multiple_of3A_713, %multiple_of3A_719] : memref<200x16384xi32, #tpu.memory_space<hbm>> -> memref<8x128xi32, #tpu.memory_space<hbm>>
      %dma_start3A_721 = tpu.memref_slice %arg3[%multiple_of3A_713, %multiple_of3A_719] : memref<200x16384xi32, #tpu.memory_space<hbm>> -> memref<8x128xi32, #tpu.memory_space<hbm>>
      tpu.enqueue_dma source(%dma_start3A_721 : memref<8x128xi32, #tpu.memory_space<hbm>>) target(%arg7 : memref<8x128xi32, #tpu.memory_space<vmem>>) target_semaphore(%arg15 : memref<!tpu.dma_semaphore, #tpu.memory_space<semaphore_mem>>)
      %mul3A_722 = arith.constant 4 : i32
      %mul3A_723 = arith.muli %mul3A_722, %scan3A_294 : i32
      %add3A_724 = arith.constant 2 : i32
      %add3A_725 = arith.addi %mul3A_723, %add3A_724 : i32
      %jit3A_726 = arith.constant 25 : i32
      %div3A_727 = arith.divsi %add3A_725, %jit3A_726 : i32
      %sign3A_728 = arith.constant 0 : i32
      %sign3A_729 = arith.cmpi sgt, %add3A_725, %sign3A_728 : i32
      %sign3A_730 = arith.extui %sign3A_729 : i1 to i32
      %sign3A_731 = arith.constant 0 : i32
      %sign3A_732 = arith.cmpi slt, %add3A_725, %sign3A_731 : i32
      %sign3A_733 = arith.extui %sign3A_732 : i1 to i32
      %sign3A_734 = arith.subi %sign3A_730, %sign3A_733 : i32
      %sign3A_735 = arith.constant 0 : i32
      %sign3A_736 = arith.cmpi sgt, %jit3A_726, %sign3A_735 : i32
      %sign3A_737 = arith.extui %sign3A_736 : i1 to i32
      %sign3A_738 = arith.constant 0 : i32
      %sign3A_739 = arith.cmpi slt, %jit3A_726, %sign3A_738 : i32
      %sign3A_740 = arith.extui %sign3A_739 : i1 to i32
      %sign3A_741 = arith.subi %sign3A_737, %sign3A_740 : i32
      %ne3A_742 = arith.cmpi ne, %sign3A_734, %sign3A_741 : i32
      %rem3A_743 = arith.remsi %add3A_725, %jit3A_726 : i32
      %ne3A_744 = arith.constant 0 : i32
      %ne3A_745 = arith.cmpi ne, %rem3A_743, %ne3A_744 : i32
      %and3A_746 = arith.andi %ne3A_742, %ne3A_745 : i1
      %sub3A_747 = arith.constant 1 : i32
      %sub3A_748 = arith.subi %div3A_727, %sub3A_747 : i32
      %select_n3A_749 = arith.select %and3A_746, %sub3A_748, %div3A_727 : i32
      %jit3A_750 = arith.constant 25 : i32
      %eq3A_751 = arith.constant 0 : i32
      %eq3A_752 = arith.cmpi eq, %jit3A_750, %eq3A_751 : i32
      %jit3A_753 = arith.constant 1 : i32
      %select_n3A_754 = arith.select %eq3A_752, %jit3A_753, %jit3A_750 : i32
      %rem3A_755 = arith.remsi %add3A_725, %select_n3A_754 : i32
      %ne3A_756 = arith.constant 0 : i32
      %ne3A_757 = arith.cmpi ne, %rem3A_755, %ne3A_756 : i32
      %lt3A_758 = arith.constant 0 : i32
      %lt3A_759 = arith.cmpi slt, %rem3A_755, %lt3A_758 : i32
      %lt3A_760 = arith.constant 0 : i32
      %lt3A_761 = arith.cmpi slt, %select_n3A_754, %lt3A_760 : i32
      %ne3A_762 = arith.xori %lt3A_759, %lt3A_761 : i1
      %and3A_763 = arith.andi %ne3A_762, %ne3A_757 : i1
      %add3A_764 = arith.addi %rem3A_755, %select_n3A_754 : i32
      %select_n3A_765 = arith.select %and3A_763, %add3A_764, %rem3A_755 : i32
      %mul3A_766 = arith.constant 8 : i32
      %mul3A_767 = arith.muli %select_n3A_765, %mul3A_766 : i32
      %multiple_of3A_768 = tpu.assume_multiple %mul3A_767, 8 : i32
      %mul3A_769 = arith.constant 4 : i32
      %mul3A_770 = arith.muli %add3A, %mul3A_769 : i32
      %add3A_771 = arith.addi %mul3A_770, %select_n3A_749 : i32
      %mul3A_772 = arith.constant 128 : i32
      %mul3A_773 = arith.muli %add3A_771, %mul3A_772 : i32
      %multiple_of3A_774 = tpu.assume_multiple %mul3A_773, 128 : i32
      %dma_wait3A_775 = tpu.memref_slice %arg3[%multiple_of3A_768, %multiple_of3A_774] : memref<200x16384xi32, #tpu.memory_space<hbm>> -> memref<8x128xi32, #tpu.memory_space<hbm>>
      %dma_wait3A_776 = tpu.memref_slice %arg3[%multiple_of3A_768, %multiple_of3A_774] : memref<200x16384xi32, #tpu.memory_space<hbm>> -> memref<8x128xi32, #tpu.memory_space<hbm>>
      tpu.wait_dma2 semaphore(%arg16 : memref<!tpu.dma_semaphore, #tpu.memory_space<semaphore_mem>>) src(%dma_wait3A_776 : memref<8x128xi32, #tpu.memory_space<hbm>>) dst(%arg8 : memref<8x128xi32, #tpu.memory_space<vmem>>)
      %jit3A_777 = arith.constant 25 : i32
      %div3A_778 = arith.divsi %add3A_725, %jit3A_777 : i32
      %sign3A_779 = arith.constant 0 : i32
      %sign3A_780 = arith.cmpi sgt, %add3A_725, %sign3A_779 : i32
      %sign3A_781 = arith.extui %sign3A_780 : i1 to i32
      %sign3A_782 = arith.constant 0 : i32
      %sign3A_783 = arith.cmpi slt, %add3A_725, %sign3A_782 : i32
      %sign3A_784 = arith.extui %sign3A_783 : i1 to i32
      %sign3A_785 = arith.subi %sign3A_781, %sign3A_784 : i32
      %sign3A_786 = arith.constant 0 : i32
      %sign3A_787 = arith.cmpi sgt, %jit3A_777, %sign3A_786 : i32
      %sign3A_788 = arith.extui %sign3A_787 : i1 to i32
      %sign3A_789 = arith.constant 0 : i32
      %sign3A_790 = arith.cmpi slt, %jit3A_777, %sign3A_789 : i32
      %sign3A_791 = arith.extui %sign3A_790 : i1 to i32
      %sign3A_792 = arith.subi %sign3A_788, %sign3A_791 : i32
      %ne3A_793 = arith.cmpi ne, %sign3A_785, %sign3A_792 : i32
      %rem3A_794 = arith.remsi %add3A_725, %jit3A_777 : i32
      %ne3A_795 = arith.constant 0 : i32
      %ne3A_796 = arith.cmpi ne, %rem3A_794, %ne3A_795 : i32
      %and3A_797 = arith.andi %ne3A_793, %ne3A_796 : i1
      %sub3A_798 = arith.constant 1 : i32
      %sub3A_799 = arith.subi %div3A_778, %sub3A_798 : i32
      %select_n3A_800 = arith.select %and3A_797, %sub3A_799, %div3A_778 : i32
      %jit3A_801 = arith.constant 25 : i32
      %eq3A_802 = arith.constant 0 : i32
      %eq3A_803 = arith.cmpi eq, %jit3A_801, %eq3A_802 : i32
      %jit3A_804 = arith.constant 1 : i32
      %select_n3A_805 = arith.select %eq3A_803, %jit3A_804, %jit3A_801 : i32
      %rem3A_806 = arith.remsi %add3A_725, %select_n3A_805 : i32
      %ne3A_807 = arith.constant 0 : i32
      %ne3A_808 = arith.cmpi ne, %rem3A_806, %ne3A_807 : i32
      %lt3A_809 = arith.constant 0 : i32
      %lt3A_810 = arith.cmpi slt, %rem3A_806, %lt3A_809 : i32
      %lt3A_811 = arith.constant 0 : i32
      %lt3A_812 = arith.cmpi slt, %select_n3A_805, %lt3A_811 : i32
      %ne3A_813 = arith.xori %lt3A_810, %lt3A_812 : i1
      %and3A_814 = arith.andi %ne3A_813, %ne3A_808 : i1
      %add3A_815 = arith.addi %rem3A_806, %select_n3A_805 : i32
      %select_n3A_816 = arith.select %and3A_814, %add3A_815, %rem3A_806 : i32
      %mul3A_817 = arith.constant 8 : i32
      %mul3A_818 = arith.muli %select_n3A_816, %mul3A_817 : i32
      %multiple_of3A_819 = tpu.assume_multiple %mul3A_818, 8 : i32
      %mul3A_820 = arith.constant 4 : i32
      %mul3A_821 = arith.muli %add3A, %mul3A_820 : i32
      %add3A_822 = arith.addi %mul3A_821, %select_n3A_800 : i32
      %mul3A_823 = arith.constant 128 : i32
      %mul3A_824 = arith.muli %add3A_822, %mul3A_823 : i32
      %multiple_of3A_825 = tpu.assume_multiple %mul3A_824, 128 : i32
      %dma_wait3A_826 = arith.constant 0 : i32
      %dma_wait3A_827 = tpu.memref_slice %arg4[%multiple_of3A_819, %dma_wait3A_826, %multiple_of3A_825] : memref<200x16x16384xf32, #tpu.memory_space<hbm>> -> memref<8x16x128xf32, #tpu.memory_space<hbm>>
      %dma_wait3A_828 = arith.constant 0 : i32
      %dma_wait3A_829 = tpu.memref_slice %arg4[%multiple_of3A_819, %dma_wait3A_828, %multiple_of3A_825] : memref<200x16x16384xf32, #tpu.memory_space<hbm>> -> memref<8x16x128xf32, #tpu.memory_space<hbm>>
      tpu.wait_dma2 semaphore(%arg20 : memref<!tpu.dma_semaphore, #tpu.memory_space<semaphore_mem>>) src(%arg12 : memref<8x16x128xf32, #tpu.memory_space<vmem>>) dst(%dma_wait3A_829 : memref<8x16x128xf32, #tpu.memory_space<hbm>>)
      %parallel_loop3A_830 = arith.constant 0 : i32
      %parallel_loop3A_831 = arith.constant 64 : i32
      %parallel_loop3A_832 = arith.constant 1 : i32
      scf.for %parallel_loop3A_1160 = %parallel_loop3A_830 to %parallel_loop3A_831 step %parallel_loop3A_832  : i32 {
        %parallel_loop3A_1161 = arith.constant 3 : i32
        %parallel_loop3A_1162 = arith.shrui %parallel_loop3A_1160, %parallel_loop3A_1161 : i32
        %parallel_loop3A_1163 = arith.constant 7 : i32
        %parallel_loop3A_1164 = arith.andi %parallel_loop3A_1160, %parallel_loop3A_1163 : i32
        %parallel_loop3A_1165 = arith.constant 16 : i32
        %parallel_loop3A_1166 = arith.muli %parallel_loop3A_1164, %parallel_loop3A_1165 : i32
        %parallel_loop3A_1167 = tpu.assume_multiple %parallel_loop3A_1166, 16 : i32
        %parallel_loop3A_1168 = arith.index_cast %parallel_loop3A_1162 : i32 to index
        %parallel_loop3A_1169 = arith.index_cast %parallel_loop3A_1167 : i32 to index
        %parallel_loop3A_1170 = tpu.vector_load %arg8[%parallel_loop3A_1168, %parallel_loop3A_1169] {strides = array<i32>} : memref<8x128xi32, #tpu.memory_space<vmem>>, vector<16xi32>,
        %parallel_loop3A_1171 = arith.constant 0 : i32
        %parallel_loop3A_1172 = vector.broadcast %parallel_loop3A_1171 : i32 to vector<16xi32>
        %parallel_loop3A_1173 = tpu.vector_load_idx %arg5[%parallel_loop3A_1172, %parallel_loop3A_1170] : memref<16x50xf32, #tpu.memory_space<vmem>>[vector<16xi32>, vector<16xi32>], vector<16xf32>,
        %parallel_loop3A_1174 = arith.constant 0 : i32
        %parallel_loop3A_1175 = arith.index_cast %parallel_loop3A_1162 : i32 to index
        %parallel_loop3A_1176 = arith.index_cast %parallel_loop3A_1174 : i32 to index
        %parallel_loop3A_1177 = arith.index_cast %parallel_loop3A_1167 : i32 to index
        %parallel_loop3A_1178 = tpu.vector_load %arg12[%parallel_loop3A_1175, %parallel_loop3A_1176, %parallel_loop3A_1177] {strides = array<i32>} : memref<8x16x128xf32, #tpu.memory_space<vmem>>, vector<16xf32>,
        tpu.vector_store %arg12[%parallel_loop3A_1175, %parallel_loop3A_1176, %parallel_loop3A_1177], %parallel_loop3A_1173 {strides = array<i32>} : memref<8x16x128xf32, #tpu.memory_space<vmem>>, vector<16xf32>,
        %parallel_loop3A_1179 = arith.constant 1 : i32
        %parallel_loop3A_1180 = vector.broadcast %parallel_loop3A_1179 : i32 to vector<16xi32>
        %parallel_loop3A_1181 = tpu.vector_load_idx %arg5[%parallel_loop3A_1180, %parallel_loop3A_1170] : memref<16x50xf32, #tpu.memory_space<vmem>>[vector<16xi32>, vector<16xi32>], vector<16xf32>,
        %parallel_loop3A_1182 = arith.constant 1 : i32
        %parallel_loop3A_1183 = arith.index_cast %parallel_loop3A_1162 : i32 to index
        %parallel_loop3A_1184 = arith.index_cast %parallel_loop3A_1182 : i32 to index
        %parallel_loop3A_1185 = arith.index_cast %parallel_loop3A_1167 : i32 to index
        %parallel_loop3A_1186 = tpu.vector_load %arg12[%parallel_loop3A_1183, %parallel_loop3A_1184, %parallel_loop3A_1185] {strides = array<i32>} : memref<8x16x128xf32, #tpu.memory_space<vmem>>, vector<16xf32>,
        tpu.vector_store %arg12[%parallel_loop3A_1183, %parallel_loop3A_1184, %parallel_loop3A_1185], %parallel_loop3A_1181 {strides = array<i32>} : memref<8x16x128xf32, #tpu.memory_space<vmem>>, vector<16xf32>,
        %parallel_loop3A_1187 = arith.constant 2 : i32
        %parallel_loop3A_1188 = vector.broadcast %parallel_loop3A_1187 : i32 to vector<16xi32>
        %parallel_loop3A_1189 = tpu.vector_load_idx %arg5[%parallel_loop3A_1188, %parallel_loop3A_1170] : memref<16x50xf32, #tpu.memory_space<vmem>>[vector<16xi32>, vector<16xi32>], vector<16xf32>,
        %parallel_loop3A_1190 = arith.constant 2 : i32
        %parallel_loop3A_1191 = arith.index_cast %parallel_loop3A_1162 : i32 to index
        %parallel_loop3A_1192 = arith.index_cast %parallel_loop3A_1190 : i32 to index
        %parallel_loop3A_1193 = arith.index_cast %parallel_loop3A_1167 : i32 to index
        %parallel_loop3A_1194 = tpu.vector_load %arg12[%parallel_loop3A_1191, %parallel_loop3A_1192, %parallel_loop3A_1193] {strides = array<i32>} : memref<8x16x128xf32, #tpu.memory_space<vmem>>, vector<16xf32>,
        tpu.vector_store %arg12[%parallel_loop3A_1191, %parallel_loop3A_1192, %parallel_loop3A_1193], %parallel_loop3A_1189 {strides = array<i32>} : memref<8x16x128xf32, #tpu.memory_space<vmem>>, vector<16xf32>,
        %parallel_loop3A_1195 = arith.constant 3 : i32
        %parallel_loop3A_1196 = vector.broadcast %parallel_loop3A_1195 : i32 to vector<16xi32>
        %parallel_loop3A_1197 = tpu.vector_load_idx %arg5[%parallel_loop3A_1196, %parallel_loop3A_1170] : memref<16x50xf32, #tpu.memory_space<vmem>>[vector<16xi32>, vector<16xi32>], vector<16xf32>,
        %parallel_loop3A_1198 = arith.constant 3 : i32
        %parallel_loop3A_1199 = arith.index_cast %parallel_loop3A_1162 : i32 to index
        %parallel_loop3A_1200 = arith.index_cast %parallel_loop3A_1198 : i32 to index
        %parallel_loop3A_1201 = arith.index_cast %parallel_loop3A_1167 : i32 to index
        %parallel_loop3A_1202 = tpu.vector_load %arg12[%parallel_loop3A_1199, %parallel_loop3A_1200, %parallel_loop3A_1201] {strides = array<i32>} : memref<8x16x128xf32, #tpu.memory_space<vmem>>, vector<16xf32>,
        tpu.vector_store %arg12[%parallel_loop3A_1199, %parallel_loop3A_1200, %parallel_loop3A_1201], %parallel_loop3A_1197 {strides = array<i32>} : memref<8x16x128xf32, #tpu.memory_space<vmem>>, vector<16xf32>,
        %parallel_loop3A_1203 = arith.constant 4 : i32
        %parallel_loop3A_1204 = vector.broadcast %parallel_loop3A_1203 : i32 to vector<16xi32>
        %parallel_loop3A_1205 = tpu.vector_load_idx %arg5[%parallel_loop3A_1204, %parallel_loop3A_1170] : memref<16x50xf32, #tpu.memory_space<vmem>>[vector<16xi32>, vector<16xi32>], vector<16xf32>,
        %parallel_loop3A_1206 = arith.constant 4 : i32
        %parallel_loop3A_1207 = arith.index_cast %parallel_loop3A_1162 : i32 to index
        %parallel_loop3A_1208 = arith.index_cast %parallel_loop3A_1206 : i32 to index
        %parallel_loop3A_1209 = arith.index_cast %parallel_loop3A_1167 : i32 to index
        %parallel_loop3A_1210 = tpu.vector_load %arg12[%parallel_loop3A_1207, %parallel_loop3A_1208, %parallel_loop3A_1209] {strides = array<i32>} : memref<8x16x128xf32, #tpu.memory_space<vmem>>, vector<16xf32>,
        tpu.vector_store %arg12[%parallel_loop3A_1207, %parallel_loop3A_1208, %parallel_loop3A_1209], %parallel_loop3A_1205 {strides = array<i32>} : memref<8x16x128xf32, #tpu.memory_space<vmem>>, vector<16xf32>,
        %parallel_loop3A_1211 = arith.constant 5 : i32
        %parallel_loop3A_1212 = vector.broadcast %parallel_loop3A_1211 : i32 to vector<16xi32>
        %parallel_loop3A_1213 = tpu.vector_load_idx %arg5[%parallel_loop3A_1212, %parallel_loop3A_1170] : memref<16x50xf32, #tpu.memory_space<vmem>>[vector<16xi32>, vector<16xi32>], vector<16xf32>,
        %parallel_loop3A_1214 = arith.constant 5 : i32
        %parallel_loop3A_1215 = arith.index_cast %parallel_loop3A_1162 : i32 to index
        %parallel_loop3A_1216 = arith.index_cast %parallel_loop3A_1214 : i32 to index
        %parallel_loop3A_1217 = arith.index_cast %parallel_loop3A_1167 : i32 to index
        %parallel_loop3A_1218 = tpu.vector_load %arg12[%parallel_loop3A_1215, %parallel_loop3A_1216, %parallel_loop3A_1217] {strides = array<i32>} : memref<8x16x128xf32, #tpu.memory_space<vmem>>, vector<16xf32>,
        tpu.vector_store %arg12[%parallel_loop3A_1215, %parallel_loop3A_1216, %parallel_loop3A_1217], %parallel_loop3A_1213 {strides = array<i32>} : memref<8x16x128xf32, #tpu.memory_space<vmem>>, vector<16xf32>,
        %parallel_loop3A_1219 = arith.constant 6 : i32
        %parallel_loop3A_1220 = vector.broadcast %parallel_loop3A_1219 : i32 to vector<16xi32>
        %parallel_loop3A_1221 = tpu.vector_load_idx %arg5[%parallel_loop3A_1220, %parallel_loop3A_1170] : memref<16x50xf32, #tpu.memory_space<vmem>>[vector<16xi32>, vector<16xi32>], vector<16xf32>,
        %parallel_loop3A_1222 = arith.constant 6 : i32
        %parallel_loop3A_1223 = arith.index_cast %parallel_loop3A_1162 : i32 to index
        %parallel_loop3A_1224 = arith.index_cast %parallel_loop3A_1222 : i32 to index
        %parallel_loop3A_1225 = arith.index_cast %parallel_loop3A_1167 : i32 to index
        %parallel_loop3A_1226 = tpu.vector_load %arg12[%parallel_loop3A_1223, %parallel_loop3A_1224, %parallel_loop3A_1225] {strides = array<i32>} : memref<8x16x128xf32, #tpu.memory_space<vmem>>, vector<16xf32>,
        tpu.vector_store %arg12[%parallel_loop3A_1223, %parallel_loop3A_1224, %parallel_loop3A_1225], %parallel_loop3A_1221 {strides = array<i32>} : memref<8x16x128xf32, #tpu.memory_space<vmem>>, vector<16xf32>,
        %parallel_loop3A_1227 = arith.constant 7 : i32
        %parallel_loop3A_1228 = vector.broadcast %parallel_loop3A_1227 : i32 to vector<16xi32>
        %parallel_loop3A_1229 = tpu.vector_load_idx %arg5[%parallel_loop3A_1228, %parallel_loop3A_1170] : memref<16x50xf32, #tpu.memory_space<vmem>>[vector<16xi32>, vector<16xi32>], vector<16xf32>,
        %parallel_loop3A_1230 = arith.constant 7 : i32
        %parallel_loop3A_1231 = arith.index_cast %parallel_loop3A_1162 : i32 to index
        %parallel_loop3A_1232 = arith.index_cast %parallel_loop3A_1230 : i32 to index
        %parallel_loop3A_1233 = arith.index_cast %parallel_loop3A_1167 : i32 to index
        %parallel_loop3A_1234 = tpu.vector_load %arg12[%parallel_loop3A_1231, %parallel_loop3A_1232, %parallel_loop3A_1233] {strides = array<i32>} : memref<8x16x128xf32, #tpu.memory_space<vmem>>, vector<16xf32>,
        tpu.vector_store %arg12[%parallel_loop3A_1231, %parallel_loop3A_1232, %parallel_loop3A_1233], %parallel_loop3A_1229 {strides = array<i32>} : memref<8x16x128xf32, #tpu.memory_space<vmem>>, vector<16xf32>,
        %parallel_loop3A_1235 = arith.constant 8 : i32
        %parallel_loop3A_1236 = vector.broadcast %parallel_loop3A_1235 : i32 to vector<16xi32>
        %parallel_loop3A_1237 = tpu.vector_load_idx %arg5[%parallel_loop3A_1236, %parallel_loop3A_1170] : memref<16x50xf32, #tpu.memory_space<vmem>>[vector<16xi32>, vector<16xi32>], vector<16xf32>,
        %parallel_loop3A_1238 = arith.constant 8 : i32
        %parallel_loop3A_1239 = arith.index_cast %parallel_loop3A_1162 : i32 to index
        %parallel_loop3A_1240 = arith.index_cast %parallel_loop3A_1238 : i32 to index
        %parallel_loop3A_1241 = arith.index_cast %parallel_loop3A_1167 : i32 to index
        %parallel_loop3A_1242 = tpu.vector_load %arg12[%parallel_loop3A_1239, %parallel_loop3A_1240, %parallel_loop3A_1241] {strides = array<i32>} : memref<8x16x128xf32, #tpu.memory_space<vmem>>, vector<16xf32>,
        tpu.vector_store %arg12[%parallel_loop3A_1239, %parallel_loop3A_1240, %parallel_loop3A_1241], %parallel_loop3A_1237 {strides = array<i32>} : memref<8x16x128xf32, #tpu.memory_space<vmem>>, vector<16xf32>,
        %parallel_loop3A_1243 = arith.constant 9 : i32
        %parallel_loop3A_1244 = vector.broadcast %parallel_loop3A_1243 : i32 to vector<16xi32>
        %parallel_loop3A_1245 = tpu.vector_load_idx %arg5[%parallel_loop3A_1244, %parallel_loop3A_1170] : memref<16x50xf32, #tpu.memory_space<vmem>>[vector<16xi32>, vector<16xi32>], vector<16xf32>,
        %parallel_loop3A_1246 = arith.constant 9 : i32
        %parallel_loop3A_1247 = arith.index_cast %parallel_loop3A_1162 : i32 to index
        %parallel_loop3A_1248 = arith.index_cast %parallel_loop3A_1246 : i32 to index
        %parallel_loop3A_1249 = arith.index_cast %parallel_loop3A_1167 : i32 to index
        %parallel_loop3A_1250 = tpu.vector_load %arg12[%parallel_loop3A_1247, %parallel_loop3A_1248, %parallel_loop3A_1249] {strides = array<i32>} : memref<8x16x128xf32, #tpu.memory_space<vmem>>, vector<16xf32>,
        tpu.vector_store %arg12[%parallel_loop3A_1247, %parallel_loop3A_1248, %parallel_loop3A_1249], %parallel_loop3A_1245 {strides = array<i32>} : memref<8x16x128xf32, #tpu.memory_space<vmem>>, vector<16xf32>,
        %parallel_loop3A_1251 = arith.constant 10 : i32
        %parallel_loop3A_1252 = vector.broadcast %parallel_loop3A_1251 : i32 to vector<16xi32>
        %parallel_loop3A_1253 = tpu.vector_load_idx %arg5[%parallel_loop3A_1252, %parallel_loop3A_1170] : memref<16x50xf32, #tpu.memory_space<vmem>>[vector<16xi32>, vector<16xi32>], vector<16xf32>,
        %parallel_loop3A_1254 = arith.constant 10 : i32
        %parallel_loop3A_1255 = arith.index_cast %parallel_loop3A_1162 : i32 to index
        %parallel_loop3A_1256 = arith.index_cast %parallel_loop3A_1254 : i32 to index
        %parallel_loop3A_1257 = arith.index_cast %parallel_loop3A_1167 : i32 to index
        %parallel_loop3A_1258 = tpu.vector_load %arg12[%parallel_loop3A_1255, %parallel_loop3A_1256, %parallel_loop3A_1257] {strides = array<i32>} : memref<8x16x128xf32, #tpu.memory_space<vmem>>, vector<16xf32>,
        tpu.vector_store %arg12[%parallel_loop3A_1255, %parallel_loop3A_1256, %parallel_loop3A_1257], %parallel_loop3A_1253 {strides = array<i32>} : memref<8x16x128xf32, #tpu.memory_space<vmem>>, vector<16xf32>,
        %parallel_loop3A_1259 = arith.constant 11 : i32
        %parallel_loop3A_1260 = vector.broadcast %parallel_loop3A_1259 : i32 to vector<16xi32>
        %parallel_loop3A_1261 = tpu.vector_load_idx %arg5[%parallel_loop3A_1260, %parallel_loop3A_1170] : memref<16x50xf32, #tpu.memory_space<vmem>>[vector<16xi32>, vector<16xi32>], vector<16xf32>,
        %parallel_loop3A_1262 = arith.constant 11 : i32
        %parallel_loop3A_1263 = arith.index_cast %parallel_loop3A_1162 : i32 to index
        %parallel_loop3A_1264 = arith.index_cast %parallel_loop3A_1262 : i32 to index
        %parallel_loop3A_1265 = arith.index_cast %parallel_loop3A_1167 : i32 to index
        %parallel_loop3A_1266 = tpu.vector_load %arg12[%parallel_loop3A_1263, %parallel_loop3A_1264, %parallel_loop3A_1265] {strides = array<i32>} : memref<8x16x128xf32, #tpu.memory_space<vmem>>, vector<16xf32>,
        tpu.vector_store %arg12[%parallel_loop3A_1263, %parallel_loop3A_1264, %parallel_loop3A_1265], %parallel_loop3A_1261 {strides = array<i32>} : memref<8x16x128xf32, #tpu.memory_space<vmem>>, vector<16xf32>,
        %parallel_loop3A_1267 = arith.constant 12 : i32
        %parallel_loop3A_1268 = vector.broadcast %parallel_loop3A_1267 : i32 to vector<16xi32>
        %parallel_loop3A_1269 = tpu.vector_load_idx %arg5[%parallel_loop3A_1268, %parallel_loop3A_1170] : memref<16x50xf32, #tpu.memory_space<vmem>>[vector<16xi32>, vector<16xi32>], vector<16xf32>,
        %parallel_loop3A_1270 = arith.constant 12 : i32
        %parallel_loop3A_1271 = arith.index_cast %parallel_loop3A_1162 : i32 to index
        %parallel_loop3A_1272 = arith.index_cast %parallel_loop3A_1270 : i32 to index
        %parallel_loop3A_1273 = arith.index_cast %parallel_loop3A_1167 : i32 to index
        %parallel_loop3A_1274 = tpu.vector_load %arg12[%parallel_loop3A_1271, %parallel_loop3A_1272, %parallel_loop3A_1273] {strides = array<i32>} : memref<8x16x128xf32, #tpu.memory_space<vmem>>, vector<16xf32>,
        tpu.vector_store %arg12[%parallel_loop3A_1271, %parallel_loop3A_1272, %parallel_loop3A_1273], %parallel_loop3A_1269 {strides = array<i32>} : memref<8x16x128xf32, #tpu.memory_space<vmem>>, vector<16xf32>,
        %parallel_loop3A_1275 = arith.constant 13 : i32
        %parallel_loop3A_1276 = vector.broadcast %parallel_loop3A_1275 : i32 to vector<16xi32>
        %parallel_loop3A_1277 = tpu.vector_load_idx %arg5[%parallel_loop3A_1276, %parallel_loop3A_1170] : memref<16x50xf32, #tpu.memory_space<vmem>>[vector<16xi32>, vector<16xi32>], vector<16xf32>,
        %parallel_loop3A_1278 = arith.constant 13 : i32
        %parallel_loop3A_1279 = arith.index_cast %parallel_loop3A_1162 : i32 to index
        %parallel_loop3A_1280 = arith.index_cast %parallel_loop3A_1278 : i32 to index
        %parallel_loop3A_1281 = arith.index_cast %parallel_loop3A_1167 : i32 to index
        %parallel_loop3A_1282 = tpu.vector_load %arg12[%parallel_loop3A_1279, %parallel_loop3A_1280, %parallel_loop3A_1281] {strides = array<i32>} : memref<8x16x128xf32, #tpu.memory_space<vmem>>, vector<16xf32>,
        tpu.vector_store %arg12[%parallel_loop3A_1279, %parallel_loop3A_1280, %parallel_loop3A_1281], %parallel_loop3A_1277 {strides = array<i32>} : memref<8x16x128xf32, #tpu.memory_space<vmem>>, vector<16xf32>,
        %parallel_loop3A_1283 = arith.constant 14 : i32
        %parallel_loop3A_1284 = vector.broadcast %parallel_loop3A_1283 : i32 to vector<16xi32>
        %parallel_loop3A_1285 = tpu.vector_load_idx %arg5[%parallel_loop3A_1284, %parallel_loop3A_1170] : memref<16x50xf32, #tpu.memory_space<vmem>>[vector<16xi32>, vector<16xi32>], vector<16xf32>,
        %parallel_loop3A_1286 = arith.constant 14 : i32
        %parallel_loop3A_1287 = arith.index_cast %parallel_loop3A_1162 : i32 to index
        %parallel_loop3A_1288 = arith.index_cast %parallel_loop3A_1286 : i32 to index
        %parallel_loop3A_1289 = arith.index_cast %parallel_loop3A_1167 : i32 to index
        %parallel_loop3A_1290 = tpu.vector_load %arg12[%parallel_loop3A_1287, %parallel_loop3A_1288, %parallel_loop3A_1289] {strides = array<i32>} : memref<8x16x128xf32, #tpu.memory_space<vmem>>, vector<16xf32>,
        tpu.vector_store %arg12[%parallel_loop3A_1287, %parallel_loop3A_1288, %parallel_loop3A_1289], %parallel_loop3A_1285 {strides = array<i32>} : memref<8x16x128xf32, #tpu.memory_space<vmem>>, vector<16xf32>,
        %parallel_loop3A_1291 = arith.constant 15 : i32
        %parallel_loop3A_1292 = vector.broadcast %parallel_loop3A_1291 : i32 to vector<16xi32>
        %parallel_loop3A_1293 = tpu.vector_load_idx %arg5[%parallel_loop3A_1292, %parallel_loop3A_1170] : memref<16x50xf32, #tpu.memory_space<vmem>>[vector<16xi32>, vector<16xi32>], vector<16xf32>,
        %parallel_loop3A_1294 = arith.constant 15 : i32
        %parallel_loop3A_1295 = arith.index_cast %parallel_loop3A_1162 : i32 to index
        %parallel_loop3A_1296 = arith.index_cast %parallel_loop3A_1294 : i32 to index
        %parallel_loop3A_1297 = arith.index_cast %parallel_loop3A_1167 : i32 to index
        %parallel_loop3A_1298 = tpu.vector_load %arg12[%parallel_loop3A_1295, %parallel_loop3A_1296, %parallel_loop3A_1297] {strides = array<i32>} : memref<8x16x128xf32, #tpu.memory_space<vmem>>, vector<16xf32>,
        tpu.vector_store %arg12[%parallel_loop3A_1295, %parallel_loop3A_1296, %parallel_loop3A_1297], %parallel_loop3A_1293 {strides = array<i32>} : memref<8x16x128xf32, #tpu.memory_space<vmem>>, vector<16xf32>,
      } {sc.loop_unroll_factor = 2 : i64, sc.parallel_access}
      %jit3A_833 = arith.constant 25 : i32
      %div3A_834 = arith.divsi %add3A_725, %jit3A_833 : i32
      %sign3A_835 = arith.constant 0 : i32
      %sign3A_836 = arith.cmpi sgt, %add3A_725, %sign3A_835 : i32
      %sign3A_837 = arith.extui %sign3A_836 : i1 to i32
      %sign3A_838 = arith.constant 0 : i32
      %sign3A_839 = arith.cmpi slt, %add3A_725, %sign3A_838 : i32
      %sign3A_840 = arith.extui %sign3A_839 : i1 to i32
      %sign3A_841 = arith.subi %sign3A_837, %sign3A_840 : i32
      %sign3A_842 = arith.constant 0 : i32
      %sign3A_843 = arith.cmpi sgt, %jit3A_833, %sign3A_842 : i32
      %sign3A_844 = arith.extui %sign3A_843 : i1 to i32
      %sign3A_845 = arith.constant 0 : i32
      %sign3A_846 = arith.cmpi slt, %jit3A_833, %sign3A_845 : i32
      %sign3A_847 = arith.extui %sign3A_846 : i1 to i32
      %sign3A_848 = arith.subi %sign3A_844, %sign3A_847 : i32
      %ne3A_849 = arith.cmpi ne, %sign3A_841, %sign3A_848 : i32
      %rem3A_850 = arith.remsi %add3A_725, %jit3A_833 : i32
      %ne3A_851 = arith.constant 0 : i32
      %ne3A_852 = arith.cmpi ne, %rem3A_850, %ne3A_851 : i32
      %and3A_853 = arith.andi %ne3A_849, %ne3A_852 : i1
      %sub3A_854 = arith.constant 1 : i32
      %sub3A_855 = arith.subi %div3A_834, %sub3A_854 : i32
      %select_n3A_856 = arith.select %and3A_853, %sub3A_855, %div3A_834 : i32
      %jit3A_857 = arith.constant 25 : i32
      %eq3A_858 = arith.constant 0 : i32
      %eq3A_859 = arith.cmpi eq, %jit3A_857, %eq3A_858 : i32
      %jit3A_860 = arith.constant 1 : i32
      %select_n3A_861 = arith.select %eq3A_859, %jit3A_860, %jit3A_857 : i32
      %rem3A_862 = arith.remsi %add3A_725, %select_n3A_861 : i32
      %ne3A_863 = arith.constant 0 : i32
      %ne3A_864 = arith.cmpi ne, %rem3A_862, %ne3A_863 : i32
      %lt3A_865 = arith.constant 0 : i32
      %lt3A_866 = arith.cmpi slt, %rem3A_862, %lt3A_865 : i32
      %lt3A_867 = arith.constant 0 : i32
      %lt3A_868 = arith.cmpi slt, %select_n3A_861, %lt3A_867 : i32
      %ne3A_869 = arith.xori %lt3A_866, %lt3A_868 : i1
      %and3A_870 = arith.andi %ne3A_869, %ne3A_864 : i1
      %add3A_871 = arith.addi %rem3A_862, %select_n3A_861 : i32
      %select_n3A_872 = arith.select %and3A_870, %add3A_871, %rem3A_862 : i32
      %mul3A_873 = arith.constant 8 : i32
      %mul3A_874 = arith.muli %select_n3A_872, %mul3A_873 : i32
      %multiple_of3A_875 = tpu.assume_multiple %mul3A_874, 8 : i32
      %mul3A_876 = arith.constant 4 : i32
      %mul3A_877 = arith.muli %add3A, %mul3A_876 : i32
      %add3A_878 = arith.addi %mul3A_877, %select_n3A_856 : i32
      %mul3A_879 = arith.constant 128 : i32
      %mul3A_880 = arith.muli %add3A_878, %mul3A_879 : i32
      %multiple_of3A_881 = tpu.assume_multiple %mul3A_880, 128 : i32
      %dma_start3A_882 = arith.constant 0 : i32
      %dma_start3A_883 = tpu.memref_slice %arg4[%multiple_of3A_875, %dma_start3A_882, %multiple_of3A_881] : memref<200x16x16384xf32, #tpu.memory_space<hbm>> -> memref<8x16x128xf32, #tpu.memory_space<hbm>>
      %dma_start3A_884 = arith.constant 0 : i32
      %dma_start3A_885 = tpu.memref_slice %arg4[%multiple_of3A_875, %dma_start3A_884, %multiple_of3A_881] : memref<200x16x16384xf32, #tpu.memory_space<hbm>> -> memref<8x16x128xf32, #tpu.memory_space<hbm>>
      tpu.enqueue_dma source(%arg12 : memref<8x16x128xf32, #tpu.memory_space<vmem>>) target(%dma_start3A_885 : memref<8x16x128xf32, #tpu.memory_space<hbm>>) target_semaphore(%arg20 : memref<!tpu.dma_semaphore, #tpu.memory_space<semaphore_mem>>)
      %add3A_886 = arith.constant 4 : i32
      %add3A_887 = arith.addi %add3A_725, %add3A_886 : i32
      %min3A_888 = arith.constant 99 : i32
      %min3A_889 = arith.minsi %add3A_887, %min3A_888 : i32
      %jit3A_890 = arith.constant 25 : i32
      %div3A_891 = arith.divsi %min3A_889, %jit3A_890 : i32
      %sign3A_892 = arith.constant 0 : i32
      %sign3A_893 = arith.cmpi sgt, %min3A_889, %sign3A_892 : i32
      %sign3A_894 = arith.extui %sign3A_893 : i1 to i32
      %sign3A_895 = arith.constant 0 : i32
      %sign3A_896 = arith.cmpi slt, %min3A_889, %sign3A_895 : i32
      %sign3A_897 = arith.extui %sign3A_896 : i1 to i32
      %sign3A_898 = arith.subi %sign3A_894, %sign3A_897 : i32
      %sign3A_899 = arith.constant 0 : i32
      %sign3A_900 = arith.cmpi sgt, %jit3A_890, %sign3A_899 : i32
      %sign3A_901 = arith.extui %sign3A_900 : i1 to i32
      %sign3A_902 = arith.constant 0 : i32
      %sign3A_903 = arith.cmpi slt, %jit3A_890, %sign3A_902 : i32
      %sign3A_904 = arith.extui %sign3A_903 : i1 to i32
      %sign3A_905 = arith.subi %sign3A_901, %sign3A_904 : i32
      %ne3A_906 = arith.cmpi ne, %sign3A_898, %sign3A_905 : i32
      %rem3A_907 = arith.remsi %min3A_889, %jit3A_890 : i32
      %ne3A_908 = arith.constant 0 : i32
      %ne3A_909 = arith.cmpi ne, %rem3A_907, %ne3A_908 : i32
      %and3A_910 = arith.andi %ne3A_906, %ne3A_909 : i1
      %sub3A_911 = arith.constant 1 : i32
      %sub3A_912 = arith.subi %div3A_891, %sub3A_911 : i32
      %select_n3A_913 = arith.select %and3A_910, %sub3A_912, %div3A_891 : i32
      %jit3A_914 = arith.constant 25 : i32
      %eq3A_915 = arith.constant 0 : i32
      %eq3A_916 = arith.cmpi eq, %jit3A_914, %eq3A_915 : i32
      %jit3A_917 = arith.constant 1 : i32
      %select_n3A_918 = arith.select %eq3A_916, %jit3A_917, %jit3A_914 : i32
      %rem3A_919 = arith.remsi %min3A_889, %select_n3A_918 : i32
      %ne3A_920 = arith.constant 0 : i32
      %ne3A_921 = arith.cmpi ne, %rem3A_919, %ne3A_920 : i32
      %lt3A_922 = arith.constant 0 : i32
      %lt3A_923 = arith.cmpi slt, %rem3A_919, %lt3A_922 : i32
      %lt3A_924 = arith.constant 0 : i32
      %lt3A_925 = arith.cmpi slt, %select_n3A_918, %lt3A_924 : i32
      %ne3A_926 = arith.xori %lt3A_923, %lt3A_925 : i1
      %and3A_927 = arith.andi %ne3A_926, %ne3A_921 : i1
      %add3A_928 = arith.addi %rem3A_919, %select_n3A_918 : i32
      %select_n3A_929 = arith.select %and3A_927, %add3A_928, %rem3A_919 : i32
      %mul3A_930 = arith.constant 8 : i32
      %mul3A_931 = arith.muli %select_n3A_929, %mul3A_930 : i32
      %multiple_of3A_932 = tpu.assume_multiple %mul3A_931, 8 : i32
      %mul3A_933 = arith.constant 4 : i32
      %mul3A_934 = arith.muli %add3A, %mul3A_933 : i32
      %add3A_935 = arith.addi %mul3A_934, %select_n3A_913 : i32
      %mul3A_936 = arith.constant 128 : i32
      %mul3A_937 = arith.muli %add3A_935, %mul3A_936 : i32
      %multiple_of3A_938 = tpu.assume_multiple %mul3A_937, 128 : i32
      %dma_start3A_939 = tpu.memref_slice %arg3[%multiple_of3A_932, %multiple_of3A_938] : memref<200x16384xi32, #tpu.memory_space<hbm>> -> memref<8x128xi32, #tpu.memory_space<hbm>>
      %dma_start3A_940 = tpu.memref_slice %arg3[%multiple_of3A_932, %multiple_of3A_938] : memref<200x16384xi32, #tpu.memory_space<hbm>> -> memref<8x128xi32, #tpu.memory_space<hbm>>
      tpu.enqueue_dma source(%dma_start3A_940 : memref<8x128xi32, #tpu.memory_space<hbm>>) target(%arg8 : memref<8x128xi32, #tpu.memory_space<vmem>>) target_semaphore(%arg16 : memref<!tpu.dma_semaphore, #tpu.memory_space<semaphore_mem>>)
      %mul3A_941 = arith.constant 4 : i32
      %mul3A_942 = arith.muli %mul3A_941, %scan3A_294 : i32
      %add3A_943 = arith.constant 3 : i32
      %add3A_944 = arith.addi %mul3A_942, %add3A_943 : i32
      %jit3A_945 = arith.constant 25 : i32
      %div3A_946 = arith.divsi %add3A_944, %jit3A_945 : i32
      %sign3A_947 = arith.constant 0 : i32
      %sign3A_948 = arith.cmpi sgt, %add3A_944, %sign3A_947 : i32
      %sign3A_949 = arith.extui %sign3A_948 : i1 to i32
      %sign3A_950 = arith.constant 0 : i32
      %sign3A_951 = arith.cmpi slt, %add3A_944, %sign3A_950 : i32
      %sign3A_952 = arith.extui %sign3A_951 : i1 to i32
      %sign3A_953 = arith.subi %sign3A_949, %sign3A_952 : i32
      %sign3A_954 = arith.constant 0 : i32
      %sign3A_955 = arith.cmpi sgt, %jit3A_945, %sign3A_954 : i32
      %sign3A_956 = arith.extui %sign3A_955 : i1 to i32
      %sign3A_957 = arith.constant 0 : i32
      %sign3A_958 = arith.cmpi slt, %jit3A_945, %sign3A_957 : i32
      %sign3A_959 = arith.extui %sign3A_958 : i1 to i32
      %sign3A_960 = arith.subi %sign3A_956, %sign3A_959 : i32
      %ne3A_961 = arith.cmpi ne, %sign3A_953, %sign3A_960 : i32
      %rem3A_962 = arith.remsi %add3A_944, %jit3A_945 : i32
      %ne3A_963 = arith.constant 0 : i32
      %ne3A_964 = arith.cmpi ne, %rem3A_962, %ne3A_963 : i32
      %and3A_965 = arith.andi %ne3A_961, %ne3A_964 : i1
      %sub3A_966 = arith.constant 1 : i32
      %sub3A_967 = arith.subi %div3A_946, %sub3A_966 : i32
      %select_n3A_968 = arith.select %and3A_965, %sub3A_967, %div3A_946 : i32
      %jit3A_969 = arith.constant 25 : i32
      %eq3A_970 = arith.constant 0 : i32
      %eq3A_971 = arith.cmpi eq, %jit3A_969, %eq3A_970 : i32
      %jit3A_972 = arith.constant 1 : i32
      %select_n3A_973 = arith.select %eq3A_971, %jit3A_972, %jit3A_969 : i32
      %rem3A_974 = arith.remsi %add3A_944, %select_n3A_973 : i32
      %ne3A_975 = arith.constant 0 : i32
      %ne3A_976 = arith.cmpi ne, %rem3A_974, %ne3A_975 : i32
      %lt3A_977 = arith.constant 0 : i32
      %lt3A_978 = arith.cmpi slt, %rem3A_974, %lt3A_977 : i32
      %lt3A_979 = arith.constant 0 : i32
      %lt3A_980 = arith.cmpi slt, %select_n3A_973, %lt3A_979 : i32
      %ne3A_981 = arith.xori %lt3A_978, %lt3A_980 : i1
      %and3A_982 = arith.andi %ne3A_981, %ne3A_976 : i1
      %add3A_983 = arith.addi %rem3A_974, %select_n3A_973 : i32
      %select_n3A_984 = arith.select %and3A_982, %add3A_983, %rem3A_974 : i32
      %mul3A_985 = arith.constant 8 : i32
      %mul3A_986 = arith.muli %select_n3A_984, %mul3A_985 : i32
      %multiple_of3A_987 = tpu.assume_multiple %mul3A_986, 8 : i32
      %mul3A_988 = arith.constant 4 : i32
      %mul3A_989 = arith.muli %add3A, %mul3A_988 : i32
      %add3A_990 = arith.addi %mul3A_989, %select_n3A_968 : i32
      %mul3A_991 = arith.constant 128 : i32
      %mul3A_992 = arith.muli %add3A_990, %mul3A_991 : i32
      %multiple_of3A_993 = tpu.assume_multiple %mul3A_992, 128 : i32
      %dma_wait3A_994 = tpu.memref_slice %arg3[%multiple_of3A_987, %multiple_of3A_993] : memref<200x16384xi32, #tpu.memory_space<hbm>> -> memref<8x128xi32, #tpu.memory_space<hbm>>
      %dma_wait3A_995 = tpu.memref_slice %arg3[%multiple_of3A_987, %multiple_of3A_993] : memref<200x16384xi32, #tpu.memory_space<hbm>> -> memref<8x128xi32, #tpu.memory_space<hbm>>
      tpu.wait_dma2 semaphore(%arg17 : memref<!tpu.dma_semaphore, #tpu.memory_space<semaphore_mem>>) src(%dma_wait3A_995 : memref<8x128xi32, #tpu.memory_space<hbm>>) dst(%arg9 : memref<8x128xi32, #tpu.memory_space<vmem>>)
      %jit3A_996 = arith.constant 25 : i32
      %div3A_997 = arith.divsi %add3A_944, %jit3A_996 : i32
      %sign3A_998 = arith.constant 0 : i32
      %sign3A_999 = arith.cmpi sgt, %add3A_944, %sign3A_998 : i32
      %sign3A_1000 = arith.extui %sign3A_999 : i1 to i32
      %sign3A_1001 = arith.constant 0 : i32
      %sign3A_1002 = arith.cmpi slt, %add3A_944, %sign3A_1001 : i32
      %sign3A_1003 = arith.extui %sign3A_1002 : i1 to i32
      %sign3A_1004 = arith.subi %sign3A_1000, %sign3A_1003 : i32
      %sign3A_1005 = arith.constant 0 : i32
      %sign3A_1006 = arith.cmpi sgt, %jit3A_996, %sign3A_1005 : i32
      %sign3A_1007 = arith.extui %sign3A_1006 : i1 to i32
      %sign3A_1008 = arith.constant 0 : i32
      %sign3A_1009 = arith.cmpi slt, %jit3A_996, %sign3A_1008 : i32
      %sign3A_1010 = arith.extui %sign3A_1009 : i1 to i32
      %sign3A_1011 = arith.subi %sign3A_1007, %sign3A_1010 : i32
      %ne3A_1012 = arith.cmpi ne, %sign3A_1004, %sign3A_1011 : i32
      %rem3A_1013 = arith.remsi %add3A_944, %jit3A_996 : i32
      %ne3A_1014 = arith.constant 0 : i32
      %ne3A_1015 = arith.cmpi ne, %rem3A_1013, %ne3A_1014 : i32
      %and3A_1016 = arith.andi %ne3A_1012, %ne3A_1015 : i1
      %sub3A_1017 = arith.constant 1 : i32
      %sub3A_1018 = arith.subi %div3A_997, %sub3A_1017 : i32
      %select_n3A_1019 = arith.select %and3A_1016, %sub3A_1018, %div3A_997 : i32
      %jit3A_1020 = arith.constant 25 : i32
      %eq3A_1021 = arith.constant 0 : i32
      %eq3A_1022 = arith.cmpi eq, %jit3A_1020, %eq3A_1021 : i32
      %jit3A_1023 = arith.constant 1 : i32
      %select_n3A_1024 = arith.select %eq3A_1022, %jit3A_1023, %jit3A_1020 : i32
      %rem3A_1025 = arith.remsi %add3A_944, %select_n3A_1024 : i32
      %ne3A_1026 = arith.constant 0 : i32
      %ne3A_1027 = arith.cmpi ne, %rem3A_1025, %ne3A_1026 : i32
      %lt3A_1028 = arith.constant 0 : i32
      %lt3A_1029 = arith.cmpi slt, %rem3A_1025, %lt3A_1028 : i32
      %lt3A_1030 = arith.constant 0 : i32
      %lt3A_1031 = arith.cmpi slt, %select_n3A_1024, %lt3A_1030 : i32
      %ne3A_1032 = arith.xori %lt3A_1029, %lt3A_1031 : i1
      %and3A_1033 = arith.andi %ne3A_1032, %ne3A_1027 : i1
      %add3A_1034 = arith.addi %rem3A_1025, %select_n3A_1024 : i32
      %select_n3A_1035 = arith.select %and3A_1033, %add3A_1034, %rem3A_1025 : i32
      %mul3A_1036 = arith.constant 8 : i32
      %mul3A_1037 = arith.muli %select_n3A_1035, %mul3A_1036 : i32
      %multiple_of3A_1038 = tpu.assume_multiple %mul3A_1037, 8 : i32
      %mul3A_1039 = arith.constant 4 : i32
      %mul3A_1040 = arith.muli %add3A, %mul3A_1039 : i32
      %add3A_1041 = arith.addi %mul3A_1040, %select_n3A_1019 : i32
      %mul3A_1042 = arith.constant 128 : i32
      %mul3A_1043 = arith.muli %add3A_1041, %mul3A_1042 : i32
      %multiple_of3A_1044 = tpu.assume_multiple %mul3A_1043, 128 : i32
      %dma_wait3A_1045 = arith.constant 0 : i32
      %dma_wait3A_1046 = tpu.memref_slice %arg4[%multiple_of3A_1038, %dma_wait3A_1045, %multiple_of3A_1044] : memref<200x16x16384xf32, #tpu.memory_space<hbm>> -> memref<8x16x128xf32, #tpu.memory_space<hbm>>
      %dma_wait3A_1047 = arith.constant 0 : i32
      %dma_wait3A_1048 = tpu.memref_slice %arg4[%multiple_of3A_1038, %dma_wait3A_1047, %multiple_of3A_1044] : memref<200x16x16384xf32, #tpu.memory_space<hbm>> -> memref<8x16x128xf32, #tpu.memory_space<hbm>>
      tpu.wait_dma2 semaphore(%arg21 : memref<!tpu.dma_semaphore, #tpu.memory_space<semaphore_mem>>) src(%arg13 : memref<8x16x128xf32, #tpu.memory_space<vmem>>) dst(%dma_wait3A_1048 : memref<8x16x128xf32, #tpu.memory_space<hbm>>)
      %parallel_loop3A_1049 = arith.constant 0 : i32
      %parallel_loop3A_1050 = arith.constant 64 : i32
      %parallel_loop3A_1051 = arith.constant 1 : i32
      scf.for %parallel_loop3A_1160 = %parallel_loop3A_1049 to %parallel_loop3A_1050 step %parallel_loop3A_1051  : i32 {
        %parallel_loop3A_1161 = arith.constant 3 : i32
        %parallel_loop3A_1162 = arith.shrui %parallel_loop3A_1160, %parallel_loop3A_1161 : i32
        %parallel_loop3A_1163 = arith.constant 7 : i32
        %parallel_loop3A_1164 = arith.andi %parallel_loop3A_1160, %parallel_loop3A_1163 : i32
        %parallel_loop3A_1165 = arith.constant 16 : i32
        %parallel_loop3A_1166 = arith.muli %parallel_loop3A_1164, %parallel_loop3A_1165 : i32
        %parallel_loop3A_1167 = tpu.assume_multiple %parallel_loop3A_1166, 16 : i32
        %parallel_loop3A_1168 = arith.index_cast %parallel_loop3A_1162 : i32 to index
        %parallel_loop3A_1169 = arith.index_cast %parallel_loop3A_1167 : i32 to index
        %parallel_loop3A_1170 = tpu.vector_load %arg9[%parallel_loop3A_1168, %parallel_loop3A_1169] {strides = array<i32>} : memref<8x128xi32, #tpu.memory_space<vmem>>, vector<16xi32>,
        %parallel_loop3A_1171 = arith.constant 0 : i32
        %parallel_loop3A_1172 = vector.broadcast %parallel_loop3A_1171 : i32 to vector<16xi32>
        %parallel_loop3A_1173 = tpu.vector_load_idx %arg5[%parallel_loop3A_1172, %parallel_loop3A_1170] : memref<16x50xf32, #tpu.memory_space<vmem>>[vector<16xi32>, vector<16xi32>], vector<16xf32>,
        %parallel_loop3A_1174 = arith.constant 0 : i32
        %parallel_loop3A_1175 = arith.index_cast %parallel_loop3A_1162 : i32 to index
        %parallel_loop3A_1176 = arith.index_cast %parallel_loop3A_1174 : i32 to index
        %parallel_loop3A_1177 = arith.index_cast %parallel_loop3A_1167 : i32 to index
        %parallel_loop3A_1178 = tpu.vector_load %arg13[%parallel_loop3A_1175, %parallel_loop3A_1176, %parallel_loop3A_1177] {strides = array<i32>} : memref<8x16x128xf32, #tpu.memory_space<vmem>>, vector<16xf32>,
        tpu.vector_store %arg13[%parallel_loop3A_1175, %parallel_loop3A_1176, %parallel_loop3A_1177], %parallel_loop3A_1173 {strides = array<i32>} : memref<8x16x128xf32, #tpu.memory_space<vmem>>, vector<16xf32>,
        %parallel_loop3A_1179 = arith.constant 1 : i32
        %parallel_loop3A_1180 = vector.broadcast %parallel_loop3A_1179 : i32 to vector<16xi32>
        %parallel_loop3A_1181 = tpu.vector_load_idx %arg5[%parallel_loop3A_1180, %parallel_loop3A_1170] : memref<16x50xf32, #tpu.memory_space<vmem>>[vector<16xi32>, vector<16xi32>], vector<16xf32>,
        %parallel_loop3A_1182 = arith.constant 1 : i32
        %parallel_loop3A_1183 = arith.index_cast %parallel_loop3A_1162 : i32 to index
        %parallel_loop3A_1184 = arith.index_cast %parallel_loop3A_1182 : i32 to index
        %parallel_loop3A_1185 = arith.index_cast %parallel_loop3A_1167 : i32 to index
        %parallel_loop3A_1186 = tpu.vector_load %arg13[%parallel_loop3A_1183, %parallel_loop3A_1184, %parallel_loop3A_1185] {strides = array<i32>} : memref<8x16x128xf32, #tpu.memory_space<vmem>>, vector<16xf32>,
        tpu.vector_store %arg13[%parallel_loop3A_1183, %parallel_loop3A_1184, %parallel_loop3A_1185], %parallel_loop3A_1181 {strides = array<i32>} : memref<8x16x128xf32, #tpu.memory_space<vmem>>, vector<16xf32>,
        %parallel_loop3A_1187 = arith.constant 2 : i32
        %parallel_loop3A_1188 = vector.broadcast %parallel_loop3A_1187 : i32 to vector<16xi32>
        %parallel_loop3A_1189 = tpu.vector_load_idx %arg5[%parallel_loop3A_1188, %parallel_loop3A_1170] : memref<16x50xf32, #tpu.memory_space<vmem>>[vector<16xi32>, vector<16xi32>], vector<16xf32>,
        %parallel_loop3A_1190 = arith.constant 2 : i32
        %parallel_loop3A_1191 = arith.index_cast %parallel_loop3A_1162 : i32 to index
        %parallel_loop3A_1192 = arith.index_cast %parallel_loop3A_1190 : i32 to index
        %parallel_loop3A_1193 = arith.index_cast %parallel_loop3A_1167 : i32 to index
        %parallel_loop3A_1194 = tpu.vector_load %arg13[%parallel_loop3A_1191, %parallel_loop3A_1192, %parallel_loop3A_1193] {strides = array<i32>} : memref<8x16x128xf32, #tpu.memory_space<vmem>>, vector<16xf32>,
        tpu.vector_store %arg13[%parallel_loop3A_1191, %parallel_loop3A_1192, %parallel_loop3A_1193], %parallel_loop3A_1189 {strides = array<i32>} : memref<8x16x128xf32, #tpu.memory_space<vmem>>, vector<16xf32>,
        %parallel_loop3A_1195 = arith.constant 3 : i32
        %parallel_loop3A_1196 = vector.broadcast %parallel_loop3A_1195 : i32 to vector<16xi32>
        %parallel_loop3A_1197 = tpu.vector_load_idx %arg5[%parallel_loop3A_1196, %parallel_loop3A_1170] : memref<16x50xf32, #tpu.memory_space<vmem>>[vector<16xi32>, vector<16xi32>], vector<16xf32>,
        %parallel_loop3A_1198 = arith.constant 3 : i32
        %parallel_loop3A_1199 = arith.index_cast %parallel_loop3A_1162 : i32 to index
        %parallel_loop3A_1200 = arith.index_cast %parallel_loop3A_1198 : i32 to index
        %parallel_loop3A_1201 = arith.index_cast %parallel_loop3A_1167 : i32 to index
        %parallel_loop3A_1202 = tpu.vector_load %arg13[%parallel_loop3A_1199, %parallel_loop3A_1200, %parallel_loop3A_1201] {strides = array<i32>} : memref<8x16x128xf32, #tpu.memory_space<vmem>>, vector<16xf32>,
        tpu.vector_store %arg13[%parallel_loop3A_1199, %parallel_loop3A_1200, %parallel_loop3A_1201], %parallel_loop3A_1197 {strides = array<i32>} : memref<8x16x128xf32, #tpu.memory_space<vmem>>, vector<16xf32>,
        %parallel_loop3A_1203 = arith.constant 4 : i32
        %parallel_loop3A_1204 = vector.broadcast %parallel_loop3A_1203 : i32 to vector<16xi32>
        %parallel_loop3A_1205 = tpu.vector_load_idx %arg5[%parallel_loop3A_1204, %parallel_loop3A_1170] : memref<16x50xf32, #tpu.memory_space<vmem>>[vector<16xi32>, vector<16xi32>], vector<16xf32>,
        %parallel_loop3A_1206 = arith.constant 4 : i32
        %parallel_loop3A_1207 = arith.index_cast %parallel_loop3A_1162 : i32 to index
        %parallel_loop3A_1208 = arith.index_cast %parallel_loop3A_1206 : i32 to index
        %parallel_loop3A_1209 = arith.index_cast %parallel_loop3A_1167 : i32 to index
        %parallel_loop3A_1210 = tpu.vector_load %arg13[%parallel_loop3A_1207, %parallel_loop3A_1208, %parallel_loop3A_1209] {strides = array<i32>} : memref<8x16x128xf32, #tpu.memory_space<vmem>>, vector<16xf32>,
        tpu.vector_store %arg13[%parallel_loop3A_1207, %parallel_loop3A_1208, %parallel_loop3A_1209], %parallel_loop3A_1205 {strides = array<i32>} : memref<8x16x128xf32, #tpu.memory_space<vmem>>, vector<16xf32>,
        %parallel_loop3A_1211 = arith.constant 5 : i32
        %parallel_loop3A_1212 = vector.broadcast %parallel_loop3A_1211 : i32 to vector<16xi32>
        %parallel_loop3A_1213 = tpu.vector_load_idx %arg5[%parallel_loop3A_1212, %parallel_loop3A_1170] : memref<16x50xf32, #tpu.memory_space<vmem>>[vector<16xi32>, vector<16xi32>], vector<16xf32>,
        %parallel_loop3A_1214 = arith.constant 5 : i32
        %parallel_loop3A_1215 = arith.index_cast %parallel_loop3A_1162 : i32 to index
        %parallel_loop3A_1216 = arith.index_cast %parallel_loop3A_1214 : i32 to index
        %parallel_loop3A_1217 = arith.index_cast %parallel_loop3A_1167 : i32 to index
        %parallel_loop3A_1218 = tpu.vector_load %arg13[%parallel_loop3A_1215, %parallel_loop3A_1216, %parallel_loop3A_1217] {strides = array<i32>} : memref<8x16x128xf32, #tpu.memory_space<vmem>>, vector<16xf32>,
        tpu.vector_store %arg13[%parallel_loop3A_1215, %parallel_loop3A_1216, %parallel_loop3A_1217], %parallel_loop3A_1213 {strides = array<i32>} : memref<8x16x128xf32, #tpu.memory_space<vmem>>, vector<16xf32>,
        %parallel_loop3A_1219 = arith.constant 6 : i32
        %parallel_loop3A_1220 = vector.broadcast %parallel_loop3A_1219 : i32 to vector<16xi32>
        %parallel_loop3A_1221 = tpu.vector_load_idx %arg5[%parallel_loop3A_1220, %parallel_loop3A_1170] : memref<16x50xf32, #tpu.memory_space<vmem>>[vector<16xi32>, vector<16xi32>], vector<16xf32>,
        %parallel_loop3A_1222 = arith.constant 6 : i32
        %parallel_loop3A_1223 = arith.index_cast %parallel_loop3A_1162 : i32 to index
        %parallel_loop3A_1224 = arith.index_cast %parallel_loop3A_1222 : i32 to index
        %parallel_loop3A_1225 = arith.index_cast %parallel_loop3A_1167 : i32 to index
        %parallel_loop3A_1226 = tpu.vector_load %arg13[%parallel_loop3A_1223, %parallel_loop3A_1224, %parallel_loop3A_1225] {strides = array<i32>} : memref<8x16x128xf32, #tpu.memory_space<vmem>>, vector<16xf32>,
        tpu.vector_store %arg13[%parallel_loop3A_1223, %parallel_loop3A_1224, %parallel_loop3A_1225], %parallel_loop3A_1221 {strides = array<i32>} : memref<8x16x128xf32, #tpu.memory_space<vmem>>, vector<16xf32>,
        %parallel_loop3A_1227 = arith.constant 7 : i32
        %parallel_loop3A_1228 = vector.broadcast %parallel_loop3A_1227 : i32 to vector<16xi32>
        %parallel_loop3A_1229 = tpu.vector_load_idx %arg5[%parallel_loop3A_1228, %parallel_loop3A_1170] : memref<16x50xf32, #tpu.memory_space<vmem>>[vector<16xi32>, vector<16xi32>], vector<16xf32>,
        %parallel_loop3A_1230 = arith.constant 7 : i32
        %parallel_loop3A_1231 = arith.index_cast %parallel_loop3A_1162 : i32 to index
        %parallel_loop3A_1232 = arith.index_cast %parallel_loop3A_1230 : i32 to index
        %parallel_loop3A_1233 = arith.index_cast %parallel_loop3A_1167 : i32 to index
        %parallel_loop3A_1234 = tpu.vector_load %arg13[%parallel_loop3A_1231, %parallel_loop3A_1232, %parallel_loop3A_1233] {strides = array<i32>} : memref<8x16x128xf32, #tpu.memory_space<vmem>>, vector<16xf32>,
        tpu.vector_store %arg13[%parallel_loop3A_1231, %parallel_loop3A_1232, %parallel_loop3A_1233], %parallel_loop3A_1229 {strides = array<i32>} : memref<8x16x128xf32, #tpu.memory_space<vmem>>, vector<16xf32>,
        %parallel_loop3A_1235 = arith.constant 8 : i32
        %parallel_loop3A_1236 = vector.broadcast %parallel_loop3A_1235 : i32 to vector<16xi32>
        %parallel_loop3A_1237 = tpu.vector_load_idx %arg5[%parallel_loop3A_1236, %parallel_loop3A_1170] : memref<16x50xf32, #tpu.memory_space<vmem>>[vector<16xi32>, vector<16xi32>], vector<16xf32>,
        %parallel_loop3A_1238 = arith.constant 8 : i32
        %parallel_loop3A_1239 = arith.index_cast %parallel_loop3A_1162 : i32 to index
        %parallel_loop3A_1240 = arith.index_cast %parallel_loop3A_1238 : i32 to index
        %parallel_loop3A_1241 = arith.index_cast %parallel_loop3A_1167 : i32 to index
        %parallel_loop3A_1242 = tpu.vector_load %arg13[%parallel_loop3A_1239, %parallel_loop3A_1240, %parallel_loop3A_1241] {strides = array<i32>} : memref<8x16x128xf32, #tpu.memory_space<vmem>>, vector<16xf32>,
        tpu.vector_store %arg13[%parallel_loop3A_1239, %parallel_loop3A_1240, %parallel_loop3A_1241], %parallel_loop3A_1237 {strides = array<i32>} : memref<8x16x128xf32, #tpu.memory_space<vmem>>, vector<16xf32>,
        %parallel_loop3A_1243 = arith.constant 9 : i32
        %parallel_loop3A_1244 = vector.broadcast %parallel_loop3A_1243 : i32 to vector<16xi32>
        %parallel_loop3A_1245 = tpu.vector_load_idx %arg5[%parallel_loop3A_1244, %parallel_loop3A_1170] : memref<16x50xf32, #tpu.memory_space<vmem>>[vector<16xi32>, vector<16xi32>], vector<16xf32>,
        %parallel_loop3A_1246 = arith.constant 9 : i32
        %parallel_loop3A_1247 = arith.index_cast %parallel_loop3A_1162 : i32 to index
        %parallel_loop3A_1248 = arith.index_cast %parallel_loop3A_1246 : i32 to index
        %parallel_loop3A_1249 = arith.index_cast %parallel_loop3A_1167 : i32 to index
        %parallel_loop3A_1250 = tpu.vector_load %arg13[%parallel_loop3A_1247, %parallel_loop3A_1248, %parallel_loop3A_1249] {strides = array<i32>} : memref<8x16x128xf32, #tpu.memory_space<vmem>>, vector<16xf32>,
        tpu.vector_store %arg13[%parallel_loop3A_1247, %parallel_loop3A_1248, %parallel_loop3A_1249], %parallel_loop3A_1245 {strides = array<i32>} : memref<8x16x128xf32, #tpu.memory_space<vmem>>, vector<16xf32>,
        %parallel_loop3A_1251 = arith.constant 10 : i32
        %parallel_loop3A_1252 = vector.broadcast %parallel_loop3A_1251 : i32 to vector<16xi32>
        %parallel_loop3A_1253 = tpu.vector_load_idx %arg5[%parallel_loop3A_1252, %parallel_loop3A_1170] : memref<16x50xf32, #tpu.memory_space<vmem>>[vector<16xi32>, vector<16xi32>], vector<16xf32>,
        %parallel_loop3A_1254 = arith.constant 10 : i32
        %parallel_loop3A_1255 = arith.index_cast %parallel_loop3A_1162 : i32 to index
        %parallel_loop3A_1256 = arith.index_cast %parallel_loop3A_1254 : i32 to index
        %parallel_loop3A_1257 = arith.index_cast %parallel_loop3A_1167 : i32 to index
        %parallel_loop3A_1258 = tpu.vector_load %arg13[%parallel_loop3A_1255, %parallel_loop3A_1256, %parallel_loop3A_1257] {strides = array<i32>} : memref<8x16x128xf32, #tpu.memory_space<vmem>>, vector<16xf32>,
        tpu.vector_store %arg13[%parallel_loop3A_1255, %parallel_loop3A_1256, %parallel_loop3A_1257], %parallel_loop3A_1253 {strides = array<i32>} : memref<8x16x128xf32, #tpu.memory_space<vmem>>, vector<16xf32>,
        %parallel_loop3A_1259 = arith.constant 11 : i32
        %parallel_loop3A_1260 = vector.broadcast %parallel_loop3A_1259 : i32 to vector<16xi32>
        %parallel_loop3A_1261 = tpu.vector_load_idx %arg5[%parallel_loop3A_1260, %parallel_loop3A_1170] : memref<16x50xf32, #tpu.memory_space<vmem>>[vector<16xi32>, vector<16xi32>], vector<16xf32>,
        %parallel_loop3A_1262 = arith.constant 11 : i32
        %parallel_loop3A_1263 = arith.index_cast %parallel_loop3A_1162 : i32 to index
        %parallel_loop3A_1264 = arith.index_cast %parallel_loop3A_1262 : i32 to index
        %parallel_loop3A_1265 = arith.index_cast %parallel_loop3A_1167 : i32 to index
        %parallel_loop3A_1266 = tpu.vector_load %arg13[%parallel_loop3A_1263, %parallel_loop3A_1264, %parallel_loop3A_1265] {strides = array<i32>} : memref<8x16x128xf32, #tpu.memory_space<vmem>>, vector<16xf32>,
        tpu.vector_store %arg13[%parallel_loop3A_1263, %parallel_loop3A_1264, %parallel_loop3A_1265], %parallel_loop3A_1261 {strides = array<i32>} : memref<8x16x128xf32, #tpu.memory_space<vmem>>, vector<16xf32>,
        %parallel_loop3A_1267 = arith.constant 12 : i32
        %parallel_loop3A_1268 = vector.broadcast %parallel_loop3A_1267 : i32 to vector<16xi32>
        %parallel_loop3A_1269 = tpu.vector_load_idx %arg5[%parallel_loop3A_1268, %parallel_loop3A_1170] : memref<16x50xf32, #tpu.memory_space<vmem>>[vector<16xi32>, vector<16xi32>], vector<16xf32>,
        %parallel_loop3A_1270 = arith.constant 12 : i32
        %parallel_loop3A_1271 = arith.index_cast %parallel_loop3A_1162 : i32 to index
        %parallel_loop3A_1272 = arith.index_cast %parallel_loop3A_1270 : i32 to index
        %parallel_loop3A_1273 = arith.index_cast %parallel_loop3A_1167 : i32 to index
        %parallel_loop3A_1274 = tpu.vector_load %arg13[%parallel_loop3A_1271, %parallel_loop3A_1272, %parallel_loop3A_1273] {strides = array<i32>} : memref<8x16x128xf32, #tpu.memory_space<vmem>>, vector<16xf32>,
        tpu.vector_store %arg13[%parallel_loop3A_1271, %parallel_loop3A_1272, %parallel_loop3A_1273], %parallel_loop3A_1269 {strides = array<i32>} : memref<8x16x128xf32, #tpu.memory_space<vmem>>, vector<16xf32>,
        %parallel_loop3A_1275 = arith.constant 13 : i32
        %parallel_loop3A_1276 = vector.broadcast %parallel_loop3A_1275 : i32 to vector<16xi32>
        %parallel_loop3A_1277 = tpu.vector_load_idx %arg5[%parallel_loop3A_1276, %parallel_loop3A_1170] : memref<16x50xf32, #tpu.memory_space<vmem>>[vector<16xi32>, vector<16xi32>], vector<16xf32>,
        %parallel_loop3A_1278 = arith.constant 13 : i32
        %parallel_loop3A_1279 = arith.index_cast %parallel_loop3A_1162 : i32 to index
        %parallel_loop3A_1280 = arith.index_cast %parallel_loop3A_1278 : i32 to index
        %parallel_loop3A_1281 = arith.index_cast %parallel_loop3A_1167 : i32 to index
        %parallel_loop3A_1282 = tpu.vector_load %arg13[%parallel_loop3A_1279, %parallel_loop3A_1280, %parallel_loop3A_1281] {strides = array<i32>} : memref<8x16x128xf32, #tpu.memory_space<vmem>>, vector<16xf32>,
        tpu.vector_store %arg13[%parallel_loop3A_1279, %parallel_loop3A_1280, %parallel_loop3A_1281], %parallel_loop3A_1277 {strides = array<i32>} : memref<8x16x128xf32, #tpu.memory_space<vmem>>, vector<16xf32>,
        %parallel_loop3A_1283 = arith.constant 14 : i32
        %parallel_loop3A_1284 = vector.broadcast %parallel_loop3A_1283 : i32 to vector<16xi32>
        %parallel_loop3A_1285 = tpu.vector_load_idx %arg5[%parallel_loop3A_1284, %parallel_loop3A_1170] : memref<16x50xf32, #tpu.memory_space<vmem>>[vector<16xi32>, vector<16xi32>], vector<16xf32>,
        %parallel_loop3A_1286 = arith.constant 14 : i32
        %parallel_loop3A_1287 = arith.index_cast %parallel_loop3A_1162 : i32 to index
        %parallel_loop3A_1288 = arith.index_cast %parallel_loop3A_1286 : i32 to index
        %parallel_loop3A_1289 = arith.index_cast %parallel_loop3A_1167 : i32 to index
        %parallel_loop3A_1290 = tpu.vector_load %arg13[%parallel_loop3A_1287, %parallel_loop3A_1288, %parallel_loop3A_1289] {strides = array<i32>} : memref<8x16x128xf32, #tpu.memory_space<vmem>>, vector<16xf32>,
        tpu.vector_store %arg13[%parallel_loop3A_1287, %parallel_loop3A_1288, %parallel_loop3A_1289], %parallel_loop3A_1285 {strides = array<i32>} : memref<8x16x128xf32, #tpu.memory_space<vmem>>, vector<16xf32>,
        %parallel_loop3A_1291 = arith.constant 15 : i32
        %parallel_loop3A_1292 = vector.broadcast %parallel_loop3A_1291 : i32 to vector<16xi32>
        %parallel_loop3A_1293 = tpu.vector_load_idx %arg5[%parallel_loop3A_1292, %parallel_loop3A_1170] : memref<16x50xf32, #tpu.memory_space<vmem>>[vector<16xi32>, vector<16xi32>], vector<16xf32>,
        %parallel_loop3A_1294 = arith.constant 15 : i32
        %parallel_loop3A_1295 = arith.index_cast %parallel_loop3A_1162 : i32 to index
        %parallel_loop3A_1296 = arith.index_cast %parallel_loop3A_1294 : i32 to index
        %parallel_loop3A_1297 = arith.index_cast %parallel_loop3A_1167 : i32 to index
        %parallel_loop3A_1298 = tpu.vector_load %arg13[%parallel_loop3A_1295, %parallel_loop3A_1296, %parallel_loop3A_1297] {strides = array<i32>} : memref<8x16x128xf32, #tpu.memory_space<vmem>>, vector<16xf32>,
        tpu.vector_store %arg13[%parallel_loop3A_1295, %parallel_loop3A_1296, %parallel_loop3A_1297], %parallel_loop3A_1293 {strides = array<i32>} : memref<8x16x128xf32, #tpu.memory_space<vmem>>, vector<16xf32>,
      } {sc.loop_unroll_factor = 2 : i64, sc.parallel_access}
      %jit3A_1052 = arith.constant 25 : i32
      %div3A_1053 = arith.divsi %add3A_944, %jit3A_1052 : i32
      %sign3A_1054 = arith.constant 0 : i32
      %sign3A_1055 = arith.cmpi sgt, %add3A_944, %sign3A_1054 : i32
      %sign3A_1056 = arith.extui %sign3A_1055 : i1 to i32
      %sign3A_1057 = arith.constant 0 : i32
      %sign3A_1058 = arith.cmpi slt, %add3A_944, %sign3A_1057 : i32
      %sign3A_1059 = arith.extui %sign3A_1058 : i1 to i32
      %sign3A_1060 = arith.subi %sign3A_1056, %sign3A_1059 : i32
      %sign3A_1061 = arith.constant 0 : i32
      %sign3A_1062 = arith.cmpi sgt, %jit3A_1052, %sign3A_1061 : i32
      %sign3A_1063 = arith.extui %sign3A_1062 : i1 to i32
      %sign3A_1064 = arith.constant 0 : i32
      %sign3A_1065 = arith.cmpi slt, %jit3A_1052, %sign3A_1064 : i32
      %sign3A_1066 = arith.extui %sign3A_1065 : i1 to i32
      %sign3A_1067 = arith.subi %sign3A_1063, %sign3A_1066 : i32
      %ne3A_1068 = arith.cmpi ne, %sign3A_1060, %sign3A_1067 : i32
      %rem3A_1069 = arith.remsi %add3A_944, %jit3A_1052 : i32
      %ne3A_1070 = arith.constant 0 : i32
      %ne3A_1071 = arith.cmpi ne, %rem3A_1069, %ne3A_1070 : i32
      %and3A_1072 = arith.andi %ne3A_1068, %ne3A_1071 : i1
      %sub3A_1073 = arith.constant 1 : i32
      %sub3A_1074 = arith.subi %div3A_1053, %sub3A_1073 : i32
      %select_n3A_1075 = arith.select %and3A_1072, %sub3A_1074, %div3A_1053 : i32
      %jit3A_1076 = arith.constant 25 : i32
      %eq3A_1077 = arith.constant 0 : i32
      %eq3A_1078 = arith.cmpi eq, %jit3A_1076, %eq3A_1077 : i32
      %jit3A_1079 = arith.constant 1 : i32
      %select_n3A_1080 = arith.select %eq3A_1078, %jit3A_1079, %jit3A_1076 : i32
      %rem3A_1081 = arith.remsi %add3A_944, %select_n3A_1080 : i32
      %ne3A_1082 = arith.constant 0 : i32
      %ne3A_1083 = arith.cmpi ne, %rem3A_1081, %ne3A_1082 : i32
      %lt3A_1084 = arith.constant 0 : i32
      %lt3A_1085 = arith.cmpi slt, %rem3A_1081, %lt3A_1084 : i32
      %lt3A_1086 = arith.constant 0 : i32
      %lt3A_1087 = arith.cmpi slt, %select_n3A_1080, %lt3A_1086 : i32
      %ne3A_1088 = arith.xori %lt3A_1085, %lt3A_1087 : i1
      %and3A_1089 = arith.andi %ne3A_1088, %ne3A_1083 : i1
      %add3A_1090 = arith.addi %rem3A_1081, %select_n3A_1080 : i32
      %select_n3A_1091 = arith.select %and3A_1089, %add3A_1090, %rem3A_1081 : i32
      %mul3A_1092 = arith.constant 8 : i32
      %mul3A_1093 = arith.muli %select_n3A_1091, %mul3A_1092 : i32
      %multiple_of3A_1094 = tpu.assume_multiple %mul3A_1093, 8 : i32
      %mul3A_1095 = arith.constant 4 : i32
      %mul3A_1096 = arith.muli %add3A, %mul3A_1095 : i32
      %add3A_1097 = arith.addi %mul3A_1096, %select_n3A_1075 : i32
      %mul3A_1098 = arith.constant 128 : i32
      %mul3A_1099 = arith.muli %add3A_1097, %mul3A_1098 : i32
      %multiple_of3A_1100 = tpu.assume_multiple %mul3A_1099, 128 : i32
      %dma_start3A_1101 = arith.constant 0 : i32
      %dma_start3A_1102 = tpu.memref_slice %arg4[%multiple_of3A_1094, %dma_start3A_1101, %multiple_of3A_1100] : memref<200x16x16384xf32, #tpu.memory_space<hbm>> -> memref<8x16x128xf32, #tpu.memory_space<hbm>>
      %dma_start3A_1103 = arith.constant 0 : i32
      %dma_start3A_1104 = tpu.memref_slice %arg4[%multiple_of3A_1094, %dma_start3A_1103, %multiple_of3A_1100] : memref<200x16x16384xf32, #tpu.memory_space<hbm>> -> memref<8x16x128xf32, #tpu.memory_space<hbm>>
      tpu.enqueue_dma source(%arg13 : memref<8x16x128xf32, #tpu.memory_space<vmem>>) target(%dma_start3A_1104 : memref<8x16x128xf32, #tpu.memory_space<hbm>>) target_semaphore(%arg21 : memref<!tpu.dma_semaphore, #tpu.memory_space<semaphore_mem>>)
      %add3A_1105 = arith.constant 4 : i32
      %add3A_1106 = arith.addi %add3A_944, %add3A_1105 : i32
      %min3A_1107 = arith.constant 99 : i32
      %min3A_1108 = arith.minsi %add3A_1106, %min3A_1107 : i32
      %jit3A_1109 = arith.constant 25 : i32
      %div3A_1110 = arith.divsi %min3A_1108, %jit3A_1109 : i32
      %sign3A_1111 = arith.constant 0 : i32
      %sign3A_1112 = arith.cmpi sgt, %min3A_1108, %sign3A_1111 : i32
      %sign3A_1113 = arith.extui %sign3A_1112 : i1 to i32
      %sign3A_1114 = arith.constant 0 : i32
      %sign3A_1115 = arith.cmpi slt, %min3A_1108, %sign3A_1114 : i32
      %sign3A_1116 = arith.extui %sign3A_1115 : i1 to i32
      %sign3A_1117 = arith.subi %sign3A_1113, %sign3A_1116 : i32
      %sign3A_1118 = arith.constant 0 : i32
      %sign3A_1119 = arith.cmpi sgt, %jit3A_1109, %sign3A_1118 : i32
      %sign3A_1120 = arith.extui %sign3A_1119 : i1 to i32
      %sign3A_1121 = arith.constant 0 : i32
      %sign3A_1122 = arith.cmpi slt, %jit3A_1109, %sign3A_1121 : i32
      %sign3A_1123 = arith.extui %sign3A_1122 : i1 to i32
      %sign3A_1124 = arith.subi %sign3A_1120, %sign3A_1123 : i32
      %ne3A_1125 = arith.cmpi ne, %sign3A_1117, %sign3A_1124 : i32
      %rem3A_1126 = arith.remsi %min3A_1108, %jit3A_1109 : i32
      %ne3A_1127 = arith.constant 0 : i32
      %ne3A_1128 = arith.cmpi ne, %rem3A_1126, %ne3A_1127 : i32
      %and3A_1129 = arith.andi %ne3A_1125, %ne3A_1128 : i1
      %sub3A_1130 = arith.constant 1 : i32
      %sub3A_1131 = arith.subi %div3A_1110, %sub3A_1130 : i32
      %select_n3A_1132 = arith.select %and3A_1129, %sub3A_1131, %div3A_1110 : i32
      %jit3A_1133 = arith.constant 25 : i32
      %eq3A_1134 = arith.constant 0 : i32
      %eq3A_1135 = arith.cmpi eq, %jit3A_1133, %eq3A_1134 : i32
      %jit3A_1136 = arith.constant 1 : i32
      %select_n3A_1137 = arith.select %eq3A_1135, %jit3A_1136, %jit3A_1133 : i32
      %rem3A_1138 = arith.remsi %min3A_1108, %select_n3A_1137 : i32
      %ne3A_1139 = arith.constant 0 : i32
      %ne3A_1140 = arith.cmpi ne, %rem3A_1138, %ne3A_1139 : i32
      %lt3A_1141 = arith.constant 0 : i32
      %lt3A_1142 = arith.cmpi slt, %rem3A_1138, %lt3A_1141 : i32
      %lt3A_1143 = arith.constant 0 : i32
      %lt3A_1144 = arith.cmpi slt, %select_n3A_1137, %lt3A_1143 : i32
      %ne3A_1145 = arith.xori %lt3A_1142, %lt3A_1144 : i1
      %and3A_1146 = arith.andi %ne3A_1145, %ne3A_1140 : i1
      %add3A_1147 = arith.addi %rem3A_1138, %select_n3A_1137 : i32
      %select_n3A_1148 = arith.select %and3A_1146, %add3A_1147, %rem3A_1138 : i32
      %mul3A_1149 = arith.constant 8 : i32
      %mul3A_1150 = arith.muli %select_n3A_1148, %mul3A_1149 : i32
      %multiple_of3A_1151 = tpu.assume_multiple %mul3A_1150, 8 : i32
      %mul3A_1152 = arith.constant 4 : i32
      %mul3A_1153 = arith.muli %add3A, %mul3A_1152 : i32
      %add3A_1154 = arith.addi %mul3A_1153, %select_n3A_1132 : i32
      %mul3A_1155 = arith.constant 128 : i32
      %mul3A_1156 = arith.muli %add3A_1154, %mul3A_1155 : i32
      %multiple_of3A_1157 = tpu.assume_multiple %mul3A_1156, 128 : i32
      %dma_start3A_1158 = tpu.memref_slice %arg3[%multiple_of3A_1151, %multiple_of3A_1157] : memref<200x16384xi32, #tpu.memory_space<hbm>> -> memref<8x128xi32, #tpu.memory_space<hbm>>
      %dma_start3A_1159 = tpu.memref_slice %arg3[%multiple_of3A_1151, %multiple_of3A_1157] : memref<200x16384xi32, #tpu.memory_space<hbm>> -> memref<8x128xi32, #tpu.memory_space<hbm>>
      tpu.enqueue_dma source(%dma_start3A_1159 : memref<8x128xi32, #tpu.memory_space<hbm>>) target(%arg9 : memref<8x128xi32, #tpu.memory_space<vmem>>) target_semaphore(%arg17 : memref<!tpu.dma_semaphore, #tpu.memory_space<semaphore_mem>>)
    }
    %scan3A_197 = arith.constant 24 : i32
    %multiple_of3A_198 = arith.constant 192 : i32
    %multiple_of3A_199 = tpu.assume_multiple %multiple_of3A_198, 8 : i32
    %mul3A_200 = arith.constant 4 : i32
    %mul3A_201 = arith.muli %add3A, %mul3A_200 : i32
    %add3A_202 = arith.constant 3 : i32
    %add3A_203 = arith.addi %mul3A_201, %add3A_202 : i32
    %mul3A_204 = arith.constant 128 : i32
    %mul3A_205 = arith.muli %add3A_203, %mul3A_204 : i32
    %multiple_of3A_206 = tpu.assume_multiple %mul3A_205, 128 : i32
    %dma_wait3A_207 = tpu.memref_slice %arg3[%multiple_of3A_199, %multiple_of3A_206] : memref<200x16384xi32, #tpu.memory_space<hbm>> -> memref<8x128xi32, #tpu.memory_space<hbm>>
    %dma_wait3A_208 = tpu.memref_slice %arg3[%multiple_of3A_199, %multiple_of3A_206] : memref<200x16384xi32, #tpu.memory_space<hbm>> -> memref<8x128xi32, #tpu.memory_space<hbm>>
    tpu.wait_dma2 semaphore(%arg14 : memref<!tpu.dma_semaphore, #tpu.memory_space<semaphore_mem>>) src(%dma_wait3A_208 : memref<8x128xi32, #tpu.memory_space<hbm>>) dst(%arg6 : memref<8x128xi32, #tpu.memory_space<vmem>>)
    %multiple_of3A_209 = arith.constant 192 : i32
    %multiple_of3A_210 = tpu.assume_multiple %multiple_of3A_209, 8 : i32
    %mul3A_211 = arith.constant 4 : i32
    %mul3A_212 = arith.muli %add3A, %mul3A_211 : i32
    %add3A_213 = arith.constant 3 : i32
    %add3A_214 = arith.addi %mul3A_212, %add3A_213 : i32
    %mul3A_215 = arith.constant 128 : i32
    %mul3A_216 = arith.muli %add3A_214, %mul3A_215 : i32
    %multiple_of3A_217 = tpu.assume_multiple %mul3A_216, 128 : i32
    %dma_wait3A_218 = arith.constant 0 : i32
    %dma_wait3A_219 = tpu.memref_slice %arg4[%multiple_of3A_210, %dma_wait3A_218, %multiple_of3A_217] : memref<200x16x16384xf32, #tpu.memory_space<hbm>> -> memref<8x16x128xf32, #tpu.memory_space<hbm>>
    %dma_wait3A_220 = arith.constant 0 : i32
    %dma_wait3A_221 = tpu.memref_slice %arg4[%multiple_of3A_210, %dma_wait3A_220, %multiple_of3A_217] : memref<200x16x16384xf32, #tpu.memory_space<hbm>> -> memref<8x16x128xf32, #tpu.memory_space<hbm>>
    tpu.wait_dma2 semaphore(%arg18 : memref<!tpu.dma_semaphore, #tpu.memory_space<semaphore_mem>>) src(%arg10 : memref<8x16x128xf32, #tpu.memory_space<vmem>>) dst(%dma_wait3A_221 : memref<8x16x128xf32, #tpu.memory_space<hbm>>)
    %multiple_of3A_222 = arith.constant 192 : i32
    %multiple_of3A_223 = tpu.assume_multiple %multiple_of3A_222, 8 : i32
    %mul3A_224 = arith.constant 4 : i32
    %mul3A_225 = arith.muli %add3A, %mul3A_224 : i32
    %add3A_226 = arith.constant 3 : i32
    %add3A_227 = arith.addi %mul3A_225, %add3A_226 : i32
    %mul3A_228 = arith.constant 128 : i32
    %mul3A_229 = arith.muli %add3A_227, %mul3A_228 : i32
    %multiple_of3A_230 = tpu.assume_multiple %mul3A_229, 128 : i32
    %dma_wait3A_231 = tpu.memref_slice %arg3[%multiple_of3A_223, %multiple_of3A_230] : memref<200x16384xi32, #tpu.memory_space<hbm>> -> memref<8x128xi32, #tpu.memory_space<hbm>>
    %dma_wait3A_232 = tpu.memref_slice %arg3[%multiple_of3A_223, %multiple_of3A_230] : memref<200x16384xi32, #tpu.memory_space<hbm>> -> memref<8x128xi32, #tpu.memory_space<hbm>>
    tpu.wait_dma2 semaphore(%arg15 : memref<!tpu.dma_semaphore, #tpu.memory_space<semaphore_mem>>) src(%dma_wait3A_232 : memref<8x128xi32, #tpu.memory_space<hbm>>) dst(%arg7 : memref<8x128xi32, #tpu.memory_space<vmem>>)
    %multiple_of3A_233 = arith.constant 192 : i32
    %multiple_of3A_234 = tpu.assume_multiple %multiple_of3A_233, 8 : i32
    %mul3A_235 = arith.constant 4 : i32
    %mul3A_236 = arith.muli %add3A, %mul3A_235 : i32
    %add3A_237 = arith.constant 3 : i32
    %add3A_238 = arith.addi %mul3A_236, %add3A_237 : i32
    %mul3A_239 = arith.constant 128 : i32
    %mul3A_240 = arith.muli %add3A_238, %mul3A_239 : i32
    %multiple_of3A_241 = tpu.assume_multiple %mul3A_240, 128 : i32
    %dma_wait3A_242 = arith.constant 0 : i32
    %dma_wait3A_243 = tpu.memref_slice %arg4[%multiple_of3A_234, %dma_wait3A_242, %multiple_of3A_241] : memref<200x16x16384xf32, #tpu.memory_space<hbm>> -> memref<8x16x128xf32, #tpu.memory_space<hbm>>
    %dma_wait3A_244 = arith.constant 0 : i32
    %dma_wait3A_245 = tpu.memref_slice %arg4[%multiple_of3A_234, %dma_wait3A_244, %multiple_of3A_241] : memref<200x16x16384xf32, #tpu.memory_space<hbm>> -> memref<8x16x128xf32, #tpu.memory_space<hbm>>
    tpu.wait_dma2 semaphore(%arg19 : memref<!tpu.dma_semaphore, #tpu.memory_space<semaphore_mem>>) src(%arg11 : memref<8x16x128xf32, #tpu.memory_space<vmem>>) dst(%dma_wait3A_245 : memref<8x16x128xf32, #tpu.memory_space<hbm>>)
    %multiple_of3A_246 = arith.constant 192 : i32
    %multiple_of3A_247 = tpu.assume_multiple %multiple_of3A_246, 8 : i32
    %mul3A_248 = arith.constant 4 : i32
    %mul3A_249 = arith.muli %add3A, %mul3A_248 : i32
    %add3A_250 = arith.constant 3 : i32
    %add3A_251 = arith.addi %mul3A_249, %add3A_250 : i32
    %mul3A_252 = arith.constant 128 : i32
    %mul3A_253 = arith.muli %add3A_251, %mul3A_252 : i32
    %multiple_of3A_254 = tpu.assume_multiple %mul3A_253, 128 : i32
    %dma_wait3A_255 = tpu.memref_slice %arg3[%multiple_of3A_247, %multiple_of3A_254] : memref<200x16384xi32, #tpu.memory_space<hbm>> -> memref<8x128xi32, #tpu.memory_space<hbm>>
    %dma_wait3A_256 = tpu.memref_slice %arg3[%multiple_of3A_247, %multiple_of3A_254] : memref<200x16384xi32, #tpu.memory_space<hbm>> -> memref<8x128xi32, #tpu.memory_space<hbm>>
    tpu.wait_dma2 semaphore(%arg16 : memref<!tpu.dma_semaphore, #tpu.memory_space<semaphore_mem>>) src(%dma_wait3A_256 : memref<8x128xi32, #tpu.memory_space<hbm>>) dst(%arg8 : memref<8x128xi32, #tpu.memory_space<vmem>>)
    %multiple_of3A_257 = arith.constant 192 : i32
    %multiple_of3A_258 = tpu.assume_multiple %multiple_of3A_257, 8 : i32
    %mul3A_259 = arith.constant 4 : i32
    %mul3A_260 = arith.muli %add3A, %mul3A_259 : i32
    %add3A_261 = arith.constant 3 : i32
    %add3A_262 = arith.addi %mul3A_260, %add3A_261 : i32
    %mul3A_263 = arith.constant 128 : i32
    %mul3A_264 = arith.muli %add3A_262, %mul3A_263 : i32
    %multiple_of3A_265 = tpu.assume_multiple %mul3A_264, 128 : i32
    %dma_wait3A_266 = arith.constant 0 : i32
    %dma_wait3A_267 = tpu.memref_slice %arg4[%multiple_of3A_258, %dma_wait3A_266, %multiple_of3A_265] : memref<200x16x16384xf32, #tpu.memory_space<hbm>> -> memref<8x16x128xf32, #tpu.memory_space<hbm>>
    %dma_wait3A_268 = arith.constant 0 : i32
    %dma_wait3A_269 = tpu.memref_slice %arg4[%multiple_of3A_258, %dma_wait3A_268, %multiple_of3A_265] : memref<200x16x16384xf32, #tpu.memory_space<hbm>> -> memref<8x16x128xf32, #tpu.memory_space<hbm>>
    tpu.wait_dma2 semaphore(%arg20 : memref<!tpu.dma_semaphore, #tpu.memory_space<semaphore_mem>>) src(%arg12 : memref<8x16x128xf32, #tpu.memory_space<vmem>>) dst(%dma_wait3A_269 : memref<8x16x128xf32, #tpu.memory_space<hbm>>)
    %multiple_of3A_270 = arith.constant 192 : i32
    %multiple_of3A_271 = tpu.assume_multiple %multiple_of3A_270, 8 : i32
    %mul3A_272 = arith.constant 4 : i32
    %mul3A_273 = arith.muli %add3A, %mul3A_272 : i32
    %add3A_274 = arith.constant 3 : i32
    %add3A_275 = arith.addi %mul3A_273, %add3A_274 : i32
    %mul3A_276 = arith.constant 128 : i32
    %mul3A_277 = arith.muli %add3A_275, %mul3A_276 : i32
    %multiple_of3A_278 = tpu.assume_multiple %mul3A_277, 128 : i32
    %dma_wait3A_279 = tpu.memref_slice %arg3[%multiple_of3A_271, %multiple_of3A_278] : memref<200x16384xi32, #tpu.memory_space<hbm>> -> memref<8x128xi32, #tpu.memory_space<hbm>>
    %dma_wait3A_280 = tpu.memref_slice %arg3[%multiple_of3A_271, %multiple_of3A_278] : memref<200x16384xi32, #tpu.memory_space<hbm>> -> memref<8x128xi32, #tpu.memory_space<hbm>>
    tpu.wait_dma2 semaphore(%arg17 : memref<!tpu.dma_semaphore, #tpu.memory_space<semaphore_mem>>) src(%dma_wait3A_280 : memref<8x128xi32, #tpu.memory_space<hbm>>) dst(%arg9 : memref<8x128xi32, #tpu.memory_space<vmem>>)
    %multiple_of3A_281 = arith.constant 192 : i32
    %multiple_of3A_282 = tpu.assume_multiple %multiple_of3A_281, 8 : i32
    %mul3A_283 = arith.constant 4 : i32
    %mul3A_284 = arith.muli %add3A, %mul3A_283 : i32
    %add3A_285 = arith.constant 3 : i32
    %add3A_286 = arith.addi %mul3A_284, %add3A_285 : i32
    %mul3A_287 = arith.constant 128 : i32
    %mul3A_288 = arith.muli %add3A_286, %mul3A_287 : i32
    %multiple_of3A_289 = tpu.assume_multiple %mul3A_288, 128 : i32
    %dma_wait3A_290 = arith.constant 0 : i32
    %dma_wait3A_291 = tpu.memref_slice %arg4[%multiple_of3A_282, %dma_wait3A_290, %multiple_of3A_289] : memref<200x16x16384xf32, #tpu.memory_space<hbm>> -> memref<8x16x128xf32, #tpu.memory_space<hbm>>
    %dma_wait3A_292 = arith.constant 0 : i32
    %dma_wait3A_293 = tpu.memref_slice %arg4[%multiple_of3A_282, %dma_wait3A_292, %multiple_of3A_289] : memref<200x16x16384xf32, #tpu.memory_space<hbm>> -> memref<8x16x128xf32, #tpu.memory_space<hbm>>
    tpu.wait_dma2 semaphore(%arg21 : memref<!tpu.dma_semaphore, #tpu.memory_space<semaphore_mem>>) src(%arg13 : memref<8x16x128xf32, #tpu.memory_space<vmem>>) dst(%dma_wait3A_293 : memref<8x16x128xf32, #tpu.memory_space<hbm>>)
    return
  }
}

</mosaic_0001>

<sc_bundles>
// kernel: kernel.3.cloned.1.call-start
scs
__scs_entry_jumppad:
0x0: {  	(pc) =	sbr.rel $0x88, $3  }
0x1: {  	(tag) =	ssettag $0x0;
	lr =	simm.s32 $0x1  }
0x2: {  	[smem:$0x3F9F] =	sst lr;
	_ =	strace $0xD0000000  }
0x3: {  	_ = 	snop  }
0x4: {  	_ = 	snop  }
0x5: {  	_ = 	snop  }
0x6: {  	_ = 	snop  }
0x7: {  	_ = 	snop  }
__scs_overlays_trampoline_lowered:
0x8: {  	[smem:$0x3FAE] =	sst s0  }
0x9: {  	[smem:$0x3FAF] =	sst s1  }
0xa: {  	[smem:$0x3FB0] =	sst s2  }
0xb: {  	[smem:$0x3FB1] =	sst s3  }
0xc: {  	[smem:$0x3FB2] =	sst s4  }
0xd: {  	[smem:$0x3FB3] =	sst s5  }
0xe: {  	[smem:$0x3FB4] =	sst s6  }
0xf: {  	[smem:$0x3FB5] =	sst s7  }
0x10: {  	[smem:$0x3FB6] =	sst s8  }
0x11: {  	[smem:$0x3FB7] =	sst s9;
	s0 =	simm.s32 @!p0 $0x0  }
0x12: {  	s1 =	sld [smem:$0x3F9D];
	s0 =	simm.s32 @p0 $0x1  }
0x13: {  	[smem:$0x3FB8] =	sst s0;
	s0 =	simm.s32 @!p1 $0x0  }
0x14: {  	s2 =	sld [smem:$0x3F9C];
	s0 =	simm.s32 @p1 $0x1  }
0x15: {  	[smem:$0x3FB9] =	sst s0;
	s0 =	simm.s32 @!p2 $0x0  }
0x16: {  	s3 =	sld [smem:$0x3FDB];
	s0 =	simm.s32 @p2 $0x1  }
0x17: {  	s4 =	simm.s32 $0x1BF5;
	[smem:$0x3FBB] =	sst s0  }
0x18: {  	s0 =	sld [smem:$0x3F9E];
	_ =	swait.ge [sflag:s4], $0x0  }
0x19: {  	s7 =	sld [smem:$0x3F9F]  }
0x1a: {  	s8 =	sadd.s32 $0xFFFFE003, lr  }
0x1b: {  	s9 =	sadd.s32 $0xFFFFFEF7, lr;
	s5 =	simm.s32 $0xFFFFFFFF;
	p2 =	slt.u32 s8, $0xFFFFF086  }
0x1c: {  	p1 =	slt.u32 s9, $0xF7A;
	s5 =	simm.s32 @!p2 $0x0  }
0x1d: {  	s5 =	simm.s32 @p1 $0x1;
	p0 =	seq.s32 s7, s2  }
0x1e: {  	s7 =	smul.u32 @!p0 $0xF7A, s2;
	p2 =	seq.s32 @!p0 s5, $0x0  }
0x1f: {  	s9 =	smul.u32 $0xF7A, s1;
	s8 =	simm.s32 @!p0 $0x1BF5;
	p2 =	por !p2, p0  }
0x20: {  	[sflag:s8] =	ssyncset.s32 @!p0 $0xFFFFF086;
	s6 =	sadd.s32 @!p0 s3, s7;
	s7 =	simm.s32 @!p0 $0x108  }
0x21: {  	s3 =	sadd.s32 s3, s9;
	s6 =	sadd.s32 @!p0 $0x88, s6;
	s7 =	simm.s32 @p2 $0x1082  }
0x22: {  	[simem:s7], [sflag:s8] =	dma.local @!p0 [hbm:s6], $0xF7A  }
0x23: {  	s9 =	sor.u32 $0xD0000000, s2;
	s6 =	simm.s32 $0x108;
	_ =	swait.ge @!p0 [sflag:s8], $0x0  }
0x24: {  	s3 =	sadd.s32 $0x88, s3;
	s6 =	simm.s32 @!p1 $0x1082;
	[sflag:s4] =	ssyncset.s32 $0xFFFFF086  }
0x25: {  	[simem:s6], [sflag:s4] =	dma.local [hbm:s3], $0xF7A  }
0x26: {  	[smem:$0x3F9F] =	sst s1;
	(tag) =	ssettag s2;
	_ =	strace s9  }
0x27: {  	s1 =	sld [smem:$0x3FAF]  }
0x28: {  	s2 =	sld [smem:$0x3FB0]  }
0x29: {  	s4 =	sld [smem:$0x3FB2]  }
0x2a: {  	p0 =	seq.s32 s5, $0x0;
	s5 =	sld [smem:$0x3FB3]  }
0x2b: {  	s6 =	sld [smem:$0x3FB4]  }
0x2c: {  	s7 =	sld [smem:$0x3FB5]  }
0x2d: {  	s3 =	simm.s32 $0x108;
	s8 =	sld [smem:$0x3FB6]  }
0x2e: {  	s3 =	simm.s32 @!p0 $0x1082;
	s9 =	sld [smem:$0x3FB7]  }
0x2f: {  	lr =	sadd.s32 s0, s3;
	s0 =	sld [smem:$0x3FAE]  }
0x30: {  	s3 =	sld [smem:$0x3FB1]  }
0x31: {  	[smem:$0x3FBA] =	sst s10  }
0x32: {  	s10 =	sld [smem:$0x3FB8];
	_ =	sdelay $0x3  }
0x33: {  	p0 =	seq.s32 s10, $0x1;
	s10 =	sld [smem:$0x3FBA];
	_ =	sdelay $0x3  }
0x34: {  	[smem:$0x3FBA] =	sst s10  }
0x35: {  	s10 =	sld [smem:$0x3FB9];
	_ =	sdelay $0x3  }
0x36: {  	p1 =	seq.s32 s10, $0x1;
	s10 =	sld [smem:$0x3FBA];
	_ =	sdelay $0x3  }
0x37: {  	[smem:$0x3FBA] =	sst s10  }
0x38: {  	s10 =	sld [smem:$0x3FBB]  }
0x39: {  	_ = 	snop;
	(pc) =	sbr.ind lr, $3  }
0x3a: {  	_ = 	snop  }
0x3b: {  	_ = 	snop  }
0x3c: {  	p2 =	seq.s32 s10, $0x1;
	s10 =	sld [smem:$0x3FBA]  }
0x3d: {  	_ =	shalt  }
0x3e: {  	_ =	shalt  }
0x3f: {  	_ =	shalt  }
0x40: {  	_ =	shalt  }
0x41: {  	_ =	shalt  }
0x42: {  	_ =	shalt  }
0x43: {  	_ =	shalt  }
0x44: {  	_ =	shalt  }
0x45: {  	_ =	shalt  }
0x46: {  	_ =	shalt  }
0x47: {  	_ =	shalt  }
0x48: {  	_ =	shalt  }
0x49: {  	_ =	shalt  }
0x4a: {  	_ =	shalt  }
0x4b: {  	_ =	shalt  }
0x4c: {  	_ =	shalt  }
0x4d: {  	_ =	shalt  }
0x4e: {  	_ =	shalt  }
0x4f: {  	_ =	shalt  }
0x50: {  	_ =	shalt  }
0x51: {  	_ =	shalt  }
0x52: {  	_ =	shalt  }
0x53: {  	_ =	shalt  }
0x54: {  	_ =	shalt  }
0x55: {  	_ =	shalt  }
0x56: {  	_ =	shalt  }
0x57: {  	_ =	shalt  }
0x58: {  	_ =	shalt  }
0x59: {  	_ =	shalt  }
0x5a: {  	_ =	shalt  }
0x5b: {  	_ =	shalt  }
0x5c: {  	_ =	shalt  }
0x5d: {  	_ =	shalt  }
0x5e: {  	_ =	shalt  }
0x5f: {  	_ =	shalt  }
0x60: {  	_ =	shalt  }
0x61: {  	_ =	shalt  }
0x62: {  	_ =	shalt  }
0x63: {  	_ =	shalt  }
0x64: {  	_ =	shalt  }
0x65: {  	_ =	shalt  }
0x66: {  	_ =	shalt  }
0x67: {  	_ =	shalt  }
0x68: {  	_ =	shalt  }
0x69: {  	_ =	shalt  }
0x6a: {  	_ =	shalt  }
0x6b: {  	_ =	shalt  }
0x6c: {  	_ =	shalt  }
0x6d: {  	_ =	shalt  }
0x6e: {  	_ =	shalt  }
0x6f: {  	_ =	shalt  }
0x70: {  	_ =	shalt  }
0x71: {  	_ =	shalt  }
0x72: {  	_ =	shalt  }
0x73: {  	_ =	shalt  }
0x74: {  	_ =	shalt  }
0x75: {  	_ =	shalt  }
0x76: {  	_ =	shalt  }
0x77: {  	_ =	shalt  }
0x78: {  	_ =	shalt  }
0x79: {  	_ =	shalt  }
0x7a: {  	_ =	shalt  }
0x7b: {  	_ =	shalt  }
0x7c: {  	_ =	shalt  }
0x7d: {  	_ =	shalt  }
0x7e: {  	_ =	shalt  }
0x7f: {  	_ =	shalt  }
0x80: {  	_ =	shalt  }
0x81: {  	_ =	shalt  }
0x82: {  	_ =	shalt  }
0x83: {  	_ =	shalt  }
0x84: {  	_ =	shalt  }
0x85: {  	_ =	shalt  }
0x86: {  	_ =	shalt  }
0x87: {  	_ =	shalt  }
.Lfunc_end0:
.L_simem_size_0:
called_computation_lowered:
.L_overlay_start_0:
0x88: {  	s2 =	sld [smem:$0x3FD9]  }
0x89: {  	s3 =	sld [smem:$0x3FFE];
	_ =	sdelay $0x1  }
0x8a: {  	s1 =	srdreg.scid  }
0x8b: {  	s0 =	sand.u32 $0x1, s1  }
0x8c: {  	s18 =	sshll.u32 s0, $0xA;
	s2 =	sadd.s32 s3, s2  }
0x8d: {  	s2 =	sadd.s32 s2, s18  }
0x8e: {  	[smem:$0x3FC6] =	sst s2  }
0x8f: {  	_ = 	snop  }
0x90: {  	s2 =	sld [smem:$0x3FC9]  }
0x91: {  	s19 =	sld [smem:$0x3FC8]  }
0x92: {  	s4 =	sld [smem:$0x3FD0];
	(tm) =	ssettm $0x1  }
0x93: {  	s5 =	sld [smem:$0x3FFB];
	_ =	sdelay $0x3  }
0x94: {  	_ =	strace s5  }
0x95: {  	s5 =	sld [smem:$0x3FFC];
	_ =	sdelay $0x3  }
0x96: {  	_ =	strace s5  }
0x97: {  	s5 =	sld [smem:$0x3FFD];
	_ =	sdelay $0x3  }
0x98: {  	_ =	strace s5  }
0x99: {  	_ =	strace $0x8FFFFFFF  }
0x9a: {  	s20 =	sld [smem:$0x3FDB];
	_ =	sdelay $0x1  }
0x9b: {  	s6 =	simm.s32 $_scs_section_size  }
0x9c: {  	s7 =	simm.s32 $_size__tile_overlayer_lowered;
	s8 =	simm.s32 $_tile_overlayer_lowered  }
0x9d: {  	s23 =	simm.s32 $0x1BFF;
	s22 =	sshll.u32 s8, $0x1;
	s5 =	sadd.s32 s6, s20  }
0x9e: {  	s9 =	simm.s32 $0x0;
	s21 =	sshll.u32 s7, $0x1;
	s7 =	sadd.s32 s22, s5  }
0x9f: {  	[timem:s9], [sflag:s23] =	dma.local [hbm:s7], s21  }
0xa0: {  	_ =	swait.ge [sflag:s23], s21  }
0xa1: {  	s6 =	ssub.s32 $0x0, s21;
	[sflag:s23] =	ssyncset.done $0x0  }
0xa2: {  	[sflag:s23] =	ssyncadd.s32 s6;
	_ =	sdelay $0x1  }
0xa3: {  	s24 =	simm.s32 $0x1B8B  }
0xa4: {  	_ =	swait.ge [sflag:s24], $0x1  }
0xa5: {  	[sflag:s24] =	ssyncset.done $0x0  }
0xa6: {  	s25 =	simm.s32 $0x1B8E;
	[sflag:s24] =	ssyncadd.s32 $0xFFFFFFFF  }
0xa7: {  	s26 =	simm.s32 $execute0_lowered;
	[smem:$0x3FD2] =	sst s25  }
0xa8: {  	s6 =	sshll.u32 s26, $0x1;
	_ =	strace $0x80000046;
	[dreg:$0x1] =	wrdreg $0xFFFFFFFF  }
0xa9: {  	s28 =	simm.s32 $_size_execute0_lowered;
	s5 =	sadd.s32 s5, s6;
	[dreg:$0x0] =	wrdreg $0x0  }
0xaa: {  	s6 =	sshll.u32 s28, $0x1;
	[dreg:$0x2] =	wrdreg s5  }
0xab: {  	[dreg:$0x3] =	wrdreg s6  }
0xac: {  	[dreg:$0x4] =	wrdreg $0xC0  }
0xad: {  	_ =	task [dreg:s9], $0x5FFFF  }
0xae: {  	[dreg:$0x1] =	wrdreg $0xFFFFFFFF  }
0xaf: {  	[dreg:$0x0] =	wrdreg $0x60  }
0xb0: {  	[dreg:$0x2] =	wrdreg s19  }
0xb1: {  	[dreg:$0x3] =	wrdreg s2  }
0xb2: {  	[dreg:$0x4] =	wrdreg s4  }
0xb3: {  	[dreg:$0x5] =	wrdreg $0x9  }
0xb4: {  	_ =	task.clear_ibuf [dreg:s9], $0x6FFFF;
	_ =	strace $0x90000046  }
0xb5: {  	s29 =	simm.s32 $0x9;
	_ =	strace $0x80000048  }
0xb6: {  	_ =	swait.ge [sflag:s29], $0x1  }
0xb7: {  	[sflag:s29] =	ssyncadd.s32 $0xFFFFFFFF  }
0xb8: {  	_ =	strace $0x90000048  }
0xb9: {  	_ =	sfence  }
0xba: {  	s30 =	sld [smem:$0x0];
	_ =	sdelay $0x2  }
0xbb: {  	s31 =	sshll.u32 s1, $0xD;
	s1 =	sshrl.u32 s1, $0x2  }
0xbc: {  	s3 =	sand.u32 $0x4000, s31;
	s1 =	sadd.s32 s1, s30  }
0xbd: {  	s0 =	sor.u32 s3, s0;
	s1 =	sshll.u32 s1, $0x11  }
0xbe: {  	s0 =	sor.u32 s1, s0  }
0xbf: {  	s0 =	sadd.s32 $0x8F2B, s0  }
0xc0: {  	[sflag:s0] =	ssyncadd.remote.s32 $0x1  }
0xc1: {  	_ =	sfence.sel $0xFFFF  }
0xc2: {  	[dreg:$0x0] =	wrdreg $0xFFFFFFFF;
	(pc) =	sbr.abs _section_cstart, $3  }
0xc3: {  	[dreg:$0x1] =	wrdreg $0xFFFFFFFF  }
0xc4: {  	_ =	task.clear_ibuf [dreg:s9], $0x2FFFF;
	_ =	strace $0x9FFFFFFF  }
0xc5: {  	(tm) =	ssettm $0x7FFFFFFF  }
tec
execute0_lowered:
.L_overlay_start_1:
0x0: {  	(tag) =	ssettag $0x1  }
0x1: {  	s0 =	srdreg.scid;
	s1 =	stileid.u32  }
0x2: {  	s0 =	sand.u32 $0x1, s0;
	s1 =	sshll.u32 s1, $0x1  }
0x3: {  	s3 =	rddreg [dreg:$0x1];
	s2 =	ssub.s32 $0x2, s0;
	s0 =	sor.u32 s0, s1  }
0x4: {  	s4 =	rddreg [dreg:$0x2];
	s5 =	simm.s32 $0x0;
	s6 =	sshll.u32 s0, $0x9  }
0x5: {  	[smem:$0x7FF] =	sst s5;
	s20 =	sadd.s32 s3, s6;
	s6 =	sadd.s32 s4, s6  }
0x6: {  	_ =	strace $0x80000047;
	[dreg:$0x7] =	wrdreg s6  }
0x7: {  	s7 =	sadd.s32 $0x4000, s20;
	[dreg:$0x4] =	wrdreg s20  }
0x8: {  	s21 =	sadd.s32 $0x8000, s20;
	[dreg:$0x5] =	wrdreg s7  }
0x9: {  	s22 =	sadd.s32 $0xC000, s20;
	[dreg:$0x6] =	wrdreg s21  }
0xa: {  	s28 =	simm.s32 $0x20000;
	s23 =	sadd.s32 $0x10000, s20;
	[dreg:$0x8] =	wrdreg s22  }
0xb: {  	s30 =	simm.s32 $0x2;
	s24 =	sadd.s32 $0x40000, s6;
	[dreg:$0x9] =	wrdreg s23  }
0xc: {  	s8 =	simm.s32 $0x5;
	s25 =	sadd.s32 $0x14000, s20;
	[dreg:$0xa] =	wrdreg s24  }
0xd: {  	s10 =	simm.s32 $0x6;
	s26 =	sadd.s32 $0x80000, s6;
	[dreg:$0xb] =	wrdreg s25  }
0xe: {  	s11 =	simm.s32 $0x7;
	s29 =	sadd.s32 $0x18000, s20;
	[dreg:$0xc] =	wrdreg s26  }
0xf: {  	s19 =	sshrl.u32 s2, $0x1;
	s6 =	sadd.s32 $0xC0000, s6;
	[dreg:$0xd] =	wrdreg s29  }
0x10: {  	s1 =	ssub.s32 s2, s19;
	s2 =	sadd.s32 $0x1C000, s20;
	[dreg:$0xe] =	wrdreg s6  }
0x11: {  	s12 =	simm.s32 $0x8;
	s31 =	smax.u32 s1, $0x1;
	[dreg:$0xf] =	wrdreg s2  }
0x12: {  	s18 =	sshll.u32 s0, $0x2;
	s0 =	simm.s32 $0x3;
	[dreg:$0x10] =	wrdreg s31  }
0x13: {  	s23 =	simm.s32 $0x1000;
	s24 =	simm.s32 $0x1400;
	s25 =	simm.s32 $0x1  }
0x14: {  	s26 =	simm.s32 $0x400;
	s2 =	simm.s32 $0x4;
	s6 =	simm.s32 $0x0  }
.LBB2_1:
0x15: {  	[dreg:$0x11] =	wrdreg s6  }
0x16: {  	s1 =	rddreg [dreg:$0x0];
	s22 =	simm.s32 $0x9  }
0x17: {  	[tilespmem:s5], [sflag:$0x9] =	stream.linear.gather [hbm4b:s1+s5], $0x800, $0x38;
	[tilespmem:$0x11800] =	vst v63  }
0x18: {  	_ =	swait.ge [sflag:s22], $0x800  }
0x19: {  	[sflag:s22] =	ssyncset.done $0x0  }
0x1a: {  	s31 =	simm.s32 $0x800;
	s29 =	rddreg [dreg:$0x4];
	[sflag:s22] =	ssyncadd.s32 $0xFFFFF800  }
0x1b: {  	[tilespmem:s31], [sflag:$0x1] =	stream.linear.gather [hbm4b:s29+s5], $0x400, $0x38;
	[tilespmem:$0x11800] =	vst v63  }
0x1c: {  	s9 =	simm.s32 $0xC00;
	s7 =	rddreg [dreg:$0x5]  }
0x1d: {  	[tilespmem:s9], [sflag:$0x2] =	stream.linear.gather [hbm4b:s7+s5], $0x400, $0x38;
	[tilespmem:$0x11800] =	vst v63  }
0x1e: {  	s13 =	rddreg [dreg:$0x6]  }
0x1f: {  	[tilespmem:s23], [sflag:$0x3] =	stream.linear.gather [hbm4b:s13+s5], $0x400, $0x38;
	[tilespmem:$0x11800] =	vst v63  }
0x20: {  	s15 =	simm.s32 $0x0;
	s14 =	rddreg [dreg:$0x8]  }
0x21: {  	[tilespmem:s24], [sflag:$0x4] =	stream.linear.gather [hbm4b:s14+s5], $0x400, $0x38;
	[tilespmem:$0x11800] =	vst v63  }
0x22: {  	s16 =	sand.u32 $0x60, s5;
	s1 =	sand.u32 $0x3FFFFF80, s15;
	_ =	swait.ge [sflag:s25], $0x400  }
0x23: {  	s1 =	sadd.s32 $0x800, s1;
	s7 =	sor.u32 $0x10, s16;
	[sflag:s25] =	ssyncset.done $0x0  }
0x24: {  	s9 =	sor.u32 s7, s1;
	[sflag:s25] =	ssyncadd.s32 $0xFFFFFC00  }
0x25: {  	v4 =	vld [tilespmem:s9+$0x0];
	_ =	sdelay $0x1  }
0x26: {  	s1 =	sor.u32 s16, s1  }
0x27: {  	v3 =	vld [tilespmem:s1+$0x0];
	_ =	sdelay $0x4  }
0x28: {  	v0 =	vld.idx.msk [tilespmem:v4+s5+$0x0], $0xffff  }
0x29: {  	s17 =	simm.s32 $0x0;
	v1 =	vadd.s32 $0x80, v4  }
0x2a: {  	s1 =	sand.u32 $0x3FFFF800, s17  }
0x2b: {  	s1 =	sadd.s32 $0x1800, s1;
	v2 =	vld.idx.msk [tilespmem:v3+s5+$0x0], $0xffff  }
0x2c: {  	s20 =	sor.u32 s7, s1;
	v5 =	vadd.s32 $0x80, v3  }
0x2d: {  	[tilespmem:s20+$0x0] =	vst v0  }
0x2e: {  	v0 =	vld.idx.msk [tilespmem:v1+s5+$0x0], $0xffff  }
0x2f: {  	s14 =	sor.u32 s16, s1;
	v1 =	vadd.s32 $0x100, v4  }
0x30: {  	[tilespmem:s14+$0x0] =	vst v2  }
0x31: {  	v2 =	vld.idx.msk [tilespmem:v5+s5+$0x0], $0xffff  }
0x32: {  	v5 =	vadd.s32 $0x100, v3  }
0x33: {  	[tilespmem:s20+$0x80] =	vst v0  }
0x34: {  	v0 =	vld.idx.msk [tilespmem:v1+s5+$0x0], $0xffff  }
0x35: {  	v1 =	vadd.s32 $0x180, v4  }
0x36: {  	[tilespmem:s14+$0x80] =	vst v2  }
0x37: {  	v6 =	vld.idx.msk [tilespmem:v5+s5+$0x0], $0xffff  }
0x38: {  	s19 =	simm.s32 $0x20;
	s21 =	simm.s32 $0x20;
	v7 =	vadd.s32 $0x180, v3  }
0x39: {  	s6 =	sand.u32 $0x60, s21;
	s1 =	sand.u32 $0x3FFFFF80, s19;
	[tilespmem:s20+$0x100] =	vst v0  }
0x3a: {  	s22 =	sor.u32 $0x10, s6;
	s1 =	sadd.s32 $0x800, s1;
	v1 =	vld.idx.msk [tilespmem:v1+s5+$0x0], $0xffff  }
0x3b: {  	s29 =	sor.u32 s22, s1;
	v2 =	vadd.s32 $0x200, v4  }
0x3c: {  	v0 =	vld [tilespmem:s29+$0x0];
	[tilespmem:s14+$0x100] =	vst v6  }
0x3d: {  	v6 =	vld.idx.msk [tilespmem:v7+s5+$0x0], $0xffff  }
0x3e: {  	s1 =	sor.u32 s6, s1;
	v7 =	vadd.s32 $0x200, v3  }
0x3f: {  	v5 =	vld [tilespmem:s1+$0x0];
	[tilespmem:s20+$0x180] =	vst v1  }
0x40: {  	v1 =	vld.idx.msk [tilespmem:v2+s5+$0x0], $0xffff  }
0x41: {  	v2 =	vadd.s32 $0x280, v4  }
0x42: {  	[tilespmem:s14+$0x180] =	vst v6  }
0x43: {  	v7 =	vld.idx.msk [tilespmem:v7+s5+$0x0], $0xffff  }
0x44: {  	v11 =	vadd.s32 $0x280, v3  }
0x45: {  	v8 =	vld.idx.msk [tilespmem:v0+s5+$0x0], $0xffff;
	[tilespmem:s20+$0x200] =	vst v1  }
0x46: {  	s31 =	simm.s32 $0x200;
	v1 =	vld.idx.msk [tilespmem:v2+s5+$0x0], $0xffff;
	v2 =	vadd.s32 $0x80, v0  }
0x47: {  	v9 =	vadd.s32 $0x300, v4;
	s1 =	sand.u32 $0x3FFFF800, s31  }
0x48: {  	s1 =	sadd.s32 $0x1800, s1;
	v10 =	vld.idx.msk [tilespmem:v5+s5+$0x0], $0xffff;
	[tilespmem:s14+$0x200] =	vst v7  }
0x49: {  	s15 =	sor.u32 s22, s1;
	v6 =	vadd.s32 $0x80, v5;
	v7 =	vld.idx.msk [tilespmem:v11+s5+$0x0], $0xffff  }
0x4a: {  	[tilespmem:s15+$0x0] =	vst v8;
	v11 =	vadd.s32 $0x300, v3  }
0x4b: {  	v2 =	vld.idx.msk [tilespmem:v2+s5+$0x0], $0xffff;
	[tilespmem:s20+$0x280] =	vst v1  }
0x4c: {  	s16 =	sor.u32 s6, s1;
	v8 =	vadd.s32 $0x100, v0;
	v1 =	vld.idx.msk [tilespmem:v9+s5+$0x0], $0xffff  }
0x4d: {  	[tilespmem:s16+$0x0] =	vst v10;
	v9 =	vadd.s32 $0x380, v4  }
0x4e: {  	v6 =	vld.idx.msk [tilespmem:v6+s5+$0x0], $0xffff;
	[tilespmem:s14+$0x280] =	vst v7  }
0x4f: {  	v10 =	vadd.s32 $0x100, v5;
	v7 =	vld.idx.msk [tilespmem:v11+s5+$0x0], $0xffff  }
0x50: {  	v11 =	vadd.s32 $0x380, v3;
	[tilespmem:s15+$0x80] =	vst v2  }
0x51: {  	v2 =	vld.idx.msk [tilespmem:v8+s5+$0x0], $0xffff;
	[tilespmem:s20+$0x300] =	vst v1  }
0x52: {  	s13 =	simm.s32 $0x40;
	s9 =	simm.s32 $0x40;
	v8 =	vadd.s32 $0x180, v0;
	v1 =	vld.idx.msk [tilespmem:v9+s5+$0x0], $0xffff  }
0x53: {  	s6 =	sand.u32 $0x60, s13;
	s1 =	sand.u32 $0x3FFFFF80, s9;
	[tilespmem:s16+$0x80] =	vst v6;
	v6 =	vadd.s32 $0x400, v4  }
0x54: {  	s1 =	sadd.s32 $0x800, s1;
	s17 =	sor.u32 $0x10, s6;
	[tilespmem:s14+$0x300] =	vst v7;
	v9 =	vld.idx.msk [tilespmem:v10+s5+$0x0], $0xffff  }
0x55: {  	s19 =	sor.u32 s17, s1;
	s1 =	sor.u32 s6, s1;
	v10 =	vadd.s32 $0x180, v5;
	v12 =	vld.idx.msk [tilespmem:v11+s5+$0x0], $0xffff  }
0x56: {  	v11 =	vld [tilespmem:s1+$0x0];
	[tilespmem:s15+$0x100] =	vst v2  }
0x57: {  	v13 =	vadd.s32 $0x400, v3;
	v2 =	vld.idx.msk [tilespmem:v8+s5+$0x0], $0xffff;
	[tilespmem:s20+$0x380] =	vst v1  }
0x58: {  	v8 =	vadd.s32 $0x200, v0;
	v6 =	vld.idx.msk [tilespmem:v6+s5+$0x0], $0xffff  }
0x59: {  	[tilespmem:s16+$0x100] =	vst v9;
	v9 =	vadd.s32 $0x480, v4;
	v1 =	vld [tilespmem:s19+$0x0]  }
0x5a: {  	v10 =	vld.idx.msk [tilespmem:v10+s5+$0x0], $0xffff  }
0x5b: {  	v7 =	vadd.s32 $0x200, v5;
	[tilespmem:s14+$0x380] =	vst v12  }
0x5c: {  	v12 =	vld.idx.msk [tilespmem:v13+s5+$0x0], $0xffff;
	[tilespmem:s15+$0x180] =	vst v2  }
0x5d: {  	v2 =	vld.idx.msk [tilespmem:v8+s5+$0x0], $0xffff;
	[tilespmem:s20+$0x400] =	vst v6  }
0x5e: {  	v13 =	vadd.s32 $0x480, v3;
	v6 =	vld.idx.msk [tilespmem:v9+s5+$0x0], $0xffff  }
0x5f: {  	v8 =	vadd.s32 $0x280, v0;
	[tilespmem:s16+$0x180] =	vst v10  }
0x60: {  	v9 =	vadd.s32 $0x500, v4;
	v7 =	vld.idx.msk [tilespmem:v7+s5+$0x0], $0xffff  }
0x61: {  	v15 =	vld.idx.msk [tilespmem:v11+s5+$0x0], $0xffff;
	v10 =	vadd.s32 $0x280, v5;
	[tilespmem:s14+$0x400] =	vst v12  }
0x62: {  	s21 =	simm.s32 $0x400;
	v16 =	vadd.s32 $0x80, v11;
	v14 =	vld.idx.msk [tilespmem:v1+s5+$0x0], $0xffff;
	[tilespmem:s15+$0x200] =	vst v2  }
0x63: {  	s1 =	sand.u32 $0x3FFFF800, s21;
	v13 =	vld.idx.msk [tilespmem:v13+s5+$0x0], $0xffff;
	[tilespmem:s20+$0x480] =	vst v6;
	v6 =	vadd.s32 $0x80, v1  }
0x64: {  	s1 =	sadd.s32 $0x1800, s1;
	v2 =	vld.idx.msk [tilespmem:v8+s5+$0x0], $0xffff  }
0x65: {  	s22 =	simm.s32 $0x60;
	s6 =	sor.u32 s6, s1;
	s19 =	simm.s32 $0x60;
	[tilespmem:s16+$0x200] =	vst v7;
	v8 =	vld.idx.msk [tilespmem:v9+s5+$0x0], $0xffff;
	v9 =	vadd.s32 $0x300, v0  }
0x66: {  	s7 =	sand.u32 $0x3FFFFF80, s22;
	s9 =	sor.u32 s17, s1;
	s29 =	sand.u32 $0x60, s19;
	[tilespmem:s6+$0x0] =	vst v15;
	v7 =	vadd.s32 $0x580, v4;
	v10 =	vld.idx.msk [tilespmem:v10+s5+$0x0], $0xffff  }
0x67: {  	s7 =	sadd.s32 $0x800, s7;
	s13 =	sor.u32 $0x10, s29;
	v12 =	vadd.s32 $0x300, v5;
	v15 =	vld.idx.msk [tilespmem:v16+s5+$0x0], $0xffff;
	[tilespmem:s9+$0x0] =	vst v14  }
0x68: {  	s17 =	sor.u32 s13, s7;
	s7 =	sor.u32 s29, s7;
	[tilespmem:s14+$0x480] =	vst v13;
	v14 =	vadd.s32 $0x500, v3;
	v6 =	vld.idx.msk [tilespmem:v6+s5+$0x0], $0xffff  }
0x69: {  	v21 =	vld [tilespmem:s7+$0x0];
	v16 =	vadd.s32 $0x100, v11;
	[tilespmem:s15+$0x280] =	vst v2  }
0x6a: {  	v2 =	vld.idx.msk [tilespmem:v9+s5+$0x0], $0xffff;
	[tilespmem:s20+$0x500] =	vst v8;
	v8 =	vadd.s32 $0x100, v1  }
0x6b: {  	v9 =	vadd.s32 $0x380, v0;
	[tilespmem:s16+$0x280] =	vst v10;
	v7 =	vld.idx.msk [tilespmem:v7+s5+$0x0], $0xffff  }
0x6c: {  	[tilespmem:s6+$0x80] =	vst v15;
	v10 =	vadd.s32 $0x600, v4;
	v12 =	vld.idx.msk [tilespmem:v12+s5+$0x0], $0xffff  }
0x6d: {  	v13 =	vadd.s32 $0x380, v5;
	[tilespmem:s9+$0x80] =	vst v6;
	v6 =	vld.idx.msk [tilespmem:v14+s5+$0x0], $0xffff  }
0x6e: {  	v15 =	vld.idx.msk [tilespmem:v16+s5+$0x0], $0xffff;
	v14 =	vadd.s32 $0x580, v3  }
0x6f: {  	v16 =	vadd.s32 $0x180, v11;
	v8 =	vld.idx.msk [tilespmem:v8+s5+$0x0], $0xffff;
	[tilespmem:s15+$0x300] =	vst v2  }
0x70: {  	v2 =	vld.idx.msk [tilespmem:v9+s5+$0x0], $0xffff;
	[tilespmem:s20+$0x580] =	vst v7;
	v7 =	vadd.s32 $0x180, v1  }
0x71: {  	[tilespmem:s16+$0x300] =	vst v12;
	v9 =	vld.idx.msk [tilespmem:v10+s5+$0x0], $0xffff  }
0x72: {  	v10 =	vadd.s32 $0x400, v0;
	v13 =	vld.idx.msk [tilespmem:v13+s5+$0x0], $0xffff;
	[tilespmem:s14+$0x500] =	vst v6  }
0x73: {  	[tilespmem:s6+$0x100] =	vst v15;
	v12 =	vadd.s32 $0x680, v4;
	v6 =	vld.idx.msk [tilespmem:v14+s5+$0x0], $0xffff  }
0x74: {  	[tilespmem:s9+$0x100] =	vst v8;
	v14 =	vld.idx.msk [tilespmem:v16+s5+$0x0], $0xffff  }
0x75: {  	v16 =	vadd.s32 $0x400, v5;
	v7 =	vld.idx.msk [tilespmem:v7+s5+$0x0], $0xffff  }
0x76: {  	v17 =	vadd.s32 $0x200, v11;
	[tilespmem:s15+$0x380] =	vst v2;
	v2 =	vld [tilespmem:s17+$0x0]  }
0x77: {  	v8 =	vld.idx.msk [tilespmem:v10+s5+$0x0], $0xffff;
	[tilespmem:s20+$0x600] =	vst v9;
	v9 =	vadd.s32 $0x200, v1  }
0x78: {  	[tilespmem:s16+$0x380] =	vst v13;
	v10 =	vld.idx.msk [tilespmem:v12+s5+$0x0], $0xffff;
	v12 =	vadd.s32 $0x480, v0  }
0x79: {  	v15 =	vadd.s32 $0x700, v4;
	[tilespmem:s6+$0x180] =	vst v14  }
0x7a: {  	v13 =	vld.idx.msk [tilespmem:v16+s5+$0x0], $0xffff;
	[tilespmem:s14+$0x580] =	vst v6  }
0x7b: {  	[tilespmem:s9+$0x180] =	vst v7;
	v6 =	vld.idx.msk [tilespmem:v17+s5+$0x0], $0xffff  }
0x7c: {  	v7 =	vadd.s32 $0x600, v3;
	v9 =	vld.idx.msk [tilespmem:v9+s5+$0x0], $0xffff;
	[tilespmem:s15+$0x400] =	vst v8  }
0x7d: {  	v8 =	vld.idx.msk [tilespmem:v12+s5+$0x0], $0xffff;
	[tilespmem:s20+$0x680] =	vst v10;
	v10 =	vadd.s32 $0x280, v1  }
0x7e: {  	v14 =	vadd.s32 $0x500, v0;
	v12 =	vld.idx.msk [tilespmem:v15+s5+$0x0], $0xffff  }
0x7f: {  	v15 =	vadd.s32 $0x280, v11;
	v16 =	vld.idx.msk [tilespmem:v2+s5+$0x0], $0xffff;
	[tilespmem:s16+$0x400] =	vst v13  }
0x80: {  	s31 =	simm.s32 $0x600;
	v4 =	vadd.s32 $0x780, v4;
	v13 =	vld.idx.msk [tilespmem:v21+s5+$0x0], $0xffff;
	[tilespmem:s6+$0x200] =	vst v6  }
0x81: {  	s7 =	sand.u32 $0x3FFFF800, s31;
	v7 =	vld.idx.msk [tilespmem:v7+s5+$0x0], $0xffff;
	[tilespmem:s9+$0x200] =	vst v9;
	v9 =	vadd.s32 $0x480, v5  }
0x82: {  	s7 =	sadd.s32 $0x1800, s7;
	v19 =	vadd.s32 $0x80, v21;
	v10 =	vld.idx.msk [tilespmem:v10+s5+$0x0], $0xffff;
	[tilespmem:s15+$0x480] =	vst v8  }
0x83: {  	v18 =	vadd.s32 $0x680, v3;
	s17 =	sor.u32 s13, s7;
	v14 =	vld.idx.msk [tilespmem:v14+s5+$0x0], $0xffff;
	[tilespmem:s20+$0x700] =	vst v12  }
0x84: {  	s13 =	sor.u32 s29, s7;
	v8 =	vadd.s32 $0x80, v2;
	v15 =	vld.idx.msk [tilespmem:v15+s5+$0x0], $0xffff;
	[tilespmem:s17+$0x0] =	vst v16  }
0x85: {  	v12 =	vadd.s32 $0x300, v1;
	v4 =	vld.idx.msk [tilespmem:v4+s5+$0x0], $0xffff;
	[tilespmem:s13+$0x0] =	vst v13  }
0x86: {  	v17 =	vadd.s32 $0x580, v0;
	[tilespmem:s14+$0x600] =	vst v7;
	v16 =	vld.idx.msk [tilespmem:v9+s5+$0x0], $0xffff  }
0x87: {  	v32 =	vld.idx.msk [tilespmem:v19+s5+$0x0], $0xffff;
	[tilespmem:s9+$0x280] =	vst v10;
	v10 =	vadd.s32 $0x500, v5  }
0x88: {  	v20 =	vadd.s32 $0x300, v11;
	v26 =	vld.idx.msk [tilespmem:v18+s5+$0x0], $0xffff;
	[tilespmem:s15+$0x500] =	vst v14  }
0x89: {  	v8 =	vld.idx.msk [tilespmem:v8+s5+$0x0], $0xffff;
	[tilespmem:s6+$0x280] =	vst v15  }
0x8a: {  	v29 =	vadd.s32 $0x700, v3;
	v31 =	vadd.s32 $0x580, v5;
	v36 =	vadd.s32 $0x100, v21;
	v12 =	vld.idx.msk [tilespmem:v12+s5+$0x0], $0xffff;
	[tilespmem:s20+$0x780] =	vst v4  }
0x8b: {  	v30 =	vadd.s32 $0x600, v0;
	v34 =	vadd.s32 $0x380, v11;
	v22 =	vadd.s32 $0x100, v2;
	v17 =	vld.idx.msk [tilespmem:v17+s5+$0x0], $0xffff;
	[tilespmem:s16+$0x480] =	vst v16  }
0x8c: {  	v23 =	vadd.s32 $0x380, v1;
	v28 =	vadd.s32 $0x180, v21;
	v27 =	vadd.s32 $0x200, v21;
	[tilespmem:s13+$0x80] =	vst v32;
	v37 =	vld.idx.msk [tilespmem:v10+s5+$0x0], $0xffff  }
0x8d: {  	v25 =	vadd.s32 $0x280, v21;
	v24 =	vadd.s32 $0x300, v21;
	v6 =	vadd.s32 $0x780, v3;
	v35 =	vld.idx.msk [tilespmem:v20+s5+$0x0], $0xffff;
	[tilespmem:s14+$0x680] =	vst v26  }
0x8e: {  	v3 =	vadd.s32 $0x780, v5;
	v13 =	vadd.s32 $0x600, v11;
	v7 =	vadd.s32 $0x680, v5;
	[tilespmem:s17+$0x80] =	vst v8  }
0x8f: {  	v19 =	vadd.s32 $0x400, v11;
	v9 =	vadd.s32 $0x600, v5;
	v18 =	vadd.s32 $0x480, v11;
	v36 =	vld.idx.msk [tilespmem:v36+s5+$0x0], $0xffff;
	[tilespmem:s9+$0x300] =	vst v12  }
0x90: {  	v15 =	vadd.s32 $0x500, v11;
	v14 =	vadd.s32 $0x580, v11;
	v4 =	vadd.s32 $0x700, v5;
	v38 =	vld.idx.msk [tilespmem:v22+s5+$0x0], $0xffff;
	[tilespmem:s15+$0x580] =	vst v17  }
0x91: {  	v5 =	vadd.s32 $0x780, v11;
	v20 =	vadd.s32 $0x500, v21;
	v33 =	vld.idx.msk [tilespmem:v23+s5+$0x0], $0xffff;
	[tilespmem:s16+$0x500] =	vst v37;
	v37 =	vadd.s32 $0x180, v2  }
0x92: {  	v32 =	vadd.s32 $0x680, v0;
	v26 =	vadd.s32 $0x400, v21;
	[tilespmem:s6+$0x300] =	vst v35;
	v35 =	vadd.s32 $0x400, v1;
	v30 =	vld.idx.msk [tilespmem:v30+s5+$0x0], $0xffff  }
0x93: {  	v16 =	vadd.s32 $0x600, v21;
	v10 =	vadd.s32 $0x680, v11;
	v8 =	vadd.s32 $0x700, v11;
	v29 =	vld.idx.msk [tilespmem:v29+s5+$0x0], $0xffff  }
0x94: {  	v11 =	vadd.s32 $0x700, v21;
	v22 =	vadd.s32 $0x480, v21;
	v12 =	vadd.s32 $0x680, v21;
	v34 =	vld.idx.msk [tilespmem:v34+s5+$0x0], $0xffff  }
0x95: {  	s20 =	simm.s32 $0x6;
	v23 =	vadd.s32 $0x380, v21;
	v17 =	vadd.s32 $0x580, v21;
	v21 =	vadd.s32 $0x780, v21;
	[tilespmem:s17+$0x100] =	vst v38;
	v31 =	vld.idx.msk [tilespmem:v31+s5+$0x0], $0xffff  }
.LBB2_2:
0x96: {  	s20 =	sadd.s32 $0x2, s20;
	v37 =	vld.idx.msk [tilespmem:v37+s5+$0x0], $0xffff;
	[tilespmem:s9+$0x380] =	vst v33  }
0x97: {  	s19 =	sadd.s32 $0x20, s19;
	s1 =	sshll.u32 s20, $0x4;
	p0 =	slt.u32 s20, $0x3E;
	v33 =	vld.idx.msk [tilespmem:v35+s5+$0x0], $0xffff;
	[tilespmem:s15+$0x600] =	vst v30  }
0x98: {  	s29 =	sand.u32 $0x60, s19;
	v30 =	vadd.s32 $0x200, v2;
	s1 =	sand.u32 $0x3FFFFF80, s1;
	v32 =	vld.idx.msk [tilespmem:v32+s5+$0x0], $0xffff;
	[tilespmem:s14+$0x700] =	vst v29  }
0x99: {  	v29 =	vadd.s32 $0x480, v1;
	s7 =	sadd.s32 $0x800, s1;
	s1 =	sor.u32 $0x10, s29;
	[tilespmem:s13+$0x100] =	vst v36;
	v35 =	vld.idx.msk [tilespmem:v6+s5+$0x0], $0xffff;
	v6 =	vmovc v3;
	v3 =	vmov v5;
	v5 =	vmov v21  }
0x9a: {  	s31 =	sor.u32 s29, s7;
	s7 =	sor.u32 s1, s7;
	v21 =	vld.idx.msk [tilespmem:v28+s5+$0x0], $0xffff;
	[tilespmem:s6+$0x380] =	vst v34;
	v28 =	vadd.s32 $0x700, v0  }
0x9b: {  	v34 =	vld [tilespmem:s7+$0x0];
	[tilespmem:s16+$0x580] =	vst v31  }
0x9c: {  	v31 =	vld [tilespmem:s31+$0x0];
	[tilespmem:s17+$0x180] =	vst v37  }
0x9d: {  	v30 =	vld.idx.msk [tilespmem:v30+s5+$0x0], $0xffff;
	[tilespmem:s9+$0x400] =	vst v33  }
0x9e: {  	v29 =	vld.idx.msk [tilespmem:v29+s5+$0x0], $0xffff;
	[tilespmem:s15+$0x680] =	vst v32  }
0x9f: {  	v32 =	vadd.s32 $0x280, v2;
	v33 =	vld.idx.msk [tilespmem:v28+s5+$0x0], $0xffff;
	[tilespmem:s14+$0x780] =	vst v35;
	s14 =	smov.u32 s16;
	s16 =	smov.u32 s6;
	s6 =	smov.u32 s13  }
0xa0: {  	[tilespmem:s6+$0x180] =	vst v21;
	v35 =	vld.idx.msk [tilespmem:v19+s5+$0x0], $0xffff;
	v21 =	vadd.s32 $0x500, v1;
	v19 =	vmov v26  }
0xa1: {  	v39 =	vadd.s32 $0x780, v0;
	v0 =	vmovc v1;
	v1 =	vmovc v2;
	v36 =	vadd.s32 $0x80, v31;
	v38 =	vadd.s32 $0x100, v31;
	v37 =	vld.idx.msk [tilespmem:v27+s5+$0x0], $0xffff  }
0xa2: {  	v2 =	vmovc v34;
	v28 =	vadd.s32 $0x180, v31;
	v27 =	vadd.s32 $0x200, v31;
	v40 =	vadd.s32 $0x280, v31;
	v41 =	vld.idx.msk [tilespmem:v9+s5+$0x0], $0xffff;
	v9 =	vmovc v13  }
0xa3: {  	v42 =	vadd.s32 $0x300, v31;
	v43 =	vadd.s32 $0x380, v31;
	v26 =	vadd.s32 $0x400, v31;
	v13 =	vmovc v16;
	v34 =	vld.idx.msk [tilespmem:v34+s5+$0x0], $0xffff;
	[tilespmem:s17+$0x200] =	vst v30  }
0xa4: {  	v44 =	vadd.s32 $0x500, v31;
	v45 =	vadd.s32 $0x580, v31;
	v30 =	vadd.s32 $0x480, v31;
	v32 =	vld.idx.msk [tilespmem:v32+s5+$0x0], $0xffff;
	[tilespmem:s9+$0x480] =	vst v29  }
0xa5: {  	s7 =	sshll.u32 s20, $0x8;
	v46 =	vadd.s32 $0x80, v2;
	v16 =	vadd.s32 $0x600, v31;
	v29 =	vadd.s32 $0x680, v31;
	v47 =	vld.idx.msk [tilespmem:v21+s5+$0x0], $0xffff;
	[tilespmem:s15+$0x700] =	vst v33  }
0xa6: {  	s7 =	sand.u32 $0x3FFFF800, s7;
	v48 =	vadd.s32 $0x700, v31;
	v21 =	vadd.s32 $0x780, v31;
	v33 =	vadd.s32 $0x300, v1;
	[tilespmem:s16+$0x400] =	vst v35;
	v35 =	vld.idx.msk [tilespmem:v39+s5+$0x0], $0xffff  }
0xa7: {  	s7 =	sadd.s32 $0x1800, s7;
	v31 =	vld.idx.msk [tilespmem:v31+s5+$0x0], $0xffff;
	[tilespmem:s6+$0x200] =	vst v37;
	v37 =	vadd.s32 $0x580, v0  }
0xa8: {  	s1 =	sor.u32 s1, s7;
	s13 =	sor.u32 s29, s7;
	v39 =	vld.idx.msk [tilespmem:v25+s5+$0x0], $0xffff;
	[tilespmem:s14+$0x600] =	vst v41;
	v25 =	vmov v40  }
0xa9: {  	[tilespmem:s1+$0x0] =	vst v34;
	v34 =	vld.idx.msk [tilespmem:v18+s5+$0x0], $0xffff;
	v18 =	vmov v22;
	v22 =	vmov v30  }
0xaa: {  	v30 =	vld.idx.msk [tilespmem:v46+s5+$0x0], $0xffff;
	[tilespmem:s17+$0x280] =	vst v32  }
0xab: {  	v32 =	vld.idx.msk [tilespmem:v33+s5+$0x0], $0xffff;
	[tilespmem:s9+$0x500] =	vst v47  }
0xac: {  	v33 =	vadd.s32 $0x100, v2;
	v37 =	vld.idx.msk [tilespmem:v37+s5+$0x0], $0xffff;
	[tilespmem:s15+$0x780] =	vst v35;
	s15 =	smov.u32 s9;
	s9 =	smov.u32 s17;
	s17 =	smov.u32 s1  }
0xad: {  	[tilespmem:s13+$0x0] =	vst v31;
	v31 =	vadd.s32 $0x380, v1;
	v35 =	vld.idx.msk [tilespmem:v7+s5+$0x0], $0xffff;
	v7 =	vmovc v10;
	v10 =	vmov v12;
	v12 =	vmov v29  }
0xae: {  	v29 =	vld.idx.msk [tilespmem:v36+s5+$0x0], $0xffff;
	[tilespmem:s6+$0x280] =	vst v39;
	v36 =	vadd.s32 $0x600, v0  }
0xaf: {  	v39 =	vld.idx.msk [tilespmem:v24+s5+$0x0], $0xffff;
	[tilespmem:s16+$0x480] =	vst v34;
	v24 =	vmov v42  }
0xb0: {  	[tilespmem:s17+$0x80] =	vst v30;
	v40 =	vld.idx.msk [tilespmem:v15+s5+$0x0], $0xffff;
	v15 =	vmov v20;
	v20 =	vmov v44  }
0xb1: {  	v41 =	vld.idx.msk [tilespmem:v33+s5+$0x0], $0xffff;
	[tilespmem:s9+$0x300] =	vst v32  }
0xb2: {  	v33 =	vld.idx.msk [tilespmem:v31+s5+$0x0], $0xffff;
	[tilespmem:s15+$0x580] =	vst v37  }
.Ltmp0:
0xb3: {  	v37 =	vadd.s32 $0x180, v2;
	v30 =	vld.idx.msk [tilespmem:v36+s5+$0x0], $0xffff;
	[tilespmem:s14+$0x680] =	vst v35;
	(pc) =	sbr.rel @p0 .LBB2_2-.Ltmp0, $4  }
0xb4: {  	v35 =	vadd.s32 $0x400, v1;
	[tilespmem:s13+$0x80] =	vst v29;
	v29 =	vld.idx.msk [tilespmem:v4+s5+$0x0], $0xffff;
	v4 =	vmovc v8;
	v8 =	vmov v11;
	v11 =	vmov v48  }
0xb5: {  	v32 =	vadd.s32 $0x680, v0;
	v36 =	vld.idx.msk [tilespmem:v38+s5+$0x0], $0xffff;
	[tilespmem:s6+$0x300] =	vst v39  }
0xb6: {  	v34 =	vld.idx.msk [tilespmem:v23+s5+$0x0], $0xffff;
	[tilespmem:s16+$0x500] =	vst v40;
	v23 =	vmov v43  }
0xb7: {  	[tilespmem:s17+$0x100] =	vst v41;
	v31 =	vld.idx.msk [tilespmem:v14+s5+$0x0], $0xffff;
	v14 =	vmov v17;
	v17 =	vmov v45  }
0xb8: {  	_ =	sdelay $0x3  }
0xb9: {  	v37 =	vld.idx.msk [tilespmem:v37+s5+$0x0], $0xffff;
	[tilespmem:s13+$0x100] =	vst v36  }
0xba: {  	v58 =	vadd.s32 $0x200, v2;
	v28 =	vld.idx.msk [tilespmem:v28+s5+$0x0], $0xffff;
	_ =	sdelay $0x3  }
0xbb: {  	[tilespmem:s17+$0x180] =	vst v37  }
0xbc: {  	v36 =	vld.idx.msk [tilespmem:v58+s5+$0x0], $0xffff;
	[tilespmem:s13+$0x180] =	vst v28  }
0xbd: {  	v28 =	vadd.s32 $0x280, v2;
	v27 =	vld.idx.msk [tilespmem:v27+s5+$0x0], $0xffff;
	_ =	sdelay $0x3  }
0xbe: {  	[tilespmem:s17+$0x200] =	vst v36  }
0xbf: {  	v28 =	vld.idx.msk [tilespmem:v28+s5+$0x0], $0xffff;
	[tilespmem:s13+$0x200] =	vst v27  }
0xc0: {  	v27 =	vadd.s32 $0x300, v2;
	v25 =	vld.idx.msk [tilespmem:v25+s5+$0x0], $0xffff;
	_ =	sdelay $0x3  }
0xc1: {  	[tilespmem:s17+$0x280] =	vst v28  }
0xc2: {  	v27 =	vld.idx.msk [tilespmem:v27+s5+$0x0], $0xffff;
	[tilespmem:s13+$0x280] =	vst v25  }
0xc3: {  	v25 =	vadd.s32 $0x380, v2;
	v24 =	vld.idx.msk [tilespmem:v24+s5+$0x0], $0xffff;
	_ =	sdelay $0x3  }
0xc4: {  	[tilespmem:s17+$0x300] =	vst v27  }
0xc5: {  	v25 =	vld.idx.msk [tilespmem:v25+s5+$0x0], $0xffff;
	[tilespmem:s13+$0x300] =	vst v24  }
0xc6: {  	v24 =	vadd.s32 $0x400, v2;
	v23 =	vld.idx.msk [tilespmem:v23+s5+$0x0], $0xffff;
	_ =	sdelay $0x1  }
0xc7: {  	[tilespmem:s6+$0x380] =	vst v34  }
0xc8: {  	[tilespmem:s9+$0x380] =	vst v33;
	v19 =	vld.idx.msk [tilespmem:v19+s5+$0x0], $0xffff  }
0xc9: {  	v27 =	vld.idx.msk [tilespmem:v35+s5+$0x0], $0xffff;
	[tilespmem:s17+$0x380] =	vst v25  }
0xca: {  	v28 =	vadd.s32 $0x480, v1;
	v24 =	vld.idx.msk [tilespmem:v24+s5+$0x0], $0xffff;
	[tilespmem:s13+$0x380] =	vst v23  }
0xcb: {  	v23 =	vadd.s32 $0x480, v2;
	v25 =	vld.idx.msk [tilespmem:v26+s5+$0x0], $0xffff;
	_ =	sdelay $0x1  }
0xcc: {  	[tilespmem:s6+$0x400] =	vst v19  }
0xcd: {  	v18 =	vld.idx.msk [tilespmem:v18+s5+$0x0], $0xffff;
	[tilespmem:s9+$0x400] =	vst v27  }
0xce: {  	v26 =	vld.idx.msk [tilespmem:v28+s5+$0x0], $0xffff;
	[tilespmem:s17+$0x400] =	vst v24  }
0xcf: {  	v19 =	vadd.s32 $0x500, v1;
	v23 =	vld.idx.msk [tilespmem:v23+s5+$0x0], $0xffff;
	[tilespmem:s13+$0x400] =	vst v25  }
0xd0: {  	v24 =	vadd.s32 $0x500, v2;
	v22 =	vld.idx.msk [tilespmem:v22+s5+$0x0], $0xffff;
	_ =	sdelay $0x1  }
0xd1: {  	[tilespmem:s6+$0x480] =	vst v18  }
0xd2: {  	v15 =	vld.idx.msk [tilespmem:v15+s5+$0x0], $0xffff;
	[tilespmem:s9+$0x480] =	vst v26  }
0xd3: {  	v19 =	vld.idx.msk [tilespmem:v19+s5+$0x0], $0xffff;
	[tilespmem:s17+$0x480] =	vst v23  }
0xd4: {  	v18 =	vadd.s32 $0x580, v1;
	v23 =	vld.idx.msk [tilespmem:v24+s5+$0x0], $0xffff;
	[tilespmem:s13+$0x480] =	vst v22  }
0xd5: {  	v22 =	vadd.s32 $0x580, v2;
	v20 =	vld.idx.msk [tilespmem:v20+s5+$0x0], $0xffff  }
0xd6: {  	[tilespmem:s15+$0x600] =	vst v30  }
0xd7: {  	[tilespmem:s6+$0x500] =	vst v15  }
0xd8: {  	v14 =	vld.idx.msk [tilespmem:v14+s5+$0x0], $0xffff;
	[tilespmem:s9+$0x500] =	vst v19  }
0xd9: {  	v18 =	vld.idx.msk [tilespmem:v18+s5+$0x0], $0xffff;
	[tilespmem:s17+$0x500] =	vst v23  }
0xda: {  	v15 =	vadd.s32 $0x600, v1;
	v19 =	vld.idx.msk [tilespmem:v22+s5+$0x0], $0xffff;
	[tilespmem:s13+$0x500] =	vst v20  }
0xdb: {  	[tilespmem:s14+$0x700] =	vst v29;
	v20 =	vadd.s32 $0x600, v2;
	v17 =	vld.idx.msk [tilespmem:v17+s5+$0x0], $0xffff  }
0xdc: {  	v6 =	vld.idx.msk [tilespmem:v6+s5+$0x0], $0xffff;
	[tilespmem:s16+$0x580] =	vst v31  }
0xdd: {  	v9 =	vld.idx.msk [tilespmem:v9+s5+$0x0], $0xffff;
	[tilespmem:s6+$0x580] =	vst v14  }
0xde: {  	v13 =	vld.idx.msk [tilespmem:v13+s5+$0x0], $0xffff;
	[tilespmem:s9+$0x580] =	vst v18  }
0xdf: {  	v15 =	vld.idx.msk [tilespmem:v15+s5+$0x0], $0xffff;
	[tilespmem:s17+$0x580] =	vst v19  }
0xe0: {  	v14 =	vadd.s32 $0x680, v1;
	v18 =	vld.idx.msk [tilespmem:v20+s5+$0x0], $0xffff;
	[tilespmem:s13+$0x580] =	vst v17  }
0xe1: {  	[tilespmem:s14+$0x780] =	vst v6;
	v17 =	vadd.s32 $0x680, v2;
	v16 =	vld.idx.msk [tilespmem:v16+s5+$0x0], $0xffff  }
0xe2: {  	[tilespmem:s16+$0x600] =	vst v9;
	v22 =	vld.idx.msk [tilespmem:v32+s5+$0x0], $0xffff  }
0xe3: {  	v9 =	vadd.s32 $0x700, v0;
	v7 =	vld.idx.msk [tilespmem:v7+s5+$0x0], $0xffff;
	[tilespmem:s6+$0x600] =	vst v13  }
0xe4: {  	v10 =	vld.idx.msk [tilespmem:v10+s5+$0x0], $0xffff;
	[tilespmem:s9+$0x600] =	vst v15  }
0xe5: {  	v14 =	vld.idx.msk [tilespmem:v14+s5+$0x0], $0xffff;
	[tilespmem:s17+$0x600] =	vst v18  }
0xe6: {  	v13 =	vadd.s32 $0x700, v1;
	v15 =	vld.idx.msk [tilespmem:v17+s5+$0x0], $0xffff;
	[tilespmem:s13+$0x600] =	vst v16  }
0xe7: {  	v6 =	vadd.s32 $0x700, v2;
	[tilespmem:s15+$0x680] =	vst v22;
	v12 =	vld.idx.msk [tilespmem:v12+s5+$0x0], $0xffff  }
0xe8: {  	[tilespmem:s16+$0x680] =	vst v7;
	v9 =	vld.idx.msk [tilespmem:v9+s5+$0x0], $0xffff  }
0xe9: {  	v0 =	vadd.s32 $0x780, v0;
	v4 =	vld.idx.msk [tilespmem:v4+s5+$0x0], $0xffff;
	[tilespmem:s6+$0x680] =	vst v10  }
0xea: {  	v8 =	vld.idx.msk [tilespmem:v8+s5+$0x0], $0xffff;
	[tilespmem:s9+$0x680] =	vst v14  }
0xeb: {  	v7 =	vld.idx.msk [tilespmem:v13+s5+$0x0], $0xffff;
	[tilespmem:s17+$0x680] =	vst v15  }
0xec: {  	v1 =	vadd.s32 $0x780, v1;
	v6 =	vld.idx.msk [tilespmem:v6+s5+$0x0], $0xffff;
	[tilespmem:s13+$0x680] =	vst v12  }
0xed: {  	v2 =	vadd.s32 $0x780, v2;
	[tilespmem:s15+$0x700] =	vst v9;
	v9 =	vld.idx.msk [tilespmem:v11+s5+$0x0], $0xffff  }
0xee: {  	[tilespmem:s16+$0x700] =	vst v4;
	v0 =	vld.idx.msk [tilespmem:v0+s5+$0x0], $0xffff  }
0xef: {  	v3 =	vld.idx.msk [tilespmem:v3+s5+$0x0], $0xffff;
	[tilespmem:s6+$0x700] =	vst v8  }
0xf0: {  	v4 =	vld.idx.msk [tilespmem:v5+s5+$0x0], $0xffff;
	[tilespmem:s9+$0x700] =	vst v7  }
0xf1: {  	v1 =	vld.idx.msk [tilespmem:v1+s5+$0x0], $0xffff;
	[tilespmem:s17+$0x700] =	vst v6  }
0xf2: {  	v2 =	vld.idx.msk [tilespmem:v2+s5+$0x0], $0xffff;
	[tilespmem:s13+$0x700] =	vst v9  }
0xf3: {  	[tilespmem:s15+$0x780] =	vst v0;
	v0 =	vld.idx.msk [tilespmem:v21+s5+$0x0], $0xffff  }
0xf4: {  	[tilespmem:s16+$0x780] =	vst v3  }
0xf5: {  	[tilespmem:s6+$0x780] =	vst v4  }
0xf6: {  	[tilespmem:s9+$0x780] =	vst v1  }
0xf7: {  	[tilespmem:s17+$0x780] =	vst v2  }
0xf8: {  	[tilespmem:s13+$0x780] =	vst v0  }
0xf9: {  	s19 =	simm.s32 $0x1800;
	s20 =	simm.s32 $0x0;
	s1 =	rddreg [dreg:$0x7]  }
0xfa: {  	[hbm4b:s1+s26] =	stream.strided.scatter [tilespmem:s19], [sflag:$0x5], $0x4000, s28, s26, $0x38;
	[tilespmem:$0x11800] =	vst v63  }
0xfb: {  	s7 =	simm.s32 $0x800;
	s22 =	simm.s32 $0x0;
	s21 =	rddreg [dreg:$0x9]  }
0xfc: {  	[tilespmem:s7], [sflag:$0x1] =	stream.linear.gather [hbm4b:s21+s20], $0x400, $0x38;
	[tilespmem:$0x11800] =	vst v63  }
0xfd: {  	s6 =	sand.u32 $0x3FFFFF80, s22;
	s1 =	sand.u32 $0x60, s20;
	_ =	swait.ge [sflag:s30], $0x400  }
0xfe: {  	s6 =	sadd.s32 $0xC00, s6;
	s29 =	sor.u32 $0x10, s1;
	[sflag:s30] =	ssyncset.done $0x0  }
0xff: {  	s31 =	sor.u32 s29, s6;
	[sflag:s30] =	ssyncadd.s32 $0xFFFFFC00  }
0x100: {  	v4 =	vld [tilespmem:s31+$0x0];
	_ =	sdelay $0x1  }
0x101: {  	s6 =	sor.u32 s1, s6  }
0x102: {  	v3 =	vld [tilespmem:s6+$0x0];
	_ =	sdelay $0x4  }
0x103: {  	v0 =	vld.idx.msk [tilespmem:v4+s5+$0x0], $0xffff  }
0x104: {  	s9 =	simm.s32 $0x0;
	v1 =	vadd.s32 $0x80, v4  }
0x105: {  	s6 =	sand.u32 $0x3FFFF800, s9  }
0x106: {  	s6 =	sadd.s32 $0x5800, s6;
	v2 =	vld.idx.msk [tilespmem:v3+s5+$0x0], $0xffff  }
0x107: {  	s20 =	sor.u32 s29, s6;
	v5 =	vadd.s32 $0x80, v3  }
0x108: {  	[tilespmem:s20+$0x0] =	vst v0  }
0x109: {  	v0 =	vld.idx.msk [tilespmem:v1+s5+$0x0], $0xffff  }
0x10a: {  	s14 =	sor.u32 s1, s6;
	v1 =	vadd.s32 $0x100, v4  }
0x10b: {  	[tilespmem:s14+$0x0] =	vst v2  }
0x10c: {  	v2 =	vld.idx.msk [tilespmem:v5+s5+$0x0], $0xffff  }
0x10d: {  	v5 =	vadd.s32 $0x100, v3  }
0x10e: {  	[tilespmem:s20+$0x80] =	vst v0  }
0x10f: {  	v0 =	vld.idx.msk [tilespmem:v1+s5+$0x0], $0xffff  }
0x110: {  	v1 =	vadd.s32 $0x180, v4  }
0x111: {  	[tilespmem:s14+$0x80] =	vst v2  }
0x112: {  	v6 =	vld.idx.msk [tilespmem:v5+s5+$0x0], $0xffff  }
0x113: {  	s15 =	simm.s32 $0x20;
	s13 =	simm.s32 $0x20;
	v7 =	vadd.s32 $0x180, v3  }
0x114: {  	s6 =	sand.u32 $0x60, s15;
	s1 =	sand.u32 $0x3FFFFF80, s13;
	[tilespmem:s20+$0x100] =	vst v0  }
0x115: {  	s1 =	sadd.s32 $0xC00, s1;
	s16 =	sor.u32 $0x10, s6;
	v1 =	vld.idx.msk [tilespmem:v1+s5+$0x0], $0xffff  }
0x116: {  	s17 =	sor.u32 s16, s1;
	v2 =	vadd.s32 $0x200, v4  }
0x117: {  	v0 =	vld [tilespmem:s17+$0x0];
	[tilespmem:s14+$0x100] =	vst v6  }
0x118: {  	v6 =	vld.idx.msk [tilespmem:v7+s5+$0x0], $0xffff  }
0x119: {  	s1 =	sor.u32 s6, s1;
	v7 =	vadd.s32 $0x200, v3  }
0x11a: {  	v5 =	vld [tilespmem:s1+$0x0];
	[tilespmem:s20+$0x180] =	vst v1  }
0x11b: {  	v1 =	vld.idx.msk [tilespmem:v2+s5+$0x0], $0xffff  }
0x11c: {  	v2 =	vadd.s32 $0x280, v4  }
0x11d: {  	[tilespmem:s14+$0x180] =	vst v6  }
0x11e: {  	v7 =	vld.idx.msk [tilespmem:v7+s5+$0x0], $0xffff  }
0x11f: {  	v11 =	vadd.s32 $0x280, v3  }
0x120: {  	v8 =	vld.idx.msk [tilespmem:v0+s5+$0x0], $0xffff;
	[tilespmem:s20+$0x200] =	vst v1  }
0x121: {  	s19 =	simm.s32 $0x200;
	v1 =	vld.idx.msk [tilespmem:v2+s5+$0x0], $0xffff;
	v2 =	vadd.s32 $0x80, v0  }
0x122: {  	v9 =	vadd.s32 $0x300, v4;
	s1 =	sand.u32 $0x3FFFF800, s19  }
0x123: {  	s1 =	sadd.s32 $0x5800, s1;
	v10 =	vld.idx.msk [tilespmem:v5+s5+$0x0], $0xffff;
	[tilespmem:s14+$0x200] =	vst v7  }
0x124: {  	s15 =	sor.u32 s16, s1;
	v6 =	vadd.s32 $0x80, v5;
	v7 =	vld.idx.msk [tilespmem:v11+s5+$0x0], $0xffff  }
0x125: {  	[tilespmem:s15+$0x0] =	vst v8;
	v11 =	vadd.s32 $0x300, v3  }
0x126: {  	v2 =	vld.idx.msk [tilespmem:v2+s5+$0x0], $0xffff;
	[tilespmem:s20+$0x280] =	vst v1  }
0x127: {  	s16 =	sor.u32 s6, s1;
	v8 =	vadd.s32 $0x100, v0;
	v1 =	vld.idx.msk [tilespmem:v9+s5+$0x0], $0xffff  }
0x128: {  	[tilespmem:s16+$0x0] =	vst v10;
	v9 =	vadd.s32 $0x380, v4  }
0x129: {  	v6 =	vld.idx.msk [tilespmem:v6+s5+$0x0], $0xffff;
	[tilespmem:s14+$0x280] =	vst v7  }
0x12a: {  	v10 =	vadd.s32 $0x100, v5;
	v7 =	vld.idx.msk [tilespmem:v11+s5+$0x0], $0xffff  }
0x12b: {  	v11 =	vadd.s32 $0x380, v3;
	[tilespmem:s15+$0x80] =	vst v2  }
0x12c: {  	v2 =	vld.idx.msk [tilespmem:v8+s5+$0x0], $0xffff;
	[tilespmem:s20+$0x300] =	vst v1  }
0x12d: {  	s22 =	simm.s32 $0x40;
	s21 =	simm.s32 $0x40;
	v8 =	vadd.s32 $0x180, v0;
	v1 =	vld.idx.msk [tilespmem:v9+s5+$0x0], $0xffff  }
0x12e: {  	s6 =	sand.u32 $0x60, s22;
	s1 =	sand.u32 $0x3FFFFF80, s21;
	[tilespmem:s16+$0x80] =	vst v6;
	v6 =	vadd.s32 $0x400, v4  }
0x12f: {  	s1 =	sadd.s32 $0xC00, s1;
	s29 =	sor.u32 $0x10, s6;
	[tilespmem:s14+$0x300] =	vst v7;
	v9 =	vld.idx.msk [tilespmem:v10+s5+$0x0], $0xffff  }
0x130: {  	s31 =	sor.u32 s29, s1;
	s1 =	sor.u32 s6, s1;
	v10 =	vadd.s32 $0x180, v5;
	v12 =	vld.idx.msk [tilespmem:v11+s5+$0x0], $0xffff  }
0x131: {  	v11 =	vld [tilespmem:s1+$0x0];
	[tilespmem:s15+$0x100] =	vst v2  }
0x132: {  	v13 =	vadd.s32 $0x400, v3;
	v2 =	vld.idx.msk [tilespmem:v8+s5+$0x0], $0xffff;
	[tilespmem:s20+$0x380] =	vst v1  }
0x133: {  	v8 =	vadd.s32 $0x200, v0;
	v6 =	vld.idx.msk [tilespmem:v6+s5+$0x0], $0xffff  }
0x134: {  	[tilespmem:s16+$0x100] =	vst v9;
	v9 =	vadd.s32 $0x480, v4;
	v1 =	vld [tilespmem:s31+$0x0]  }
0x135: {  	v10 =	vld.idx.msk [tilespmem:v10+s5+$0x0], $0xffff  }
0x136: {  	v7 =	vadd.s32 $0x200, v5;
	[tilespmem:s14+$0x380] =	vst v12  }
0x137: {  	v12 =	vld.idx.msk [tilespmem:v13+s5+$0x0], $0xffff;
	[tilespmem:s15+$0x180] =	vst v2  }
0x138: {  	v2 =	vld.idx.msk [tilespmem:v8+s5+$0x0], $0xffff;
	[tilespmem:s20+$0x400] =	vst v6  }
0x139: {  	v13 =	vadd.s32 $0x480, v3;
	v6 =	vld.idx.msk [tilespmem:v9+s5+$0x0], $0xffff  }
0x13a: {  	v8 =	vadd.s32 $0x280, v0;
	[tilespmem:s16+$0x180] =	vst v10  }
0x13b: {  	v9 =	vadd.s32 $0x500, v4;
	v7 =	vld.idx.msk [tilespmem:v7+s5+$0x0], $0xffff  }
0x13c: {  	v15 =	vld.idx.msk [tilespmem:v11+s5+$0x0], $0xffff;
	v10 =	vadd.s32 $0x280, v5;
	[tilespmem:s14+$0x400] =	vst v12  }
0x13d: {  	s13 =	simm.s32 $0x400;
	v16 =	vadd.s32 $0x80, v11;
	v14 =	vld.idx.msk [tilespmem:v1+s5+$0x0], $0xffff;
	[tilespmem:s15+$0x200] =	vst v2  }
0x13e: {  	s1 =	sand.u32 $0x3FFFF800, s13;
	v13 =	vld.idx.msk [tilespmem:v13+s5+$0x0], $0xffff;
	[tilespmem:s20+$0x480] =	vst v6;
	v6 =	vadd.s32 $0x80, v1  }
0x13f: {  	s1 =	sadd.s32 $0x5800, s1;
	v2 =	vld.idx.msk [tilespmem:v8+s5+$0x0], $0xffff  }
0x140: {  	s19 =	simm.s32 $0x60;
	s17 =	simm.s32 $0x60;
	s6 =	sor.u32 s6, s1;
	[tilespmem:s16+$0x200] =	vst v7;
	v8 =	vld.idx.msk [tilespmem:v9+s5+$0x0], $0xffff;
	v9 =	vadd.s32 $0x300, v0  }
0x141: {  	s21 =	sand.u32 $0x60, s19;
	s7 =	sand.u32 $0x3FFFFF80, s17;
	s9 =	sor.u32 s29, s1;
	[tilespmem:s6+$0x0] =	vst v15;
	v7 =	vadd.s32 $0x580, v4;
	v10 =	vld.idx.msk [tilespmem:v10+s5+$0x0], $0xffff  }
0x142: {  	s22 =	sor.u32 $0x10, s21;
	s7 =	sadd.s32 $0xC00, s7;
	v12 =	vadd.s32 $0x300, v5;
	v15 =	vld.idx.msk [tilespmem:v16+s5+$0x0], $0xffff;
	[tilespmem:s9+$0x0] =	vst v14  }
0x143: {  	s29 =	sor.u32 s22, s7;
	s7 =	sor.u32 s21, s7;
	[tilespmem:s14+$0x480] =	vst v13;
	v14 =	vadd.s32 $0x500, v3;
	v6 =	vld.idx.msk [tilespmem:v6+s5+$0x0], $0xffff  }
0x144: {  	v21 =	vld [tilespmem:s7+$0x0];
	v16 =	vadd.s32 $0x100, v11;
	[tilespmem:s15+$0x280] =	vst v2  }
0x145: {  	v2 =	vld.idx.msk [tilespmem:v9+s5+$0x0], $0xffff;
	[tilespmem:s20+$0x500] =	vst v8;
	v8 =	vadd.s32 $0x100, v1  }
0x146: {  	v9 =	vadd.s32 $0x380, v0;
	[tilespmem:s16+$0x280] =	vst v10;
	v7 =	vld.idx.msk [tilespmem:v7+s5+$0x0], $0xffff  }
0x147: {  	[tilespmem:s6+$0x80] =	vst v15;
	v10 =	vadd.s32 $0x600, v4;
	v12 =	vld.idx.msk [tilespmem:v12+s5+$0x0], $0xffff  }
0x148: {  	v13 =	vadd.s32 $0x380, v5;
	[tilespmem:s9+$0x80] =	vst v6;
	v6 =	vld.idx.msk [tilespmem:v14+s5+$0x0], $0xffff  }
0x149: {  	v15 =	vld.idx.msk [tilespmem:v16+s5+$0x0], $0xffff;
	v14 =	vadd.s32 $0x580, v3  }
0x14a: {  	v16 =	vadd.s32 $0x180, v11;
	v8 =	vld.idx.msk [tilespmem:v8+s5+$0x0], $0xffff;
	[tilespmem:s15+$0x300] =	vst v2  }
0x14b: {  	v2 =	vld.idx.msk [tilespmem:v9+s5+$0x0], $0xffff;
	[tilespmem:s20+$0x580] =	vst v7;
	v7 =	vadd.s32 $0x180, v1  }
0x14c: {  	[tilespmem:s16+$0x300] =	vst v12;
	v9 =	vld.idx.msk [tilespmem:v10+s5+$0x0], $0xffff  }
0x14d: {  	v10 =	vadd.s32 $0x400, v0;
	v13 =	vld.idx.msk [tilespmem:v13+s5+$0x0], $0xffff;
	[tilespmem:s14+$0x500] =	vst v6  }
0x14e: {  	[tilespmem:s6+$0x100] =	vst v15;
	v12 =	vadd.s32 $0x680, v4;
	v6 =	vld.idx.msk [tilespmem:v14+s5+$0x0], $0xffff  }
0x14f: {  	[tilespmem:s9+$0x100] =	vst v8;
	v14 =	vld.idx.msk [tilespmem:v16+s5+$0x0], $0xffff  }
0x150: {  	v16 =	vadd.s32 $0x400, v5;
	v7 =	vld.idx.msk [tilespmem:v7+s5+$0x0], $0xffff  }
0x151: {  	v17 =	vadd.s32 $0x200, v11;
	[tilespmem:s15+$0x380] =	vst v2;
	v2 =	vld [tilespmem:s29+$0x0]  }
0x152: {  	v8 =	vld.idx.msk [tilespmem:v10+s5+$0x0], $0xffff;
	[tilespmem:s20+$0x600] =	vst v9;
	v9 =	vadd.s32 $0x200, v1  }
0x153: {  	[tilespmem:s16+$0x380] =	vst v13;
	v10 =	vld.idx.msk [tilespmem:v12+s5+$0x0], $0xffff;
	v12 =	vadd.s32 $0x480, v0  }
0x154: {  	v15 =	vadd.s32 $0x700, v4;
	[tilespmem:s6+$0x180] =	vst v14  }
0x155: {  	v13 =	vld.idx.msk [tilespmem:v16+s5+$0x0], $0xffff;
	[tilespmem:s14+$0x580] =	vst v6  }
0x156: {  	[tilespmem:s9+$0x180] =	vst v7;
	v6 =	vld.idx.msk [tilespmem:v17+s5+$0x0], $0xffff  }
0x157: {  	v7 =	vadd.s32 $0x600, v3;
	v9 =	vld.idx.msk [tilespmem:v9+s5+$0x0], $0xffff;
	[tilespmem:s15+$0x400] =	vst v8  }
0x158: {  	v8 =	vld.idx.msk [tilespmem:v12+s5+$0x0], $0xffff;
	[tilespmem:s20+$0x680] =	vst v10;
	v10 =	vadd.s32 $0x280, v1  }
0x159: {  	v14 =	vadd.s32 $0x500, v0;
	v12 =	vld.idx.msk [tilespmem:v15+s5+$0x0], $0xffff  }
0x15a: {  	v15 =	vadd.s32 $0x280, v11;
	v16 =	vld.idx.msk [tilespmem:v2+s5+$0x0], $0xffff  }
0x15b: {  	v4 =	vadd.s32 $0x780, v4;
	[tilespmem:s16+$0x400] =	vst v13;
	v13 =	vld.idx.msk [tilespmem:v21+s5+$0x0], $0xffff  }
0x15c: {  	s31 =	simm.s32 $0x600;
	v19 =	vadd.s32 $0x80, v21;
	v7 =	vld.idx.msk [tilespmem:v7+s5+$0x0], $0xffff;
	[tilespmem:s9+$0x200] =	vst v9  }
0x15d: {  	s7 =	sand.u32 $0x3FFFF800, s31;
	v9 =	vadd.s32 $0x480, v5;
	v10 =	vld.idx.msk [tilespmem:v10+s5+$0x0], $0xffff;
	[tilespmem:s15+$0x480] =	vst v8  }
0x15e: {  	v18 =	vadd.s32 $0x680, v3;
	s7 =	sadd.s32 $0x5800, s7;
	[tilespmem:s6+$0x200] =	vst v6;
	v14 =	vld.idx.msk [tilespmem:v14+s5+$0x0], $0xffff  }
0x15f: {  	s13 =	sor.u32 s21, s7;
	v8 =	vadd.s32 $0x80, v2;
	[tilespmem:s20+$0x700] =	vst v12;
	v15 =	vld.idx.msk [tilespmem:v15+s5+$0x0], $0xffff  }
0x160: {  	s17 =	sor.u32 s22, s7;
	v12 =	vadd.s32 $0x300, v1;
	v4 =	vld.idx.msk [tilespmem:v4+s5+$0x0], $0xffff;
	[tilespmem:s13+$0x0] =	vst v13  }
0x161: {  	v17 =	vadd.s32 $0x580, v0;
	[tilespmem:s17+$0x0] =	vst v16;
	v59 =	vld.idx.msk [tilespmem:v19+s5+$0x0], $0xffff  }
0x162: {  	v20 =	vadd.s32 $0x300, v11;
	[tilespmem:s14+$0x600] =	vst v7;
	v16 =	vld.idx.msk [tilespmem:v9+s5+$0x0], $0xffff  }
0x163: {  	v62 =	vadd.s32 $0x100, v21;
	v26 =	vld.idx.msk [tilespmem:v18+s5+$0x0], $0xffff;
	[tilespmem:s9+$0x280] =	vst v10  }
0x164: {  	v29 =	vadd.s32 $0x700, v3;
	v31 =	vadd.s32 $0x580, v5;
	v8 =	vld.idx.msk [tilespmem:v8+s5+$0x0], $0xffff;
	v10 =	vadd.s32 $0x500, v5;
	[tilespmem:s15+$0x500] =	vst v14  }
0x165: {  	v30 =	vadd.s32 $0x600, v0;
	v32 =	vadd.s32 $0x680, v0;
	v22 =	vadd.s32 $0x100, v2;
	v12 =	vld.idx.msk [tilespmem:v12+s5+$0x0], $0xffff;
	[tilespmem:s6+$0x280] =	vst v15  }
0x166: {  	v60 =	vadd.s32 $0x380, v11;
	v28 =	vadd.s32 $0x180, v21;
	v23 =	vadd.s32 $0x380, v1;
	v17 =	vld.idx.msk [tilespmem:v17+s5+$0x0], $0xffff;
	[tilespmem:s20+$0x780] =	vst v4  }
0x167: {  	v27 =	vadd.s32 $0x200, v21;
	v25 =	vadd.s32 $0x280, v21;
	v24 =	vadd.s32 $0x300, v21;
	v61 =	vld.idx.msk [tilespmem:v20+s5+$0x0], $0xffff;
	[tilespmem:s13+$0x80] =	vst v59  }
0x168: {  	v35 =	vadd.s32 $0x400, v1;
	v37 =	vadd.s32 $0x180, v2;
	v6 =	vadd.s32 $0x780, v3;
	[tilespmem:s16+$0x480] =	vst v16;
	v36 =	vld.idx.msk [tilespmem:v62+s5+$0x0], $0xffff  }
0x169: {  	v3 =	vadd.s32 $0x780, v5;
	v13 =	vadd.s32 $0x600, v11;
	v7 =	vadd.s32 $0x680, v5;
	[tilespmem:s17+$0x80] =	vst v8;
	v63 =	vld.idx.msk [tilespmem:v10+s5+$0x0], $0xffff  }
0x16a: {  	v19 =	vadd.s32 $0x400, v11;
	v9 =	vadd.s32 $0x600, v5;
	v18 =	vadd.s32 $0x480, v11;
	v38 =	vld.idx.msk [tilespmem:v22+s5+$0x0], $0xffff;
	[tilespmem:s9+$0x300] =	vst v12  }
0x16b: {  	v15 =	vadd.s32 $0x500, v11;
	v14 =	vadd.s32 $0x580, v11;
	v4 =	vadd.s32 $0x700, v5;
	v33 =	vld.idx.msk [tilespmem:v23+s5+$0x0], $0xffff;
	[tilespmem:s15+$0x580] =	vst v17  }
0x16c: {  	v5 =	vadd.s32 $0x780, v11;
	v20 =	vadd.s32 $0x500, v21;
	[tilespmem:s14+$0x680] =	vst v26;
	v26 =	vadd.s32 $0x400, v21;
	v30 =	vld.idx.msk [tilespmem:v30+s5+$0x0], $0xffff  }
0x16d: {  	v16 =	vadd.s32 $0x600, v21;
	v10 =	vadd.s32 $0x680, v11;
	v8 =	vadd.s32 $0x700, v11;
	v29 =	vld.idx.msk [tilespmem:v29+s5+$0x0], $0xffff;
	[tilespmem:s6+$0x300] =	vst v61  }
0x16e: {  	v11 =	vadd.s32 $0x700, v21;
	v22 =	vadd.s32 $0x480, v21;
	v12 =	vadd.s32 $0x680, v21;
	v34 =	vld.idx.msk [tilespmem:v60+s5+$0x0], $0xffff;
	[tilespmem:s16+$0x500] =	vst v63  }
0x16f: {  	s20 =	simm.s32 $0x6;
	v23 =	vadd.s32 $0x380, v21;
	v17 =	vadd.s32 $0x580, v21;
	v21 =	vadd.s32 $0x780, v21;
	[tilespmem:s17+$0x100] =	vst v38;
	v31 =	vld.idx.msk [tilespmem:v31+s5+$0x0], $0xffff  }
.LBB2_4:
0x170: {  	s20 =	sadd.s32 $0x2, s20;
	v37 =	vld.idx.msk [tilespmem:v37+s5+$0x0], $0xffff;
	[tilespmem:s9+$0x380] =	vst v33  }
0x171: {  	s19 =	sadd.s32 $0x20, s19;
	s1 =	sshll.u32 s20, $0x4;
	p0 =	slt.u32 s20, $0x3E;
	v33 =	vld.idx.msk [tilespmem:v35+s5+$0x0], $0xffff;
	[tilespmem:s15+$0x600] =	vst v30  }
0x172: {  	s29 =	sand.u32 $0x60, s19;
	v30 =	vadd.s32 $0x200, v2;
	s1 =	sand.u32 $0x3FFFFF80, s1;
	v32 =	vld.idx.msk [tilespmem:v32+s5+$0x0], $0xffff;
	[tilespmem:s14+$0x700] =	vst v29  }
0x173: {  	v29 =	vadd.s32 $0x480, v1;
	s7 =	sadd.s32 $0xC00, s1;
	s1 =	sor.u32 $0x10, s29;
	[tilespmem:s13+$0x100] =	vst v36;
	v35 =	vld.idx.msk [tilespmem:v6+s5+$0x0], $0xffff;
	v6 =	vmovc v3;
	v3 =	vmov v5;
	v5 =	vmov v21  }
0x174: {  	s31 =	sor.u32 s29, s7;
	s7 =	sor.u32 s1, s7;
	v21 =	vld.idx.msk [tilespmem:v28+s5+$0x0], $0xffff;
	[tilespmem:s6+$0x380] =	vst v34;
	v28 =	vadd.s32 $0x700, v0  }
0x175: {  	v34 =	vld [tilespmem:s7+$0x0];
	[tilespmem:s16+$0x580] =	vst v31  }
0x176: {  	v31 =	vld [tilespmem:s31+$0x0];
	[tilespmem:s17+$0x180] =	vst v37  }
0x177: {  	v30 =	vld.idx.msk [tilespmem:v30+s5+$0x0], $0xffff;
	[tilespmem:s9+$0x400] =	vst v33  }
0x178: {  	v29 =	vld.idx.msk [tilespmem:v29+s5+$0x0], $0xffff;
	[tilespmem:s15+$0x680] =	vst v32  }
0x179: {  	v32 =	vadd.s32 $0x280, v2;
	v33 =	vld.idx.msk [tilespmem:v28+s5+$0x0], $0xffff;
	[tilespmem:s14+$0x780] =	vst v35;
	s14 =	smov.u32 s16;
	s16 =	smov.u32 s6;
	s6 =	smov.u32 s13  }
0x17a: {  	[tilespmem:s6+$0x180] =	vst v21;
	v35 =	vld.idx.msk [tilespmem:v19+s5+$0x0], $0xffff;
	v21 =	vadd.s32 $0x500, v1;
	v19 =	vmov v26  }
0x17b: {  	v39 =	vadd.s32 $0x780, v0;
	v0 =	vmovc v1;
	v1 =	vmovc v2;
	v36 =	vadd.s32 $0x80, v31;
	v38 =	vadd.s32 $0x100, v31;
	v37 =	vld.idx.msk [tilespmem:v27+s5+$0x0], $0xffff  }
0x17c: {  	v2 =	vmovc v34;
	v28 =	vadd.s32 $0x180, v31;
	v27 =	vadd.s32 $0x200, v31;
	v40 =	vadd.s32 $0x280, v31;
	v41 =	vld.idx.msk [tilespmem:v9+s5+$0x0], $0xffff;
	v9 =	vmovc v13  }
0x17d: {  	v42 =	vadd.s32 $0x300, v31;
	v43 =	vadd.s32 $0x380, v31;
	v26 =	vadd.s32 $0x400, v31;
	v13 =	vmovc v16;
	v34 =	vld.idx.msk [tilespmem:v34+s5+$0x0], $0xffff;
	[tilespmem:s17+$0x200] =	vst v30  }
0x17e: {  	v44 =	vadd.s32 $0x500, v31;
	v45 =	vadd.s32 $0x580, v31;
	v30 =	vadd.s32 $0x480, v31;
	v32 =	vld.idx.msk [tilespmem:v32+s5+$0x0], $0xffff;
	[tilespmem:s9+$0x480] =	vst v29  }
0x17f: {  	s7 =	sshll.u32 s20, $0x8;
	v46 =	vadd.s32 $0x80, v2;
	v16 =	vadd.s32 $0x600, v31;
	v29 =	vadd.s32 $0x680, v31;
	v47 =	vld.idx.msk [tilespmem:v21+s5+$0x0], $0xffff;
	[tilespmem:s15+$0x700] =	vst v33  }
0x180: {  	s7 =	sand.u32 $0x3FFFF800, s7;
	v48 =	vadd.s32 $0x700, v31;
	v21 =	vadd.s32 $0x780, v31;
	v33 =	vadd.s32 $0x300, v1;
	[tilespmem:s16+$0x400] =	vst v35;
	v35 =	vld.idx.msk [tilespmem:v39+s5+$0x0], $0xffff  }
0x181: {  	s7 =	sadd.s32 $0x5800, s7;
	v31 =	vld.idx.msk [tilespmem:v31+s5+$0x0], $0xffff;
	[tilespmem:s6+$0x200] =	vst v37;
	v37 =	vadd.s32 $0x580, v0  }
0x182: {  	s1 =	sor.u32 s1, s7;
	s13 =	sor.u32 s29, s7;
	v39 =	vld.idx.msk [tilespmem:v25+s5+$0x0], $0xffff;
	[tilespmem:s14+$0x600] =	vst v41;
	v25 =	vmov v40  }
0x183: {  	[tilespmem:s1+$0x0] =	vst v34;
	v34 =	vld.idx.msk [tilespmem:v18+s5+$0x0], $0xffff;
	v18 =	vmov v22;
	v22 =	vmov v30  }
0x184: {  	v30 =	vld.idx.msk [tilespmem:v46+s5+$0x0], $0xffff;
	[tilespmem:s17+$0x280] =	vst v32  }
0x185: {  	v32 =	vld.idx.msk [tilespmem:v33+s5+$0x0], $0xffff;
	[tilespmem:s9+$0x500] =	vst v47  }
0x186: {  	v33 =	vadd.s32 $0x100, v2;
	v37 =	vld.idx.msk [tilespmem:v37+s5+$0x0], $0xffff;
	[tilespmem:s15+$0x780] =	vst v35;
	s15 =	smov.u32 s9;
	s9 =	smov.u32 s17;
	s17 =	smov.u32 s1  }
0x187: {  	[tilespmem:s13+$0x0] =	vst v31;
	v31 =	vadd.s32 $0x380, v1;
	v35 =	vld.idx.msk [tilespmem:v7+s5+$0x0], $0xffff;
	v7 =	vmovc v10;
	v10 =	vmov v12;
	v12 =	vmov v29  }
0x188: {  	v29 =	vld.idx.msk [tilespmem:v36+s5+$0x0], $0xffff;
	[tilespmem:s6+$0x280] =	vst v39;
	v36 =	vadd.s32 $0x600, v0  }
0x189: {  	v39 =	vld.idx.msk [tilespmem:v24+s5+$0x0], $0xffff;
	[tilespmem:s16+$0x480] =	vst v34;
	v24 =	vmov v42  }
0x18a: {  	[tilespmem:s17+$0x80] =	vst v30;
	v40 =	vld.idx.msk [tilespmem:v15+s5+$0x0], $0xffff;
	v15 =	vmov v20;
	v20 =	vmov v44  }
0x18b: {  	v41 =	vld.idx.msk [tilespmem:v33+s5+$0x0], $0xffff;
	[tilespmem:s9+$0x300] =	vst v32  }
0x18c: {  	v33 =	vld.idx.msk [tilespmem:v31+s5+$0x0], $0xffff;
	[tilespmem:s15+$0x580] =	vst v37  }
.Ltmp1:
0x18d: {  	v37 =	vadd.s32 $0x180, v2;
	v30 =	vld.idx.msk [tilespmem:v36+s5+$0x0], $0xffff;
	[tilespmem:s14+$0x680] =	vst v35;
	(pc) =	sbr.rel @p0 .LBB2_4-.Ltmp1, $4  }
0x18e: {  	v35 =	vadd.s32 $0x400, v1;
	[tilespmem:s13+$0x80] =	vst v29;
	v29 =	vld.idx.msk [tilespmem:v4+s5+$0x0], $0xffff;
	v4 =	vmovc v8;
	v8 =	vmov v11;
	v11 =	vmov v48  }
0x18f: {  	v32 =	vadd.s32 $0x680, v0;
	v36 =	vld.idx.msk [tilespmem:v38+s5+$0x0], $0xffff;
	[tilespmem:s6+$0x300] =	vst v39  }
0x190: {  	v34 =	vld.idx.msk [tilespmem:v23+s5+$0x0], $0xffff;
	[tilespmem:s16+$0x500] =	vst v40;
	v23 =	vmov v43  }
0x191: {  	[tilespmem:s17+$0x100] =	vst v41;
	v31 =	vld.idx.msk [tilespmem:v14+s5+$0x0], $0xffff;
	v14 =	vmov v17;
	v17 =	vmov v45  }
0x192: {  	_ =	sdelay $0x3  }
0x193: {  	v37 =	vld.idx.msk [tilespmem:v37+s5+$0x0], $0xffff;
	[tilespmem:s13+$0x100] =	vst v36  }
0x194: {  	v58 =	vadd.s32 $0x200, v2;
	v28 =	vld.idx.msk [tilespmem:v28+s5+$0x0], $0xffff;
	_ =	sdelay $0x3  }
0x195: {  	[tilespmem:s17+$0x180] =	vst v37  }
0x196: {  	v36 =	vld.idx.msk [tilespmem:v58+s5+$0x0], $0xffff;
	[tilespmem:s13+$0x180] =	vst v28  }
0x197: {  	v28 =	vadd.s32 $0x280, v2;
	v27 =	vld.idx.msk [tilespmem:v27+s5+$0x0], $0xffff;
	_ =	sdelay $0x3  }
0x198: {  	[tilespmem:s17+$0x200] =	vst v36  }
0x199: {  	v28 =	vld.idx.msk [tilespmem:v28+s5+$0x0], $0xffff;
	[tilespmem:s13+$0x200] =	vst v27  }
0x19a: {  	v27 =	vadd.s32 $0x300, v2;
	v25 =	vld.idx.msk [tilespmem:v25+s5+$0x0], $0xffff;
	_ =	sdelay $0x3  }
0x19b: {  	[tilespmem:s17+$0x280] =	vst v28  }
0x19c: {  	v27 =	vld.idx.msk [tilespmem:v27+s5+$0x0], $0xffff;
	[tilespmem:s13+$0x280] =	vst v25  }
0x19d: {  	v25 =	vadd.s32 $0x380, v2;
	v24 =	vld.idx.msk [tilespmem:v24+s5+$0x0], $0xffff;
	_ =	sdelay $0x3  }
0x19e: {  	[tilespmem:s17+$0x300] =	vst v27  }
0x19f: {  	v25 =	vld.idx.msk [tilespmem:v25+s5+$0x0], $0xffff;
	[tilespmem:s13+$0x300] =	vst v24  }
0x1a0: {  	v24 =	vadd.s32 $0x400, v2;
	v23 =	vld.idx.msk [tilespmem:v23+s5+$0x0], $0xffff;
	_ =	sdelay $0x1  }
0x1a1: {  	[tilespmem:s6+$0x380] =	vst v34  }
0x1a2: {  	[tilespmem:s9+$0x380] =	vst v33;
	v19 =	vld.idx.msk [tilespmem:v19+s5+$0x0], $0xffff  }
0x1a3: {  	v27 =	vld.idx.msk [tilespmem:v35+s5+$0x0], $0xffff;
	[tilespmem:s17+$0x380] =	vst v25  }
0x1a4: {  	v28 =	vadd.s32 $0x480, v1;
	v24 =	vld.idx.msk [tilespmem:v24+s5+$0x0], $0xffff;
	[tilespmem:s13+$0x380] =	vst v23  }
0x1a5: {  	v23 =	vadd.s32 $0x480, v2;
	v25 =	vld.idx.msk [tilespmem:v26+s5+$0x0], $0xffff;
	_ =	sdelay $0x1  }
0x1a6: {  	[tilespmem:s6+$0x400] =	vst v19  }
0x1a7: {  	v18 =	vld.idx.msk [tilespmem:v18+s5+$0x0], $0xffff;
	[tilespmem:s9+$0x400] =	vst v27  }
0x1a8: {  	v26 =	vld.idx.msk [tilespmem:v28+s5+$0x0], $0xffff;
	[tilespmem:s17+$0x400] =	vst v24  }
0x1a9: {  	v19 =	vadd.s32 $0x500, v1;
	v23 =	vld.idx.msk [tilespmem:v23+s5+$0x0], $0xffff;
	[tilespmem:s13+$0x400] =	vst v25  }
0x1aa: {  	v24 =	vadd.s32 $0x500, v2;
	v22 =	vld.idx.msk [tilespmem:v22+s5+$0x0], $0xffff;
	_ =	sdelay $0x1  }
0x1ab: {  	[tilespmem:s6+$0x480] =	vst v18  }
0x1ac: {  	v15 =	vld.idx.msk [tilespmem:v15+s5+$0x0], $0xffff;
	[tilespmem:s9+$0x480] =	vst v26  }
0x1ad: {  	v19 =	vld.idx.msk [tilespmem:v19+s5+$0x0], $0xffff;
	[tilespmem:s17+$0x480] =	vst v23  }
0x1ae: {  	v18 =	vadd.s32 $0x580, v1;
	v23 =	vld.idx.msk [tilespmem:v24+s5+$0x0], $0xffff;
	[tilespmem:s13+$0x480] =	vst v22  }
0x1af: {  	v22 =	vadd.s32 $0x580, v2;
	v20 =	vld.idx.msk [tilespmem:v20+s5+$0x0], $0xffff  }
0x1b0: {  	[tilespmem:s15+$0x600] =	vst v30  }
0x1b1: {  	[tilespmem:s6+$0x500] =	vst v15  }
0x1b2: {  	v14 =	vld.idx.msk [tilespmem:v14+s5+$0x0], $0xffff;
	[tilespmem:s9+$0x500] =	vst v19  }
0x1b3: {  	v18 =	vld.idx.msk [tilespmem:v18+s5+$0x0], $0xffff;
	[tilespmem:s17+$0x500] =	vst v23  }
0x1b4: {  	v15 =	vadd.s32 $0x600, v1;
	v19 =	vld.idx.msk [tilespmem:v22+s5+$0x0], $0xffff;
	[tilespmem:s13+$0x500] =	vst v20  }
0x1b5: {  	[tilespmem:s14+$0x700] =	vst v29;
	v20 =	vadd.s32 $0x600, v2;
	v17 =	vld.idx.msk [tilespmem:v17+s5+$0x0], $0xffff  }
0x1b6: {  	v6 =	vld.idx.msk [tilespmem:v6+s5+$0x0], $0xffff;
	[tilespmem:s16+$0x580] =	vst v31  }
0x1b7: {  	v9 =	vld.idx.msk [tilespmem:v9+s5+$0x0], $0xffff;
	[tilespmem:s6+$0x580] =	vst v14  }
0x1b8: {  	v13 =	vld.idx.msk [tilespmem:v13+s5+$0x0], $0xffff;
	[tilespmem:s9+$0x580] =	vst v18  }
0x1b9: {  	v15 =	vld.idx.msk [tilespmem:v15+s5+$0x0], $0xffff;
	[tilespmem:s17+$0x580] =	vst v19  }
0x1ba: {  	v14 =	vadd.s32 $0x680, v1;
	v18 =	vld.idx.msk [tilespmem:v20+s5+$0x0], $0xffff;
	[tilespmem:s13+$0x580] =	vst v17  }
0x1bb: {  	[tilespmem:s14+$0x780] =	vst v6;
	v17 =	vadd.s32 $0x680, v2;
	v16 =	vld.idx.msk [tilespmem:v16+s5+$0x0], $0xffff  }
0x1bc: {  	[tilespmem:s16+$0x600] =	vst v9;
	v22 =	vld.idx.msk [tilespmem:v32+s5+$0x0], $0xffff  }
0x1bd: {  	v9 =	vadd.s32 $0x700, v0;
	v7 =	vld.idx.msk [tilespmem:v7+s5+$0x0], $0xffff;
	[tilespmem:s6+$0x600] =	vst v13  }
0x1be: {  	v10 =	vld.idx.msk [tilespmem:v10+s5+$0x0], $0xffff;
	[tilespmem:s9+$0x600] =	vst v15  }
0x1bf: {  	v14 =	vld.idx.msk [tilespmem:v14+s5+$0x0], $0xffff;
	[tilespmem:s17+$0x600] =	vst v18  }
0x1c0: {  	v13 =	vadd.s32 $0x700, v1;
	v15 =	vld.idx.msk [tilespmem:v17+s5+$0x0], $0xffff;
	[tilespmem:s13+$0x600] =	vst v16  }
0x1c1: {  	v6 =	vadd.s32 $0x700, v2;
	[tilespmem:s15+$0x680] =	vst v22;
	v12 =	vld.idx.msk [tilespmem:v12+s5+$0x0], $0xffff  }
0x1c2: {  	[tilespmem:s16+$0x680] =	vst v7;
	v9 =	vld.idx.msk [tilespmem:v9+s5+$0x0], $0xffff  }
0x1c3: {  	v0 =	vadd.s32 $0x780, v0;
	v4 =	vld.idx.msk [tilespmem:v4+s5+$0x0], $0xffff;
	[tilespmem:s6+$0x680] =	vst v10  }
0x1c4: {  	v8 =	vld.idx.msk [tilespmem:v8+s5+$0x0], $0xffff;
	[tilespmem:s9+$0x680] =	vst v14  }
0x1c5: {  	v7 =	vld.idx.msk [tilespmem:v13+s5+$0x0], $0xffff;
	[tilespmem:s17+$0x680] =	vst v15  }
0x1c6: {  	v1 =	vadd.s32 $0x780, v1;
	v6 =	vld.idx.msk [tilespmem:v6+s5+$0x0], $0xffff;
	[tilespmem:s13+$0x680] =	vst v12  }
0x1c7: {  	v2 =	vadd.s32 $0x780, v2;
	[tilespmem:s15+$0x700] =	vst v9;
	v9 =	vld.idx.msk [tilespmem:v11+s5+$0x0], $0xffff  }
0x1c8: {  	[tilespmem:s16+$0x700] =	vst v4;
	v0 =	vld.idx.msk [tilespmem:v0+s5+$0x0], $0xffff  }
0x1c9: {  	v3 =	vld.idx.msk [tilespmem:v3+s5+$0x0], $0xffff;
	[tilespmem:s6+$0x700] =	vst v8  }
0x1ca: {  	v4 =	vld.idx.msk [tilespmem:v5+s5+$0x0], $0xffff;
	[tilespmem:s9+$0x700] =	vst v7  }
0x1cb: {  	v1 =	vld.idx.msk [tilespmem:v1+s5+$0x0], $0xffff;
	[tilespmem:s17+$0x700] =	vst v6  }
0x1cc: {  	v2 =	vld.idx.msk [tilespmem:v2+s5+$0x0], $0xffff;
	[tilespmem:s13+$0x700] =	vst v9  }
0x1cd: {  	[tilespmem:s15+$0x780] =	vst v0;
	v0 =	vld.idx.msk [tilespmem:v21+s5+$0x0], $0xffff  }
0x1ce: {  	[tilespmem:s16+$0x780] =	vst v3  }
0x1cf: {  	[tilespmem:s6+$0x780] =	vst v4  }
0x1d0: {  	[tilespmem:s9+$0x780] =	vst v1  }
0x1d1: {  	[tilespmem:s17+$0x780] =	vst v2  }
0x1d2: {  	[tilespmem:s13+$0x780] =	vst v0  }
0x1d3: {  	s19 =	simm.s32 $0x5800;
	s20 =	simm.s32 $0x0;
	s1 =	rddreg [dreg:$0xa]  }
0x1d4: {  	[hbm4b:s1+s26] =	stream.strided.scatter [tilespmem:s19], [sflag:$0x6], $0x4000, s28, s26, $0x38;
	[tilespmem:$0x11800] =	vst v63  }
0x1d5: {  	s7 =	simm.s32 $0xC00;
	s22 =	simm.s32 $0x0;
	s21 =	rddreg [dreg:$0xb]  }
0x1d6: {  	[tilespmem:s7], [sflag:$0x2] =	stream.linear.gather [hbm4b:s21+s20], $0x400, $0x38;
	[tilespmem:$0x11800] =	vst v63  }
0x1d7: {  	s6 =	sand.u32 $0x3FFFFF80, s22;
	s1 =	sand.u32 $0x60, s20;
	_ =	swait.ge [sflag:s0], $0x400  }
0x1d8: {  	s6 =	sadd.s32 $0x1000, s6;
	s29 =	sor.u32 $0x10, s1;
	[sflag:s0] =	ssyncset.done $0x0  }
0x1d9: {  	s31 =	sor.u32 s29, s6;
	[sflag:s0] =	ssyncadd.s32 $0xFFFFFC00  }
0x1da: {  	v4 =	vld [tilespmem:s31+$0x0];
	_ =	sdelay $0x1  }
0x1db: {  	s6 =	sor.u32 s1, s6  }
0x1dc: {  	v3 =	vld [tilespmem:s6+$0x0];
	_ =	sdelay $0x4  }
0x1dd: {  	v0 =	vld.idx.msk [tilespmem:v4+s5+$0x0], $0xffff  }
0x1de: {  	s9 =	simm.s32 $0x0;
	v1 =	vadd.s32 $0x80, v4  }
0x1df: {  	s6 =	sand.u32 $0x3FFFF800, s9  }
0x1e0: {  	s6 =	sadd.s32 $0x9800, s6;
	v2 =	vld.idx.msk [tilespmem:v3+s5+$0x0], $0xffff  }
0x1e1: {  	s20 =	sor.u32 s29, s6;
	v5 =	vadd.s32 $0x80, v3  }
0x1e2: {  	[tilespmem:s20+$0x0] =	vst v0  }
0x1e3: {  	v0 =	vld.idx.msk [tilespmem:v1+s5+$0x0], $0xffff  }
0x1e4: {  	s14 =	sor.u32 s1, s6;
	v1 =	vadd.s32 $0x100, v4  }
0x1e5: {  	[tilespmem:s14+$0x0] =	vst v2  }
0x1e6: {  	v2 =	vld.idx.msk [tilespmem:v5+s5+$0x0], $0xffff  }
0x1e7: {  	v5 =	vadd.s32 $0x100, v3  }
0x1e8: {  	[tilespmem:s20+$0x80] =	vst v0  }
0x1e9: {  	v0 =	vld.idx.msk [tilespmem:v1+s5+$0x0], $0xffff  }
0x1ea: {  	v1 =	vadd.s32 $0x180, v4  }
0x1eb: {  	[tilespmem:s14+$0x80] =	vst v2  }
0x1ec: {  	v6 =	vld.idx.msk [tilespmem:v5+s5+$0x0], $0xffff  }
0x1ed: {  	s15 =	simm.s32 $0x20;
	s13 =	simm.s32 $0x20;
	v7 =	vadd.s32 $0x180, v3  }
0x1ee: {  	s6 =	sand.u32 $0x60, s15;
	s1 =	sand.u32 $0x3FFFFF80, s13;
	[tilespmem:s20+$0x100] =	vst v0  }
0x1ef: {  	s1 =	sadd.s32 $0x1000, s1;
	s16 =	sor.u32 $0x10, s6;
	v1 =	vld.idx.msk [tilespmem:v1+s5+$0x0], $0xffff  }
0x1f0: {  	s17 =	sor.u32 s16, s1;
	v2 =	vadd.s32 $0x200, v4  }
0x1f1: {  	v0 =	vld [tilespmem:s17+$0x0];
	[tilespmem:s14+$0x100] =	vst v6  }
0x1f2: {  	v6 =	vld.idx.msk [tilespmem:v7+s5+$0x0], $0xffff  }
0x1f3: {  	s1 =	sor.u32 s6, s1;
	v7 =	vadd.s32 $0x200, v3  }
0x1f4: {  	v5 =	vld [tilespmem:s1+$0x0];
	[tilespmem:s20+$0x180] =	vst v1  }
0x1f5: {  	v1 =	vld.idx.msk [tilespmem:v2+s5+$0x0], $0xffff  }
0x1f6: {  	v2 =	vadd.s32 $0x280, v4  }
0x1f7: {  	[tilespmem:s14+$0x180] =	vst v6  }
0x1f8: {  	v7 =	vld.idx.msk [tilespmem:v7+s5+$0x0], $0xffff  }
0x1f9: {  	v11 =	vadd.s32 $0x280, v3  }
0x1fa: {  	v8 =	vld.idx.msk [tilespmem:v0+s5+$0x0], $0xffff;
	[tilespmem:s20+$0x200] =	vst v1  }
0x1fb: {  	s19 =	simm.s32 $0x200;
	v1 =	vld.idx.msk [tilespmem:v2+s5+$0x0], $0xffff;
	v2 =	vadd.s32 $0x80, v0  }
0x1fc: {  	v9 =	vadd.s32 $0x300, v4;
	s1 =	sand.u32 $0x3FFFF800, s19  }
0x1fd: {  	s1 =	sadd.s32 $0x9800, s1;
	v10 =	vld.idx.msk [tilespmem:v5+s5+$0x0], $0xffff;
	[tilespmem:s14+$0x200] =	vst v7  }
0x1fe: {  	s15 =	sor.u32 s16, s1;
	v6 =	vadd.s32 $0x80, v5;
	v7 =	vld.idx.msk [tilespmem:v11+s5+$0x0], $0xffff  }
0x1ff: {  	[tilespmem:s15+$0x0] =	vst v8;
	v11 =	vadd.s32 $0x300, v3  }
0x200: {  	v2 =	vld.idx.msk [tilespmem:v2+s5+$0x0], $0xffff;
	[tilespmem:s20+$0x280] =	vst v1  }
0x201: {  	s16 =	sor.u32 s6, s1;
	v8 =	vadd.s32 $0x100, v0;
	v1 =	vld.idx.msk [tilespmem:v9+s5+$0x0], $0xffff  }
0x202: {  	[tilespmem:s16+$0x0] =	vst v10;
	v9 =	vadd.s32 $0x380, v4  }
0x203: {  	v6 =	vld.idx.msk [tilespmem:v6+s5+$0x0], $0xffff;
	[tilespmem:s14+$0x280] =	vst v7  }
0x204: {  	v10 =	vadd.s32 $0x100, v5;
	v7 =	vld.idx.msk [tilespmem:v11+s5+$0x0], $0xffff  }
0x205: {  	v11 =	vadd.s32 $0x380, v3;
	[tilespmem:s15+$0x80] =	vst v2  }
0x206: {  	v2 =	vld.idx.msk [tilespmem:v8+s5+$0x0], $0xffff;
	[tilespmem:s20+$0x300] =	vst v1  }
0x207: {  	s22 =	simm.s32 $0x40;
	s21 =	simm.s32 $0x40;
	v8 =	vadd.s32 $0x180, v0;
	v1 =	vld.idx.msk [tilespmem:v9+s5+$0x0], $0xffff  }
0x208: {  	s6 =	sand.u32 $0x60, s22;
	s1 =	sand.u32 $0x3FFFFF80, s21;
	[tilespmem:s16+$0x80] =	vst v6;
	v6 =	vadd.s32 $0x400, v4  }
0x209: {  	s1 =	sadd.s32 $0x1000, s1;
	s29 =	sor.u32 $0x10, s6;
	[tilespmem:s14+$0x300] =	vst v7;
	v9 =	vld.idx.msk [tilespmem:v10+s5+$0x0], $0xffff  }
0x20a: {  	s31 =	sor.u32 s29, s1;
	s1 =	sor.u32 s6, s1;
	v10 =	vadd.s32 $0x180, v5;
	v12 =	vld.idx.msk [tilespmem:v11+s5+$0x0], $0xffff  }
0x20b: {  	v11 =	vld [tilespmem:s1+$0x0];
	[tilespmem:s15+$0x100] =	vst v2  }
0x20c: {  	v13 =	vadd.s32 $0x400, v3;
	v2 =	vld.idx.msk [tilespmem:v8+s5+$0x0], $0xffff;
	[tilespmem:s20+$0x380] =	vst v1  }
0x20d: {  	v8 =	vadd.s32 $0x200, v0;
	v6 =	vld.idx.msk [tilespmem:v6+s5+$0x0], $0xffff  }
0x20e: {  	[tilespmem:s16+$0x100] =	vst v9;
	v9 =	vadd.s32 $0x480, v4;
	v1 =	vld [tilespmem:s31+$0x0]  }
0x20f: {  	v10 =	vld.idx.msk [tilespmem:v10+s5+$0x0], $0xffff  }
0x210: {  	v7 =	vadd.s32 $0x200, v5;
	[tilespmem:s14+$0x380] =	vst v12  }
0x211: {  	v12 =	vld.idx.msk [tilespmem:v13+s5+$0x0], $0xffff;
	[tilespmem:s15+$0x180] =	vst v2  }
0x212: {  	v2 =	vld.idx.msk [tilespmem:v8+s5+$0x0], $0xffff;
	[tilespmem:s20+$0x400] =	vst v6  }
0x213: {  	v13 =	vadd.s32 $0x480, v3;
	v6 =	vld.idx.msk [tilespmem:v9+s5+$0x0], $0xffff  }
0x214: {  	v8 =	vadd.s32 $0x280, v0;
	[tilespmem:s16+$0x180] =	vst v10  }
0x215: {  	v9 =	vadd.s32 $0x500, v4;
	v7 =	vld.idx.msk [tilespmem:v7+s5+$0x0], $0xffff  }
0x216: {  	v15 =	vld.idx.msk [tilespmem:v11+s5+$0x0], $0xffff;
	v10 =	vadd.s32 $0x280, v5;
	[tilespmem:s14+$0x400] =	vst v12  }
0x217: {  	s13 =	simm.s32 $0x400;
	v16 =	vadd.s32 $0x80, v11;
	v14 =	vld.idx.msk [tilespmem:v1+s5+$0x0], $0xffff;
	[tilespmem:s15+$0x200] =	vst v2  }
0x218: {  	s1 =	sand.u32 $0x3FFFF800, s13;
	v13 =	vld.idx.msk [tilespmem:v13+s5+$0x0], $0xffff;
	[tilespmem:s20+$0x480] =	vst v6;
	v6 =	vadd.s32 $0x80, v1  }
0x219: {  	s1 =	sadd.s32 $0x9800, s1;
	v2 =	vld.idx.msk [tilespmem:v8+s5+$0x0], $0xffff  }
0x21a: {  	s19 =	simm.s32 $0x60;
	s17 =	simm.s32 $0x60;
	s6 =	sor.u32 s6, s1;
	[tilespmem:s16+$0x200] =	vst v7;
	v8 =	vld.idx.msk [tilespmem:v9+s5+$0x0], $0xffff;
	v9 =	vadd.s32 $0x300, v0  }
0x21b: {  	s21 =	sand.u32 $0x60, s19;
	s7 =	sand.u32 $0x3FFFFF80, s17;
	s9 =	sor.u32 s29, s1;
	[tilespmem:s6+$0x0] =	vst v15;
	v7 =	vadd.s32 $0x580, v4;
	v10 =	vld.idx.msk [tilespmem:v10+s5+$0x0], $0xffff  }
0x21c: {  	s22 =	sor.u32 $0x10, s21;
	s7 =	sadd.s32 $0x1000, s7;
	v12 =	vadd.s32 $0x300, v5;
	v15 =	vld.idx.msk [tilespmem:v16+s5+$0x0], $0xffff;
	[tilespmem:s9+$0x0] =	vst v14  }
0x21d: {  	s29 =	sor.u32 s22, s7;
	s7 =	sor.u32 s21, s7;
	[tilespmem:s14+$0x480] =	vst v13;
	v14 =	vadd.s32 $0x500, v3;
	v6 =	vld.idx.msk [tilespmem:v6+s5+$0x0], $0xffff  }
0x21e: {  	v21 =	vld [tilespmem:s7+$0x0];
	v16 =	vadd.s32 $0x100, v11;
	[tilespmem:s15+$0x280] =	vst v2  }
0x21f: {  	v2 =	vld.idx.msk [tilespmem:v9+s5+$0x0], $0xffff;
	[tilespmem:s20+$0x500] =	vst v8;
	v8 =	vadd.s32 $0x100, v1  }
0x220: {  	v9 =	vadd.s32 $0x380, v0;
	[tilespmem:s16+$0x280] =	vst v10;
	v7 =	vld.idx.msk [tilespmem:v7+s5+$0x0], $0xffff  }
0x221: {  	[tilespmem:s6+$0x80] =	vst v15;
	v10 =	vadd.s32 $0x600, v4;
	v12 =	vld.idx.msk [tilespmem:v12+s5+$0x0], $0xffff  }
0x222: {  	v13 =	vadd.s32 $0x380, v5;
	[tilespmem:s9+$0x80] =	vst v6;
	v6 =	vld.idx.msk [tilespmem:v14+s5+$0x0], $0xffff  }
0x223: {  	v15 =	vld.idx.msk [tilespmem:v16+s5+$0x0], $0xffff;
	v14 =	vadd.s32 $0x580, v3  }
0x224: {  	v16 =	vadd.s32 $0x180, v11;
	v8 =	vld.idx.msk [tilespmem:v8+s5+$0x0], $0xffff;
	[tilespmem:s15+$0x300] =	vst v2  }
0x225: {  	v2 =	vld.idx.msk [tilespmem:v9+s5+$0x0], $0xffff;
	[tilespmem:s20+$0x580] =	vst v7;
	v7 =	vadd.s32 $0x180, v1  }
0x226: {  	[tilespmem:s16+$0x300] =	vst v12;
	v9 =	vld.idx.msk [tilespmem:v10+s5+$0x0], $0xffff  }
0x227: {  	v10 =	vadd.s32 $0x400, v0;
	v13 =	vld.idx.msk [tilespmem:v13+s5+$0x0], $0xffff;
	[tilespmem:s14+$0x500] =	vst v6  }
0x228: {  	[tilespmem:s6+$0x100] =	vst v15;
	v12 =	vadd.s32 $0x680, v4;
	v6 =	vld.idx.msk [tilespmem:v14+s5+$0x0], $0xffff  }
0x229: {  	[tilespmem:s9+$0x100] =	vst v8;
	v14 =	vld.idx.msk [tilespmem:v16+s5+$0x0], $0xffff  }
0x22a: {  	v16 =	vadd.s32 $0x400, v5;
	v7 =	vld.idx.msk [tilespmem:v7+s5+$0x0], $0xffff  }
0x22b: {  	v17 =	vadd.s32 $0x200, v11;
	[tilespmem:s15+$0x380] =	vst v2;
	v2 =	vld [tilespmem:s29+$0x0]  }
0x22c: {  	v8 =	vld.idx.msk [tilespmem:v10+s5+$0x0], $0xffff;
	[tilespmem:s20+$0x600] =	vst v9;
	v9 =	vadd.s32 $0x200, v1  }
0x22d: {  	[tilespmem:s16+$0x380] =	vst v13;
	v10 =	vld.idx.msk [tilespmem:v12+s5+$0x0], $0xffff;
	v12 =	vadd.s32 $0x480, v0  }
0x22e: {  	v15 =	vadd.s32 $0x700, v4;
	[tilespmem:s6+$0x180] =	vst v14  }
0x22f: {  	v13 =	vld.idx.msk [tilespmem:v16+s5+$0x0], $0xffff;
	[tilespmem:s14+$0x580] =	vst v6  }
0x230: {  	[tilespmem:s9+$0x180] =	vst v7;
	v6 =	vld.idx.msk [tilespmem:v17+s5+$0x0], $0xffff  }
0x231: {  	v7 =	vadd.s32 $0x600, v3;
	v9 =	vld.idx.msk [tilespmem:v9+s5+$0x0], $0xffff;
	[tilespmem:s15+$0x400] =	vst v8  }
0x232: {  	v8 =	vld.idx.msk [tilespmem:v12+s5+$0x0], $0xffff;
	[tilespmem:s20+$0x680] =	vst v10;
	v10 =	vadd.s32 $0x280, v1  }
0x233: {  	v14 =	vadd.s32 $0x500, v0;
	v12 =	vld.idx.msk [tilespmem:v15+s5+$0x0], $0xffff  }
0x234: {  	v15 =	vadd.s32 $0x280, v11;
	v16 =	vld.idx.msk [tilespmem:v2+s5+$0x0], $0xffff  }
0x235: {  	v4 =	vadd.s32 $0x780, v4;
	[tilespmem:s16+$0x400] =	vst v13;
	v13 =	vld.idx.msk [tilespmem:v21+s5+$0x0], $0xffff  }
0x236: {  	s31 =	simm.s32 $0x600;
	v19 =	vadd.s32 $0x80, v21;
	v7 =	vld.idx.msk [tilespmem:v7+s5+$0x0], $0xffff;
	[tilespmem:s9+$0x200] =	vst v9  }
0x237: {  	s7 =	sand.u32 $0x3FFFF800, s31;
	v9 =	vadd.s32 $0x480, v5;
	v10 =	vld.idx.msk [tilespmem:v10+s5+$0x0], $0xffff;
	[tilespmem:s15+$0x480] =	vst v8  }
0x238: {  	v18 =	vadd.s32 $0x680, v3;
	s7 =	sadd.s32 $0x9800, s7;
	[tilespmem:s6+$0x200] =	vst v6;
	v14 =	vld.idx.msk [tilespmem:v14+s5+$0x0], $0xffff  }
0x239: {  	s13 =	sor.u32 s21, s7;
	v8 =	vadd.s32 $0x80, v2;
	[tilespmem:s20+$0x700] =	vst v12;
	v15 =	vld.idx.msk [tilespmem:v15+s5+$0x0], $0xffff  }
0x23a: {  	s17 =	sor.u32 s22, s7;
	v12 =	vadd.s32 $0x300, v1;
	v4 =	vld.idx.msk [tilespmem:v4+s5+$0x0], $0xffff;
	[tilespmem:s13+$0x0] =	vst v13  }
0x23b: {  	v17 =	vadd.s32 $0x580, v0;
	[tilespmem:s17+$0x0] =	vst v16;
	v59 =	vld.idx.msk [tilespmem:v19+s5+$0x0], $0xffff  }
0x23c: {  	v20 =	vadd.s32 $0x300, v11;
	[tilespmem:s14+$0x600] =	vst v7;
	v16 =	vld.idx.msk [tilespmem:v9+s5+$0x0], $0xffff  }
0x23d: {  	v62 =	vadd.s32 $0x100, v21;
	v26 =	vld.idx.msk [tilespmem:v18+s5+$0x0], $0xffff;
	[tilespmem:s9+$0x280] =	vst v10  }
0x23e: {  	v29 =	vadd.s32 $0x700, v3;
	v31 =	vadd.s32 $0x580, v5;
	v8 =	vld.idx.msk [tilespmem:v8+s5+$0x0], $0xffff;
	v10 =	vadd.s32 $0x500, v5;
	[tilespmem:s15+$0x500] =	vst v14  }
0x23f: {  	v30 =	vadd.s32 $0x600, v0;
	v32 =	vadd.s32 $0x680, v0;
	v22 =	vadd.s32 $0x100, v2;
	v12 =	vld.idx.msk [tilespmem:v12+s5+$0x0], $0xffff;
	[tilespmem:s6+$0x280] =	vst v15  }
0x240: {  	v60 =	vadd.s32 $0x380, v11;
	v28 =	vadd.s32 $0x180, v21;
	v23 =	vadd.s32 $0x380, v1;
	v17 =	vld.idx.msk [tilespmem:v17+s5+$0x0], $0xffff;
	[tilespmem:s20+$0x780] =	vst v4  }
0x241: {  	v27 =	vadd.s32 $0x200, v21;
	v25 =	vadd.s32 $0x280, v21;
	v24 =	vadd.s32 $0x300, v21;
	v61 =	vld.idx.msk [tilespmem:v20+s5+$0x0], $0xffff;
	[tilespmem:s13+$0x80] =	vst v59  }
0x242: {  	v35 =	vadd.s32 $0x400, v1;
	v37 =	vadd.s32 $0x180, v2;
	v6 =	vadd.s32 $0x780, v3;
	[tilespmem:s16+$0x480] =	vst v16;
	v36 =	vld.idx.msk [tilespmem:v62+s5+$0x0], $0xffff  }
0x243: {  	v3 =	vadd.s32 $0x780, v5;
	v13 =	vadd.s32 $0x600, v11;
	v7 =	vadd.s32 $0x680, v5;
	[tilespmem:s17+$0x80] =	vst v8;
	v63 =	vld.idx.msk [tilespmem:v10+s5+$0x0], $0xffff  }
0x244: {  	v19 =	vadd.s32 $0x400, v11;
	v9 =	vadd.s32 $0x600, v5;
	v18 =	vadd.s32 $0x480, v11;
	v38 =	vld.idx.msk [tilespmem:v22+s5+$0x0], $0xffff;
	[tilespmem:s9+$0x300] =	vst v12  }
0x245: {  	v15 =	vadd.s32 $0x500, v11;
	v14 =	vadd.s32 $0x580, v11;
	v4 =	vadd.s32 $0x700, v5;
	v33 =	vld.idx.msk [tilespmem:v23+s5+$0x0], $0xffff;
	[tilespmem:s15+$0x580] =	vst v17  }
0x246: {  	v5 =	vadd.s32 $0x780, v11;
	v20 =	vadd.s32 $0x500, v21;
	[tilespmem:s14+$0x680] =	vst v26;
	v26 =	vadd.s32 $0x400, v21;
	v30 =	vld.idx.msk [tilespmem:v30+s5+$0x0], $0xffff  }
0x247: {  	v16 =	vadd.s32 $0x600, v21;
	v10 =	vadd.s32 $0x680, v11;
	v8 =	vadd.s32 $0x700, v11;
	v29 =	vld.idx.msk [tilespmem:v29+s5+$0x0], $0xffff;
	[tilespmem:s6+$0x300] =	vst v61  }
0x248: {  	v11 =	vadd.s32 $0x700, v21;
	v22 =	vadd.s32 $0x480, v21;
	v12 =	vadd.s32 $0x680, v21;
	v34 =	vld.idx.msk [tilespmem:v60+s5+$0x0], $0xffff;
	[tilespmem:s16+$0x500] =	vst v63  }
0x249: {  	s20 =	simm.s32 $0x6;
	v23 =	vadd.s32 $0x380, v21;
	v17 =	vadd.s32 $0x580, v21;
	v21 =	vadd.s32 $0x780, v21;
	[tilespmem:s17+$0x100] =	vst v38;
	v31 =	vld.idx.msk [tilespmem:v31+s5+$0x0], $0xffff  }
.LBB2_6:
0x24a: {  	s20 =	sadd.s32 $0x2, s20;
	v37 =	vld.idx.msk [tilespmem:v37+s5+$0x0], $0xffff;
	[tilespmem:s9+$0x380] =	vst v33  }
0x24b: {  	s19 =	sadd.s32 $0x20, s19;
	s1 =	sshll.u32 s20, $0x4;
	p0 =	slt.u32 s20, $0x3E;
	v33 =	vld.idx.msk [tilespmem:v35+s5+$0x0], $0xffff;
	[tilespmem:s15+$0x600] =	vst v30  }
0x24c: {  	s29 =	sand.u32 $0x60, s19;
	v30 =	vadd.s32 $0x200, v2;
	s1 =	sand.u32 $0x3FFFFF80, s1;
	v32 =	vld.idx.msk [tilespmem:v32+s5+$0x0], $0xffff;
	[tilespmem:s14+$0x700] =	vst v29  }
0x24d: {  	v29 =	vadd.s32 $0x480, v1;
	s7 =	sadd.s32 $0x1000, s1;
	s1 =	sor.u32 $0x10, s29;
	[tilespmem:s13+$0x100] =	vst v36;
	v35 =	vld.idx.msk [tilespmem:v6+s5+$0x0], $0xffff;
	v6 =	vmovc v3;
	v3 =	vmov v5;
	v5 =	vmov v21  }
0x24e: {  	s31 =	sor.u32 s29, s7;
	s7 =	sor.u32 s1, s7;
	v21 =	vld.idx.msk [tilespmem:v28+s5+$0x0], $0xffff;
	[tilespmem:s6+$0x380] =	vst v34;
	v28 =	vadd.s32 $0x700, v0  }
0x24f: {  	v34 =	vld [tilespmem:s7+$0x0];
	[tilespmem:s16+$0x580] =	vst v31  }
0x250: {  	v31 =	vld [tilespmem:s31+$0x0];
	[tilespmem:s17+$0x180] =	vst v37  }
0x251: {  	v30 =	vld.idx.msk [tilespmem:v30+s5+$0x0], $0xffff;
	[tilespmem:s9+$0x400] =	vst v33  }
0x252: {  	v29 =	vld.idx.msk [tilespmem:v29+s5+$0x0], $0xffff;
	[tilespmem:s15+$0x680] =	vst v32  }
0x253: {  	v32 =	vadd.s32 $0x280, v2;
	v33 =	vld.idx.msk [tilespmem:v28+s5+$0x0], $0xffff;
	[tilespmem:s14+$0x780] =	vst v35;
	s14 =	smov.u32 s16;
	s16 =	smov.u32 s6;
	s6 =	smov.u32 s13  }
0x254: {  	[tilespmem:s6+$0x180] =	vst v21;
	v35 =	vld.idx.msk [tilespmem:v19+s5+$0x0], $0xffff;
	v21 =	vadd.s32 $0x500, v1;
	v19 =	vmov v26  }
0x255: {  	v39 =	vadd.s32 $0x780, v0;
	v0 =	vmovc v1;
	v1 =	vmovc v2;
	v36 =	vadd.s32 $0x80, v31;
	v38 =	vadd.s32 $0x100, v31;
	v37 =	vld.idx.msk [tilespmem:v27+s5+$0x0], $0xffff  }
0x256: {  	v2 =	vmovc v34;
	v28 =	vadd.s32 $0x180, v31;
	v27 =	vadd.s32 $0x200, v31;
	v40 =	vadd.s32 $0x280, v31;
	v41 =	vld.idx.msk [tilespmem:v9+s5+$0x0], $0xffff;
	v9 =	vmovc v13  }
0x257: {  	v42 =	vadd.s32 $0x300, v31;
	v43 =	vadd.s32 $0x380, v31;
	v26 =	vadd.s32 $0x400, v31;
	v13 =	vmovc v16;
	v34 =	vld.idx.msk [tilespmem:v34+s5+$0x0], $0xffff;
	[tilespmem:s17+$0x200] =	vst v30  }
0x258: {  	v44 =	vadd.s32 $0x500, v31;
	v45 =	vadd.s32 $0x580, v31;
	v30 =	vadd.s32 $0x480, v31;
	v32 =	vld.idx.msk [tilespmem:v32+s5+$0x0], $0xffff;
	[tilespmem:s9+$0x480] =	vst v29  }
0x259: {  	s7 =	sshll.u32 s20, $0x8;
	v46 =	vadd.s32 $0x80, v2;
	v16 =	vadd.s32 $0x600, v31;
	v29 =	vadd.s32 $0x680, v31;
	v47 =	vld.idx.msk [tilespmem:v21+s5+$0x0], $0xffff;
	[tilespmem:s15+$0x700] =	vst v33  }
0x25a: {  	s7 =	sand.u32 $0x3FFFF800, s7;
	v48 =	vadd.s32 $0x700, v31;
	v21 =	vadd.s32 $0x780, v31;
	v33 =	vadd.s32 $0x300, v1;
	[tilespmem:s16+$0x400] =	vst v35;
	v35 =	vld.idx.msk [tilespmem:v39+s5+$0x0], $0xffff  }
0x25b: {  	s7 =	sadd.s32 $0x9800, s7;
	v31 =	vld.idx.msk [tilespmem:v31+s5+$0x0], $0xffff;
	[tilespmem:s6+$0x200] =	vst v37;
	v37 =	vadd.s32 $0x580, v0  }
0x25c: {  	s1 =	sor.u32 s1, s7;
	s13 =	sor.u32 s29, s7;
	v39 =	vld.idx.msk [tilespmem:v25+s5+$0x0], $0xffff;
	[tilespmem:s14+$0x600] =	vst v41;
	v25 =	vmov v40  }
0x25d: {  	[tilespmem:s1+$0x0] =	vst v34;
	v34 =	vld.idx.msk [tilespmem:v18+s5+$0x0], $0xffff;
	v18 =	vmov v22;
	v22 =	vmov v30  }
0x25e: {  	v30 =	vld.idx.msk [tilespmem:v46+s5+$0x0], $0xffff;
	[tilespmem:s17+$0x280] =	vst v32  }
0x25f: {  	v32 =	vld.idx.msk [tilespmem:v33+s5+$0x0], $0xffff;
	[tilespmem:s9+$0x500] =	vst v47  }
0x260: {  	v33 =	vadd.s32 $0x100, v2;
	v37 =	vld.idx.msk [tilespmem:v37+s5+$0x0], $0xffff;
	[tilespmem:s15+$0x780] =	vst v35;
	s15 =	smov.u32 s9;
	s9 =	smov.u32 s17;
	s17 =	smov.u32 s1  }
0x261: {  	[tilespmem:s13+$0x0] =	vst v31;
	v31 =	vadd.s32 $0x380, v1;
	v35 =	vld.idx.msk [tilespmem:v7+s5+$0x0], $0xffff;
	v7 =	vmovc v10;
	v10 =	vmov v12;
	v12 =	vmov v29  }
0x262: {  	v29 =	vld.idx.msk [tilespmem:v36+s5+$0x0], $0xffff;
	[tilespmem:s6+$0x280] =	vst v39;
	v36 =	vadd.s32 $0x600, v0  }
0x263: {  	v39 =	vld.idx.msk [tilespmem:v24+s5+$0x0], $0xffff;
	[tilespmem:s16+$0x480] =	vst v34;
	v24 =	vmov v42  }
0x264: {  	[tilespmem:s17+$0x80] =	vst v30;
	v40 =	vld.idx.msk [tilespmem:v15+s5+$0x0], $0xffff;
	v15 =	vmov v20;
	v20 =	vmov v44  }
0x265: {  	v41 =	vld.idx.msk [tilespmem:v33+s5+$0x0], $0xffff;
	[tilespmem:s9+$0x300] =	vst v32  }
0x266: {  	v33 =	vld.idx.msk [tilespmem:v31+s5+$0x0], $0xffff;
	[tilespmem:s15+$0x580] =	vst v37  }
.Ltmp2:
0x267: {  	v37 =	vadd.s32 $0x180, v2;
	v30 =	vld.idx.msk [tilespmem:v36+s5+$0x0], $0xffff;
	[tilespmem:s14+$0x680] =	vst v35;
	(pc) =	sbr.rel @p0 .LBB2_6-.Ltmp2, $4  }
0x268: {  	v35 =	vadd.s32 $0x400, v1;
	[tilespmem:s13+$0x80] =	vst v29;
	v29 =	vld.idx.msk [tilespmem:v4+s5+$0x0], $0xffff;
	v4 =	vmovc v8;
	v8 =	vmov v11;
	v11 =	vmov v48  }
0x269: {  	v32 =	vadd.s32 $0x680, v0;
	v36 =	vld.idx.msk [tilespmem:v38+s5+$0x0], $0xffff;
	[tilespmem:s6+$0x300] =	vst v39  }
0x26a: {  	v34 =	vld.idx.msk [tilespmem:v23+s5+$0x0], $0xffff;
	[tilespmem:s16+$0x500] =	vst v40;
	v23 =	vmov v43  }
0x26b: {  	[tilespmem:s17+$0x100] =	vst v41;
	v31 =	vld.idx.msk [tilespmem:v14+s5+$0x0], $0xffff;
	v14 =	vmov v17;
	v17 =	vmov v45  }
0x26c: {  	_ =	sdelay $0x3  }
0x26d: {  	v37 =	vld.idx.msk [tilespmem:v37+s5+$0x0], $0xffff;
	[tilespmem:s13+$0x100] =	vst v36  }
0x26e: {  	v58 =	vadd.s32 $0x200, v2;
	v28 =	vld.idx.msk [tilespmem:v28+s5+$0x0], $0xffff;
	_ =	sdelay $0x3  }
0x26f: {  	[tilespmem:s17+$0x180] =	vst v37  }
0x270: {  	v36 =	vld.idx.msk [tilespmem:v58+s5+$0x0], $0xffff;
	[tilespmem:s13+$0x180] =	vst v28  }
0x271: {  	v28 =	vadd.s32 $0x280, v2;
	v27 =	vld.idx.msk [tilespmem:v27+s5+$0x0], $0xffff;
	_ =	sdelay $0x3  }
0x272: {  	[tilespmem:s17+$0x200] =	vst v36  }
0x273: {  	v28 =	vld.idx.msk [tilespmem:v28+s5+$0x0], $0xffff;
	[tilespmem:s13+$0x200] =	vst v27  }
0x274: {  	v27 =	vadd.s32 $0x300, v2;
	v25 =	vld.idx.msk [tilespmem:v25+s5+$0x0], $0xffff;
	_ =	sdelay $0x3  }
0x275: {  	[tilespmem:s17+$0x280] =	vst v28  }
0x276: {  	v27 =	vld.idx.msk [tilespmem:v27+s5+$0x0], $0xffff;
	[tilespmem:s13+$0x280] =	vst v25  }
0x277: {  	v25 =	vadd.s32 $0x380, v2;
	v24 =	vld.idx.msk [tilespmem:v24+s5+$0x0], $0xffff;
	_ =	sdelay $0x3  }
0x278: {  	[tilespmem:s17+$0x300] =	vst v27  }
0x279: {  	v25 =	vld.idx.msk [tilespmem:v25+s5+$0x0], $0xffff;
	[tilespmem:s13+$0x300] =	vst v24  }
0x27a: {  	v24 =	vadd.s32 $0x400, v2;
	v23 =	vld.idx.msk [tilespmem:v23+s5+$0x0], $0xffff;
	_ =	sdelay $0x1  }
0x27b: {  	[tilespmem:s6+$0x380] =	vst v34  }
0x27c: {  	[tilespmem:s9+$0x380] =	vst v33;
	v19 =	vld.idx.msk [tilespmem:v19+s5+$0x0], $0xffff  }
0x27d: {  	v27 =	vld.idx.msk [tilespmem:v35+s5+$0x0], $0xffff;
	[tilespmem:s17+$0x380] =	vst v25  }
0x27e: {  	v28 =	vadd.s32 $0x480, v1;
	v24 =	vld.idx.msk [tilespmem:v24+s5+$0x0], $0xffff;
	[tilespmem:s13+$0x380] =	vst v23  }
0x27f: {  	v23 =	vadd.s32 $0x480, v2;
	v25 =	vld.idx.msk [tilespmem:v26+s5+$0x0], $0xffff;
	_ =	sdelay $0x1  }
0x280: {  	[tilespmem:s6+$0x400] =	vst v19  }
0x281: {  	v18 =	vld.idx.msk [tilespmem:v18+s5+$0x0], $0xffff;
	[tilespmem:s9+$0x400] =	vst v27  }
0x282: {  	v26 =	vld.idx.msk [tilespmem:v28+s5+$0x0], $0xffff;
	[tilespmem:s17+$0x400] =	vst v24  }
0x283: {  	v19 =	vadd.s32 $0x500, v1;
	v23 =	vld.idx.msk [tilespmem:v23+s5+$0x0], $0xffff;
	[tilespmem:s13+$0x400] =	vst v25  }
0x284: {  	v24 =	vadd.s32 $0x500, v2;
	v22 =	vld.idx.msk [tilespmem:v22+s5+$0x0], $0xffff;
	_ =	sdelay $0x1  }
0x285: {  	[tilespmem:s6+$0x480] =	vst v18  }
0x286: {  	v15 =	vld.idx.msk [tilespmem:v15+s5+$0x0], $0xffff;
	[tilespmem:s9+$0x480] =	vst v26  }
0x287: {  	v19 =	vld.idx.msk [tilespmem:v19+s5+$0x0], $0xffff;
	[tilespmem:s17+$0x480] =	vst v23  }
0x288: {  	v18 =	vadd.s32 $0x580, v1;
	v23 =	vld.idx.msk [tilespmem:v24+s5+$0x0], $0xffff;
	[tilespmem:s13+$0x480] =	vst v22  }
0x289: {  	v22 =	vadd.s32 $0x580, v2;
	v20 =	vld.idx.msk [tilespmem:v20+s5+$0x0], $0xffff  }
0x28a: {  	[tilespmem:s15+$0x600] =	vst v30  }
0x28b: {  	[tilespmem:s6+$0x500] =	vst v15  }
0x28c: {  	v14 =	vld.idx.msk [tilespmem:v14+s5+$0x0], $0xffff;
	[tilespmem:s9+$0x500] =	vst v19  }
0x28d: {  	v18 =	vld.idx.msk [tilespmem:v18+s5+$0x0], $0xffff;
	[tilespmem:s17+$0x500] =	vst v23  }
0x28e: {  	v15 =	vadd.s32 $0x600, v1;
	v19 =	vld.idx.msk [tilespmem:v22+s5+$0x0], $0xffff;
	[tilespmem:s13+$0x500] =	vst v20  }
0x28f: {  	[tilespmem:s14+$0x700] =	vst v29;
	v20 =	vadd.s32 $0x600, v2;
	v17 =	vld.idx.msk [tilespmem:v17+s5+$0x0], $0xffff  }
0x290: {  	v6 =	vld.idx.msk [tilespmem:v6+s5+$0x0], $0xffff;
	[tilespmem:s16+$0x580] =	vst v31  }
0x291: {  	v9 =	vld.idx.msk [tilespmem:v9+s5+$0x0], $0xffff;
	[tilespmem:s6+$0x580] =	vst v14  }
0x292: {  	v13 =	vld.idx.msk [tilespmem:v13+s5+$0x0], $0xffff;
	[tilespmem:s9+$0x580] =	vst v18  }
0x293: {  	v15 =	vld.idx.msk [tilespmem:v15+s5+$0x0], $0xffff;
	[tilespmem:s17+$0x580] =	vst v19  }
0x294: {  	v14 =	vadd.s32 $0x680, v1;
	v18 =	vld.idx.msk [tilespmem:v20+s5+$0x0], $0xffff;
	[tilespmem:s13+$0x580] =	vst v17  }
0x295: {  	[tilespmem:s14+$0x780] =	vst v6;
	v17 =	vadd.s32 $0x680, v2;
	v16 =	vld.idx.msk [tilespmem:v16+s5+$0x0], $0xffff  }
0x296: {  	[tilespmem:s16+$0x600] =	vst v9;
	v22 =	vld.idx.msk [tilespmem:v32+s5+$0x0], $0xffff  }
0x297: {  	v9 =	vadd.s32 $0x700, v0;
	v7 =	vld.idx.msk [tilespmem:v7+s5+$0x0], $0xffff;
	[tilespmem:s6+$0x600] =	vst v13  }
0x298: {  	v10 =	vld.idx.msk [tilespmem:v10+s5+$0x0], $0xffff;
	[tilespmem:s9+$0x600] =	vst v15  }
0x299: {  	v14 =	vld.idx.msk [tilespmem:v14+s5+$0x0], $0xffff;
	[tilespmem:s17+$0x600] =	vst v18  }
0x29a: {  	v13 =	vadd.s32 $0x700, v1;
	v15 =	vld.idx.msk [tilespmem:v17+s5+$0x0], $0xffff;
	[tilespmem:s13+$0x600] =	vst v16  }
0x29b: {  	v6 =	vadd.s32 $0x700, v2;
	[tilespmem:s15+$0x680] =	vst v22;
	v12 =	vld.idx.msk [tilespmem:v12+s5+$0x0], $0xffff  }
0x29c: {  	[tilespmem:s16+$0x680] =	vst v7;
	v9 =	vld.idx.msk [tilespmem:v9+s5+$0x0], $0xffff  }
0x29d: {  	v0 =	vadd.s32 $0x780, v0;
	v4 =	vld.idx.msk [tilespmem:v4+s5+$0x0], $0xffff;
	[tilespmem:s6+$0x680] =	vst v10  }
0x29e: {  	v8 =	vld.idx.msk [tilespmem:v8+s5+$0x0], $0xffff;
	[tilespmem:s9+$0x680] =	vst v14  }
0x29f: {  	v7 =	vld.idx.msk [tilespmem:v13+s5+$0x0], $0xffff;
	[tilespmem:s17+$0x680] =	vst v15  }
0x2a0: {  	v1 =	vadd.s32 $0x780, v1;
	v6 =	vld.idx.msk [tilespmem:v6+s5+$0x0], $0xffff;
	[tilespmem:s13+$0x680] =	vst v12  }
0x2a1: {  	v2 =	vadd.s32 $0x780, v2;
	[tilespmem:s15+$0x700] =	vst v9;
	v9 =	vld.idx.msk [tilespmem:v11+s5+$0x0], $0xffff  }
0x2a2: {  	[tilespmem:s16+$0x700] =	vst v4;
	v0 =	vld.idx.msk [tilespmem:v0+s5+$0x0], $0xffff  }
0x2a3: {  	v3 =	vld.idx.msk [tilespmem:v3+s5+$0x0], $0xffff;
	[tilespmem:s6+$0x700] =	vst v8  }
0x2a4: {  	v4 =	vld.idx.msk [tilespmem:v5+s5+$0x0], $0xffff;
	[tilespmem:s9+$0x700] =	vst v7  }
0x2a5: {  	v1 =	vld.idx.msk [tilespmem:v1+s5+$0x0], $0xffff;
	[tilespmem:s17+$0x700] =	vst v6  }
0x2a6: {  	v2 =	vld.idx.msk [tilespmem:v2+s5+$0x0], $0xffff;
	[tilespmem:s13+$0x700] =	vst v9  }
0x2a7: {  	[tilespmem:s15+$0x780] =	vst v0;
	v0 =	vld.idx.msk [tilespmem:v21+s5+$0x0], $0xffff  }
0x2a8: {  	[tilespmem:s16+$0x780] =	vst v3  }
0x2a9: {  	[tilespmem:s6+$0x780] =	vst v4  }
0x2aa: {  	[tilespmem:s9+$0x780] =	vst v1  }
0x2ab: {  	[tilespmem:s17+$0x780] =	vst v2  }
0x2ac: {  	[tilespmem:s13+$0x780] =	vst v0  }
0x2ad: {  	s20 =	simm.s32 $0x9800;
	s1 =	rddreg [dreg:$0xc]  }
0x2ae: {  	[hbm4b:s1+s26] =	stream.strided.scatter [tilespmem:s20], [sflag:$0x7], $0x4000, s28, s26, $0x38;
	[tilespmem:$0x11800] =	vst v63  }
0x2af: {  	s21 =	simm.s32 $0x0;
	s29 =	simm.s32 $0x0;
	s22 =	rddreg [dreg:$0xd]  }
0x2b0: {  	[tilespmem:s23], [sflag:$0x3] =	stream.linear.gather [hbm4b:s22+s21], $0x400, $0x38;
	[tilespmem:$0x11800] =	vst v63  }
0x2b1: {  	s6 =	sand.u32 $0x3FFFFF80, s29;
	s1 =	sand.u32 $0x60, s21;
	_ =	swait.ge [sflag:s2], $0x400  }
0x2b2: {  	s6 =	sadd.s32 $0x1400, s6;
	s7 =	sor.u32 $0x10, s1;
	[sflag:s2] =	ssyncset.done $0x0  }
0x2b3: {  	s31 =	sor.u32 s7, s6;
	[sflag:s2] =	ssyncadd.s32 $0xFFFFFC00  }
0x2b4: {  	v4 =	vld [tilespmem:s31+$0x0];
	_ =	sdelay $0x1  }
0x2b5: {  	s6 =	sor.u32 s1, s6  }
0x2b6: {  	v3 =	vld [tilespmem:s6+$0x0];
	_ =	sdelay $0x4  }
0x2b7: {  	v0 =	vld.idx.msk [tilespmem:v4+s5+$0x0], $0xffff  }
0x2b8: {  	s9 =	simm.s32 $0x0;
	v1 =	vadd.s32 $0x80, v4  }
0x2b9: {  	s6 =	sand.u32 $0x3FFFF800, s9  }
0x2ba: {  	s6 =	sadd.s32 $0xD800, s6;
	v2 =	vld.idx.msk [tilespmem:v3+s5+$0x0], $0xffff  }
0x2bb: {  	s20 =	sor.u32 s7, s6;
	v5 =	vadd.s32 $0x80, v3  }
0x2bc: {  	[tilespmem:s20+$0x0] =	vst v0  }
0x2bd: {  	v0 =	vld.idx.msk [tilespmem:v1+s5+$0x0], $0xffff  }
0x2be: {  	s14 =	sor.u32 s1, s6;
	v1 =	vadd.s32 $0x100, v4  }
0x2bf: {  	[tilespmem:s14+$0x0] =	vst v2  }
0x2c0: {  	v2 =	vld.idx.msk [tilespmem:v5+s5+$0x0], $0xffff  }
0x2c1: {  	v5 =	vadd.s32 $0x100, v3  }
0x2c2: {  	[tilespmem:s20+$0x80] =	vst v0  }
0x2c3: {  	v0 =	vld.idx.msk [tilespmem:v1+s5+$0x0], $0xffff  }
0x2c4: {  	v1 =	vadd.s32 $0x180, v4  }
0x2c5: {  	[tilespmem:s14+$0x80] =	vst v2  }
0x2c6: {  	v6 =	vld.idx.msk [tilespmem:v5+s5+$0x0], $0xffff  }
0x2c7: {  	s15 =	simm.s32 $0x20;
	s13 =	simm.s32 $0x20;
	v7 =	vadd.s32 $0x180, v3  }
0x2c8: {  	s6 =	sand.u32 $0x60, s15;
	s1 =	sand.u32 $0x3FFFFF80, s13;
	[tilespmem:s20+$0x100] =	vst v0  }
0x2c9: {  	s1 =	sadd.s32 $0x1400, s1;
	s16 =	sor.u32 $0x10, s6;
	v1 =	vld.idx.msk [tilespmem:v1+s5+$0x0], $0xffff  }
0x2ca: {  	s17 =	sor.u32 s16, s1;
	v2 =	vadd.s32 $0x200, v4  }
0x2cb: {  	v0 =	vld [tilespmem:s17+$0x0];
	[tilespmem:s14+$0x100] =	vst v6  }
0x2cc: {  	v6 =	vld.idx.msk [tilespmem:v7+s5+$0x0], $0xffff  }
0x2cd: {  	s1 =	sor.u32 s6, s1;
	v7 =	vadd.s32 $0x200, v3  }
0x2ce: {  	v5 =	vld [tilespmem:s1+$0x0];
	[tilespmem:s20+$0x180] =	vst v1  }
0x2cf: {  	v1 =	vld.idx.msk [tilespmem:v2+s5+$0x0], $0xffff  }
0x2d0: {  	v2 =	vadd.s32 $0x280, v4  }
0x2d1: {  	[tilespmem:s14+$0x180] =	vst v6  }
0x2d2: {  	v7 =	vld.idx.msk [tilespmem:v7+s5+$0x0], $0xffff  }
0x2d3: {  	v11 =	vadd.s32 $0x280, v3  }
0x2d4: {  	v8 =	vld.idx.msk [tilespmem:v0+s5+$0x0], $0xffff;
	[tilespmem:s20+$0x200] =	vst v1  }
0x2d5: {  	s19 =	simm.s32 $0x200;
	v1 =	vld.idx.msk [tilespmem:v2+s5+$0x0], $0xffff;
	v2 =	vadd.s32 $0x80, v0  }
0x2d6: {  	v9 =	vadd.s32 $0x300, v4;
	s1 =	sand.u32 $0x3FFFF800, s19  }
0x2d7: {  	s1 =	sadd.s32 $0xD800, s1;
	v10 =	vld.idx.msk [tilespmem:v5+s5+$0x0], $0xffff;
	[tilespmem:s14+$0x200] =	vst v7  }
0x2d8: {  	s15 =	sor.u32 s16, s1;
	v6 =	vadd.s32 $0x80, v5;
	v7 =	vld.idx.msk [tilespmem:v11+s5+$0x0], $0xffff  }
0x2d9: {  	[tilespmem:s15+$0x0] =	vst v8;
	v11 =	vadd.s32 $0x300, v3  }
0x2da: {  	v2 =	vld.idx.msk [tilespmem:v2+s5+$0x0], $0xffff;
	[tilespmem:s20+$0x280] =	vst v1  }
0x2db: {  	s16 =	sor.u32 s6, s1;
	v8 =	vadd.s32 $0x100, v0;
	v1 =	vld.idx.msk [tilespmem:v9+s5+$0x0], $0xffff  }
0x2dc: {  	[tilespmem:s16+$0x0] =	vst v10;
	v9 =	vadd.s32 $0x380, v4  }
0x2dd: {  	v6 =	vld.idx.msk [tilespmem:v6+s5+$0x0], $0xffff;
	[tilespmem:s14+$0x280] =	vst v7  }
0x2de: {  	v10 =	vadd.s32 $0x100, v5;
	v7 =	vld.idx.msk [tilespmem:v11+s5+$0x0], $0xffff  }
0x2df: {  	v11 =	vadd.s32 $0x380, v3;
	[tilespmem:s15+$0x80] =	vst v2  }
0x2e0: {  	v2 =	vld.idx.msk [tilespmem:v8+s5+$0x0], $0xffff;
	[tilespmem:s20+$0x300] =	vst v1  }
0x2e1: {  	s21 =	simm.s32 $0x40;
	s22 =	simm.s32 $0x40;
	v8 =	vadd.s32 $0x180, v0;
	v1 =	vld.idx.msk [tilespmem:v9+s5+$0x0], $0xffff  }
0x2e2: {  	s6 =	sand.u32 $0x60, s22;
	s1 =	sand.u32 $0x3FFFFF80, s21;
	[tilespmem:s16+$0x80] =	vst v6;
	v6 =	vadd.s32 $0x400, v4  }
0x2e3: {  	s1 =	sadd.s32 $0x1400, s1;
	s29 =	sor.u32 $0x10, s6;
	[tilespmem:s14+$0x300] =	vst v7;
	v9 =	vld.idx.msk [tilespmem:v10+s5+$0x0], $0xffff  }
0x2e4: {  	s31 =	sor.u32 s29, s1;
	s1 =	sor.u32 s6, s1;
	v10 =	vadd.s32 $0x180, v5;
	v12 =	vld.idx.msk [tilespmem:v11+s5+$0x0], $0xffff  }
0x2e5: {  	v11 =	vld [tilespmem:s1+$0x0];
	[tilespmem:s15+$0x100] =	vst v2  }
0x2e6: {  	v13 =	vadd.s32 $0x400, v3;
	v2 =	vld.idx.msk [tilespmem:v8+s5+$0x0], $0xffff;
	[tilespmem:s20+$0x380] =	vst v1  }
0x2e7: {  	v8 =	vadd.s32 $0x200, v0;
	v6 =	vld.idx.msk [tilespmem:v6+s5+$0x0], $0xffff  }
0x2e8: {  	[tilespmem:s16+$0x100] =	vst v9;
	v9 =	vadd.s32 $0x480, v4;
	v1 =	vld [tilespmem:s31+$0x0]  }
0x2e9: {  	v10 =	vld.idx.msk [tilespmem:v10+s5+$0x0], $0xffff  }
0x2ea: {  	v7 =	vadd.s32 $0x200, v5;
	[tilespmem:s14+$0x380] =	vst v12  }
0x2eb: {  	v12 =	vld.idx.msk [tilespmem:v13+s5+$0x0], $0xffff;
	[tilespmem:s15+$0x180] =	vst v2  }
0x2ec: {  	v2 =	vld.idx.msk [tilespmem:v8+s5+$0x0], $0xffff;
	[tilespmem:s20+$0x400] =	vst v6  }
0x2ed: {  	v13 =	vadd.s32 $0x480, v3;
	v6 =	vld.idx.msk [tilespmem:v9+s5+$0x0], $0xffff  }
0x2ee: {  	v8 =	vadd.s32 $0x280, v0;
	[tilespmem:s16+$0x180] =	vst v10  }
0x2ef: {  	v9 =	vadd.s32 $0x500, v4;
	v7 =	vld.idx.msk [tilespmem:v7+s5+$0x0], $0xffff  }
0x2f0: {  	v15 =	vld.idx.msk [tilespmem:v11+s5+$0x0], $0xffff;
	v10 =	vadd.s32 $0x280, v5;
	[tilespmem:s14+$0x400] =	vst v12  }
0x2f1: {  	s13 =	simm.s32 $0x400;
	v16 =	vadd.s32 $0x80, v11;
	v14 =	vld.idx.msk [tilespmem:v1+s5+$0x0], $0xffff;
	[tilespmem:s15+$0x200] =	vst v2  }
0x2f2: {  	s1 =	sand.u32 $0x3FFFF800, s13;
	v13 =	vld.idx.msk [tilespmem:v13+s5+$0x0], $0xffff;
	[tilespmem:s20+$0x480] =	vst v6;
	v6 =	vadd.s32 $0x80, v1  }
0x2f3: {  	s1 =	sadd.s32 $0xD800, s1;
	v2 =	vld.idx.msk [tilespmem:v8+s5+$0x0], $0xffff  }
0x2f4: {  	s19 =	simm.s32 $0x60;
	s17 =	simm.s32 $0x60;
	s6 =	sor.u32 s6, s1;
	[tilespmem:s16+$0x200] =	vst v7;
	v8 =	vld.idx.msk [tilespmem:v9+s5+$0x0], $0xffff;
	v9 =	vadd.s32 $0x300, v0  }
0x2f5: {  	s21 =	sand.u32 $0x60, s19;
	s7 =	sand.u32 $0x3FFFFF80, s17;
	s9 =	sor.u32 s29, s1;
	[tilespmem:s6+$0x0] =	vst v15;
	v7 =	vadd.s32 $0x580, v4;
	v10 =	vld.idx.msk [tilespmem:v10+s5+$0x0], $0xffff  }
0x2f6: {  	s22 =	sor.u32 $0x10, s21;
	s7 =	sadd.s32 $0x1400, s7;
	v12 =	vadd.s32 $0x300, v5;
	v15 =	vld.idx.msk [tilespmem:v16+s5+$0x0], $0xffff;
	[tilespmem:s9+$0x0] =	vst v14  }
0x2f7: {  	s29 =	sor.u32 s22, s7;
	s7 =	sor.u32 s21, s7;
	[tilespmem:s14+$0x480] =	vst v13;
	v14 =	vadd.s32 $0x500, v3;
	v6 =	vld.idx.msk [tilespmem:v6+s5+$0x0], $0xffff  }
0x2f8: {  	v21 =	vld [tilespmem:s7+$0x0];
	v16 =	vadd.s32 $0x100, v11;
	[tilespmem:s15+$0x280] =	vst v2  }
0x2f9: {  	v2 =	vld.idx.msk [tilespmem:v9+s5+$0x0], $0xffff;
	[tilespmem:s20+$0x500] =	vst v8;
	v8 =	vadd.s32 $0x100, v1  }
0x2fa: {  	v9 =	vadd.s32 $0x380, v0;
	[tilespmem:s16+$0x280] =	vst v10;
	v7 =	vld.idx.msk [tilespmem:v7+s5+$0x0], $0xffff  }
0x2fb: {  	[tilespmem:s6+$0x80] =	vst v15;
	v10 =	vadd.s32 $0x600, v4;
	v12 =	vld.idx.msk [tilespmem:v12+s5+$0x0], $0xffff  }
0x2fc: {  	v13 =	vadd.s32 $0x380, v5;
	[tilespmem:s9+$0x80] =	vst v6;
	v6 =	vld.idx.msk [tilespmem:v14+s5+$0x0], $0xffff  }
0x2fd: {  	v15 =	vld.idx.msk [tilespmem:v16+s5+$0x0], $0xffff;
	v14 =	vadd.s32 $0x580, v3  }
0x2fe: {  	v16 =	vadd.s32 $0x180, v11;
	v8 =	vld.idx.msk [tilespmem:v8+s5+$0x0], $0xffff;
	[tilespmem:s15+$0x300] =	vst v2  }
0x2ff: {  	v2 =	vld.idx.msk [tilespmem:v9+s5+$0x0], $0xffff;
	[tilespmem:s20+$0x580] =	vst v7;
	v7 =	vadd.s32 $0x180, v1  }
0x300: {  	[tilespmem:s16+$0x300] =	vst v12;
	v9 =	vld.idx.msk [tilespmem:v10+s5+$0x0], $0xffff  }
0x301: {  	v10 =	vadd.s32 $0x400, v0;
	v13 =	vld.idx.msk [tilespmem:v13+s5+$0x0], $0xffff;
	[tilespmem:s14+$0x500] =	vst v6  }
0x302: {  	[tilespmem:s6+$0x100] =	vst v15;
	v12 =	vadd.s32 $0x680, v4;
	v6 =	vld.idx.msk [tilespmem:v14+s5+$0x0], $0xffff  }
0x303: {  	[tilespmem:s9+$0x100] =	vst v8;
	v14 =	vld.idx.msk [tilespmem:v16+s5+$0x0], $0xffff  }
0x304: {  	v16 =	vadd.s32 $0x400, v5;
	v7 =	vld.idx.msk [tilespmem:v7+s5+$0x0], $0xffff  }
0x305: {  	v17 =	vadd.s32 $0x200, v11;
	[tilespmem:s15+$0x380] =	vst v2;
	v2 =	vld [tilespmem:s29+$0x0]  }
0x306: {  	v8 =	vld.idx.msk [tilespmem:v10+s5+$0x0], $0xffff;
	[tilespmem:s20+$0x600] =	vst v9;
	v9 =	vadd.s32 $0x200, v1  }
0x307: {  	[tilespmem:s16+$0x380] =	vst v13;
	v10 =	vld.idx.msk [tilespmem:v12+s5+$0x0], $0xffff;
	v12 =	vadd.s32 $0x480, v0  }
0x308: {  	v15 =	vadd.s32 $0x700, v4;
	[tilespmem:s6+$0x180] =	vst v14  }
0x309: {  	v13 =	vld.idx.msk [tilespmem:v16+s5+$0x0], $0xffff;
	[tilespmem:s14+$0x580] =	vst v6  }
0x30a: {  	[tilespmem:s9+$0x180] =	vst v7;
	v6 =	vld.idx.msk [tilespmem:v17+s5+$0x0], $0xffff  }
0x30b: {  	v7 =	vadd.s32 $0x600, v3;
	v9 =	vld.idx.msk [tilespmem:v9+s5+$0x0], $0xffff;
	[tilespmem:s15+$0x400] =	vst v8  }
0x30c: {  	v8 =	vld.idx.msk [tilespmem:v12+s5+$0x0], $0xffff;
	[tilespmem:s20+$0x680] =	vst v10;
	v10 =	vadd.s32 $0x280, v1  }
0x30d: {  	v14 =	vadd.s32 $0x500, v0;
	v12 =	vld.idx.msk [tilespmem:v15+s5+$0x0], $0xffff  }
0x30e: {  	v15 =	vadd.s32 $0x280, v11;
	v16 =	vld.idx.msk [tilespmem:v2+s5+$0x0], $0xffff  }
0x30f: {  	v4 =	vadd.s32 $0x780, v4;
	[tilespmem:s16+$0x400] =	vst v13;
	v13 =	vld.idx.msk [tilespmem:v21+s5+$0x0], $0xffff  }
0x310: {  	s31 =	simm.s32 $0x600;
	v19 =	vadd.s32 $0x80, v21;
	v7 =	vld.idx.msk [tilespmem:v7+s5+$0x0], $0xffff;
	[tilespmem:s9+$0x200] =	vst v9  }
0x311: {  	s7 =	sand.u32 $0x3FFFF800, s31;
	v9 =	vadd.s32 $0x480, v5;
	v10 =	vld.idx.msk [tilespmem:v10+s5+$0x0], $0xffff;
	[tilespmem:s15+$0x480] =	vst v8  }
0x312: {  	v18 =	vadd.s32 $0x680, v3;
	s7 =	sadd.s32 $0xD800, s7;
	[tilespmem:s6+$0x200] =	vst v6;
	v14 =	vld.idx.msk [tilespmem:v14+s5+$0x0], $0xffff  }
0x313: {  	s13 =	sor.u32 s21, s7;
	v8 =	vadd.s32 $0x80, v2;
	[tilespmem:s20+$0x700] =	vst v12;
	v15 =	vld.idx.msk [tilespmem:v15+s5+$0x0], $0xffff  }
0x314: {  	s17 =	sor.u32 s22, s7;
	v12 =	vadd.s32 $0x300, v1;
	v4 =	vld.idx.msk [tilespmem:v4+s5+$0x0], $0xffff;
	[tilespmem:s13+$0x0] =	vst v13  }
0x315: {  	v17 =	vadd.s32 $0x580, v0;
	[tilespmem:s17+$0x0] =	vst v16;
	v59 =	vld.idx.msk [tilespmem:v19+s5+$0x0], $0xffff  }
0x316: {  	v20 =	vadd.s32 $0x300, v11;
	[tilespmem:s14+$0x600] =	vst v7;
	v16 =	vld.idx.msk [tilespmem:v9+s5+$0x0], $0xffff  }
0x317: {  	v62 =	vadd.s32 $0x100, v21;
	v26 =	vld.idx.msk [tilespmem:v18+s5+$0x0], $0xffff;
	[tilespmem:s9+$0x280] =	vst v10  }
0x318: {  	v29 =	vadd.s32 $0x700, v3;
	v31 =	vadd.s32 $0x580, v5;
	v8 =	vld.idx.msk [tilespmem:v8+s5+$0x0], $0xffff;
	v10 =	vadd.s32 $0x500, v5;
	[tilespmem:s15+$0x500] =	vst v14  }
0x319: {  	v30 =	vadd.s32 $0x600, v0;
	v32 =	vadd.s32 $0x680, v0;
	v22 =	vadd.s32 $0x100, v2;
	v12 =	vld.idx.msk [tilespmem:v12+s5+$0x0], $0xffff;
	[tilespmem:s6+$0x280] =	vst v15  }
0x31a: {  	v60 =	vadd.s32 $0x380, v11;
	v28 =	vadd.s32 $0x180, v21;
	v23 =	vadd.s32 $0x380, v1;
	v17 =	vld.idx.msk [tilespmem:v17+s5+$0x0], $0xffff;
	[tilespmem:s20+$0x780] =	vst v4  }
0x31b: {  	v27 =	vadd.s32 $0x200, v21;
	v25 =	vadd.s32 $0x280, v21;
	v24 =	vadd.s32 $0x300, v21;
	v61 =	vld.idx.msk [tilespmem:v20+s5+$0x0], $0xffff;
	[tilespmem:s13+$0x80] =	vst v59  }
0x31c: {  	v35 =	vadd.s32 $0x400, v1;
	v37 =	vadd.s32 $0x180, v2;
	v6 =	vadd.s32 $0x780, v3;
	[tilespmem:s16+$0x480] =	vst v16;
	v36 =	vld.idx.msk [tilespmem:v62+s5+$0x0], $0xffff  }
0x31d: {  	v3 =	vadd.s32 $0x780, v5;
	v13 =	vadd.s32 $0x600, v11;
	v7 =	vadd.s32 $0x680, v5;
	[tilespmem:s17+$0x80] =	vst v8;
	v63 =	vld.idx.msk [tilespmem:v10+s5+$0x0], $0xffff  }
0x31e: {  	v19 =	vadd.s32 $0x400, v11;
	v9 =	vadd.s32 $0x600, v5;
	v18 =	vadd.s32 $0x480, v11;
	v38 =	vld.idx.msk [tilespmem:v22+s5+$0x0], $0xffff;
	[tilespmem:s9+$0x300] =	vst v12  }
0x31f: {  	v15 =	vadd.s32 $0x500, v11;
	v14 =	vadd.s32 $0x580, v11;
	v4 =	vadd.s32 $0x700, v5;
	v33 =	vld.idx.msk [tilespmem:v23+s5+$0x0], $0xffff;
	[tilespmem:s15+$0x580] =	vst v17  }
0x320: {  	v5 =	vadd.s32 $0x780, v11;
	v20 =	vadd.s32 $0x500, v21;
	[tilespmem:s14+$0x680] =	vst v26;
	v26 =	vadd.s32 $0x400, v21;
	v30 =	vld.idx.msk [tilespmem:v30+s5+$0x0], $0xffff  }
0x321: {  	v16 =	vadd.s32 $0x600, v21;
	v10 =	vadd.s32 $0x680, v11;
	v8 =	vadd.s32 $0x700, v11;
	v29 =	vld.idx.msk [tilespmem:v29+s5+$0x0], $0xffff;
	[tilespmem:s6+$0x300] =	vst v61  }
0x322: {  	v11 =	vadd.s32 $0x700, v21;
	v22 =	vadd.s32 $0x480, v21;
	v12 =	vadd.s32 $0x680, v21;
	v34 =	vld.idx.msk [tilespmem:v60+s5+$0x0], $0xffff;
	[tilespmem:s16+$0x500] =	vst v63  }
0x323: {  	s20 =	simm.s32 $0x6;
	v23 =	vadd.s32 $0x380, v21;
	v17 =	vadd.s32 $0x580, v21;
	v21 =	vadd.s32 $0x780, v21;
	[tilespmem:s17+$0x100] =	vst v38;
	v31 =	vld.idx.msk [tilespmem:v31+s5+$0x0], $0xffff  }
.LBB2_8:
0x324: {  	s20 =	sadd.s32 $0x2, s20;
	v37 =	vld.idx.msk [tilespmem:v37+s5+$0x0], $0xffff;
	[tilespmem:s9+$0x380] =	vst v33  }
0x325: {  	s19 =	sadd.s32 $0x20, s19;
	s1 =	sshll.u32 s20, $0x4;
	p0 =	slt.u32 s20, $0x3E;
	v33 =	vld.idx.msk [tilespmem:v35+s5+$0x0], $0xffff;
	[tilespmem:s15+$0x600] =	vst v30  }
0x326: {  	s29 =	sand.u32 $0x60, s19;
	v30 =	vadd.s32 $0x200, v2;
	s1 =	sand.u32 $0x3FFFFF80, s1;
	v32 =	vld.idx.msk [tilespmem:v32+s5+$0x0], $0xffff;
	[tilespmem:s14+$0x700] =	vst v29  }
0x327: {  	v29 =	vadd.s32 $0x480, v1;
	s7 =	sadd.s32 $0x1400, s1;
	s1 =	sor.u32 $0x10, s29;
	[tilespmem:s13+$0x100] =	vst v36;
	v35 =	vld.idx.msk [tilespmem:v6+s5+$0x0], $0xffff;
	v6 =	vmovc v3;
	v3 =	vmov v5;
	v5 =	vmov v21  }
0x328: {  	s31 =	sor.u32 s29, s7;
	s7 =	sor.u32 s1, s7;
	v21 =	vld.idx.msk [tilespmem:v28+s5+$0x0], $0xffff;
	[tilespmem:s6+$0x380] =	vst v34;
	v28 =	vadd.s32 $0x700, v0  }
0x329: {  	v34 =	vld [tilespmem:s7+$0x0];
	[tilespmem:s16+$0x580] =	vst v31  }
0x32a: {  	v31 =	vld [tilespmem:s31+$0x0];
	[tilespmem:s17+$0x180] =	vst v37  }
0x32b: {  	v30 =	vld.idx.msk [tilespmem:v30+s5+$0x0], $0xffff;
	[tilespmem:s9+$0x400] =	vst v33  }
0x32c: {  	v29 =	vld.idx.msk [tilespmem:v29+s5+$0x0], $0xffff;
	[tilespmem:s15+$0x680] =	vst v32  }
0x32d: {  	v32 =	vadd.s32 $0x280, v2;
	v33 =	vld.idx.msk [tilespmem:v28+s5+$0x0], $0xffff;
	[tilespmem:s14+$0x780] =	vst v35;
	s14 =	smov.u32 s16;
	s16 =	smov.u32 s6;
	s6 =	smov.u32 s13  }
0x32e: {  	[tilespmem:s6+$0x180] =	vst v21;
	v35 =	vld.idx.msk [tilespmem:v19+s5+$0x0], $0xffff;
	v21 =	vadd.s32 $0x500, v1;
	v19 =	vmov v26  }
0x32f: {  	v39 =	vadd.s32 $0x780, v0;
	v0 =	vmovc v1;
	v1 =	vmovc v2;
	v36 =	vadd.s32 $0x80, v31;
	v38 =	vadd.s32 $0x100, v31;
	v37 =	vld.idx.msk [tilespmem:v27+s5+$0x0], $0xffff  }
0x330: {  	v2 =	vmovc v34;
	v28 =	vadd.s32 $0x180, v31;
	v27 =	vadd.s32 $0x200, v31;
	v40 =	vadd.s32 $0x280, v31;
	v41 =	vld.idx.msk [tilespmem:v9+s5+$0x0], $0xffff;
	v9 =	vmovc v13  }
0x331: {  	v42 =	vadd.s32 $0x300, v31;
	v43 =	vadd.s32 $0x380, v31;
	v26 =	vadd.s32 $0x400, v31;
	v13 =	vmovc v16;
	v34 =	vld.idx.msk [tilespmem:v34+s5+$0x0], $0xffff;
	[tilespmem:s17+$0x200] =	vst v30  }
0x332: {  	v44 =	vadd.s32 $0x500, v31;
	v45 =	vadd.s32 $0x580, v31;
	v30 =	vadd.s32 $0x480, v31;
	v32 =	vld.idx.msk [tilespmem:v32+s5+$0x0], $0xffff;
	[tilespmem:s9+$0x480] =	vst v29  }
0x333: {  	s7 =	sshll.u32 s20, $0x8;
	v46 =	vadd.s32 $0x80, v2;
	v16 =	vadd.s32 $0x600, v31;
	v29 =	vadd.s32 $0x680, v31;
	v47 =	vld.idx.msk [tilespmem:v21+s5+$0x0], $0xffff;
	[tilespmem:s15+$0x700] =	vst v33  }
0x334: {  	s7 =	sand.u32 $0x3FFFF800, s7;
	v48 =	vadd.s32 $0x700, v31;
	v21 =	vadd.s32 $0x780, v31;
	v33 =	vadd.s32 $0x300, v1;
	[tilespmem:s16+$0x400] =	vst v35;
	v35 =	vld.idx.msk [tilespmem:v39+s5+$0x0], $0xffff  }
0x335: {  	s7 =	sadd.s32 $0xD800, s7;
	v31 =	vld.idx.msk [tilespmem:v31+s5+$0x0], $0xffff;
	[tilespmem:s6+$0x200] =	vst v37;
	v37 =	vadd.s32 $0x580, v0  }
0x336: {  	s1 =	sor.u32 s1, s7;
	s13 =	sor.u32 s29, s7;
	v39 =	vld.idx.msk [tilespmem:v25+s5+$0x0], $0xffff;
	[tilespmem:s14+$0x600] =	vst v41;
	v25 =	vmov v40  }
0x337: {  	[tilespmem:s1+$0x0] =	vst v34;
	v34 =	vld.idx.msk [tilespmem:v18+s5+$0x0], $0xffff;
	v18 =	vmov v22;
	v22 =	vmov v30  }
0x338: {  	v30 =	vld.idx.msk [tilespmem:v46+s5+$0x0], $0xffff;
	[tilespmem:s17+$0x280] =	vst v32  }
0x339: {  	v32 =	vld.idx.msk [tilespmem:v33+s5+$0x0], $0xffff;
	[tilespmem:s9+$0x500] =	vst v47  }
0x33a: {  	v33 =	vadd.s32 $0x100, v2;
	v37 =	vld.idx.msk [tilespmem:v37+s5+$0x0], $0xffff;
	[tilespmem:s15+$0x780] =	vst v35;
	s15 =	smov.u32 s9;
	s9 =	smov.u32 s17;
	s17 =	smov.u32 s1  }
0x33b: {  	[tilespmem:s13+$0x0] =	vst v31;
	v31 =	vadd.s32 $0x380, v1;
	v35 =	vld.idx.msk [tilespmem:v7+s5+$0x0], $0xffff;
	v7 =	vmovc v10;
	v10 =	vmov v12;
	v12 =	vmov v29  }
0x33c: {  	v29 =	vld.idx.msk [tilespmem:v36+s5+$0x0], $0xffff;
	[tilespmem:s6+$0x280] =	vst v39;
	v36 =	vadd.s32 $0x600, v0  }
0x33d: {  	v39 =	vld.idx.msk [tilespmem:v24+s5+$0x0], $0xffff;
	[tilespmem:s16+$0x480] =	vst v34;
	v24 =	vmov v42  }
0x33e: {  	[tilespmem:s17+$0x80] =	vst v30;
	v40 =	vld.idx.msk [tilespmem:v15+s5+$0x0], $0xffff;
	v15 =	vmov v20;
	v20 =	vmov v44  }
0x33f: {  	v41 =	vld.idx.msk [tilespmem:v33+s5+$0x0], $0xffff;
	[tilespmem:s9+$0x300] =	vst v32  }
0x340: {  	v33 =	vld.idx.msk [tilespmem:v31+s5+$0x0], $0xffff;
	[tilespmem:s15+$0x580] =	vst v37  }
.Ltmp3:
0x341: {  	v37 =	vadd.s32 $0x180, v2;
	v30 =	vld.idx.msk [tilespmem:v36+s5+$0x0], $0xffff;
	[tilespmem:s14+$0x680] =	vst v35;
	(pc) =	sbr.rel @p0 .LBB2_8-.Ltmp3, $4  }
0x342: {  	v35 =	vadd.s32 $0x400, v1;
	[tilespmem:s13+$0x80] =	vst v29;
	v29 =	vld.idx.msk [tilespmem:v4+s5+$0x0], $0xffff;
	v4 =	vmovc v8;
	v8 =	vmov v11;
	v11 =	vmov v48  }
0x343: {  	v32 =	vadd.s32 $0x680, v0;
	v36 =	vld.idx.msk [tilespmem:v38+s5+$0x0], $0xffff;
	[tilespmem:s6+$0x300] =	vst v39  }
0x344: {  	v34 =	vld.idx.msk [tilespmem:v23+s5+$0x0], $0xffff;
	[tilespmem:s16+$0x500] =	vst v40;
	v23 =	vmov v43  }
0x345: {  	[tilespmem:s17+$0x100] =	vst v41;
	v31 =	vld.idx.msk [tilespmem:v14+s5+$0x0], $0xffff;
	v14 =	vmov v17;
	v17 =	vmov v45  }
0x346: {  	_ =	sdelay $0x3  }
0x347: {  	v37 =	vld.idx.msk [tilespmem:v37+s5+$0x0], $0xffff;
	[tilespmem:s13+$0x100] =	vst v36  }
0x348: {  	v61 =	vadd.s32 $0x200, v2;
	v28 =	vld.idx.msk [tilespmem:v28+s5+$0x0], $0xffff;
	_ =	sdelay $0x3  }
0x349: {  	[tilespmem:s17+$0x180] =	vst v37  }
0x34a: {  	v36 =	vld.idx.msk [tilespmem:v61+s5+$0x0], $0xffff;
	[tilespmem:s13+$0x180] =	vst v28  }
0x34b: {  	v62 =	vadd.s32 $0x280, v2;
	v27 =	vld.idx.msk [tilespmem:v27+s5+$0x0], $0xffff;
	_ =	sdelay $0x3  }
0x34c: {  	[tilespmem:s17+$0x200] =	vst v36  }
0x34d: {  	v28 =	vld.idx.msk [tilespmem:v62+s5+$0x0], $0xffff;
	[tilespmem:s13+$0x200] =	vst v27  }
0x34e: {  	v63 =	vadd.s32 $0x300, v2;
	v25 =	vld.idx.msk [tilespmem:v25+s5+$0x0], $0xffff;
	_ =	sdelay $0x3  }
0x34f: {  	[tilespmem:s17+$0x280] =	vst v28  }
0x350: {  	v27 =	vld.idx.msk [tilespmem:v63+s5+$0x0], $0xffff;
	[tilespmem:s13+$0x280] =	vst v25  }
0x351: {  	v28 =	vadd.s32 $0x380, v2;
	v24 =	vld.idx.msk [tilespmem:v24+s5+$0x0], $0xffff;
	_ =	sdelay $0x3  }
0x352: {  	[tilespmem:s17+$0x300] =	vst v27  }
0x353: {  	v25 =	vld.idx.msk [tilespmem:v28+s5+$0x0], $0xffff;
	[tilespmem:s13+$0x300] =	vst v24  }
0x354: {  	v36 =	vadd.s32 $0x400, v2;
	v23 =	vld.idx.msk [tilespmem:v23+s5+$0x0], $0xffff;
	_ =	sdelay $0x1  }
0x355: {  	[tilespmem:s6+$0x380] =	vst v34  }
0x356: {  	[tilespmem:s9+$0x380] =	vst v33;
	v19 =	vld.idx.msk [tilespmem:v19+s5+$0x0], $0xffff  }
0x357: {  	v37 =	vld.idx.msk [tilespmem:v35+s5+$0x0], $0xffff;
	[tilespmem:s17+$0x380] =	vst v25  }
0x358: {  	v38 =	vadd.s32 $0x480, v1;
	v24 =	vld.idx.msk [tilespmem:v36+s5+$0x0], $0xffff;
	[tilespmem:s13+$0x380] =	vst v23  }
0x359: {  	v39 =	vadd.s32 $0x480, v2;
	v40 =	vld.idx.msk [tilespmem:v26+s5+$0x0], $0xffff;
	_ =	sdelay $0x1  }
0x35a: {  	[tilespmem:s6+$0x400] =	vst v19  }
0x35b: {  	[tilespmem:s9+$0x400] =	vst v37;
	v18 =	vld.idx.msk [tilespmem:v18+s5+$0x0], $0xffff  }
0x35c: {  	v41 =	vld.idx.msk [tilespmem:v38+s5+$0x0], $0xffff;
	[tilespmem:s17+$0x400] =	vst v24  }
0x35d: {  	v42 =	vadd.s32 $0x500, v1;
	v23 =	vld.idx.msk [tilespmem:v39+s5+$0x0], $0xffff;
	[tilespmem:s13+$0x400] =	vst v40  }
0x35e: {  	v43 =	vadd.s32 $0x500, v2;
	v22 =	vld.idx.msk [tilespmem:v22+s5+$0x0], $0xffff;
	_ =	sdelay $0x1  }
0x35f: {  	[tilespmem:s6+$0x480] =	vst v18  }
0x360: {  	[tilespmem:s9+$0x480] =	vst v41;
	v15 =	vld.idx.msk [tilespmem:v15+s5+$0x0], $0xffff  }
0x361: {  	v19 =	vld.idx.msk [tilespmem:v42+s5+$0x0], $0xffff;
	[tilespmem:s17+$0x480] =	vst v23  }
0x362: {  	v44 =	vadd.s32 $0x580, v1;
	v23 =	vld.idx.msk [tilespmem:v43+s5+$0x0], $0xffff;
	[tilespmem:s13+$0x480] =	vst v22  }
0x363: {  	v45 =	vadd.s32 $0x580, v2;
	v20 =	vld.idx.msk [tilespmem:v20+s5+$0x0], $0xffff  }
0x364: {  	[tilespmem:s15+$0x600] =	vst v30  }
0x365: {  	[tilespmem:s6+$0x500] =	vst v15  }
0x366: {  	[tilespmem:s9+$0x500] =	vst v19;
	v14 =	vld.idx.msk [tilespmem:v14+s5+$0x0], $0xffff  }
0x367: {  	v18 =	vld.idx.msk [tilespmem:v44+s5+$0x0], $0xffff;
	[tilespmem:s17+$0x500] =	vst v23  }
0x368: {  	v46 =	vadd.s32 $0x600, v1;
	v47 =	vld.idx.msk [tilespmem:v45+s5+$0x0], $0xffff;
	[tilespmem:s13+$0x500] =	vst v20  }
0x369: {  	v48 =	vadd.s32 $0x600, v2;
	[tilespmem:s14+$0x700] =	vst v29;
	v17 =	vld.idx.msk [tilespmem:v17+s5+$0x0], $0xffff  }
0x36a: {  	v49 =	vld.idx.msk [tilespmem:v32+s5+$0x0], $0xffff;
	[tilespmem:s16+$0x580] =	vst v31  }
0x36b: {  	v9 =	vld.idx.msk [tilespmem:v9+s5+$0x0], $0xffff;
	[tilespmem:s6+$0x580] =	vst v14  }
0x36c: {  	[tilespmem:s9+$0x580] =	vst v18;
	v13 =	vld.idx.msk [tilespmem:v13+s5+$0x0], $0xffff  }
0x36d: {  	v15 =	vld.idx.msk [tilespmem:v46+s5+$0x0], $0xffff;
	[tilespmem:s17+$0x580] =	vst v47  }
0x36e: {  	v50 =	vadd.s32 $0x680, v1;
	v51 =	vld.idx.msk [tilespmem:v48+s5+$0x0], $0xffff;
	[tilespmem:s13+$0x580] =	vst v17  }
0x36f: {  	v52 =	vadd.s32 $0x680, v2;
	[tilespmem:s15+$0x680] =	vst v49;
	v16 =	vld.idx.msk [tilespmem:v16+s5+$0x0], $0xffff  }
0x370: {  	v6 =	vld.idx.msk [tilespmem:v6+s5+$0x0], $0xffff;
	[tilespmem:s16+$0x600] =	vst v9  }
0x371: {  	v53 =	vadd.s32 $0x700, v0;
	v7 =	vld.idx.msk [tilespmem:v7+s5+$0x0], $0xffff;
	[tilespmem:s6+$0x600] =	vst v13  }
0x372: {  	[tilespmem:s9+$0x600] =	vst v15;
	v10 =	vld.idx.msk [tilespmem:v10+s5+$0x0], $0xffff  }
0x373: {  	v14 =	vld.idx.msk [tilespmem:v50+s5+$0x0], $0xffff;
	[tilespmem:s17+$0x600] =	vst v51  }
0x374: {  	v54 =	vadd.s32 $0x700, v1;
	v55 =	vld.idx.msk [tilespmem:v52+s5+$0x0], $0xffff;
	[tilespmem:s13+$0x600] =	vst v16  }
0x375: {  	v56 =	vadd.s32 $0x700, v2;
	[tilespmem:s14+$0x780] =	vst v6;
	v12 =	vld.idx.msk [tilespmem:v12+s5+$0x0], $0xffff  }
0x376: {  	v9 =	vld.idx.msk [tilespmem:v53+s5+$0x0], $0xffff;
	[tilespmem:s16+$0x680] =	vst v7  }
0x377: {  	v57 =	vadd.s32 $0x780, v0;
	v4 =	vld.idx.msk [tilespmem:v4+s5+$0x0], $0xffff;
	[tilespmem:s6+$0x680] =	vst v10  }
0x378: {  	[tilespmem:s9+$0x680] =	vst v14;
	v8 =	vld.idx.msk [tilespmem:v8+s5+$0x0], $0xffff  }
0x379: {  	v58 =	vld.idx.msk [tilespmem:v54+s5+$0x0], $0xffff;
	[tilespmem:s17+$0x680] =	vst v55  }
0x37a: {  	v59 =	vadd.s32 $0x780, v1;
	v6 =	vld.idx.msk [tilespmem:v56+s5+$0x0], $0xffff;
	[tilespmem:s13+$0x680] =	vst v12  }
0x37b: {  	v60 =	vadd.s32 $0x780, v2;
	[tilespmem:s15+$0x700] =	vst v9;
	v61 =	vld.idx.msk [tilespmem:v11+s5+$0x0], $0xffff  }
0x37c: {  	v0 =	vld.idx.msk [tilespmem:v57+s5+$0x0], $0xffff;
	[tilespmem:s16+$0x700] =	vst v4  }
0x37d: {  	v3 =	vld.idx.msk [tilespmem:v3+s5+$0x0], $0xffff;
	[tilespmem:s6+$0x700] =	vst v8  }
0x37e: {  	[tilespmem:s9+$0x700] =	vst v58;
	v62 =	vld.idx.msk [tilespmem:v5+s5+$0x0], $0xffff  }
0x37f: {  	v1 =	vld.idx.msk [tilespmem:v59+s5+$0x0], $0xffff;
	[tilespmem:s17+$0x700] =	vst v6  }
0x380: {  	v2 =	vld.idx.msk [tilespmem:v60+s5+$0x0], $0xffff;
	[tilespmem:s13+$0x700] =	vst v61  }
0x381: {  	[tilespmem:s15+$0x780] =	vst v0;
	v63 =	vld.idx.msk [tilespmem:v21+s5+$0x0], $0xffff  }
0x382: {  	[tilespmem:s16+$0x780] =	vst v3  }
0x383: {  	[tilespmem:s6+$0x780] =	vst v62  }
0x384: {  	[tilespmem:s9+$0x780] =	vst v1  }
0x385: {  	[tilespmem:s17+$0x780] =	vst v2  }
0x386: {  	[tilespmem:s13+$0x780] =	vst v63  }
0x387: {  	s29 =	simm.s32 $0xD800;
	s1 =	rddreg [dreg:$0xe]  }
0x388: {  	[hbm4b:s1+s26] =	stream.strided.scatter [tilespmem:s29], [sflag:$0x8], $0x4000, s28, s26, $0x38;
	[tilespmem:$0x11800] =	vst v63  }
0x389: {  	s14 =	simm.s32 $0x1;
	s31 =	rddreg [dreg:$0xf]  }
0x38a: {  	[tilespmem:s24], [sflag:$0x4] =	stream.linear.gather [hbm4b:s31+s5], $0x400, $0x38;
	[tilespmem:$0x11800] =	vst v63  }
.LBB2_10:
0x38b: {  	_ =	swait.ge [sflag:s25], $0x400  }
0x38c: {  	[sflag:s25] =	ssyncset.done $0x0  }
0x38d: {  	s1 =	simm.s32 $0x0;
	s6 =	simm.s32 $0x0;
	[sflag:s25] =	ssyncadd.s32 $0xFFFFFC00  }
0x38e: {  	s1 =	sand.u32 $0x60, s1;
	s6 =	sand.u32 $0x3FFFFF80, s6;
	_ =	swait.ge [sflag:s8], $0x4000  }
0x38f: {  	s6 =	sadd.s32 $0x800, s6;
	s7 =	sor.u32 $0x10, s1;
	[sflag:s8] =	ssyncset.done $0x0  }
0x390: {  	s9 =	sor.u32 s7, s6;
	[sflag:s8] =	ssyncadd.s32 $0xFFFFC000  }
0x391: {  	v5 =	vld [tilespmem:s9+$0x0];
	_ =	sdelay $0x1  }
0x392: {  	s6 =	sor.u32 s1, s6  }
0x393: {  	v3 =	vld [tilespmem:s6+$0x0];
	_ =	sdelay $0x4  }
0x394: {  	v0 =	vld.idx.msk [tilespmem:v5+s5+$0x0], $0xffff  }
0x395: {  	s9 =	simm.s32 $0x0;
	v1 =	vadd.s32 $0x80, v5  }
0x396: {  	s6 =	sand.u32 $0x3FFFF800, s9  }
0x397: {  	s6 =	sadd.s32 $0x1800, s6;
	v2 =	vld.idx.msk [tilespmem:v3+s5+$0x0], $0xffff  }
0x398: {  	s29 =	sor.u32 s7, s6;
	v4 =	vadd.s32 $0x80, v3  }
0x399: {  	[tilespmem:s29+$0x0] =	vst v0  }
0x39a: {  	v0 =	vld.idx.msk [tilespmem:v1+s5+$0x0], $0xffff  }
0x39b: {  	s15 =	sor.u32 s1, s6;
	v1 =	vadd.s32 $0x100, v5  }
0x39c: {  	[tilespmem:s15+$0x0] =	vst v2  }
0x39d: {  	v2 =	vld.idx.msk [tilespmem:v4+s5+$0x0], $0xffff  }
0x39e: {  	v4 =	vadd.s32 $0x100, v3  }
0x39f: {  	[tilespmem:s29+$0x80] =	vst v0  }
0x3a0: {  	v0 =	vld.idx.msk [tilespmem:v1+s5+$0x0], $0xffff  }
0x3a1: {  	v1 =	vadd.s32 $0x180, v5  }
0x3a2: {  	[tilespmem:s15+$0x80] =	vst v2  }
0x3a3: {  	v6 =	vld.idx.msk [tilespmem:v4+s5+$0x0], $0xffff  }
0x3a4: {  	s13 =	simm.s32 $0x20;
	s16 =	simm.s32 $0x20;
	v7 =	vadd.s32 $0x180, v3  }
0x3a5: {  	s6 =	sand.u32 $0x60, s16;
	s1 =	sand.u32 $0x3FFFFF80, s13;
	[tilespmem:s29+$0x100] =	vst v0  }
0x3a6: {  	s1 =	sadd.s32 $0x800, s1;
	s17 =	sor.u32 $0x10, s6;
	v1 =	vld.idx.msk [tilespmem:v1+s5+$0x0], $0xffff  }
0x3a7: {  	s19 =	sor.u32 s17, s1;
	v2 =	vadd.s32 $0x200, v5  }
0x3a8: {  	v0 =	vld [tilespmem:s19+$0x0];
	[tilespmem:s15+$0x100] =	vst v6  }
0x3a9: {  	v6 =	vld.idx.msk [tilespmem:v7+s5+$0x0], $0xffff  }
0x3aa: {  	s1 =	sor.u32 s6, s1;
	v7 =	vadd.s32 $0x200, v3  }
0x3ab: {  	v4 =	vld [tilespmem:s1+$0x0];
	[tilespmem:s29+$0x180] =	vst v1  }
0x3ac: {  	v1 =	vld.idx.msk [tilespmem:v2+s5+$0x0], $0xffff  }
0x3ad: {  	v2 =	vadd.s32 $0x280, v5  }
0x3ae: {  	[tilespmem:s15+$0x180] =	vst v6  }
0x3af: {  	v7 =	vld.idx.msk [tilespmem:v7+s5+$0x0], $0xffff  }
0x3b0: {  	v11 =	vadd.s32 $0x280, v3  }
0x3b1: {  	v8 =	vld.idx.msk [tilespmem:v0+s5+$0x0], $0xffff;
	[tilespmem:s29+$0x200] =	vst v1  }
0x3b2: {  	s20 =	simm.s32 $0x200;
	v1 =	vld.idx.msk [tilespmem:v2+s5+$0x0], $0xffff;
	v2 =	vadd.s32 $0x80, v0  }
0x3b3: {  	v9 =	vadd.s32 $0x300, v5;
	s1 =	sand.u32 $0x3FFFF800, s20  }
0x3b4: {  	s1 =	sadd.s32 $0x1800, s1;
	v10 =	vld.idx.msk [tilespmem:v4+s5+$0x0], $0xffff;
	[tilespmem:s15+$0x200] =	vst v7  }
0x3b5: {  	s16 =	sor.u32 s17, s1;
	v6 =	vadd.s32 $0x80, v4;
	v7 =	vld.idx.msk [tilespmem:v11+s5+$0x0], $0xffff  }
0x3b6: {  	[tilespmem:s16+$0x0] =	vst v8;
	v11 =	vadd.s32 $0x300, v3  }
0x3b7: {  	v2 =	vld.idx.msk [tilespmem:v2+s5+$0x0], $0xffff;
	[tilespmem:s29+$0x280] =	vst v1  }
0x3b8: {  	s17 =	sor.u32 s6, s1;
	v8 =	vadd.s32 $0x100, v0;
	v1 =	vld.idx.msk [tilespmem:v9+s5+$0x0], $0xffff  }
0x3b9: {  	[tilespmem:s17+$0x0] =	vst v10;
	v9 =	vadd.s32 $0x380, v5  }
0x3ba: {  	v6 =	vld.idx.msk [tilespmem:v6+s5+$0x0], $0xffff;
	[tilespmem:s15+$0x280] =	vst v7  }
0x3bb: {  	v10 =	vadd.s32 $0x100, v4;
	v7 =	vld.idx.msk [tilespmem:v11+s5+$0x0], $0xffff  }
0x3bc: {  	v11 =	vadd.s32 $0x380, v3;
	[tilespmem:s16+$0x80] =	vst v2  }
0x3bd: {  	v2 =	vld.idx.msk [tilespmem:v8+s5+$0x0], $0xffff;
	[tilespmem:s29+$0x300] =	vst v1  }
0x3be: {  	s21 =	simm.s32 $0x40;
	s22 =	simm.s32 $0x40;
	v8 =	vadd.s32 $0x180, v0;
	v1 =	vld.idx.msk [tilespmem:v9+s5+$0x0], $0xffff  }
0x3bf: {  	s6 =	sand.u32 $0x60, s22;
	s1 =	sand.u32 $0x3FFFFF80, s21;
	[tilespmem:s17+$0x80] =	vst v6;
	v6 =	vadd.s32 $0x400, v5  }
0x3c0: {  	s1 =	sadd.s32 $0x800, s1;
	s31 =	sor.u32 $0x10, s6;
	[tilespmem:s15+$0x300] =	vst v7;
	v9 =	vld.idx.msk [tilespmem:v10+s5+$0x0], $0xffff  }
0x3c1: {  	s13 =	sor.u32 s31, s1;
	s1 =	sor.u32 s6, s1;
	v10 =	vadd.s32 $0x180, v4;
	v12 =	vld.idx.msk [tilespmem:v11+s5+$0x0], $0xffff  }
0x3c2: {  	v11 =	vld [tilespmem:s1+$0x0];
	[tilespmem:s16+$0x100] =	vst v2  }
0x3c3: {  	v13 =	vadd.s32 $0x400, v3;
	v2 =	vld.idx.msk [tilespmem:v8+s5+$0x0], $0xffff;
	[tilespmem:s29+$0x380] =	vst v1  }
0x3c4: {  	v8 =	vadd.s32 $0x200, v0;
	v6 =	vld.idx.msk [tilespmem:v6+s5+$0x0], $0xffff  }
0x3c5: {  	[tilespmem:s17+$0x100] =	vst v9;
	v9 =	vadd.s32 $0x480, v5;
	v1 =	vld [tilespmem:s13+$0x0]  }
0x3c6: {  	v10 =	vld.idx.msk [tilespmem:v10+s5+$0x0], $0xffff  }
0x3c7: {  	v7 =	vadd.s32 $0x200, v4;
	[tilespmem:s15+$0x380] =	vst v12  }
0x3c8: {  	v12 =	vld.idx.msk [tilespmem:v13+s5+$0x0], $0xffff;
	[tilespmem:s16+$0x180] =	vst v2  }
0x3c9: {  	v2 =	vld.idx.msk [tilespmem:v8+s5+$0x0], $0xffff;
	[tilespmem:s29+$0x400] =	vst v6  }
0x3ca: {  	v13 =	vadd.s32 $0x480, v3;
	v6 =	vld.idx.msk [tilespmem:v9+s5+$0x0], $0xffff  }
0x3cb: {  	v8 =	vadd.s32 $0x280, v0;
	[tilespmem:s17+$0x180] =	vst v10  }
0x3cc: {  	v9 =	vadd.s32 $0x500, v5;
	v7 =	vld.idx.msk [tilespmem:v7+s5+$0x0], $0xffff  }
0x3cd: {  	v15 =	vld.idx.msk [tilespmem:v11+s5+$0x0], $0xffff;
	v10 =	vadd.s32 $0x280, v4;
	[tilespmem:s15+$0x400] =	vst v12  }
0x3ce: {  	s19 =	simm.s32 $0x400;
	v16 =	vadd.s32 $0x80, v11;
	v14 =	vld.idx.msk [tilespmem:v1+s5+$0x0], $0xffff;
	[tilespmem:s16+$0x200] =	vst v2  }
0x3cf: {  	s1 =	sand.u32 $0x3FFFF800, s19;
	v13 =	vld.idx.msk [tilespmem:v13+s5+$0x0], $0xffff;
	[tilespmem:s29+$0x480] =	vst v6;
	v6 =	vadd.s32 $0x80, v1  }
0x3d0: {  	s1 =	sadd.s32 $0x1800, s1;
	v2 =	vld.idx.msk [tilespmem:v8+s5+$0x0], $0xffff  }
0x3d1: {  	s20 =	simm.s32 $0x60;
	s9 =	sor.u32 s6, s1;
	s13 =	simm.s32 $0x60;
	[tilespmem:s17+$0x200] =	vst v7;
	v8 =	vld.idx.msk [tilespmem:v9+s5+$0x0], $0xffff;
	v9 =	vadd.s32 $0x300, v0  }
0x3d2: {  	s19 =	sor.u32 s31, s1;
	s6 =	sand.u32 $0x3FFFFF80, s20;
	s1 =	sand.u32 $0x60, s13;
	[tilespmem:s9+$0x0] =	vst v15;
	v7 =	vadd.s32 $0x580, v5;
	v10 =	vld.idx.msk [tilespmem:v10+s5+$0x0], $0xffff  }
0x3d3: {  	s6 =	sadd.s32 $0x800, s6;
	s21 =	sor.u32 $0x10, s1;
	v12 =	vadd.s32 $0x300, v4;
	v15 =	vld.idx.msk [tilespmem:v16+s5+$0x0], $0xffff;
	[tilespmem:s19+$0x0] =	vst v14  }
0x3d4: {  	s20 =	sor.u32 s21, s6;
	s6 =	sor.u32 s1, s6;
	[tilespmem:s15+$0x480] =	vst v13;
	v14 =	vadd.s32 $0x500, v3;
	v6 =	vld.idx.msk [tilespmem:v6+s5+$0x0], $0xffff  }
0x3d5: {  	v21 =	vld [tilespmem:s6+$0x0];
	v16 =	vadd.s32 $0x100, v11;
	[tilespmem:s16+$0x280] =	vst v2  }
0x3d6: {  	v2 =	vld.idx.msk [tilespmem:v9+s5+$0x0], $0xffff;
	[tilespmem:s29+$0x500] =	vst v8;
	v8 =	vadd.s32 $0x100, v1  }
0x3d7: {  	v9 =	vadd.s32 $0x380, v0;
	[tilespmem:s17+$0x280] =	vst v10;
	v7 =	vld.idx.msk [tilespmem:v7+s5+$0x0], $0xffff  }
0x3d8: {  	[tilespmem:s9+$0x80] =	vst v15;
	v10 =	vadd.s32 $0x600, v5;
	v12 =	vld.idx.msk [tilespmem:v12+s5+$0x0], $0xffff  }
0x3d9: {  	v13 =	vadd.s32 $0x380, v4;
	[tilespmem:s19+$0x80] =	vst v6;
	v6 =	vld.idx.msk [tilespmem:v14+s5+$0x0], $0xffff  }
0x3da: {  	v15 =	vld.idx.msk [tilespmem:v16+s5+$0x0], $0xffff;
	v14 =	vadd.s32 $0x580, v3  }
0x3db: {  	v16 =	vadd.s32 $0x180, v11;
	v8 =	vld.idx.msk [tilespmem:v8+s5+$0x0], $0xffff;
	[tilespmem:s16+$0x300] =	vst v2  }
0x3dc: {  	v2 =	vld.idx.msk [tilespmem:v9+s5+$0x0], $0xffff;
	[tilespmem:s29+$0x580] =	vst v7;
	v7 =	vadd.s32 $0x180, v1  }
0x3dd: {  	[tilespmem:s17+$0x300] =	vst v12;
	v9 =	vld.idx.msk [tilespmem:v10+s5+$0x0], $0xffff  }
0x3de: {  	v10 =	vadd.s32 $0x400, v0;
	v13 =	vld.idx.msk [tilespmem:v13+s5+$0x0], $0xffff;
	[tilespmem:s15+$0x500] =	vst v6  }
0x3df: {  	[tilespmem:s9+$0x100] =	vst v15;
	v12 =	vadd.s32 $0x680, v5;
	v6 =	vld.idx.msk [tilespmem:v14+s5+$0x0], $0xffff  }
0x3e0: {  	[tilespmem:s19+$0x100] =	vst v8;
	v14 =	vld.idx.msk [tilespmem:v16+s5+$0x0], $0xffff  }
0x3e1: {  	v16 =	vadd.s32 $0x400, v4;
	v7 =	vld.idx.msk [tilespmem:v7+s5+$0x0], $0xffff  }
0x3e2: {  	v17 =	vadd.s32 $0x200, v11;
	[tilespmem:s16+$0x380] =	vst v2;
	v2 =	vld [tilespmem:s20+$0x0]  }
0x3e3: {  	v8 =	vld.idx.msk [tilespmem:v10+s5+$0x0], $0xffff;
	[tilespmem:s29+$0x600] =	vst v9;
	v9 =	vadd.s32 $0x200, v1  }
0x3e4: {  	[tilespmem:s17+$0x380] =	vst v13;
	v10 =	vld.idx.msk [tilespmem:v12+s5+$0x0], $0xffff;
	v12 =	vadd.s32 $0x480, v0  }
0x3e5: {  	v15 =	vadd.s32 $0x700, v5;
	[tilespmem:s9+$0x180] =	vst v14  }
0x3e6: {  	v13 =	vld.idx.msk [tilespmem:v16+s5+$0x0], $0xffff;
	[tilespmem:s15+$0x580] =	vst v6  }
0x3e7: {  	[tilespmem:s19+$0x180] =	vst v7;
	v6 =	vld.idx.msk [tilespmem:v17+s5+$0x0], $0xffff  }
0x3e8: {  	v7 =	vadd.s32 $0x600, v3;
	v9 =	vld.idx.msk [tilespmem:v9+s5+$0x0], $0xffff;
	[tilespmem:s16+$0x400] =	vst v8  }
0x3e9: {  	v8 =	vld.idx.msk [tilespmem:v12+s5+$0x0], $0xffff;
	[tilespmem:s29+$0x680] =	vst v10;
	v10 =	vadd.s32 $0x280, v1  }
0x3ea: {  	v14 =	vadd.s32 $0x500, v0;
	v12 =	vld.idx.msk [tilespmem:v15+s5+$0x0], $0xffff  }
0x3eb: {  	v15 =	vadd.s32 $0x280, v11;
	v16 =	vld.idx.msk [tilespmem:v2+s5+$0x0], $0xffff;
	[tilespmem:s17+$0x400] =	vst v13  }
0x3ec: {  	s22 =	simm.s32 $0x600;
	v5 =	vadd.s32 $0x780, v5;
	v13 =	vld.idx.msk [tilespmem:v21+s5+$0x0], $0xffff;
	[tilespmem:s9+$0x200] =	vst v6  }
0x3ed: {  	s6 =	sand.u32 $0x3FFFF800, s22;
	v7 =	vld.idx.msk [tilespmem:v7+s5+$0x0], $0xffff;
	[tilespmem:s19+$0x200] =	vst v9;
	v9 =	vadd.s32 $0x480, v4  }
0x3ee: {  	s31 =	sadd.s32 $0x1800, s6;
	v19 =	vadd.s32 $0x80, v21;
	v10 =	vld.idx.msk [tilespmem:v10+s5+$0x0], $0xffff;
	[tilespmem:s16+$0x480] =	vst v8  }
0x3ef: {  	v18 =	vadd.s32 $0x680, v3;
	s6 =	sor.u32 s21, s31;
	v14 =	vld.idx.msk [tilespmem:v14+s5+$0x0], $0xffff;
	[tilespmem:s29+$0x700] =	vst v12  }
0x3f0: {  	s20 =	sor.u32 s1, s31;
	v8 =	vadd.s32 $0x80, v2;
	v15 =	vld.idx.msk [tilespmem:v15+s5+$0x0], $0xffff;
	[tilespmem:s6+$0x0] =	vst v16  }
0x3f1: {  	v12 =	vadd.s32 $0x300, v1;
	v5 =	vld.idx.msk [tilespmem:v5+s5+$0x0], $0xffff;
	[tilespmem:s20+$0x0] =	vst v13  }
0x3f2: {  	v17 =	vadd.s32 $0x580, v0;
	[tilespmem:s15+$0x600] =	vst v7;
	v16 =	vld.idx.msk [tilespmem:v9+s5+$0x0], $0xffff  }
0x3f3: {  	v32 =	vld.idx.msk [tilespmem:v19+s5+$0x0], $0xffff;
	[tilespmem:s19+$0x280] =	vst v10;
	v10 =	vadd.s32 $0x500, v4  }
0x3f4: {  	v20 =	vadd.s32 $0x300, v11;
	v26 =	vld.idx.msk [tilespmem:v18+s5+$0x0], $0xffff;
	[tilespmem:s16+$0x500] =	vst v14  }
0x3f5: {  	v8 =	vld.idx.msk [tilespmem:v8+s5+$0x0], $0xffff;
	[tilespmem:s9+$0x280] =	vst v15  }
0x3f6: {  	v29 =	vadd.s32 $0x700, v3;
	v31 =	vadd.s32 $0x580, v4;
	v36 =	vadd.s32 $0x100, v21;
	v12 =	vld.idx.msk [tilespmem:v12+s5+$0x0], $0xffff;
	[tilespmem:s29+$0x780] =	vst v5  }
0x3f7: {  	v30 =	vadd.s32 $0x600, v0;
	v34 =	vadd.s32 $0x380, v11;
	v22 =	vadd.s32 $0x100, v2;
	v17 =	vld.idx.msk [tilespmem:v17+s5+$0x0], $0xffff;
	[tilespmem:s17+$0x480] =	vst v16  }
0x3f8: {  	v23 =	vadd.s32 $0x380, v1;
	v28 =	vadd.s32 $0x180, v21;
	v27 =	vadd.s32 $0x200, v21;
	[tilespmem:s20+$0x80] =	vst v32;
	v37 =	vld.idx.msk [tilespmem:v10+s5+$0x0], $0xffff  }
0x3f9: {  	v25 =	vadd.s32 $0x280, v21;
	v24 =	vadd.s32 $0x300, v21;
	v6 =	vadd.s32 $0x780, v3;
	v35 =	vld.idx.msk [tilespmem:v20+s5+$0x0], $0xffff;
	[tilespmem:s15+$0x680] =	vst v26  }
0x3fa: {  	v3 =	vadd.s32 $0x780, v4;
	v13 =	vadd.s32 $0x600, v11;
	v7 =	vadd.s32 $0x680, v4;
	[tilespmem:s6+$0x80] =	vst v8  }
0x3fb: {  	v19 =	vadd.s32 $0x400, v11;
	v9 =	vadd.s32 $0x600, v4;
	v18 =	vadd.s32 $0x480, v11;
	v36 =	vld.idx.msk [tilespmem:v36+s5+$0x0], $0xffff;
	[tilespmem:s19+$0x300] =	vst v12  }
0x3fc: {  	v15 =	vadd.s32 $0x500, v11;
	v14 =	vadd.s32 $0x580, v11;
	v5 =	vadd.s32 $0x700, v4;
	v38 =	vld.idx.msk [tilespmem:v22+s5+$0x0], $0xffff;
	[tilespmem:s16+$0x580] =	vst v17  }
0x3fd: {  	v4 =	vadd.s32 $0x780, v11;
	v20 =	vadd.s32 $0x500, v21;
	v33 =	vld.idx.msk [tilespmem:v23+s5+$0x0], $0xffff;
	[tilespmem:s17+$0x500] =	vst v37;
	v37 =	vadd.s32 $0x180, v2  }
0x3fe: {  	v32 =	vadd.s32 $0x680, v0;
	v26 =	vadd.s32 $0x400, v21;
	[tilespmem:s9+$0x300] =	vst v35;
	v35 =	vadd.s32 $0x400, v1;
	v30 =	vld.idx.msk [tilespmem:v30+s5+$0x0], $0xffff  }
0x3ff: {  	v16 =	vadd.s32 $0x600, v21;
	v10 =	vadd.s32 $0x680, v11;
	v8 =	vadd.s32 $0x700, v11;
	v29 =	vld.idx.msk [tilespmem:v29+s5+$0x0], $0xffff  }
0x400: {  	v11 =	vadd.s32 $0x700, v21;
	v22 =	vadd.s32 $0x480, v21;
	v12 =	vadd.s32 $0x680, v21;
	v34 =	vld.idx.msk [tilespmem:v34+s5+$0x0], $0xffff  }
0x401: {  	s29 =	simm.s32 $0x6;
	v23 =	vadd.s32 $0x380, v21;
	v17 =	vadd.s32 $0x580, v21;
	v21 =	vadd.s32 $0x780, v21;
	[tilespmem:s6+$0x100] =	vst v38;
	v31 =	vld.idx.msk [tilespmem:v31+s5+$0x0], $0xffff  }
.LBB2_11:
0x402: {  	s29 =	sadd.s32 $0x2, s29;
	v37 =	vld.idx.msk [tilespmem:v37+s5+$0x0], $0xffff;
	[tilespmem:s19+$0x380] =	vst v33  }
0x403: {  	s13 =	sadd.s32 $0x20, s13;
	s1 =	sshll.u32 s29, $0x4;
	p0 =	slt.u32 s29, $0x3E;
	v33 =	vld.idx.msk [tilespmem:v35+s5+$0x0], $0xffff;
	[tilespmem:s16+$0x600] =	vst v30  }
0x404: {  	s31 =	sand.u32 $0x60, s13;
	v30 =	vadd.s32 $0x200, v2;
	s1 =	sand.u32 $0x3FFFFF80, s1;
	v32 =	vld.idx.msk [tilespmem:v32+s5+$0x0], $0xffff;
	[tilespmem:s15+$0x700] =	vst v29  }
0x405: {  	v29 =	vadd.s32 $0x480, v1;
	s7 =	sadd.s32 $0x800, s1;
	s1 =	sor.u32 $0x10, s31;
	[tilespmem:s20+$0x100] =	vst v36;
	v35 =	vld.idx.msk [tilespmem:v6+s5+$0x0], $0xffff;
	v6 =	vmovc v3;
	v3 =	vmov v4;
	v4 =	vmov v21  }
0x406: {  	s21 =	sor.u32 s31, s7;
	s7 =	sor.u32 s1, s7;
	v21 =	vld.idx.msk [tilespmem:v28+s5+$0x0], $0xffff;
	[tilespmem:s9+$0x380] =	vst v34;
	v28 =	vadd.s32 $0x700, v0  }
0x407: {  	v34 =	vld [tilespmem:s7+$0x0];
	[tilespmem:s17+$0x580] =	vst v31  }
0x408: {  	v31 =	vld [tilespmem:s21+$0x0];
	[tilespmem:s6+$0x180] =	vst v37  }
0x409: {  	v30 =	vld.idx.msk [tilespmem:v30+s5+$0x0], $0xffff;
	[tilespmem:s19+$0x400] =	vst v33  }
0x40a: {  	v29 =	vld.idx.msk [tilespmem:v29+s5+$0x0], $0xffff;
	[tilespmem:s16+$0x680] =	vst v32  }
0x40b: {  	v32 =	vadd.s32 $0x280, v2;
	v33 =	vld.idx.msk [tilespmem:v28+s5+$0x0], $0xffff;
	[tilespmem:s15+$0x780] =	vst v35;
	s15 =	smov.u32 s17;
	s17 =	smov.u32 s9;
	s9 =	smov.u32 s20  }
0x40c: {  	[tilespmem:s9+$0x180] =	vst v21;
	v35 =	vld.idx.msk [tilespmem:v19+s5+$0x0], $0xffff;
	v21 =	vadd.s32 $0x500, v1;
	v19 =	vmov v26  }
0x40d: {  	v39 =	vadd.s32 $0x780, v0;
	v0 =	vmovc v1;
	v1 =	vmovc v2;
	v36 =	vadd.s32 $0x80, v31;
	v38 =	vadd.s32 $0x100, v31;
	v37 =	vld.idx.msk [tilespmem:v27+s5+$0x0], $0xffff  }
0x40e: {  	v2 =	vmovc v34;
	v28 =	vadd.s32 $0x180, v31;
	v27 =	vadd.s32 $0x200, v31;
	v40 =	vadd.s32 $0x280, v31;
	v41 =	vld.idx.msk [tilespmem:v9+s5+$0x0], $0xffff;
	v9 =	vmovc v13  }
0x40f: {  	v42 =	vadd.s32 $0x300, v31;
	v43 =	vadd.s32 $0x380, v31;
	v26 =	vadd.s32 $0x400, v31;
	v13 =	vmovc v16;
	v34 =	vld.idx.msk [tilespmem:v34+s5+$0x0], $0xffff;
	[tilespmem:s6+$0x200] =	vst v30  }
0x410: {  	v44 =	vadd.s32 $0x500, v31;
	v45 =	vadd.s32 $0x580, v31;
	v30 =	vadd.s32 $0x480, v31;
	v32 =	vld.idx.msk [tilespmem:v32+s5+$0x0], $0xffff;
	[tilespmem:s19+$0x480] =	vst v29  }
0x411: {  	s7 =	sshll.u32 s29, $0x8;
	v46 =	vadd.s32 $0x80, v2;
	v16 =	vadd.s32 $0x600, v31;
	v29 =	vadd.s32 $0x680, v31;
	v47 =	vld.idx.msk [tilespmem:v21+s5+$0x0], $0xffff;
	[tilespmem:s16+$0x700] =	vst v33  }
0x412: {  	s7 =	sand.u32 $0x3FFFF800, s7;
	v48 =	vadd.s32 $0x700, v31;
	v21 =	vadd.s32 $0x780, v31;
	v33 =	vadd.s32 $0x300, v1;
	[tilespmem:s17+$0x400] =	vst v35;
	v35 =	vld.idx.msk [tilespmem:v39+s5+$0x0], $0xffff  }
0x413: {  	s7 =	sadd.s32 $0x1800, s7;
	v31 =	vld.idx.msk [tilespmem:v31+s5+$0x0], $0xffff;
	[tilespmem:s9+$0x200] =	vst v37;
	v37 =	vadd.s32 $0x580, v0  }
0x414: {  	s1 =	sor.u32 s1, s7;
	s20 =	sor.u32 s31, s7;
	v39 =	vld.idx.msk [tilespmem:v25+s5+$0x0], $0xffff;
	[tilespmem:s15+$0x600] =	vst v41;
	v25 =	vmov v40  }
0x415: {  	[tilespmem:s1+$0x0] =	vst v34;
	v34 =	vld.idx.msk [tilespmem:v18+s5+$0x0], $0xffff;
	v18 =	vmov v22;
	v22 =	vmov v30  }
0x416: {  	v30 =	vld.idx.msk [tilespmem:v46+s5+$0x0], $0xffff;
	[tilespmem:s6+$0x280] =	vst v32  }
0x417: {  	v32 =	vld.idx.msk [tilespmem:v33+s5+$0x0], $0xffff;
	[tilespmem:s19+$0x500] =	vst v47  }
0x418: {  	v33 =	vadd.s32 $0x100, v2;
	v37 =	vld.idx.msk [tilespmem:v37+s5+$0x0], $0xffff;
	[tilespmem:s16+$0x780] =	vst v35;
	s16 =	smov.u32 s19;
	s19 =	smov.u32 s6;
	s6 =	smov.u32 s1  }
0x419: {  	[tilespmem:s20+$0x0] =	vst v31;
	v31 =	vadd.s32 $0x380, v1;
	v35 =	vld.idx.msk [tilespmem:v7+s5+$0x0], $0xffff;
	v7 =	vmovc v10;
	v10 =	vmov v12;
	v12 =	vmov v29  }
0x41a: {  	v29 =	vld.idx.msk [tilespmem:v36+s5+$0x0], $0xffff;
	[tilespmem:s9+$0x280] =	vst v39;
	v36 =	vadd.s32 $0x600, v0  }
0x41b: {  	v39 =	vld.idx.msk [tilespmem:v24+s5+$0x0], $0xffff;
	[tilespmem:s17+$0x480] =	vst v34;
	v24 =	vmov v42  }
0x41c: {  	[tilespmem:s6+$0x80] =	vst v30;
	v40 =	vld.idx.msk [tilespmem:v15+s5+$0x0], $0xffff;
	v15 =	vmov v20;
	v20 =	vmov v44  }
0x41d: {  	v41 =	vld.idx.msk [tilespmem:v33+s5+$0x0], $0xffff;
	[tilespmem:s19+$0x300] =	vst v32  }
0x41e: {  	v33 =	vld.idx.msk [tilespmem:v31+s5+$0x0], $0xffff;
	[tilespmem:s16+$0x580] =	vst v37  }
.Ltmp4:
0x41f: {  	v37 =	vadd.s32 $0x180, v2;
	v30 =	vld.idx.msk [tilespmem:v36+s5+$0x0], $0xffff;
	[tilespmem:s15+$0x680] =	vst v35;
	(pc) =	sbr.rel @p0 .LBB2_11-.Ltmp4, $4  }
0x420: {  	v35 =	vadd.s32 $0x400, v1;
	[tilespmem:s20+$0x80] =	vst v29;
	v29 =	vld.idx.msk [tilespmem:v5+s5+$0x0], $0xffff;
	v5 =	vmovc v8;
	v8 =	vmov v11;
	v11 =	vmov v48  }
0x421: {  	v32 =	vadd.s32 $0x680, v0;
	v36 =	vld.idx.msk [tilespmem:v38+s5+$0x0], $0xffff;
	[tilespmem:s9+$0x300] =	vst v39  }
0x422: {  	v34 =	vld.idx.msk [tilespmem:v23+s5+$0x0], $0xffff;
	[tilespmem:s17+$0x500] =	vst v40;
	v23 =	vmov v43  }
0x423: {  	[tilespmem:s6+$0x100] =	vst v41;
	v31 =	vld.idx.msk [tilespmem:v14+s5+$0x0], $0xffff;
	v14 =	vmov v17;
	v17 =	vmov v45  }
0x424: {  	_ =	sdelay $0x3  }
0x425: {  	v37 =	vld.idx.msk [tilespmem:v37+s5+$0x0], $0xffff;
	[tilespmem:s20+$0x100] =	vst v36  }
0x426: {  	v58 =	vadd.s32 $0x200, v2;
	v28 =	vld.idx.msk [tilespmem:v28+s5+$0x0], $0xffff;
	_ =	sdelay $0x3  }
0x427: {  	[tilespmem:s6+$0x180] =	vst v37  }
0x428: {  	v36 =	vld.idx.msk [tilespmem:v58+s5+$0x0], $0xffff;
	[tilespmem:s20+$0x180] =	vst v28  }
0x429: {  	v28 =	vadd.s32 $0x280, v2;
	v27 =	vld.idx.msk [tilespmem:v27+s5+$0x0], $0xffff;
	_ =	sdelay $0x3  }
0x42a: {  	[tilespmem:s6+$0x200] =	vst v36  }
0x42b: {  	v28 =	vld.idx.msk [tilespmem:v28+s5+$0x0], $0xffff;
	[tilespmem:s20+$0x200] =	vst v27  }
0x42c: {  	v27 =	vadd.s32 $0x300, v2;
	v25 =	vld.idx.msk [tilespmem:v25+s5+$0x0], $0xffff;
	_ =	sdelay $0x3  }
0x42d: {  	[tilespmem:s6+$0x280] =	vst v28  }
0x42e: {  	v27 =	vld.idx.msk [tilespmem:v27+s5+$0x0], $0xffff;
	[tilespmem:s20+$0x280] =	vst v25  }
0x42f: {  	v25 =	vadd.s32 $0x380, v2;
	v24 =	vld.idx.msk [tilespmem:v24+s5+$0x0], $0xffff;
	_ =	sdelay $0x3  }
0x430: {  	[tilespmem:s6+$0x300] =	vst v27  }
0x431: {  	v25 =	vld.idx.msk [tilespmem:v25+s5+$0x0], $0xffff;
	[tilespmem:s20+$0x300] =	vst v24  }
0x432: {  	v24 =	vadd.s32 $0x400, v2;
	v23 =	vld.idx.msk [tilespmem:v23+s5+$0x0], $0xffff;
	_ =	sdelay $0x1  }
0x433: {  	[tilespmem:s9+$0x380] =	vst v34  }
0x434: {  	[tilespmem:s19+$0x380] =	vst v33;
	v19 =	vld.idx.msk [tilespmem:v19+s5+$0x0], $0xffff  }
0x435: {  	v27 =	vld.idx.msk [tilespmem:v35+s5+$0x0], $0xffff;
	[tilespmem:s6+$0x380] =	vst v25  }
0x436: {  	v28 =	vadd.s32 $0x480, v1;
	v24 =	vld.idx.msk [tilespmem:v24+s5+$0x0], $0xffff;
	[tilespmem:s20+$0x380] =	vst v23  }
0x437: {  	v23 =	vadd.s32 $0x480, v2;
	v25 =	vld.idx.msk [tilespmem:v26+s5+$0x0], $0xffff;
	_ =	sdelay $0x1  }
0x438: {  	[tilespmem:s9+$0x400] =	vst v19  }
0x439: {  	v18 =	vld.idx.msk [tilespmem:v18+s5+$0x0], $0xffff;
	[tilespmem:s19+$0x400] =	vst v27  }
0x43a: {  	v26 =	vld.idx.msk [tilespmem:v28+s5+$0x0], $0xffff;
	[tilespmem:s6+$0x400] =	vst v24  }
0x43b: {  	v19 =	vadd.s32 $0x500, v1;
	v23 =	vld.idx.msk [tilespmem:v23+s5+$0x0], $0xffff;
	[tilespmem:s20+$0x400] =	vst v25  }
0x43c: {  	v24 =	vadd.s32 $0x500, v2;
	v22 =	vld.idx.msk [tilespmem:v22+s5+$0x0], $0xffff;
	_ =	sdelay $0x1  }
0x43d: {  	[tilespmem:s9+$0x480] =	vst v18  }
0x43e: {  	v15 =	vld.idx.msk [tilespmem:v15+s5+$0x0], $0xffff;
	[tilespmem:s19+$0x480] =	vst v26  }
0x43f: {  	v19 =	vld.idx.msk [tilespmem:v19+s5+$0x0], $0xffff;
	[tilespmem:s6+$0x480] =	vst v23  }
0x440: {  	v18 =	vadd.s32 $0x580, v1;
	v23 =	vld.idx.msk [tilespmem:v24+s5+$0x0], $0xffff;
	[tilespmem:s20+$0x480] =	vst v22  }
0x441: {  	v22 =	vadd.s32 $0x580, v2;
	v20 =	vld.idx.msk [tilespmem:v20+s5+$0x0], $0xffff  }
0x442: {  	[tilespmem:s16+$0x600] =	vst v30  }
0x443: {  	[tilespmem:s9+$0x500] =	vst v15  }
0x444: {  	v14 =	vld.idx.msk [tilespmem:v14+s5+$0x0], $0xffff;
	[tilespmem:s19+$0x500] =	vst v19  }
0x445: {  	v18 =	vld.idx.msk [tilespmem:v18+s5+$0x0], $0xffff;
	[tilespmem:s6+$0x500] =	vst v23  }
0x446: {  	v15 =	vadd.s32 $0x600, v1;
	v19 =	vld.idx.msk [tilespmem:v22+s5+$0x0], $0xffff;
	[tilespmem:s20+$0x500] =	vst v20  }
0x447: {  	[tilespmem:s15+$0x700] =	vst v29;
	v20 =	vadd.s32 $0x600, v2;
	v17 =	vld.idx.msk [tilespmem:v17+s5+$0x0], $0xffff  }
0x448: {  	v6 =	vld.idx.msk [tilespmem:v6+s5+$0x0], $0xffff;
	[tilespmem:s17+$0x580] =	vst v31  }
0x449: {  	v9 =	vld.idx.msk [tilespmem:v9+s5+$0x0], $0xffff;
	[tilespmem:s9+$0x580] =	vst v14  }
0x44a: {  	v13 =	vld.idx.msk [tilespmem:v13+s5+$0x0], $0xffff;
	[tilespmem:s19+$0x580] =	vst v18  }
0x44b: {  	v15 =	vld.idx.msk [tilespmem:v15+s5+$0x0], $0xffff;
	[tilespmem:s6+$0x580] =	vst v19  }
0x44c: {  	v14 =	vadd.s32 $0x680, v1;
	v18 =	vld.idx.msk [tilespmem:v20+s5+$0x0], $0xffff;
	[tilespmem:s20+$0x580] =	vst v17  }
0x44d: {  	[tilespmem:s15+$0x780] =	vst v6;
	v17 =	vadd.s32 $0x680, v2;
	v16 =	vld.idx.msk [tilespmem:v16+s5+$0x0], $0xffff  }
0x44e: {  	[tilespmem:s17+$0x600] =	vst v9;
	v22 =	vld.idx.msk [tilespmem:v32+s5+$0x0], $0xffff  }
0x44f: {  	v9 =	vadd.s32 $0x700, v0;
	v7 =	vld.idx.msk [tilespmem:v7+s5+$0x0], $0xffff;
	[tilespmem:s9+$0x600] =	vst v13  }
0x450: {  	v10 =	vld.idx.msk [tilespmem:v10+s5+$0x0], $0xffff;
	[tilespmem:s19+$0x600] =	vst v15  }
0x451: {  	v14 =	vld.idx.msk [tilespmem:v14+s5+$0x0], $0xffff;
	[tilespmem:s6+$0x600] =	vst v18  }
0x452: {  	v13 =	vadd.s32 $0x700, v1;
	v15 =	vld.idx.msk [tilespmem:v17+s5+$0x0], $0xffff;
	[tilespmem:s20+$0x600] =	vst v16  }
0x453: {  	v6 =	vadd.s32 $0x700, v2;
	[tilespmem:s16+$0x680] =	vst v22;
	v12 =	vld.idx.msk [tilespmem:v12+s5+$0x0], $0xffff  }
0x454: {  	[tilespmem:s17+$0x680] =	vst v7;
	v9 =	vld.idx.msk [tilespmem:v9+s5+$0x0], $0xffff  }
0x455: {  	v0 =	vadd.s32 $0x780, v0;
	v5 =	vld.idx.msk [tilespmem:v5+s5+$0x0], $0xffff;
	[tilespmem:s9+$0x680] =	vst v10  }
0x456: {  	v8 =	vld.idx.msk [tilespmem:v8+s5+$0x0], $0xffff;
	[tilespmem:s19+$0x680] =	vst v14  }
0x457: {  	v7 =	vld.idx.msk [tilespmem:v13+s5+$0x0], $0xffff;
	[tilespmem:s6+$0x680] =	vst v15  }
0x458: {  	v1 =	vadd.s32 $0x780, v1;
	v6 =	vld.idx.msk [tilespmem:v6+s5+$0x0], $0xffff;
	[tilespmem:s20+$0x680] =	vst v12  }
0x459: {  	v2 =	vadd.s32 $0x780, v2;
	[tilespmem:s16+$0x700] =	vst v9;
	v9 =	vld.idx.msk [tilespmem:v11+s5+$0x0], $0xffff  }
0x45a: {  	s1 =	smul.u32 $0xA4, s14;
	[tilespmem:s17+$0x700] =	vst v5;
	v0 =	vld.idx.msk [tilespmem:v0+s5+$0x0], $0xffff  }
0x45b: {  	v3 =	vld.idx.msk [tilespmem:v3+s5+$0x0], $0xffff;
	[tilespmem:s9+$0x700] =	vst v8  }
0x45c: {  	s1 =	sshrl.u32 s1, $0xA;
	v4 =	vld.idx.msk [tilespmem:v4+s5+$0x0], $0xffff;
	[tilespmem:s19+$0x700] =	vst v7  }
0x45d: {  	s1 =	sand.u32 $0x3F, s1;
	s15 =	sshll.u32 s14, $0x2;
	v1 =	vld.idx.msk [tilespmem:v1+s5+$0x0], $0xffff;
	[tilespmem:s6+$0x700] =	vst v6  }
0x45e: {  	s7 =	smul.u32 $0x19, s1;
	s13 =	smin.u32 s15, $0x5F;
	v2 =	vld.idx.msk [tilespmem:v2+s5+$0x0], $0xffff;
	[tilespmem:s20+$0x700] =	vst v9  }
0x45f: {  	s13 =	sadd.s32 $0x4, s13;
	[tilespmem:s16+$0x780] =	vst v0;
	v0 =	vld.idx.msk [tilespmem:v21+s5+$0x0], $0xffff  }
0x460: {  	s7 =	ssub.s32 s15, s7;
	s22 =	smulhi.u32 $0xA3D70A4, s13;
	[tilespmem:s17+$0x780] =	vst v3  }
0x461: {  	s7 =	sand.u32 $0xFF, s7;
	[tilespmem:s9+$0x780] =	vst v4  }
0x462: {  	s1 =	sadd.s32 s1, s18;
	s7 =	sshll.u32 s7, $0x12;
	s16 =	smul.u32 $0x19, s22;
	[tilespmem:s19+$0x780] =	vst v1  }
0x463: {  	s1 =	sshll.u32 s1, $0x7;
	s7 =	sadd.s32 s4, s7;
	[tilespmem:s6+$0x780] =	vst v2  }
0x464: {  	s1 =	sadd.s32 s1, s7;
	s17 =	simm.s32 $0x1800;
	s19 =	ssub.s32 s13, s16;
	[tilespmem:s20+$0x780] =	vst v0  }
0x465: {  	[hbm4b:s1+s26] =	stream.strided.scatter [tilespmem:s17], [sflag:$0x5], $0x4000, s28, s26, $0x38;
	[tilespmem:$0x11800] =	vst v63  }
0x466: {  	s20 =	sadd.s32 s18, s22;
	s1 =	sshll.u32 s19, $0xE  }
0x467: {  	s6 =	sshll.u32 s20, $0x7;
	s1 =	sadd.s32 s3, s1  }
0x468: {  	s21 =	simm.s32 $0x0;
	s22 =	simm.s32 $0x800;
	s1 =	sadd.s32 s6, s1  }
0x469: {  	[tilespmem:s22], [sflag:$0x1] =	stream.linear.gather [hbm4b:s1+s21], $0x400, $0x38;
	[tilespmem:$0x11800] =	vst v63  }
0x46a: {  	_ =	swait.ge [sflag:s30], $0x400  }
0x46b: {  	[sflag:s30] =	ssyncset.done $0x0  }
0x46c: {  	s9 =	simm.s32 $0x0;
	[sflag:s30] =	ssyncadd.s32 $0xFFFFFC00  }
0x46d: {  	s6 =	sand.u32 $0x60, s21;
	s1 =	sand.u32 $0x3FFFFF80, s9;
	_ =	swait.ge [sflag:s10], $0x4000  }
0x46e: {  	s13 =	sor.u32 $0x10, s6;
	s1 =	sadd.s32 $0xC00, s1;
	[sflag:s10] =	ssyncset.done $0x0  }
0x46f: {  	s16 =	sor.u32 s13, s1;
	[sflag:s10] =	ssyncadd.s32 $0xFFFFC000  }
0x470: {  	v5 =	vld [tilespmem:s16+$0x0];
	_ =	sdelay $0x1  }
0x471: {  	s1 =	sor.u32 s6, s1  }
0x472: {  	v3 =	vld [tilespmem:s1+$0x0];
	_ =	sdelay $0x4  }
0x473: {  	v0 =	vld.idx.msk [tilespmem:v5+s5+$0x0], $0xffff  }
0x474: {  	s17 =	simm.s32 $0x0;
	v1 =	vadd.s32 $0x80, v5  }
0x475: {  	s1 =	sand.u32 $0x3FFFF800, s17  }
0x476: {  	s1 =	sadd.s32 $0x5800, s1;
	v2 =	vld.idx.msk [tilespmem:v3+s5+$0x0], $0xffff  }
0x477: {  	s31 =	sor.u32 s13, s1;
	v4 =	vadd.s32 $0x80, v3  }
0x478: {  	[tilespmem:s31+$0x0] =	vst v0  }
0x479: {  	v0 =	vld.idx.msk [tilespmem:v1+s5+$0x0], $0xffff  }
0x47a: {  	s16 =	sor.u32 s6, s1;
	v1 =	vadd.s32 $0x100, v5  }
0x47b: {  	[tilespmem:s16+$0x0] =	vst v2  }
0x47c: {  	v2 =	vld.idx.msk [tilespmem:v4+s5+$0x0], $0xffff  }
0x47d: {  	v4 =	vadd.s32 $0x100, v3  }
0x47e: {  	[tilespmem:s31+$0x80] =	vst v0  }
0x47f: {  	v0 =	vld.idx.msk [tilespmem:v1+s5+$0x0], $0xffff  }
0x480: {  	v1 =	vadd.s32 $0x180, v5  }
0x481: {  	[tilespmem:s16+$0x80] =	vst v2  }
0x482: {  	v6 =	vld.idx.msk [tilespmem:v4+s5+$0x0], $0xffff  }
0x483: {  	s19 =	simm.s32 $0x20;
	s20 =	simm.s32 $0x20;
	v7 =	vadd.s32 $0x180, v3  }
0x484: {  	s6 =	sand.u32 $0x60, s20;
	s1 =	sand.u32 $0x3FFFFF80, s19;
	[tilespmem:s31+$0x100] =	vst v0  }
0x485: {  	s1 =	sadd.s32 $0xC00, s1;
	s21 =	sor.u32 $0x10, s6;
	v1 =	vld.idx.msk [tilespmem:v1+s5+$0x0], $0xffff  }
0x486: {  	s22 =	sor.u32 s21, s1;
	v2 =	vadd.s32 $0x200, v5  }
0x487: {  	v0 =	vld [tilespmem:s22+$0x0];
	[tilespmem:s16+$0x100] =	vst v6  }
0x488: {  	v6 =	vld.idx.msk [tilespmem:v7+s5+$0x0], $0xffff  }
0x489: {  	s1 =	sor.u32 s6, s1;
	v7 =	vadd.s32 $0x200, v3  }
0x48a: {  	v4 =	vld [tilespmem:s1+$0x0];
	[tilespmem:s31+$0x180] =	vst v1  }
0x48b: {  	v1 =	vld.idx.msk [tilespmem:v2+s5+$0x0], $0xffff  }
0x48c: {  	v2 =	vadd.s32 $0x280, v5  }
0x48d: {  	[tilespmem:s16+$0x180] =	vst v6  }
0x48e: {  	v7 =	vld.idx.msk [tilespmem:v7+s5+$0x0], $0xffff  }
0x48f: {  	v11 =	vadd.s32 $0x280, v3  }
0x490: {  	v8 =	vld.idx.msk [tilespmem:v0+s5+$0x0], $0xffff;
	[tilespmem:s31+$0x200] =	vst v1  }
0x491: {  	s9 =	simm.s32 $0x200;
	v1 =	vld.idx.msk [tilespmem:v2+s5+$0x0], $0xffff;
	v2 =	vadd.s32 $0x80, v0  }
0x492: {  	v9 =	vadd.s32 $0x300, v5;
	s1 =	sand.u32 $0x3FFFF800, s9  }
0x493: {  	s1 =	sadd.s32 $0x5800, s1;
	v10 =	vld.idx.msk [tilespmem:v4+s5+$0x0], $0xffff;
	[tilespmem:s16+$0x200] =	vst v7  }
0x494: {  	s17 =	sor.u32 s21, s1;
	v6 =	vadd.s32 $0x80, v4;
	v7 =	vld.idx.msk [tilespmem:v11+s5+$0x0], $0xffff  }
0x495: {  	[tilespmem:s17+$0x0] =	vst v8;
	v11 =	vadd.s32 $0x300, v3  }
0x496: {  	v2 =	vld.idx.msk [tilespmem:v2+s5+$0x0], $0xffff;
	[tilespmem:s31+$0x280] =	vst v1  }
0x497: {  	s19 =	sor.u32 s6, s1;
	v8 =	vadd.s32 $0x100, v0;
	v1 =	vld.idx.msk [tilespmem:v9+s5+$0x0], $0xffff  }
0x498: {  	[tilespmem:s19+$0x0] =	vst v10;
	v9 =	vadd.s32 $0x380, v5  }
0x499: {  	v6 =	vld.idx.msk [tilespmem:v6+s5+$0x0], $0xffff;
	[tilespmem:s16+$0x280] =	vst v7  }
0x49a: {  	v10 =	vadd.s32 $0x100, v4;
	v7 =	vld.idx.msk [tilespmem:v11+s5+$0x0], $0xffff  }
0x49b: {  	v11 =	vadd.s32 $0x380, v3;
	[tilespmem:s17+$0x80] =	vst v2  }
0x49c: {  	v2 =	vld.idx.msk [tilespmem:v8+s5+$0x0], $0xffff;
	[tilespmem:s31+$0x300] =	vst v1  }
0x49d: {  	s13 =	simm.s32 $0x40;
	s20 =	simm.s32 $0x40;
	v8 =	vadd.s32 $0x180, v0;
	v1 =	vld.idx.msk [tilespmem:v9+s5+$0x0], $0xffff  }
0x49e: {  	s6 =	sand.u32 $0x60, s20;
	s1 =	sand.u32 $0x3FFFFF80, s13;
	[tilespmem:s19+$0x80] =	vst v6;
	v6 =	vadd.s32 $0x400, v5  }
0x49f: {  	s1 =	sadd.s32 $0xC00, s1;
	s21 =	sor.u32 $0x10, s6;
	[tilespmem:s16+$0x300] =	vst v7;
	v9 =	vld.idx.msk [tilespmem:v10+s5+$0x0], $0xffff  }
0x4a0: {  	s22 =	sor.u32 s21, s1;
	s1 =	sor.u32 s6, s1;
	v10 =	vadd.s32 $0x180, v4;
	v12 =	vld.idx.msk [tilespmem:v11+s5+$0x0], $0xffff  }
0x4a1: {  	v11 =	vld [tilespmem:s1+$0x0];
	[tilespmem:s17+$0x100] =	vst v2  }
0x4a2: {  	v13 =	vadd.s32 $0x400, v3;
	v2 =	vld.idx.msk [tilespmem:v8+s5+$0x0], $0xffff;
	[tilespmem:s31+$0x380] =	vst v1  }
0x4a3: {  	v8 =	vadd.s32 $0x200, v0;
	v6 =	vld.idx.msk [tilespmem:v6+s5+$0x0], $0xffff  }
0x4a4: {  	[tilespmem:s19+$0x100] =	vst v9;
	v9 =	vadd.s32 $0x480, v5;
	v1 =	vld [tilespmem:s22+$0x0]  }
0x4a5: {  	v10 =	vld.idx.msk [tilespmem:v10+s5+$0x0], $0xffff  }
0x4a6: {  	v7 =	vadd.s32 $0x200, v4;
	[tilespmem:s16+$0x380] =	vst v12  }
0x4a7: {  	v12 =	vld.idx.msk [tilespmem:v13+s5+$0x0], $0xffff;
	[tilespmem:s17+$0x180] =	vst v2  }
0x4a8: {  	v2 =	vld.idx.msk [tilespmem:v8+s5+$0x0], $0xffff;
	[tilespmem:s31+$0x400] =	vst v6  }
0x4a9: {  	v13 =	vadd.s32 $0x480, v3;
	v6 =	vld.idx.msk [tilespmem:v9+s5+$0x0], $0xffff  }
0x4aa: {  	v8 =	vadd.s32 $0x280, v0;
	[tilespmem:s19+$0x180] =	vst v10  }
0x4ab: {  	v9 =	vadd.s32 $0x500, v5;
	v7 =	vld.idx.msk [tilespmem:v7+s5+$0x0], $0xffff  }
0x4ac: {  	v15 =	vld.idx.msk [tilespmem:v11+s5+$0x0], $0xffff;
	v10 =	vadd.s32 $0x280, v4;
	[tilespmem:s16+$0x400] =	vst v12  }
0x4ad: {  	s13 =	simm.s32 $0x400;
	v16 =	vadd.s32 $0x80, v11;
	v14 =	vld.idx.msk [tilespmem:v1+s5+$0x0], $0xffff;
	[tilespmem:s17+$0x200] =	vst v2  }
0x4ae: {  	s1 =	sand.u32 $0x3FFFF800, s13;
	v13 =	vld.idx.msk [tilespmem:v13+s5+$0x0], $0xffff;
	[tilespmem:s31+$0x480] =	vst v6;
	v6 =	vadd.s32 $0x80, v1  }
0x4af: {  	s1 =	sadd.s32 $0x5800, s1;
	v2 =	vld.idx.msk [tilespmem:v8+s5+$0x0], $0xffff  }
0x4b0: {  	s29 =	simm.s32 $0x60;
	s20 =	simm.s32 $0x60;
	s6 =	sor.u32 s6, s1;
	[tilespmem:s19+$0x200] =	vst v7;
	v8 =	vld.idx.msk [tilespmem:v9+s5+$0x0], $0xffff;
	v9 =	vadd.s32 $0x300, v0  }
0x4b1: {  	s7 =	sand.u32 $0x3FFFFF80, s20;
	s9 =	sor.u32 s21, s1;
	s1 =	sand.u32 $0x60, s29;
	[tilespmem:s6+$0x0] =	vst v15;
	v7 =	vadd.s32 $0x580, v5;
	v10 =	vld.idx.msk [tilespmem:v10+s5+$0x0], $0xffff  }
0x4b2: {  	s7 =	sadd.s32 $0xC00, s7;
	s13 =	sor.u32 $0x10, s1;
	v12 =	vadd.s32 $0x300, v4;
	v15 =	vld.idx.msk [tilespmem:v16+s5+$0x0], $0xffff;
	[tilespmem:s9+$0x0] =	vst v14  }
0x4b3: {  	s21 =	sor.u32 s13, s7;
	s7 =	sor.u32 s1, s7;
	[tilespmem:s16+$0x480] =	vst v13;
	v14 =	vadd.s32 $0x500, v3;
	v6 =	vld.idx.msk [tilespmem:v6+s5+$0x0], $0xffff  }
0x4b4: {  	v21 =	vld [tilespmem:s7+$0x0];
	v16 =	vadd.s32 $0x100, v11;
	[tilespmem:s17+$0x280] =	vst v2  }
0x4b5: {  	v2 =	vld.idx.msk [tilespmem:v9+s5+$0x0], $0xffff;
	[tilespmem:s31+$0x500] =	vst v8;
	v8 =	vadd.s32 $0x100, v1  }
0x4b6: {  	v9 =	vadd.s32 $0x380, v0;
	[tilespmem:s19+$0x280] =	vst v10;
	v7 =	vld.idx.msk [tilespmem:v7+s5+$0x0], $0xffff  }
0x4b7: {  	[tilespmem:s6+$0x80] =	vst v15;
	v10 =	vadd.s32 $0x600, v5;
	v12 =	vld.idx.msk [tilespmem:v12+s5+$0x0], $0xffff  }
0x4b8: {  	v13 =	vadd.s32 $0x380, v4;
	[tilespmem:s9+$0x80] =	vst v6;
	v6 =	vld.idx.msk [tilespmem:v14+s5+$0x0], $0xffff  }
0x4b9: {  	v15 =	vld.idx.msk [tilespmem:v16+s5+$0x0], $0xffff;
	v14 =	vadd.s32 $0x580, v3  }
0x4ba: {  	v16 =	vadd.s32 $0x180, v11;
	v8 =	vld.idx.msk [tilespmem:v8+s5+$0x0], $0xffff;
	[tilespmem:s17+$0x300] =	vst v2  }
0x4bb: {  	v2 =	vld.idx.msk [tilespmem:v9+s5+$0x0], $0xffff;
	[tilespmem:s31+$0x580] =	vst v7;
	v7 =	vadd.s32 $0x180, v1  }
0x4bc: {  	[tilespmem:s19+$0x300] =	vst v12;
	v9 =	vld.idx.msk [tilespmem:v10+s5+$0x0], $0xffff  }
0x4bd: {  	v10 =	vadd.s32 $0x400, v0;
	v13 =	vld.idx.msk [tilespmem:v13+s5+$0x0], $0xffff;
	[tilespmem:s16+$0x500] =	vst v6  }
0x4be: {  	[tilespmem:s6+$0x100] =	vst v15;
	v12 =	vadd.s32 $0x680, v5;
	v6 =	vld.idx.msk [tilespmem:v14+s5+$0x0], $0xffff  }
0x4bf: {  	[tilespmem:s9+$0x100] =	vst v8;
	v14 =	vld.idx.msk [tilespmem:v16+s5+$0x0], $0xffff  }
0x4c0: {  	v16 =	vadd.s32 $0x400, v4;
	v7 =	vld.idx.msk [tilespmem:v7+s5+$0x0], $0xffff  }
0x4c1: {  	v17 =	vadd.s32 $0x200, v11;
	[tilespmem:s17+$0x380] =	vst v2;
	v2 =	vld [tilespmem:s21+$0x0]  }
0x4c2: {  	v8 =	vld.idx.msk [tilespmem:v10+s5+$0x0], $0xffff;
	[tilespmem:s31+$0x600] =	vst v9;
	v9 =	vadd.s32 $0x200, v1  }
0x4c3: {  	[tilespmem:s19+$0x380] =	vst v13;
	v10 =	vld.idx.msk [tilespmem:v12+s5+$0x0], $0xffff;
	v12 =	vadd.s32 $0x480, v0  }
0x4c4: {  	v15 =	vadd.s32 $0x700, v5;
	[tilespmem:s6+$0x180] =	vst v14  }
0x4c5: {  	v13 =	vld.idx.msk [tilespmem:v16+s5+$0x0], $0xffff;
	[tilespmem:s16+$0x580] =	vst v6  }
0x4c6: {  	[tilespmem:s9+$0x180] =	vst v7;
	v6 =	vld.idx.msk [tilespmem:v17+s5+$0x0], $0xffff  }
0x4c7: {  	v7 =	vadd.s32 $0x600, v3;
	v9 =	vld.idx.msk [tilespmem:v9+s5+$0x0], $0xffff;
	[tilespmem:s17+$0x400] =	vst v8  }
0x4c8: {  	v8 =	vld.idx.msk [tilespmem:v12+s5+$0x0], $0xffff;
	[tilespmem:s31+$0x680] =	vst v10;
	v10 =	vadd.s32 $0x280, v1  }
0x4c9: {  	v14 =	vadd.s32 $0x500, v0;
	v12 =	vld.idx.msk [tilespmem:v15+s5+$0x0], $0xffff  }
0x4ca: {  	v15 =	vadd.s32 $0x280, v11;
	v16 =	vld.idx.msk [tilespmem:v2+s5+$0x0], $0xffff  }
0x4cb: {  	v5 =	vadd.s32 $0x780, v5;
	[tilespmem:s19+$0x400] =	vst v13;
	v13 =	vld.idx.msk [tilespmem:v21+s5+$0x0], $0xffff  }
0x4cc: {  	s22 =	simm.s32 $0x600;
	v19 =	vadd.s32 $0x80, v21;
	v7 =	vld.idx.msk [tilespmem:v7+s5+$0x0], $0xffff;
	[tilespmem:s9+$0x200] =	vst v9  }
0x4cd: {  	s7 =	sand.u32 $0x3FFFF800, s22;
	v9 =	vadd.s32 $0x480, v4;
	v10 =	vld.idx.msk [tilespmem:v10+s5+$0x0], $0xffff;
	[tilespmem:s17+$0x480] =	vst v8  }
0x4ce: {  	v18 =	vadd.s32 $0x680, v3;
	s7 =	sadd.s32 $0x5800, s7;
	[tilespmem:s6+$0x200] =	vst v6;
	v14 =	vld.idx.msk [tilespmem:v14+s5+$0x0], $0xffff  }
0x4cf: {  	s20 =	sor.u32 s13, s7;
	s13 =	sor.u32 s1, s7;
	v8 =	vadd.s32 $0x80, v2;
	[tilespmem:s31+$0x700] =	vst v12;
	v15 =	vld.idx.msk [tilespmem:v15+s5+$0x0], $0xffff  }
0x4d0: {  	v12 =	vadd.s32 $0x300, v1;
	v5 =	vld.idx.msk [tilespmem:v5+s5+$0x0], $0xffff;
	[tilespmem:s13+$0x0] =	vst v13  }
0x4d1: {  	v17 =	vadd.s32 $0x580, v0;
	[tilespmem:s20+$0x0] =	vst v16;
	v59 =	vld.idx.msk [tilespmem:v19+s5+$0x0], $0xffff  }
0x4d2: {  	v20 =	vadd.s32 $0x300, v11;
	[tilespmem:s16+$0x600] =	vst v7;
	v16 =	vld.idx.msk [tilespmem:v9+s5+$0x0], $0xffff  }
0x4d3: {  	v62 =	vadd.s32 $0x100, v21;
	v26 =	vld.idx.msk [tilespmem:v18+s5+$0x0], $0xffff;
	[tilespmem:s9+$0x280] =	vst v10  }
0x4d4: {  	v29 =	vadd.s32 $0x700, v3;
	v31 =	vadd.s32 $0x580, v4;
	v8 =	vld.idx.msk [tilespmem:v8+s5+$0x0], $0xffff;
	v10 =	vadd.s32 $0x500, v4;
	[tilespmem:s17+$0x500] =	vst v14  }
0x4d5: {  	v30 =	vadd.s32 $0x600, v0;
	v32 =	vadd.s32 $0x680, v0;
	v22 =	vadd.s32 $0x100, v2;
	v12 =	vld.idx.msk [tilespmem:v12+s5+$0x0], $0xffff;
	[tilespmem:s6+$0x280] =	vst v15  }
0x4d6: {  	v60 =	vadd.s32 $0x380, v11;
	v23 =	vadd.s32 $0x380, v1;
	v28 =	vadd.s32 $0x180, v21;
	v17 =	vld.idx.msk [tilespmem:v17+s5+$0x0], $0xffff;
	[tilespmem:s31+$0x780] =	vst v5  }
0x4d7: {  	v27 =	vadd.s32 $0x200, v21;
	v25 =	vadd.s32 $0x280, v21;
	v24 =	vadd.s32 $0x300, v21;
	v61 =	vld.idx.msk [tilespmem:v20+s5+$0x0], $0xffff;
	[tilespmem:s13+$0x80] =	vst v59  }
0x4d8: {  	v35 =	vadd.s32 $0x400, v1;
	v37 =	vadd.s32 $0x180, v2;
	v6 =	vadd.s32 $0x780, v3;
	[tilespmem:s19+$0x480] =	vst v16;
	v36 =	vld.idx.msk [tilespmem:v62+s5+$0x0], $0xffff  }
0x4d9: {  	v3 =	vadd.s32 $0x780, v4;
	v13 =	vadd.s32 $0x600, v11;
	v7 =	vadd.s32 $0x680, v4;
	[tilespmem:s20+$0x80] =	vst v8;
	v63 =	vld.idx.msk [tilespmem:v10+s5+$0x0], $0xffff  }
0x4da: {  	v19 =	vadd.s32 $0x400, v11;
	v9 =	vadd.s32 $0x600, v4;
	v18 =	vadd.s32 $0x480, v11;
	v38 =	vld.idx.msk [tilespmem:v22+s5+$0x0], $0xffff;
	[tilespmem:s9+$0x300] =	vst v12  }
0x4db: {  	v15 =	vadd.s32 $0x500, v11;
	v14 =	vadd.s32 $0x580, v11;
	v5 =	vadd.s32 $0x700, v4;
	v33 =	vld.idx.msk [tilespmem:v23+s5+$0x0], $0xffff;
	[tilespmem:s17+$0x580] =	vst v17  }
0x4dc: {  	v4 =	vadd.s32 $0x780, v11;
	v20 =	vadd.s32 $0x500, v21;
	[tilespmem:s16+$0x680] =	vst v26;
	v26 =	vadd.s32 $0x400, v21;
	v30 =	vld.idx.msk [tilespmem:v30+s5+$0x0], $0xffff  }
0x4dd: {  	v16 =	vadd.s32 $0x600, v21;
	v10 =	vadd.s32 $0x680, v11;
	v8 =	vadd.s32 $0x700, v11;
	v29 =	vld.idx.msk [tilespmem:v29+s5+$0x0], $0xffff;
	[tilespmem:s6+$0x300] =	vst v61  }
0x4de: {  	v11 =	vadd.s32 $0x700, v21;
	v22 =	vadd.s32 $0x480, v21;
	v12 =	vadd.s32 $0x680, v21;
	v34 =	vld.idx.msk [tilespmem:v60+s5+$0x0], $0xffff;
	[tilespmem:s19+$0x500] =	vst v63  }
0x4df: {  	s31 =	simm.s32 $0x6;
	v23 =	vadd.s32 $0x380, v21;
	v17 =	vadd.s32 $0x580, v21;
	v21 =	vadd.s32 $0x780, v21;
	[tilespmem:s20+$0x100] =	vst v38;
	v31 =	vld.idx.msk [tilespmem:v31+s5+$0x0], $0xffff  }
.LBB2_13:
0x4e0: {  	s31 =	sadd.s32 $0x2, s31;
	v37 =	vld.idx.msk [tilespmem:v37+s5+$0x0], $0xffff;
	[tilespmem:s9+$0x380] =	vst v33  }
0x4e1: {  	s29 =	sadd.s32 $0x20, s29;
	s7 =	sshll.u32 s31, $0x4;
	p0 =	slt.u32 s31, $0x3E;
	v33 =	vld.idx.msk [tilespmem:v35+s5+$0x0], $0xffff;
	[tilespmem:s17+$0x600] =	vst v30  }
0x4e2: {  	s1 =	sand.u32 $0x60, s29;
	v30 =	vadd.s32 $0x200, v2;
	s7 =	sand.u32 $0x3FFFFF80, s7;
	v32 =	vld.idx.msk [tilespmem:v32+s5+$0x0], $0xffff;
	[tilespmem:s16+$0x700] =	vst v29  }
0x4e3: {  	v29 =	vadd.s32 $0x480, v1;
	s21 =	sadd.s32 $0xC00, s7;
	s7 =	sor.u32 $0x10, s1;
	[tilespmem:s13+$0x100] =	vst v36;
	v35 =	vld.idx.msk [tilespmem:v6+s5+$0x0], $0xffff;
	v6 =	vmovc v3;
	v3 =	vmov v4;
	v4 =	vmov v21  }
0x4e4: {  	s22 =	sor.u32 s1, s21;
	s21 =	sor.u32 s7, s21;
	v21 =	vld.idx.msk [tilespmem:v28+s5+$0x0], $0xffff;
	[tilespmem:s6+$0x380] =	vst v34;
	v28 =	vadd.s32 $0x700, v0  }
0x4e5: {  	v34 =	vld [tilespmem:s21+$0x0];
	[tilespmem:s19+$0x580] =	vst v31  }
0x4e6: {  	v31 =	vld [tilespmem:s22+$0x0];
	[tilespmem:s20+$0x180] =	vst v37  }
0x4e7: {  	v30 =	vld.idx.msk [tilespmem:v30+s5+$0x0], $0xffff;
	[tilespmem:s9+$0x400] =	vst v33  }
0x4e8: {  	v29 =	vld.idx.msk [tilespmem:v29+s5+$0x0], $0xffff;
	[tilespmem:s17+$0x680] =	vst v32  }
0x4e9: {  	v32 =	vadd.s32 $0x280, v2;
	v33 =	vld.idx.msk [tilespmem:v28+s5+$0x0], $0xffff;
	[tilespmem:s16+$0x780] =	vst v35;
	s16 =	smov.u32 s19;
	s19 =	smov.u32 s6;
	s6 =	smov.u32 s13  }
0x4ea: {  	[tilespmem:s6+$0x180] =	vst v21;
	v35 =	vld.idx.msk [tilespmem:v19+s5+$0x0], $0xffff;
	v21 =	vadd.s32 $0x500, v1;
	v19 =	vmov v26  }
0x4eb: {  	v39 =	vadd.s32 $0x780, v0;
	v0 =	vmovc v1;
	v1 =	vmovc v2;
	v36 =	vadd.s32 $0x80, v31;
	v38 =	vadd.s32 $0x100, v31;
	v37 =	vld.idx.msk [tilespmem:v27+s5+$0x0], $0xffff  }
0x4ec: {  	v2 =	vmovc v34;
	v28 =	vadd.s32 $0x180, v31;
	v27 =	vadd.s32 $0x200, v31;
	v40 =	vadd.s32 $0x280, v31;
	v41 =	vld.idx.msk [tilespmem:v9+s5+$0x0], $0xffff;
	v9 =	vmovc v13  }
0x4ed: {  	v42 =	vadd.s32 $0x300, v31;
	v43 =	vadd.s32 $0x380, v31;
	v26 =	vadd.s32 $0x400, v31;
	v13 =	vmovc v16;
	v34 =	vld.idx.msk [tilespmem:v34+s5+$0x0], $0xffff;
	[tilespmem:s20+$0x200] =	vst v30  }
0x4ee: {  	v44 =	vadd.s32 $0x500, v31;
	v45 =	vadd.s32 $0x580, v31;
	v30 =	vadd.s32 $0x480, v31;
	v32 =	vld.idx.msk [tilespmem:v32+s5+$0x0], $0xffff;
	[tilespmem:s9+$0x480] =	vst v29  }
0x4ef: {  	s13 =	sshll.u32 s31, $0x8;
	v46 =	vadd.s32 $0x80, v2;
	v16 =	vadd.s32 $0x600, v31;
	v29 =	vadd.s32 $0x680, v31;
	v47 =	vld.idx.msk [tilespmem:v21+s5+$0x0], $0xffff;
	[tilespmem:s17+$0x700] =	vst v33  }
0x4f0: {  	s13 =	sand.u32 $0x3FFFF800, s13;
	v48 =	vadd.s32 $0x700, v31;
	v21 =	vadd.s32 $0x780, v31;
	v33 =	vadd.s32 $0x300, v1;
	[tilespmem:s19+$0x400] =	vst v35;
	v35 =	vld.idx.msk [tilespmem:v39+s5+$0x0], $0xffff  }
0x4f1: {  	s21 =	sadd.s32 $0x5800, s13;
	v31 =	vld.idx.msk [tilespmem:v31+s5+$0x0], $0xffff;
	[tilespmem:s6+$0x200] =	vst v37;
	v37 =	vadd.s32 $0x580, v0  }
0x4f2: {  	s13 =	sor.u32 s1, s21;
	s1 =	sor.u32 s7, s21;
	v39 =	vld.idx.msk [tilespmem:v25+s5+$0x0], $0xffff;
	[tilespmem:s16+$0x600] =	vst v41;
	v25 =	vmov v40  }
0x4f3: {  	[tilespmem:s1+$0x0] =	vst v34;
	v34 =	vld.idx.msk [tilespmem:v18+s5+$0x0], $0xffff;
	v18 =	vmov v22;
	v22 =	vmov v30  }
0x4f4: {  	v30 =	vld.idx.msk [tilespmem:v46+s5+$0x0], $0xffff;
	[tilespmem:s20+$0x280] =	vst v32  }
0x4f5: {  	v32 =	vld.idx.msk [tilespmem:v33+s5+$0x0], $0xffff;
	[tilespmem:s9+$0x500] =	vst v47  }
0x4f6: {  	v33 =	vadd.s32 $0x100, v2;
	v37 =	vld.idx.msk [tilespmem:v37+s5+$0x0], $0xffff;
	[tilespmem:s17+$0x780] =	vst v35;
	s17 =	smov.u32 s9;
	s9 =	smov.u32 s20;
	s20 =	smov.u32 s1  }
0x4f7: {  	[tilespmem:s13+$0x0] =	vst v31;
	v31 =	vadd.s32 $0x380, v1;
	v35 =	vld.idx.msk [tilespmem:v7+s5+$0x0], $0xffff;
	v7 =	vmovc v10;
	v10 =	vmov v12;
	v12 =	vmov v29  }
0x4f8: {  	v29 =	vld.idx.msk [tilespmem:v36+s5+$0x0], $0xffff;
	[tilespmem:s6+$0x280] =	vst v39;
	v36 =	vadd.s32 $0x600, v0  }
0x4f9: {  	v39 =	vld.idx.msk [tilespmem:v24+s5+$0x0], $0xffff;
	[tilespmem:s19+$0x480] =	vst v34;
	v24 =	vmov v42  }
0x4fa: {  	[tilespmem:s20+$0x80] =	vst v30;
	v40 =	vld.idx.msk [tilespmem:v15+s5+$0x0], $0xffff;
	v15 =	vmov v20;
	v20 =	vmov v44  }
0x4fb: {  	v41 =	vld.idx.msk [tilespmem:v33+s5+$0x0], $0xffff;
	[tilespmem:s9+$0x300] =	vst v32  }
0x4fc: {  	v33 =	vld.idx.msk [tilespmem:v31+s5+$0x0], $0xffff;
	[tilespmem:s17+$0x580] =	vst v37  }
.Ltmp5:
0x4fd: {  	v37 =	vadd.s32 $0x180, v2;
	v30 =	vld.idx.msk [tilespmem:v36+s5+$0x0], $0xffff;
	[tilespmem:s16+$0x680] =	vst v35;
	(pc) =	sbr.rel @p0 .LBB2_13-.Ltmp5, $4  }
0x4fe: {  	v35 =	vadd.s32 $0x400, v1;
	[tilespmem:s13+$0x80] =	vst v29;
	v29 =	vld.idx.msk [tilespmem:v5+s5+$0x0], $0xffff;
	v5 =	vmovc v8;
	v8 =	vmov v11;
	v11 =	vmov v48  }
0x4ff: {  	v32 =	vadd.s32 $0x680, v0;
	v36 =	vld.idx.msk [tilespmem:v38+s5+$0x0], $0xffff;
	[tilespmem:s6+$0x300] =	vst v39  }
0x500: {  	v34 =	vld.idx.msk [tilespmem:v23+s5+$0x0], $0xffff;
	[tilespmem:s19+$0x500] =	vst v40;
	v23 =	vmov v43  }
0x501: {  	[tilespmem:s20+$0x100] =	vst v41;
	v31 =	vld.idx.msk [tilespmem:v14+s5+$0x0], $0xffff;
	v14 =	vmov v17;
	v17 =	vmov v45  }
0x502: {  	_ =	sdelay $0x3  }
0x503: {  	v37 =	vld.idx.msk [tilespmem:v37+s5+$0x0], $0xffff;
	[tilespmem:s13+$0x100] =	vst v36  }
0x504: {  	v58 =	vadd.s32 $0x200, v2;
	v28 =	vld.idx.msk [tilespmem:v28+s5+$0x0], $0xffff;
	_ =	sdelay $0x3  }
0x505: {  	[tilespmem:s20+$0x180] =	vst v37  }
0x506: {  	v36 =	vld.idx.msk [tilespmem:v58+s5+$0x0], $0xffff;
	[tilespmem:s13+$0x180] =	vst v28  }
0x507: {  	v28 =	vadd.s32 $0x280, v2;
	v27 =	vld.idx.msk [tilespmem:v27+s5+$0x0], $0xffff;
	_ =	sdelay $0x3  }
0x508: {  	[tilespmem:s20+$0x200] =	vst v36  }
0x509: {  	v28 =	vld.idx.msk [tilespmem:v28+s5+$0x0], $0xffff;
	[tilespmem:s13+$0x200] =	vst v27  }
0x50a: {  	v27 =	vadd.s32 $0x300, v2;
	v25 =	vld.idx.msk [tilespmem:v25+s5+$0x0], $0xffff;
	_ =	sdelay $0x3  }
0x50b: {  	[tilespmem:s20+$0x280] =	vst v28  }
0x50c: {  	v27 =	vld.idx.msk [tilespmem:v27+s5+$0x0], $0xffff;
	[tilespmem:s13+$0x280] =	vst v25  }
0x50d: {  	v25 =	vadd.s32 $0x380, v2;
	v24 =	vld.idx.msk [tilespmem:v24+s5+$0x0], $0xffff;
	_ =	sdelay $0x3  }
0x50e: {  	[tilespmem:s20+$0x300] =	vst v27  }
0x50f: {  	v25 =	vld.idx.msk [tilespmem:v25+s5+$0x0], $0xffff;
	[tilespmem:s13+$0x300] =	vst v24  }
0x510: {  	v24 =	vadd.s32 $0x400, v2;
	v23 =	vld.idx.msk [tilespmem:v23+s5+$0x0], $0xffff;
	_ =	sdelay $0x1  }
0x511: {  	[tilespmem:s6+$0x380] =	vst v34  }
0x512: {  	[tilespmem:s9+$0x380] =	vst v33;
	v19 =	vld.idx.msk [tilespmem:v19+s5+$0x0], $0xffff  }
0x513: {  	v27 =	vld.idx.msk [tilespmem:v35+s5+$0x0], $0xffff;
	[tilespmem:s20+$0x380] =	vst v25  }
0x514: {  	v28 =	vadd.s32 $0x480, v1;
	v24 =	vld.idx.msk [tilespmem:v24+s5+$0x0], $0xffff;
	[tilespmem:s13+$0x380] =	vst v23  }
0x515: {  	v23 =	vadd.s32 $0x480, v2;
	v25 =	vld.idx.msk [tilespmem:v26+s5+$0x0], $0xffff;
	_ =	sdelay $0x1  }
0x516: {  	[tilespmem:s6+$0x400] =	vst v19  }
0x517: {  	v18 =	vld.idx.msk [tilespmem:v18+s5+$0x0], $0xffff;
	[tilespmem:s9+$0x400] =	vst v27  }
0x518: {  	v26 =	vld.idx.msk [tilespmem:v28+s5+$0x0], $0xffff;
	[tilespmem:s20+$0x400] =	vst v24  }
0x519: {  	v19 =	vadd.s32 $0x500, v1;
	v23 =	vld.idx.msk [tilespmem:v23+s5+$0x0], $0xffff;
	[tilespmem:s13+$0x400] =	vst v25  }
0x51a: {  	v24 =	vadd.s32 $0x500, v2;
	v22 =	vld.idx.msk [tilespmem:v22+s5+$0x0], $0xffff;
	_ =	sdelay $0x1  }
0x51b: {  	[tilespmem:s6+$0x480] =	vst v18  }
0x51c: {  	v15 =	vld.idx.msk [tilespmem:v15+s5+$0x0], $0xffff;
	[tilespmem:s9+$0x480] =	vst v26  }
0x51d: {  	v19 =	vld.idx.msk [tilespmem:v19+s5+$0x0], $0xffff;
	[tilespmem:s20+$0x480] =	vst v23  }
0x51e: {  	v18 =	vadd.s32 $0x580, v1;
	v23 =	vld.idx.msk [tilespmem:v24+s5+$0x0], $0xffff;
	[tilespmem:s13+$0x480] =	vst v22  }
0x51f: {  	[tilespmem:s17+$0x600] =	vst v30;
	v22 =	vadd.s32 $0x580, v2;
	v20 =	vld.idx.msk [tilespmem:v20+s5+$0x0], $0xffff  }
0x520: {  	[tilespmem:s19+$0x580] =	vst v31  }
0x521: {  	v9 =	vld.idx.msk [tilespmem:v9+s5+$0x0], $0xffff;
	[tilespmem:s6+$0x500] =	vst v15  }
0x522: {  	v14 =	vld.idx.msk [tilespmem:v14+s5+$0x0], $0xffff;
	[tilespmem:s9+$0x500] =	vst v19  }
0x523: {  	v18 =	vld.idx.msk [tilespmem:v18+s5+$0x0], $0xffff;
	[tilespmem:s20+$0x500] =	vst v23  }
0x524: {  	v15 =	vadd.s32 $0x600, v1;
	v19 =	vld.idx.msk [tilespmem:v22+s5+$0x0], $0xffff;
	[tilespmem:s13+$0x500] =	vst v20  }
0x525: {  	[tilespmem:s16+$0x700] =	vst v29;
	v20 =	vadd.s32 $0x600, v2;
	v17 =	vld.idx.msk [tilespmem:v17+s5+$0x0], $0xffff  }
0x526: {  	v6 =	vld.idx.msk [tilespmem:v6+s5+$0x0], $0xffff;
	[tilespmem:s19+$0x600] =	vst v9  }
0x527: {  	v7 =	vld.idx.msk [tilespmem:v7+s5+$0x0], $0xffff;
	[tilespmem:s6+$0x580] =	vst v14  }
0x528: {  	v13 =	vld.idx.msk [tilespmem:v13+s5+$0x0], $0xffff;
	[tilespmem:s9+$0x580] =	vst v18  }
0x529: {  	v15 =	vld.idx.msk [tilespmem:v15+s5+$0x0], $0xffff;
	[tilespmem:s20+$0x580] =	vst v19  }
0x52a: {  	v14 =	vadd.s32 $0x680, v1;
	v18 =	vld.idx.msk [tilespmem:v20+s5+$0x0], $0xffff;
	[tilespmem:s13+$0x580] =	vst v17  }
0x52b: {  	[tilespmem:s16+$0x780] =	vst v6;
	v17 =	vadd.s32 $0x680, v2;
	v16 =	vld.idx.msk [tilespmem:v16+s5+$0x0], $0xffff  }
0x52c: {  	[tilespmem:s19+$0x680] =	vst v7;
	v22 =	vld.idx.msk [tilespmem:v32+s5+$0x0], $0xffff  }
0x52d: {  	v9 =	vadd.s32 $0x700, v0;
	v5 =	vld.idx.msk [tilespmem:v5+s5+$0x0], $0xffff;
	[tilespmem:s6+$0x600] =	vst v13  }
0x52e: {  	v10 =	vld.idx.msk [tilespmem:v10+s5+$0x0], $0xffff;
	[tilespmem:s9+$0x600] =	vst v15  }
0x52f: {  	v14 =	vld.idx.msk [tilespmem:v14+s5+$0x0], $0xffff;
	[tilespmem:s20+$0x600] =	vst v18  }
0x530: {  	v13 =	vadd.s32 $0x700, v1;
	v15 =	vld.idx.msk [tilespmem:v17+s5+$0x0], $0xffff;
	[tilespmem:s13+$0x600] =	vst v16  }
0x531: {  	v6 =	vadd.s32 $0x700, v2;
	[tilespmem:s17+$0x680] =	vst v22;
	v12 =	vld.idx.msk [tilespmem:v12+s5+$0x0], $0xffff  }
0x532: {  	[tilespmem:s19+$0x700] =	vst v5;
	v9 =	vld.idx.msk [tilespmem:v9+s5+$0x0], $0xffff  }
0x533: {  	v0 =	vadd.s32 $0x780, v0;
	v3 =	vld.idx.msk [tilespmem:v3+s5+$0x0], $0xffff;
	[tilespmem:s6+$0x680] =	vst v10  }
0x534: {  	v8 =	vld.idx.msk [tilespmem:v8+s5+$0x0], $0xffff;
	[tilespmem:s9+$0x680] =	vst v14  }
0x535: {  	v7 =	vld.idx.msk [tilespmem:v13+s5+$0x0], $0xffff;
	[tilespmem:s20+$0x680] =	vst v15  }
0x536: {  	v1 =	vadd.s32 $0x780, v1;
	v6 =	vld.idx.msk [tilespmem:v6+s5+$0x0], $0xffff;
	[tilespmem:s13+$0x680] =	vst v12  }
0x537: {  	v2 =	vadd.s32 $0x780, v2;
	[tilespmem:s17+$0x700] =	vst v9;
	v9 =	vld.idx.msk [tilespmem:v11+s5+$0x0], $0xffff  }
0x538: {  	[tilespmem:s19+$0x780] =	vst v3;
	v0 =	vld.idx.msk [tilespmem:v0+s5+$0x0], $0xffff  }
0x539: {  	s1 =	sor.u32 $0x1, s15;
	[tilespmem:s6+$0x700] =	vst v8  }
0x53a: {  	s7 =	smulhi.u32 $0x51EB851F, s1;
	v4 =	vld.idx.msk [tilespmem:v4+s5+$0x0], $0xffff;
	[tilespmem:s9+$0x700] =	vst v7  }
0x53b: {  	v1 =	vld.idx.msk [tilespmem:v1+s5+$0x0], $0xffff;
	[tilespmem:s20+$0x700] =	vst v6  }
0x53c: {  	s22 =	smin.u32 s15, $0x5E;
	s7 =	sshrl.u32 s7, $0x3;
	v2 =	vld.idx.msk [tilespmem:v2+s5+$0x0], $0xffff;
	[tilespmem:s13+$0x700] =	vst v9  }
0x53d: {  	s21 =	smul.u32 $0x19, s7;
	s19 =	sadd.s32 $0x5, s22;
	[tilespmem:s17+$0x780] =	vst v0;
	v0 =	vld.idx.msk [tilespmem:v21+s5+$0x0], $0xffff  }
0x53e: {  	s22 =	smulhi.u32 $0xA3D70A4, s19  }
0x53f: {  	s1 =	ssub.s32 s1, s21;
	[tilespmem:s6+$0x780] =	vst v4  }
0x540: {  	s21 =	sadd.s32 s18, s7;
	s1 =	sshll.u32 s1, $0x12;
	s16 =	smul.u32 $0x19, s22;
	[tilespmem:s9+$0x780] =	vst v1  }
0x541: {  	s1 =	sadd.s32 s4, s1;
	s6 =	sshll.u32 s21, $0x7;
	[tilespmem:s20+$0x780] =	vst v2  }
0x542: {  	s19 =	ssub.s32 s19, s16;
	s1 =	sadd.s32 s6, s1;
	s17 =	simm.s32 $0x5800;
	[tilespmem:s13+$0x780] =	vst v0  }
0x543: {  	[hbm4b:s1+s26] =	stream.strided.scatter [tilespmem:s17], [sflag:$0x6], $0x4000, s28, s26, $0x38;
	[tilespmem:$0x11800] =	vst v63  }
0x544: {  	s20 =	sadd.s32 s18, s22;
	s1 =	sshll.u32 s19, $0xE  }
0x545: {  	s6 =	sshll.u32 s20, $0x7;
	s1 =	sadd.s32 s3, s1  }
0x546: {  	s21 =	simm.s32 $0x0;
	s22 =	simm.s32 $0xC00;
	s1 =	sadd.s32 s6, s1  }
0x547: {  	[tilespmem:s22], [sflag:$0x2] =	stream.linear.gather [hbm4b:s1+s21], $0x400, $0x38;
	[tilespmem:$0x11800] =	vst v63  }
0x548: {  	_ =	swait.ge [sflag:s0], $0x400  }
0x549: {  	[sflag:s0] =	ssyncset.done $0x0  }
0x54a: {  	s9 =	simm.s32 $0x0;
	[sflag:s0] =	ssyncadd.s32 $0xFFFFFC00  }
0x54b: {  	s6 =	sand.u32 $0x60, s21;
	s1 =	sand.u32 $0x3FFFFF80, s9;
	_ =	swait.ge [sflag:s11], $0x4000  }
0x54c: {  	s13 =	sor.u32 $0x10, s6;
	s1 =	sadd.s32 $0x1000, s1;
	[sflag:s11] =	ssyncset.done $0x0  }
0x54d: {  	s16 =	sor.u32 s13, s1;
	[sflag:s11] =	ssyncadd.s32 $0xFFFFC000  }
0x54e: {  	v5 =	vld [tilespmem:s16+$0x0];
	_ =	sdelay $0x1  }
0x54f: {  	s1 =	sor.u32 s6, s1  }
0x550: {  	v3 =	vld [tilespmem:s1+$0x0];
	_ =	sdelay $0x4  }
0x551: {  	v0 =	vld.idx.msk [tilespmem:v5+s5+$0x0], $0xffff  }
0x552: {  	s17 =	simm.s32 $0x0;
	v1 =	vadd.s32 $0x80, v5  }
0x553: {  	s1 =	sand.u32 $0x3FFFF800, s17  }
0x554: {  	s1 =	sadd.s32 $0x9800, s1;
	v2 =	vld.idx.msk [tilespmem:v3+s5+$0x0], $0xffff  }
0x555: {  	s31 =	sor.u32 s13, s1;
	v4 =	vadd.s32 $0x80, v3  }
0x556: {  	[tilespmem:s31+$0x0] =	vst v0  }
0x557: {  	v0 =	vld.idx.msk [tilespmem:v1+s5+$0x0], $0xffff  }
0x558: {  	s16 =	sor.u32 s6, s1;
	v1 =	vadd.s32 $0x100, v5  }
0x559: {  	[tilespmem:s16+$0x0] =	vst v2  }
0x55a: {  	v2 =	vld.idx.msk [tilespmem:v4+s5+$0x0], $0xffff  }
0x55b: {  	v4 =	vadd.s32 $0x100, v3  }
0x55c: {  	[tilespmem:s31+$0x80] =	vst v0  }
0x55d: {  	v0 =	vld.idx.msk [tilespmem:v1+s5+$0x0], $0xffff  }
0x55e: {  	v1 =	vadd.s32 $0x180, v5  }
0x55f: {  	[tilespmem:s16+$0x80] =	vst v2  }
0x560: {  	v6 =	vld.idx.msk [tilespmem:v4+s5+$0x0], $0xffff  }
0x561: {  	s20 =	simm.s32 $0x20;
	s19 =	simm.s32 $0x20;
	v7 =	vadd.s32 $0x180, v3  }
0x562: {  	s6 =	sand.u32 $0x60, s20;
	s1 =	sand.u32 $0x3FFFFF80, s19;
	[tilespmem:s31+$0x100] =	vst v0  }
0x563: {  	s1 =	sadd.s32 $0x1000, s1;
	s21 =	sor.u32 $0x10, s6;
	v1 =	vld.idx.msk [tilespmem:v1+s5+$0x0], $0xffff  }
0x564: {  	s22 =	sor.u32 s21, s1;
	v2 =	vadd.s32 $0x200, v5  }
0x565: {  	v0 =	vld [tilespmem:s22+$0x0];
	[tilespmem:s16+$0x100] =	vst v6  }
0x566: {  	v6 =	vld.idx.msk [tilespmem:v7+s5+$0x0], $0xffff  }
0x567: {  	s1 =	sor.u32 s6, s1;
	v7 =	vadd.s32 $0x200, v3  }
0x568: {  	v4 =	vld [tilespmem:s1+$0x0];
	[tilespmem:s31+$0x180] =	vst v1  }
0x569: {  	v1 =	vld.idx.msk [tilespmem:v2+s5+$0x0], $0xffff  }
0x56a: {  	v2 =	vadd.s32 $0x280, v5  }
0x56b: {  	[tilespmem:s16+$0x180] =	vst v6  }
0x56c: {  	v7 =	vld.idx.msk [tilespmem:v7+s5+$0x0], $0xffff  }
0x56d: {  	v11 =	vadd.s32 $0x280, v3  }
0x56e: {  	v8 =	vld.idx.msk [tilespmem:v0+s5+$0x0], $0xffff;
	[tilespmem:s31+$0x200] =	vst v1  }
0x56f: {  	s9 =	simm.s32 $0x200;
	v1 =	vld.idx.msk [tilespmem:v2+s5+$0x0], $0xffff;
	v2 =	vadd.s32 $0x80, v0  }
0x570: {  	v9 =	vadd.s32 $0x300, v5;
	s1 =	sand.u32 $0x3FFFF800, s9  }
0x571: {  	s1 =	sadd.s32 $0x9800, s1;
	v10 =	vld.idx.msk [tilespmem:v4+s5+$0x0], $0xffff;
	[tilespmem:s16+$0x200] =	vst v7  }
0x572: {  	s17 =	sor.u32 s21, s1;
	v6 =	vadd.s32 $0x80, v4;
	v7 =	vld.idx.msk [tilespmem:v11+s5+$0x0], $0xffff  }
0x573: {  	[tilespmem:s17+$0x0] =	vst v8;
	v11 =	vadd.s32 $0x300, v3  }
0x574: {  	v2 =	vld.idx.msk [tilespmem:v2+s5+$0x0], $0xffff;
	[tilespmem:s31+$0x280] =	vst v1  }
0x575: {  	s19 =	sor.u32 s6, s1;
	v8 =	vadd.s32 $0x100, v0;
	v1 =	vld.idx.msk [tilespmem:v9+s5+$0x0], $0xffff  }
0x576: {  	[tilespmem:s19+$0x0] =	vst v10;
	v9 =	vadd.s32 $0x380, v5  }
0x577: {  	v6 =	vld.idx.msk [tilespmem:v6+s5+$0x0], $0xffff;
	[tilespmem:s16+$0x280] =	vst v7  }
0x578: {  	v10 =	vadd.s32 $0x100, v4;
	v7 =	vld.idx.msk [tilespmem:v11+s5+$0x0], $0xffff  }
0x579: {  	v11 =	vadd.s32 $0x380, v3;
	[tilespmem:s17+$0x80] =	vst v2  }
0x57a: {  	v2 =	vld.idx.msk [tilespmem:v8+s5+$0x0], $0xffff;
	[tilespmem:s31+$0x300] =	vst v1  }
0x57b: {  	s13 =	simm.s32 $0x40;
	s20 =	simm.s32 $0x40;
	v8 =	vadd.s32 $0x180, v0;
	v1 =	vld.idx.msk [tilespmem:v9+s5+$0x0], $0xffff  }
0x57c: {  	s6 =	sand.u32 $0x60, s20;
	s1 =	sand.u32 $0x3FFFFF80, s13;
	[tilespmem:s19+$0x80] =	vst v6;
	v6 =	vadd.s32 $0x400, v5  }
0x57d: {  	s1 =	sadd.s32 $0x1000, s1;
	s21 =	sor.u32 $0x10, s6;
	[tilespmem:s16+$0x300] =	vst v7;
	v9 =	vld.idx.msk [tilespmem:v10+s5+$0x0], $0xffff  }
0x57e: {  	s22 =	sor.u32 s21, s1;
	s1 =	sor.u32 s6, s1;
	v10 =	vadd.s32 $0x180, v4;
	v12 =	vld.idx.msk [tilespmem:v11+s5+$0x0], $0xffff  }
0x57f: {  	v11 =	vld [tilespmem:s1+$0x0];
	[tilespmem:s17+$0x100] =	vst v2  }
0x580: {  	v13 =	vadd.s32 $0x400, v3;
	v2 =	vld.idx.msk [tilespmem:v8+s5+$0x0], $0xffff;
	[tilespmem:s31+$0x380] =	vst v1  }
0x581: {  	v8 =	vadd.s32 $0x200, v0;
	v6 =	vld.idx.msk [tilespmem:v6+s5+$0x0], $0xffff  }
0x582: {  	[tilespmem:s19+$0x100] =	vst v9;
	v9 =	vadd.s32 $0x480, v5;
	v1 =	vld [tilespmem:s22+$0x0]  }
0x583: {  	v10 =	vld.idx.msk [tilespmem:v10+s5+$0x0], $0xffff  }
0x584: {  	v7 =	vadd.s32 $0x200, v4;
	[tilespmem:s16+$0x380] =	vst v12  }
0x585: {  	v12 =	vld.idx.msk [tilespmem:v13+s5+$0x0], $0xffff;
	[tilespmem:s17+$0x180] =	vst v2  }
0x586: {  	v2 =	vld.idx.msk [tilespmem:v8+s5+$0x0], $0xffff;
	[tilespmem:s31+$0x400] =	vst v6  }
0x587: {  	v13 =	vadd.s32 $0x480, v3;
	v6 =	vld.idx.msk [tilespmem:v9+s5+$0x0], $0xffff  }
0x588: {  	v8 =	vadd.s32 $0x280, v0;
	[tilespmem:s19+$0x180] =	vst v10  }
0x589: {  	v9 =	vadd.s32 $0x500, v5;
	v7 =	vld.idx.msk [tilespmem:v7+s5+$0x0], $0xffff  }
0x58a: {  	v15 =	vld.idx.msk [tilespmem:v11+s5+$0x0], $0xffff;
	v10 =	vadd.s32 $0x280, v4;
	[tilespmem:s16+$0x400] =	vst v12  }
0x58b: {  	s13 =	simm.s32 $0x400;
	v16 =	vadd.s32 $0x80, v11;
	v14 =	vld.idx.msk [tilespmem:v1+s5+$0x0], $0xffff;
	[tilespmem:s17+$0x200] =	vst v2  }
0x58c: {  	s1 =	sand.u32 $0x3FFFF800, s13;
	v13 =	vld.idx.msk [tilespmem:v13+s5+$0x0], $0xffff;
	[tilespmem:s31+$0x480] =	vst v6;
	v6 =	vadd.s32 $0x80, v1  }
0x58d: {  	s1 =	sadd.s32 $0x9800, s1;
	v2 =	vld.idx.msk [tilespmem:v8+s5+$0x0], $0xffff  }
0x58e: {  	s29 =	simm.s32 $0x60;
	s20 =	simm.s32 $0x60;
	s6 =	sor.u32 s6, s1;
	[tilespmem:s19+$0x200] =	vst v7;
	v8 =	vld.idx.msk [tilespmem:v9+s5+$0x0], $0xffff;
	v9 =	vadd.s32 $0x300, v0  }
0x58f: {  	s7 =	sand.u32 $0x3FFFFF80, s20;
	s9 =	sor.u32 s21, s1;
	s1 =	sand.u32 $0x60, s29;
	[tilespmem:s6+$0x0] =	vst v15;
	v7 =	vadd.s32 $0x580, v5;
	v10 =	vld.idx.msk [tilespmem:v10+s5+$0x0], $0xffff  }
0x590: {  	s7 =	sadd.s32 $0x1000, s7;
	s13 =	sor.u32 $0x10, s1;
	v12 =	vadd.s32 $0x300, v4;
	v15 =	vld.idx.msk [tilespmem:v16+s5+$0x0], $0xffff;
	[tilespmem:s9+$0x0] =	vst v14  }
0x591: {  	s21 =	sor.u32 s13, s7;
	s7 =	sor.u32 s1, s7;
	[tilespmem:s16+$0x480] =	vst v13;
	v14 =	vadd.s32 $0x500, v3;
	v6 =	vld.idx.msk [tilespmem:v6+s5+$0x0], $0xffff  }
0x592: {  	v21 =	vld [tilespmem:s7+$0x0];
	v16 =	vadd.s32 $0x100, v11;
	[tilespmem:s17+$0x280] =	vst v2  }
0x593: {  	v2 =	vld.idx.msk [tilespmem:v9+s5+$0x0], $0xffff;
	[tilespmem:s31+$0x500] =	vst v8;
	v8 =	vadd.s32 $0x100, v1  }
0x594: {  	v9 =	vadd.s32 $0x380, v0;
	[tilespmem:s19+$0x280] =	vst v10;
	v7 =	vld.idx.msk [tilespmem:v7+s5+$0x0], $0xffff  }
0x595: {  	[tilespmem:s6+$0x80] =	vst v15;
	v10 =	vadd.s32 $0x600, v5;
	v12 =	vld.idx.msk [tilespmem:v12+s5+$0x0], $0xffff  }
0x596: {  	v13 =	vadd.s32 $0x380, v4;
	[tilespmem:s9+$0x80] =	vst v6;
	v6 =	vld.idx.msk [tilespmem:v14+s5+$0x0], $0xffff  }
0x597: {  	v15 =	vld.idx.msk [tilespmem:v16+s5+$0x0], $0xffff;
	v14 =	vadd.s32 $0x580, v3  }
0x598: {  	v16 =	vadd.s32 $0x180, v11;
	v8 =	vld.idx.msk [tilespmem:v8+s5+$0x0], $0xffff;
	[tilespmem:s17+$0x300] =	vst v2  }
0x599: {  	v2 =	vld.idx.msk [tilespmem:v9+s5+$0x0], $0xffff;
	[tilespmem:s31+$0x580] =	vst v7;
	v7 =	vadd.s32 $0x180, v1  }
0x59a: {  	[tilespmem:s19+$0x300] =	vst v12;
	v9 =	vld.idx.msk [tilespmem:v10+s5+$0x0], $0xffff  }
0x59b: {  	v10 =	vadd.s32 $0x400, v0;
	v13 =	vld.idx.msk [tilespmem:v13+s5+$0x0], $0xffff;
	[tilespmem:s16+$0x500] =	vst v6  }
0x59c: {  	[tilespmem:s6+$0x100] =	vst v15;
	v12 =	vadd.s32 $0x680, v5;
	v6 =	vld.idx.msk [tilespmem:v14+s5+$0x0], $0xffff  }
0x59d: {  	[tilespmem:s9+$0x100] =	vst v8;
	v14 =	vld.idx.msk [tilespmem:v16+s5+$0x0], $0xffff  }
0x59e: {  	v16 =	vadd.s32 $0x400, v4;
	v7 =	vld.idx.msk [tilespmem:v7+s5+$0x0], $0xffff  }
0x59f: {  	v17 =	vadd.s32 $0x200, v11;
	[tilespmem:s17+$0x380] =	vst v2;
	v2 =	vld [tilespmem:s21+$0x0]  }
0x5a0: {  	v8 =	vld.idx.msk [tilespmem:v10+s5+$0x0], $0xffff;
	[tilespmem:s31+$0x600] =	vst v9;
	v9 =	vadd.s32 $0x200, v1  }
0x5a1: {  	[tilespmem:s19+$0x380] =	vst v13;
	v10 =	vld.idx.msk [tilespmem:v12+s5+$0x0], $0xffff;
	v12 =	vadd.s32 $0x480, v0  }
0x5a2: {  	v15 =	vadd.s32 $0x700, v5;
	[tilespmem:s6+$0x180] =	vst v14  }
0x5a3: {  	v13 =	vld.idx.msk [tilespmem:v16+s5+$0x0], $0xffff;
	[tilespmem:s16+$0x580] =	vst v6  }
0x5a4: {  	[tilespmem:s9+$0x180] =	vst v7;
	v6 =	vld.idx.msk [tilespmem:v17+s5+$0x0], $0xffff  }
0x5a5: {  	v7 =	vadd.s32 $0x600, v3;
	v9 =	vld.idx.msk [tilespmem:v9+s5+$0x0], $0xffff;
	[tilespmem:s17+$0x400] =	vst v8  }
0x5a6: {  	v8 =	vld.idx.msk [tilespmem:v12+s5+$0x0], $0xffff;
	[tilespmem:s31+$0x680] =	vst v10;
	v10 =	vadd.s32 $0x280, v1  }
0x5a7: {  	v14 =	vadd.s32 $0x500, v0;
	v12 =	vld.idx.msk [tilespmem:v15+s5+$0x0], $0xffff  }
0x5a8: {  	v15 =	vadd.s32 $0x280, v11;
	v16 =	vld.idx.msk [tilespmem:v2+s5+$0x0], $0xffff  }
0x5a9: {  	v5 =	vadd.s32 $0x780, v5;
	[tilespmem:s19+$0x400] =	vst v13;
	v13 =	vld.idx.msk [tilespmem:v21+s5+$0x0], $0xffff  }
0x5aa: {  	s22 =	simm.s32 $0x600;
	v19 =	vadd.s32 $0x80, v21;
	v7 =	vld.idx.msk [tilespmem:v7+s5+$0x0], $0xffff;
	[tilespmem:s9+$0x200] =	vst v9  }
0x5ab: {  	s7 =	sand.u32 $0x3FFFF800, s22;
	v9 =	vadd.s32 $0x480, v4;
	v10 =	vld.idx.msk [tilespmem:v10+s5+$0x0], $0xffff;
	[tilespmem:s17+$0x480] =	vst v8  }
0x5ac: {  	v18 =	vadd.s32 $0x680, v3;
	s7 =	sadd.s32 $0x9800, s7;
	[tilespmem:s6+$0x200] =	vst v6;
	v14 =	vld.idx.msk [tilespmem:v14+s5+$0x0], $0xffff  }
0x5ad: {  	s20 =	sor.u32 s13, s7;
	s13 =	sor.u32 s1, s7;
	v8 =	vadd.s32 $0x80, v2;
	[tilespmem:s31+$0x700] =	vst v12;
	v15 =	vld.idx.msk [tilespmem:v15+s5+$0x0], $0xffff  }
0x5ae: {  	v12 =	vadd.s32 $0x300, v1;
	v5 =	vld.idx.msk [tilespmem:v5+s5+$0x0], $0xffff;
	[tilespmem:s13+$0x0] =	vst v13  }
0x5af: {  	v17 =	vadd.s32 $0x580, v0;
	[tilespmem:s20+$0x0] =	vst v16;
	v59 =	vld.idx.msk [tilespmem:v19+s5+$0x0], $0xffff  }
0x5b0: {  	v20 =	vadd.s32 $0x300, v11;
	[tilespmem:s16+$0x600] =	vst v7;
	v16 =	vld.idx.msk [tilespmem:v9+s5+$0x0], $0xffff  }
0x5b1: {  	v62 =	vadd.s32 $0x100, v21;
	v26 =	vld.idx.msk [tilespmem:v18+s5+$0x0], $0xffff;
	[tilespmem:s9+$0x280] =	vst v10  }
0x5b2: {  	v29 =	vadd.s32 $0x700, v3;
	v31 =	vadd.s32 $0x580, v4;
	v8 =	vld.idx.msk [tilespmem:v8+s5+$0x0], $0xffff;
	v10 =	vadd.s32 $0x500, v4;
	[tilespmem:s17+$0x500] =	vst v14  }
0x5b3: {  	v30 =	vadd.s32 $0x600, v0;
	v32 =	vadd.s32 $0x680, v0;
	v22 =	vadd.s32 $0x100, v2;
	v12 =	vld.idx.msk [tilespmem:v12+s5+$0x0], $0xffff;
	[tilespmem:s6+$0x280] =	vst v15  }
0x5b4: {  	v60 =	vadd.s32 $0x380, v11;
	v23 =	vadd.s32 $0x380, v1;
	v28 =	vadd.s32 $0x180, v21;
	v17 =	vld.idx.msk [tilespmem:v17+s5+$0x0], $0xffff;
	[tilespmem:s31+$0x780] =	vst v5  }
0x5b5: {  	v27 =	vadd.s32 $0x200, v21;
	v25 =	vadd.s32 $0x280, v21;
	v24 =	vadd.s32 $0x300, v21;
	v61 =	vld.idx.msk [tilespmem:v20+s5+$0x0], $0xffff;
	[tilespmem:s13+$0x80] =	vst v59  }
0x5b6: {  	v35 =	vadd.s32 $0x400, v1;
	v37 =	vadd.s32 $0x180, v2;
	v6 =	vadd.s32 $0x780, v3;
	[tilespmem:s19+$0x480] =	vst v16;
	v36 =	vld.idx.msk [tilespmem:v62+s5+$0x0], $0xffff  }
0x5b7: {  	v3 =	vadd.s32 $0x780, v4;
	v13 =	vadd.s32 $0x600, v11;
	v7 =	vadd.s32 $0x680, v4;
	[tilespmem:s20+$0x80] =	vst v8;
	v63 =	vld.idx.msk [tilespmem:v10+s5+$0x0], $0xffff  }
0x5b8: {  	v19 =	vadd.s32 $0x400, v11;
	v9 =	vadd.s32 $0x600, v4;
	v18 =	vadd.s32 $0x480, v11;
	v38 =	vld.idx.msk [tilespmem:v22+s5+$0x0], $0xffff;
	[tilespmem:s9+$0x300] =	vst v12  }
0x5b9: {  	v15 =	vadd.s32 $0x500, v11;
	v14 =	vadd.s32 $0x580, v11;
	v5 =	vadd.s32 $0x700, v4;
	v33 =	vld.idx.msk [tilespmem:v23+s5+$0x0], $0xffff;
	[tilespmem:s17+$0x580] =	vst v17  }
0x5ba: {  	v4 =	vadd.s32 $0x780, v11;
	v20 =	vadd.s32 $0x500, v21;
	[tilespmem:s16+$0x680] =	vst v26;
	v26 =	vadd.s32 $0x400, v21;
	v30 =	vld.idx.msk [tilespmem:v30+s5+$0x0], $0xffff  }
0x5bb: {  	v16 =	vadd.s32 $0x600, v21;
	v10 =	vadd.s32 $0x680, v11;
	v8 =	vadd.s32 $0x700, v11;
	v29 =	vld.idx.msk [tilespmem:v29+s5+$0x0], $0xffff;
	[tilespmem:s6+$0x300] =	vst v61  }
0x5bc: {  	v11 =	vadd.s32 $0x700, v21;
	v22 =	vadd.s32 $0x480, v21;
	v12 =	vadd.s32 $0x680, v21;
	v34 =	vld.idx.msk [tilespmem:v60+s5+$0x0], $0xffff;
	[tilespmem:s19+$0x500] =	vst v63  }
0x5bd: {  	s31 =	simm.s32 $0x6;
	v23 =	vadd.s32 $0x380, v21;
	v17 =	vadd.s32 $0x580, v21;
	v21 =	vadd.s32 $0x780, v21;
	[tilespmem:s20+$0x100] =	vst v38;
	v31 =	vld.idx.msk [tilespmem:v31+s5+$0x0], $0xffff  }
.LBB2_15:
0x5be: {  	s31 =	sadd.s32 $0x2, s31;
	v37 =	vld.idx.msk [tilespmem:v37+s5+$0x0], $0xffff;
	[tilespmem:s9+$0x380] =	vst v33  }
0x5bf: {  	s29 =	sadd.s32 $0x20, s29;
	s7 =	sshll.u32 s31, $0x4;
	p0 =	slt.u32 s31, $0x3E;
	v33 =	vld.idx.msk [tilespmem:v35+s5+$0x0], $0xffff;
	[tilespmem:s17+$0x600] =	vst v30  }
0x5c0: {  	s1 =	sand.u32 $0x60, s29;
	v30 =	vadd.s32 $0x200, v2;
	s7 =	sand.u32 $0x3FFFFF80, s7;
	v32 =	vld.idx.msk [tilespmem:v32+s5+$0x0], $0xffff;
	[tilespmem:s16+$0x700] =	vst v29  }
0x5c1: {  	v29 =	vadd.s32 $0x480, v1;
	s21 =	sadd.s32 $0x1000, s7;
	s7 =	sor.u32 $0x10, s1;
	[tilespmem:s13+$0x100] =	vst v36;
	v35 =	vld.idx.msk [tilespmem:v6+s5+$0x0], $0xffff;
	v6 =	vmovc v3;
	v3 =	vmov v4;
	v4 =	vmov v21  }
0x5c2: {  	s22 =	sor.u32 s1, s21;
	s21 =	sor.u32 s7, s21;
	v21 =	vld.idx.msk [tilespmem:v28+s5+$0x0], $0xffff;
	[tilespmem:s6+$0x380] =	vst v34;
	v28 =	vadd.s32 $0x700, v0  }
0x5c3: {  	v34 =	vld [tilespmem:s21+$0x0];
	[tilespmem:s19+$0x580] =	vst v31  }
0x5c4: {  	v31 =	vld [tilespmem:s22+$0x0];
	[tilespmem:s20+$0x180] =	vst v37  }
0x5c5: {  	v30 =	vld.idx.msk [tilespmem:v30+s5+$0x0], $0xffff;
	[tilespmem:s9+$0x400] =	vst v33  }
0x5c6: {  	v29 =	vld.idx.msk [tilespmem:v29+s5+$0x0], $0xffff;
	[tilespmem:s17+$0x680] =	vst v32  }
0x5c7: {  	v32 =	vadd.s32 $0x280, v2;
	v33 =	vld.idx.msk [tilespmem:v28+s5+$0x0], $0xffff;
	[tilespmem:s16+$0x780] =	vst v35;
	s16 =	smov.u32 s19;
	s19 =	smov.u32 s6;
	s6 =	smov.u32 s13  }
0x5c8: {  	[tilespmem:s6+$0x180] =	vst v21;
	v35 =	vld.idx.msk [tilespmem:v19+s5+$0x0], $0xffff;
	v21 =	vadd.s32 $0x500, v1;
	v19 =	vmov v26  }
0x5c9: {  	v39 =	vadd.s32 $0x780, v0;
	v0 =	vmovc v1;
	v1 =	vmovc v2;
	v36 =	vadd.s32 $0x80, v31;
	v38 =	vadd.s32 $0x100, v31;
	v37 =	vld.idx.msk [tilespmem:v27+s5+$0x0], $0xffff  }
0x5ca: {  	v2 =	vmovc v34;
	v28 =	vadd.s32 $0x180, v31;
	v27 =	vadd.s32 $0x200, v31;
	v40 =	vadd.s32 $0x280, v31;
	v41 =	vld.idx.msk [tilespmem:v9+s5+$0x0], $0xffff;
	v9 =	vmovc v13  }
0x5cb: {  	v42 =	vadd.s32 $0x300, v31;
	v43 =	vadd.s32 $0x380, v31;
	v26 =	vadd.s32 $0x400, v31;
	v13 =	vmovc v16;
	v34 =	vld.idx.msk [tilespmem:v34+s5+$0x0], $0xffff;
	[tilespmem:s20+$0x200] =	vst v30  }
0x5cc: {  	v44 =	vadd.s32 $0x500, v31;
	v45 =	vadd.s32 $0x580, v31;
	v30 =	vadd.s32 $0x480, v31;
	v32 =	vld.idx.msk [tilespmem:v32+s5+$0x0], $0xffff;
	[tilespmem:s9+$0x480] =	vst v29  }
0x5cd: {  	s13 =	sshll.u32 s31, $0x8;
	v46 =	vadd.s32 $0x80, v2;
	v16 =	vadd.s32 $0x600, v31;
	v29 =	vadd.s32 $0x680, v31;
	v47 =	vld.idx.msk [tilespmem:v21+s5+$0x0], $0xffff;
	[tilespmem:s17+$0x700] =	vst v33  }
0x5ce: {  	s13 =	sand.u32 $0x3FFFF800, s13;
	v48 =	vadd.s32 $0x700, v31;
	v21 =	vadd.s32 $0x780, v31;
	v33 =	vadd.s32 $0x300, v1;
	[tilespmem:s19+$0x400] =	vst v35;
	v35 =	vld.idx.msk [tilespmem:v39+s5+$0x0], $0xffff  }
0x5cf: {  	s21 =	sadd.s32 $0x9800, s13;
	v31 =	vld.idx.msk [tilespmem:v31+s5+$0x0], $0xffff;
	[tilespmem:s6+$0x200] =	vst v37;
	v37 =	vadd.s32 $0x580, v0  }
0x5d0: {  	s13 =	sor.u32 s1, s21;
	s1 =	sor.u32 s7, s21;
	v39 =	vld.idx.msk [tilespmem:v25+s5+$0x0], $0xffff;
	[tilespmem:s16+$0x600] =	vst v41;
	v25 =	vmov v40  }
0x5d1: {  	[tilespmem:s1+$0x0] =	vst v34;
	v34 =	vld.idx.msk [tilespmem:v18+s5+$0x0], $0xffff;
	v18 =	vmov v22;
	v22 =	vmov v30  }
0x5d2: {  	v30 =	vld.idx.msk [tilespmem:v46+s5+$0x0], $0xffff;
	[tilespmem:s20+$0x280] =	vst v32  }
0x5d3: {  	v32 =	vld.idx.msk [tilespmem:v33+s5+$0x0], $0xffff;
	[tilespmem:s9+$0x500] =	vst v47  }
0x5d4: {  	v33 =	vadd.s32 $0x100, v2;
	v37 =	vld.idx.msk [tilespmem:v37+s5+$0x0], $0xffff;
	[tilespmem:s17+$0x780] =	vst v35;
	s17 =	smov.u32 s9;
	s9 =	smov.u32 s20;
	s20 =	smov.u32 s1  }
0x5d5: {  	[tilespmem:s13+$0x0] =	vst v31;
	v31 =	vadd.s32 $0x380, v1;
	v35 =	vld.idx.msk [tilespmem:v7+s5+$0x0], $0xffff;
	v7 =	vmovc v10;
	v10 =	vmov v12;
	v12 =	vmov v29  }
0x5d6: {  	v29 =	vld.idx.msk [tilespmem:v36+s5+$0x0], $0xffff;
	[tilespmem:s6+$0x280] =	vst v39;
	v36 =	vadd.s32 $0x600, v0  }
0x5d7: {  	v39 =	vld.idx.msk [tilespmem:v24+s5+$0x0], $0xffff;
	[tilespmem:s19+$0x480] =	vst v34;
	v24 =	vmov v42  }
0x5d8: {  	[tilespmem:s20+$0x80] =	vst v30;
	v40 =	vld.idx.msk [tilespmem:v15+s5+$0x0], $0xffff;
	v15 =	vmov v20;
	v20 =	vmov v44  }
0x5d9: {  	v41 =	vld.idx.msk [tilespmem:v33+s5+$0x0], $0xffff;
	[tilespmem:s9+$0x300] =	vst v32  }
0x5da: {  	v33 =	vld.idx.msk [tilespmem:v31+s5+$0x0], $0xffff;
	[tilespmem:s17+$0x580] =	vst v37  }
.Ltmp6:
0x5db: {  	v37 =	vadd.s32 $0x180, v2;
	v30 =	vld.idx.msk [tilespmem:v36+s5+$0x0], $0xffff;
	[tilespmem:s16+$0x680] =	vst v35;
	(pc) =	sbr.rel @p0 .LBB2_15-.Ltmp6, $4  }
0x5dc: {  	v35 =	vadd.s32 $0x400, v1;
	[tilespmem:s13+$0x80] =	vst v29;
	v29 =	vld.idx.msk [tilespmem:v5+s5+$0x0], $0xffff;
	v5 =	vmovc v8;
	v8 =	vmov v11;
	v11 =	vmov v48  }
0x5dd: {  	v32 =	vadd.s32 $0x680, v0;
	v36 =	vld.idx.msk [tilespmem:v38+s5+$0x0], $0xffff;
	[tilespmem:s6+$0x300] =	vst v39  }
0x5de: {  	v34 =	vld.idx.msk [tilespmem:v23+s5+$0x0], $0xffff;
	[tilespmem:s19+$0x500] =	vst v40;
	v23 =	vmov v43  }
0x5df: {  	[tilespmem:s20+$0x100] =	vst v41;
	v31 =	vld.idx.msk [tilespmem:v14+s5+$0x0], $0xffff;
	v14 =	vmov v17;
	v17 =	vmov v45  }
0x5e0: {  	_ =	sdelay $0x3  }
0x5e1: {  	v37 =	vld.idx.msk [tilespmem:v37+s5+$0x0], $0xffff;
	[tilespmem:s13+$0x100] =	vst v36  }
0x5e2: {  	v58 =	vadd.s32 $0x200, v2;
	v28 =	vld.idx.msk [tilespmem:v28+s5+$0x0], $0xffff;
	_ =	sdelay $0x3  }
0x5e3: {  	[tilespmem:s20+$0x180] =	vst v37  }
0x5e4: {  	v36 =	vld.idx.msk [tilespmem:v58+s5+$0x0], $0xffff;
	[tilespmem:s13+$0x180] =	vst v28  }
0x5e5: {  	v28 =	vadd.s32 $0x280, v2;
	v27 =	vld.idx.msk [tilespmem:v27+s5+$0x0], $0xffff;
	_ =	sdelay $0x3  }
0x5e6: {  	[tilespmem:s20+$0x200] =	vst v36  }
0x5e7: {  	v28 =	vld.idx.msk [tilespmem:v28+s5+$0x0], $0xffff;
	[tilespmem:s13+$0x200] =	vst v27  }
0x5e8: {  	v27 =	vadd.s32 $0x300, v2;
	v25 =	vld.idx.msk [tilespmem:v25+s5+$0x0], $0xffff;
	_ =	sdelay $0x3  }
0x5e9: {  	[tilespmem:s20+$0x280] =	vst v28  }
0x5ea: {  	v27 =	vld.idx.msk [tilespmem:v27+s5+$0x0], $0xffff;
	[tilespmem:s13+$0x280] =	vst v25  }
0x5eb: {  	v25 =	vadd.s32 $0x380, v2;
	v24 =	vld.idx.msk [tilespmem:v24+s5+$0x0], $0xffff;
	_ =	sdelay $0x3  }
0x5ec: {  	[tilespmem:s20+$0x300] =	vst v27  }
0x5ed: {  	v25 =	vld.idx.msk [tilespmem:v25+s5+$0x0], $0xffff;
	[tilespmem:s13+$0x300] =	vst v24  }
0x5ee: {  	v24 =	vadd.s32 $0x400, v2;
	v23 =	vld.idx.msk [tilespmem:v23+s5+$0x0], $0xffff  }
0x5ef: {  	[tilespmem:s6+$0x380] =	vst v34  }
0x5f0: {  	v19 =	vld.idx.msk [tilespmem:v19+s5+$0x0], $0xffff  }
0x5f1: {  	[tilespmem:s9+$0x380] =	vst v33  }
0x5f2: {  	v27 =	vld.idx.msk [tilespmem:v35+s5+$0x0], $0xffff;
	[tilespmem:s20+$0x380] =	vst v25  }
0x5f3: {  	v28 =	vadd.s32 $0x480, v1;
	v24 =	vld.idx.msk [tilespmem:v24+s5+$0x0], $0xffff;
	[tilespmem:s13+$0x380] =	vst v23  }
0x5f4: {  	v23 =	vadd.s32 $0x480, v2;
	v25 =	vld.idx.msk [tilespmem:v26+s5+$0x0], $0xffff  }
0x5f5: {  	[tilespmem:s6+$0x400] =	vst v19  }
0x5f6: {  	v18 =	vld.idx.msk [tilespmem:v18+s5+$0x0], $0xffff  }
0x5f7: {  	[tilespmem:s9+$0x400] =	vst v27  }
0x5f8: {  	v26 =	vld.idx.msk [tilespmem:v28+s5+$0x0], $0xffff;
	[tilespmem:s20+$0x400] =	vst v24  }
0x5f9: {  	v19 =	vadd.s32 $0x500, v1;
	v23 =	vld.idx.msk [tilespmem:v23+s5+$0x0], $0xffff;
	[tilespmem:s13+$0x400] =	vst v25  }
0x5fa: {  	v24 =	vadd.s32 $0x500, v2;
	v22 =	vld.idx.msk [tilespmem:v22+s5+$0x0], $0xffff  }
0x5fb: {  	[tilespmem:s6+$0x480] =	vst v18  }
0x5fc: {  	v15 =	vld.idx.msk [tilespmem:v15+s5+$0x0], $0xffff  }
0x5fd: {  	[tilespmem:s9+$0x480] =	vst v26  }
0x5fe: {  	v19 =	vld.idx.msk [tilespmem:v19+s5+$0x0], $0xffff;
	[tilespmem:s20+$0x480] =	vst v23  }
0x5ff: {  	v18 =	vadd.s32 $0x580, v1;
	v23 =	vld.idx.msk [tilespmem:v24+s5+$0x0], $0xffff;
	[tilespmem:s13+$0x480] =	vst v22  }
0x600: {  	[tilespmem:s17+$0x600] =	vst v30;
	v22 =	vadd.s32 $0x580, v2;
	v20 =	vld.idx.msk [tilespmem:v20+s5+$0x0], $0xffff  }
0x601: {  	[tilespmem:s6+$0x500] =	vst v15  }
0x602: {  	[tilespmem:s19+$0x580] =	vst v31;
	v14 =	vld.idx.msk [tilespmem:v14+s5+$0x0], $0xffff  }
0x603: {  	v9 =	vld.idx.msk [tilespmem:v9+s5+$0x0], $0xffff;
	[tilespmem:s9+$0x500] =	vst v19  }
0x604: {  	v18 =	vld.idx.msk [tilespmem:v18+s5+$0x0], $0xffff;
	[tilespmem:s20+$0x500] =	vst v23  }
0x605: {  	v15 =	vadd.s32 $0x600, v1;
	v19 =	vld.idx.msk [tilespmem:v22+s5+$0x0], $0xffff;
	[tilespmem:s13+$0x500] =	vst v20  }
0x606: {  	[tilespmem:s16+$0x700] =	vst v29;
	v20 =	vadd.s32 $0x600, v2;
	v17 =	vld.idx.msk [tilespmem:v17+s5+$0x0], $0xffff  }
0x607: {  	v6 =	vld.idx.msk [tilespmem:v6+s5+$0x0], $0xffff;
	[tilespmem:s6+$0x580] =	vst v14  }
0x608: {  	[tilespmem:s19+$0x600] =	vst v9;
	v13 =	vld.idx.msk [tilespmem:v13+s5+$0x0], $0xffff  }
0x609: {  	v22 =	vld.idx.msk [tilespmem:v32+s5+$0x0], $0xffff;
	[tilespmem:s9+$0x580] =	vst v18  }
0x60a: {  	v9 =	vadd.s32 $0x700, v0;
	v15 =	vld.idx.msk [tilespmem:v15+s5+$0x0], $0xffff;
	[tilespmem:s20+$0x580] =	vst v19  }
0x60b: {  	v14 =	vadd.s32 $0x680, v1;
	v18 =	vld.idx.msk [tilespmem:v20+s5+$0x0], $0xffff;
	[tilespmem:s13+$0x580] =	vst v17  }
0x60c: {  	[tilespmem:s16+$0x780] =	vst v6;
	v17 =	vadd.s32 $0x680, v2;
	v16 =	vld.idx.msk [tilespmem:v16+s5+$0x0], $0xffff  }
0x60d: {  	v7 =	vld.idx.msk [tilespmem:v7+s5+$0x0], $0xffff;
	[tilespmem:s6+$0x600] =	vst v13  }
0x60e: {  	v10 =	vld.idx.msk [tilespmem:v10+s5+$0x0], $0xffff;
	[tilespmem:s17+$0x680] =	vst v22  }
0x60f: {  	v9 =	vld.idx.msk [tilespmem:v9+s5+$0x0], $0xffff;
	[tilespmem:s9+$0x600] =	vst v15  }
0x610: {  	v0 =	vadd.s32 $0x780, v0;
	v14 =	vld.idx.msk [tilespmem:v14+s5+$0x0], $0xffff;
	[tilespmem:s20+$0x600] =	vst v18  }
0x611: {  	v13 =	vadd.s32 $0x700, v1;
	v15 =	vld.idx.msk [tilespmem:v17+s5+$0x0], $0xffff;
	[tilespmem:s13+$0x600] =	vst v16  }
0x612: {  	v6 =	vadd.s32 $0x700, v2;
	[tilespmem:s19+$0x680] =	vst v7;
	v12 =	vld.idx.msk [tilespmem:v12+s5+$0x0], $0xffff  }
0x613: {  	v5 =	vld.idx.msk [tilespmem:v5+s5+$0x0], $0xffff;
	[tilespmem:s6+$0x680] =	vst v10  }
0x614: {  	v8 =	vld.idx.msk [tilespmem:v8+s5+$0x0], $0xffff;
	[tilespmem:s17+$0x700] =	vst v9  }
0x615: {  	v0 =	vld.idx.msk [tilespmem:v0+s5+$0x0], $0xffff;
	[tilespmem:s9+$0x680] =	vst v14  }
0x616: {  	v7 =	vld.idx.msk [tilespmem:v13+s5+$0x0], $0xffff;
	[tilespmem:s20+$0x680] =	vst v15  }
0x617: {  	v1 =	vadd.s32 $0x780, v1;
	v6 =	vld.idx.msk [tilespmem:v6+s5+$0x0], $0xffff;
	[tilespmem:s13+$0x680] =	vst v12  }
0x618: {  	[tilespmem:s19+$0x700] =	vst v5;
	v2 =	vadd.s32 $0x780, v2;
	v9 =	vld.idx.msk [tilespmem:v11+s5+$0x0], $0xffff  }
0x619: {  	s1 =	sor.u32 $0x2, s15;
	[tilespmem:s6+$0x700] =	vst v8  }
0x61a: {  	s7 =	smulhi.u32 $0x51EB851F, s1;
	v3 =	vld.idx.msk [tilespmem:v3+s5+$0x0], $0xffff;
	[tilespmem:s17+$0x780] =	vst v0  }
0x61b: {  	v4 =	vld.idx.msk [tilespmem:v4+s5+$0x0], $0xffff;
	[tilespmem:s9+$0x700] =	vst v7  }
0x61c: {  	s7 =	sshrl.u32 s7, $0x3;
	v1 =	vld.idx.msk [tilespmem:v1+s5+$0x0], $0xffff;
	[tilespmem:s20+$0x700] =	vst v6  }
0x61d: {  	s21 =	smin.u32 s15, $0x5D;
	s17 =	smul.u32 $0x19, s7;
	v2 =	vld.idx.msk [tilespmem:v2+s5+$0x0], $0xffff;
	[tilespmem:s13+$0x700] =	vst v9  }
0x61e: {  	s22 =	sadd.s32 $0x6, s21;
	v0 =	vld.idx.msk [tilespmem:v21+s5+$0x0], $0xffff  }
0x61f: {  	[tilespmem:s19+$0x780] =	vst v3;
	s1 =	ssub.s32 s1, s17;
	s17 =	smulhi.u32 $0xA3D70A4, s22  }
0x620: {  	[tilespmem:s6+$0x780] =	vst v4  }
0x621: {  	s16 =	sadd.s32 s18, s7;
	s1 =	sshll.u32 s1, $0x12;
	s19 =	smul.u32 $0x19, s17;
	[tilespmem:s9+$0x780] =	vst v1  }
0x622: {  	s6 =	sshll.u32 s16, $0x7;
	s1 =	sadd.s32 s4, s1;
	[tilespmem:s20+$0x780] =	vst v2  }
0x623: {  	s1 =	sadd.s32 s6, s1;
	s21 =	ssub.s32 s22, s19;
	s20 =	simm.s32 $0x9800;
	[tilespmem:s13+$0x780] =	vst v0  }
0x624: {  	[hbm4b:s1+s26] =	stream.strided.scatter [tilespmem:s20], [sflag:$0x7], $0x4000, s28, s26, $0x38;
	[tilespmem:$0x11800] =	vst v63  }
0x625: {  	s22 =	sadd.s32 s18, s17;
	s1 =	sshll.u32 s21, $0xE  }
0x626: {  	s6 =	sshll.u32 s22, $0x7;
	s1 =	sadd.s32 s3, s1  }
0x627: {  	s7 =	simm.s32 $0x0;
	s1 =	sadd.s32 s6, s1  }
0x628: {  	[tilespmem:s23], [sflag:$0x3] =	stream.linear.gather [hbm4b:s1+s7], $0x400, $0x38;
	[tilespmem:$0x11800] =	vst v63  }
0x629: {  	_ =	swait.ge [sflag:s2], $0x400  }
0x62a: {  	[sflag:s2] =	ssyncset.done $0x0  }
0x62b: {  	s9 =	simm.s32 $0x0;
	[sflag:s2] =	ssyncadd.s32 $0xFFFFFC00  }
0x62c: {  	s6 =	sand.u32 $0x60, s7;
	s1 =	sand.u32 $0x3FFFFF80, s9;
	_ =	swait.ge [sflag:s12], $0x4000  }
0x62d: {  	s13 =	sor.u32 $0x10, s6;
	s1 =	sadd.s32 $0x1400, s1;
	[sflag:s12] =	ssyncset.done $0x0  }
0x62e: {  	s16 =	sor.u32 s13, s1;
	[sflag:s12] =	ssyncadd.s32 $0xFFFFC000  }
0x62f: {  	v5 =	vld [tilespmem:s16+$0x0];
	_ =	sdelay $0x1  }
0x630: {  	s1 =	sor.u32 s6, s1  }
0x631: {  	v3 =	vld [tilespmem:s1+$0x0];
	_ =	sdelay $0x4  }
0x632: {  	v0 =	vld.idx.msk [tilespmem:v5+s5+$0x0], $0xffff  }
0x633: {  	s17 =	simm.s32 $0x0;
	v1 =	vadd.s32 $0x80, v5  }
0x634: {  	s1 =	sand.u32 $0x3FFFF800, s17  }
0x635: {  	s1 =	sadd.s32 $0xD800, s1;
	v2 =	vld.idx.msk [tilespmem:v3+s5+$0x0], $0xffff  }
0x636: {  	s31 =	sor.u32 s13, s1;
	v4 =	vadd.s32 $0x80, v3  }
0x637: {  	[tilespmem:s31+$0x0] =	vst v0  }
0x638: {  	v0 =	vld.idx.msk [tilespmem:v1+s5+$0x0], $0xffff  }
0x639: {  	s16 =	sor.u32 s6, s1;
	v1 =	vadd.s32 $0x100, v5  }
0x63a: {  	[tilespmem:s16+$0x0] =	vst v2  }
0x63b: {  	v2 =	vld.idx.msk [tilespmem:v4+s5+$0x0], $0xffff  }
0x63c: {  	v4 =	vadd.s32 $0x100, v3  }
0x63d: {  	[tilespmem:s31+$0x80] =	vst v0  }
0x63e: {  	v0 =	vld.idx.msk [tilespmem:v1+s5+$0x0], $0xffff  }
0x63f: {  	v1 =	vadd.s32 $0x180, v5  }
0x640: {  	[tilespmem:s16+$0x80] =	vst v2  }
0x641: {  	v6 =	vld.idx.msk [tilespmem:v4+s5+$0x0], $0xffff  }
0x642: {  	s19 =	simm.s32 $0x20;
	s20 =	simm.s32 $0x20;
	v7 =	vadd.s32 $0x180, v3  }
0x643: {  	s6 =	sand.u32 $0x60, s20;
	s1 =	sand.u32 $0x3FFFFF80, s19;
	[tilespmem:s31+$0x100] =	vst v0  }
0x644: {  	s1 =	sadd.s32 $0x1400, s1;
	s21 =	sor.u32 $0x10, s6;
	v1 =	vld.idx.msk [tilespmem:v1+s5+$0x0], $0xffff  }
0x645: {  	s22 =	sor.u32 s21, s1;
	v2 =	vadd.s32 $0x200, v5  }
0x646: {  	v0 =	vld [tilespmem:s22+$0x0];
	[tilespmem:s16+$0x100] =	vst v6  }
0x647: {  	v6 =	vld.idx.msk [tilespmem:v7+s5+$0x0], $0xffff  }
0x648: {  	s1 =	sor.u32 s6, s1;
	v7 =	vadd.s32 $0x200, v3  }
0x649: {  	v4 =	vld [tilespmem:s1+$0x0];
	[tilespmem:s31+$0x180] =	vst v1  }
0x64a: {  	v1 =	vld.idx.msk [tilespmem:v2+s5+$0x0], $0xffff  }
0x64b: {  	v2 =	vadd.s32 $0x280, v5  }
0x64c: {  	[tilespmem:s16+$0x180] =	vst v6  }
0x64d: {  	v7 =	vld.idx.msk [tilespmem:v7+s5+$0x0], $0xffff  }
0x64e: {  	v11 =	vadd.s32 $0x280, v3  }
0x64f: {  	v8 =	vld.idx.msk [tilespmem:v0+s5+$0x0], $0xffff;
	[tilespmem:s31+$0x200] =	vst v1  }
0x650: {  	s9 =	simm.s32 $0x200;
	v1 =	vld.idx.msk [tilespmem:v2+s5+$0x0], $0xffff;
	v2 =	vadd.s32 $0x80, v0  }
0x651: {  	v9 =	vadd.s32 $0x300, v5;
	s1 =	sand.u32 $0x3FFFF800, s9  }
0x652: {  	s1 =	sadd.s32 $0xD800, s1;
	v10 =	vld.idx.msk [tilespmem:v4+s5+$0x0], $0xffff;
	[tilespmem:s16+$0x200] =	vst v7  }
0x653: {  	s17 =	sor.u32 s21, s1;
	v6 =	vadd.s32 $0x80, v4;
	v7 =	vld.idx.msk [tilespmem:v11+s5+$0x0], $0xffff  }
0x654: {  	[tilespmem:s17+$0x0] =	vst v8;
	v11 =	vadd.s32 $0x300, v3  }
0x655: {  	v2 =	vld.idx.msk [tilespmem:v2+s5+$0x0], $0xffff;
	[tilespmem:s31+$0x280] =	vst v1  }
0x656: {  	s19 =	sor.u32 s6, s1;
	v8 =	vadd.s32 $0x100, v0;
	v1 =	vld.idx.msk [tilespmem:v9+s5+$0x0], $0xffff  }
0x657: {  	[tilespmem:s19+$0x0] =	vst v10;
	v9 =	vadd.s32 $0x380, v5  }
0x658: {  	v6 =	vld.idx.msk [tilespmem:v6+s5+$0x0], $0xffff;
	[tilespmem:s16+$0x280] =	vst v7  }
0x659: {  	v10 =	vadd.s32 $0x100, v4;
	v7 =	vld.idx.msk [tilespmem:v11+s5+$0x0], $0xffff  }
0x65a: {  	v11 =	vadd.s32 $0x380, v3;
	[tilespmem:s17+$0x80] =	vst v2  }
0x65b: {  	v2 =	vld.idx.msk [tilespmem:v8+s5+$0x0], $0xffff;
	[tilespmem:s31+$0x300] =	vst v1  }
0x65c: {  	s13 =	simm.s32 $0x40;
	s20 =	simm.s32 $0x40;
	v8 =	vadd.s32 $0x180, v0;
	v1 =	vld.idx.msk [tilespmem:v9+s5+$0x0], $0xffff  }
0x65d: {  	s6 =	sand.u32 $0x60, s20;
	s1 =	sand.u32 $0x3FFFFF80, s13;
	[tilespmem:s19+$0x80] =	vst v6;
	v6 =	vadd.s32 $0x400, v5  }
0x65e: {  	s1 =	sadd.s32 $0x1400, s1;
	s21 =	sor.u32 $0x10, s6;
	[tilespmem:s16+$0x300] =	vst v7;
	v9 =	vld.idx.msk [tilespmem:v10+s5+$0x0], $0xffff  }
0x65f: {  	s22 =	sor.u32 s21, s1;
	s1 =	sor.u32 s6, s1;
	v10 =	vadd.s32 $0x180, v4;
	v12 =	vld.idx.msk [tilespmem:v11+s5+$0x0], $0xffff  }
0x660: {  	v11 =	vld [tilespmem:s1+$0x0];
	[tilespmem:s17+$0x100] =	vst v2  }
0x661: {  	v13 =	vadd.s32 $0x400, v3;
	v2 =	vld.idx.msk [tilespmem:v8+s5+$0x0], $0xffff;
	[tilespmem:s31+$0x380] =	vst v1  }
0x662: {  	v8 =	vadd.s32 $0x200, v0;
	v6 =	vld.idx.msk [tilespmem:v6+s5+$0x0], $0xffff  }
0x663: {  	[tilespmem:s19+$0x100] =	vst v9;
	v9 =	vadd.s32 $0x480, v5;
	v1 =	vld [tilespmem:s22+$0x0]  }
0x664: {  	v10 =	vld.idx.msk [tilespmem:v10+s5+$0x0], $0xffff  }
0x665: {  	v7 =	vadd.s32 $0x200, v4;
	[tilespmem:s16+$0x380] =	vst v12  }
0x666: {  	v12 =	vld.idx.msk [tilespmem:v13+s5+$0x0], $0xffff;
	[tilespmem:s17+$0x180] =	vst v2  }
0x667: {  	v2 =	vld.idx.msk [tilespmem:v8+s5+$0x0], $0xffff;
	[tilespmem:s31+$0x400] =	vst v6  }
0x668: {  	v13 =	vadd.s32 $0x480, v3;
	v6 =	vld.idx.msk [tilespmem:v9+s5+$0x0], $0xffff  }
0x669: {  	v8 =	vadd.s32 $0x280, v0;
	[tilespmem:s19+$0x180] =	vst v10  }
0x66a: {  	v9 =	vadd.s32 $0x500, v5;
	v7 =	vld.idx.msk [tilespmem:v7+s5+$0x0], $0xffff  }
0x66b: {  	v15 =	vld.idx.msk [tilespmem:v11+s5+$0x0], $0xffff;
	v10 =	vadd.s32 $0x280, v4;
	[tilespmem:s16+$0x400] =	vst v12  }
0x66c: {  	s13 =	simm.s32 $0x400;
	v16 =	vadd.s32 $0x80, v11;
	v14 =	vld.idx.msk [tilespmem:v1+s5+$0x0], $0xffff;
	[tilespmem:s17+$0x200] =	vst v2  }
0x66d: {  	s1 =	sand.u32 $0x3FFFF800, s13;
	v13 =	vld.idx.msk [tilespmem:v13+s5+$0x0], $0xffff;
	[tilespmem:s31+$0x480] =	vst v6;
	v6 =	vadd.s32 $0x80, v1  }
0x66e: {  	s1 =	sadd.s32 $0xD800, s1;
	v2 =	vld.idx.msk [tilespmem:v8+s5+$0x0], $0xffff  }
0x66f: {  	s29 =	simm.s32 $0x60;
	s20 =	simm.s32 $0x60;
	s6 =	sor.u32 s6, s1;
	[tilespmem:s19+$0x200] =	vst v7;
	v8 =	vld.idx.msk [tilespmem:v9+s5+$0x0], $0xffff;
	v9 =	vadd.s32 $0x300, v0  }
0x670: {  	s7 =	sand.u32 $0x3FFFFF80, s20;
	s9 =	sor.u32 s21, s1;
	s1 =	sand.u32 $0x60, s29;
	[tilespmem:s6+$0x0] =	vst v15;
	v7 =	vadd.s32 $0x580, v5;
	v10 =	vld.idx.msk [tilespmem:v10+s5+$0x0], $0xffff  }
0x671: {  	s7 =	sadd.s32 $0x1400, s7;
	s13 =	sor.u32 $0x10, s1;
	v12 =	vadd.s32 $0x300, v4;
	v15 =	vld.idx.msk [tilespmem:v16+s5+$0x0], $0xffff;
	[tilespmem:s9+$0x0] =	vst v14  }
0x672: {  	s21 =	sor.u32 s13, s7;
	s7 =	sor.u32 s1, s7;
	[tilespmem:s16+$0x480] =	vst v13;
	v14 =	vadd.s32 $0x500, v3;
	v6 =	vld.idx.msk [tilespmem:v6+s5+$0x0], $0xffff  }
0x673: {  	v21 =	vld [tilespmem:s7+$0x0];
	v16 =	vadd.s32 $0x100, v11;
	[tilespmem:s17+$0x280] =	vst v2  }
0x674: {  	v2 =	vld.idx.msk [tilespmem:v9+s5+$0x0], $0xffff;
	[tilespmem:s31+$0x500] =	vst v8;
	v8 =	vadd.s32 $0x100, v1  }
0x675: {  	v9 =	vadd.s32 $0x380, v0;
	[tilespmem:s19+$0x280] =	vst v10;
	v7 =	vld.idx.msk [tilespmem:v7+s5+$0x0], $0xffff  }
0x676: {  	[tilespmem:s6+$0x80] =	vst v15;
	v10 =	vadd.s32 $0x600, v5;
	v12 =	vld.idx.msk [tilespmem:v12+s5+$0x0], $0xffff  }
0x677: {  	v13 =	vadd.s32 $0x380, v4;
	[tilespmem:s9+$0x80] =	vst v6;
	v6 =	vld.idx.msk [tilespmem:v14+s5+$0x0], $0xffff  }
0x678: {  	v15 =	vld.idx.msk [tilespmem:v16+s5+$0x0], $0xffff;
	v14 =	vadd.s32 $0x580, v3  }
0x679: {  	v16 =	vadd.s32 $0x180, v11;
	v8 =	vld.idx.msk [tilespmem:v8+s5+$0x0], $0xffff;
	[tilespmem:s17+$0x300] =	vst v2  }
0x67a: {  	v2 =	vld.idx.msk [tilespmem:v9+s5+$0x0], $0xffff;
	[tilespmem:s31+$0x580] =	vst v7;
	v7 =	vadd.s32 $0x180, v1  }
0x67b: {  	[tilespmem:s19+$0x300] =	vst v12;
	v9 =	vld.idx.msk [tilespmem:v10+s5+$0x0], $0xffff  }
0x67c: {  	v10 =	vadd.s32 $0x400, v0;
	v13 =	vld.idx.msk [tilespmem:v13+s5+$0x0], $0xffff;
	[tilespmem:s16+$0x500] =	vst v6  }
0x67d: {  	[tilespmem:s6+$0x100] =	vst v15;
	v12 =	vadd.s32 $0x680, v5;
	v6 =	vld.idx.msk [tilespmem:v14+s5+$0x0], $0xffff  }
0x67e: {  	[tilespmem:s9+$0x100] =	vst v8;
	v14 =	vld.idx.msk [tilespmem:v16+s5+$0x0], $0xffff  }
0x67f: {  	v16 =	vadd.s32 $0x400, v4;
	v7 =	vld.idx.msk [tilespmem:v7+s5+$0x0], $0xffff  }
0x680: {  	v17 =	vadd.s32 $0x200, v11;
	[tilespmem:s17+$0x380] =	vst v2;
	v2 =	vld [tilespmem:s21+$0x0]  }
0x681: {  	v8 =	vld.idx.msk [tilespmem:v10+s5+$0x0], $0xffff;
	[tilespmem:s31+$0x600] =	vst v9;
	v9 =	vadd.s32 $0x200, v1  }
0x682: {  	[tilespmem:s19+$0x380] =	vst v13;
	v10 =	vld.idx.msk [tilespmem:v12+s5+$0x0], $0xffff;
	v12 =	vadd.s32 $0x480, v0  }
0x683: {  	v15 =	vadd.s32 $0x700, v5;
	[tilespmem:s6+$0x180] =	vst v14  }
0x684: {  	v13 =	vld.idx.msk [tilespmem:v16+s5+$0x0], $0xffff;
	[tilespmem:s16+$0x580] =	vst v6  }
0x685: {  	[tilespmem:s9+$0x180] =	vst v7;
	v6 =	vld.idx.msk [tilespmem:v17+s5+$0x0], $0xffff  }
0x686: {  	v7 =	vadd.s32 $0x600, v3;
	v9 =	vld.idx.msk [tilespmem:v9+s5+$0x0], $0xffff;
	[tilespmem:s17+$0x400] =	vst v8  }
0x687: {  	v8 =	vld.idx.msk [tilespmem:v12+s5+$0x0], $0xffff;
	[tilespmem:s31+$0x680] =	vst v10;
	v10 =	vadd.s32 $0x280, v1  }
0x688: {  	v14 =	vadd.s32 $0x500, v0;
	v12 =	vld.idx.msk [tilespmem:v15+s5+$0x0], $0xffff  }
0x689: {  	v15 =	vadd.s32 $0x280, v11;
	v16 =	vld.idx.msk [tilespmem:v2+s5+$0x0], $0xffff  }
0x68a: {  	v5 =	vadd.s32 $0x780, v5;
	[tilespmem:s19+$0x400] =	vst v13;
	v13 =	vld.idx.msk [tilespmem:v21+s5+$0x0], $0xffff  }
0x68b: {  	s22 =	simm.s32 $0x600;
	v19 =	vadd.s32 $0x80, v21;
	v7 =	vld.idx.msk [tilespmem:v7+s5+$0x0], $0xffff;
	[tilespmem:s9+$0x200] =	vst v9  }
0x68c: {  	s7 =	sand.u32 $0x3FFFF800, s22;
	v9 =	vadd.s32 $0x480, v4;
	v10 =	vld.idx.msk [tilespmem:v10+s5+$0x0], $0xffff;
	[tilespmem:s17+$0x480] =	vst v8  }
0x68d: {  	v18 =	vadd.s32 $0x680, v3;
	s7 =	sadd.s32 $0xD800, s7;
	[tilespmem:s6+$0x200] =	vst v6;
	v14 =	vld.idx.msk [tilespmem:v14+s5+$0x0], $0xffff  }
0x68e: {  	s20 =	sor.u32 s13, s7;
	s13 =	sor.u32 s1, s7;
	v8 =	vadd.s32 $0x80, v2;
	[tilespmem:s31+$0x700] =	vst v12;
	v15 =	vld.idx.msk [tilespmem:v15+s5+$0x0], $0xffff  }
0x68f: {  	v12 =	vadd.s32 $0x300, v1;
	v5 =	vld.idx.msk [tilespmem:v5+s5+$0x0], $0xffff;
	[tilespmem:s13+$0x0] =	vst v13  }
0x690: {  	v17 =	vadd.s32 $0x580, v0;
	[tilespmem:s20+$0x0] =	vst v16;
	v59 =	vld.idx.msk [tilespmem:v19+s5+$0x0], $0xffff  }
0x691: {  	v20 =	vadd.s32 $0x300, v11;
	[tilespmem:s16+$0x600] =	vst v7;
	v16 =	vld.idx.msk [tilespmem:v9+s5+$0x0], $0xffff  }
0x692: {  	v62 =	vadd.s32 $0x100, v21;
	v26 =	vld.idx.msk [tilespmem:v18+s5+$0x0], $0xffff;
	[tilespmem:s9+$0x280] =	vst v10  }
0x693: {  	v29 =	vadd.s32 $0x700, v3;
	v31 =	vadd.s32 $0x580, v4;
	v8 =	vld.idx.msk [tilespmem:v8+s5+$0x0], $0xffff;
	v10 =	vadd.s32 $0x500, v4;
	[tilespmem:s17+$0x500] =	vst v14  }
0x694: {  	v30 =	vadd.s32 $0x600, v0;
	v32 =	vadd.s32 $0x680, v0;
	v22 =	vadd.s32 $0x100, v2;
	v12 =	vld.idx.msk [tilespmem:v12+s5+$0x0], $0xffff;
	[tilespmem:s6+$0x280] =	vst v15  }
0x695: {  	v60 =	vadd.s32 $0x380, v11;
	v23 =	vadd.s32 $0x380, v1;
	v28 =	vadd.s32 $0x180, v21;
	v17 =	vld.idx.msk [tilespmem:v17+s5+$0x0], $0xffff;
	[tilespmem:s31+$0x780] =	vst v5  }
0x696: {  	v27 =	vadd.s32 $0x200, v21;
	v25 =	vadd.s32 $0x280, v21;
	v24 =	vadd.s32 $0x300, v21;
	v61 =	vld.idx.msk [tilespmem:v20+s5+$0x0], $0xffff;
	[tilespmem:s13+$0x80] =	vst v59  }
0x697: {  	v35 =	vadd.s32 $0x400, v1;
	v37 =	vadd.s32 $0x180, v2;
	v6 =	vadd.s32 $0x780, v3;
	[tilespmem:s19+$0x480] =	vst v16;
	v36 =	vld.idx.msk [tilespmem:v62+s5+$0x0], $0xffff  }
0x698: {  	v3 =	vadd.s32 $0x780, v4;
	v13 =	vadd.s32 $0x600, v11;
	v7 =	vadd.s32 $0x680, v4;
	[tilespmem:s20+$0x80] =	vst v8;
	v63 =	vld.idx.msk [tilespmem:v10+s5+$0x0], $0xffff  }
0x699: {  	v19 =	vadd.s32 $0x400, v11;
	v9 =	vadd.s32 $0x600, v4;
	v18 =	vadd.s32 $0x480, v11;
	v38 =	vld.idx.msk [tilespmem:v22+s5+$0x0], $0xffff;
	[tilespmem:s9+$0x300] =	vst v12  }
0x69a: {  	v15 =	vadd.s32 $0x500, v11;
	v14 =	vadd.s32 $0x580, v11;
	v5 =	vadd.s32 $0x700, v4;
	v33 =	vld.idx.msk [tilespmem:v23+s5+$0x0], $0xffff;
	[tilespmem:s17+$0x580] =	vst v17  }
0x69b: {  	v4 =	vadd.s32 $0x780, v11;
	v20 =	vadd.s32 $0x500, v21;
	[tilespmem:s16+$0x680] =	vst v26;
	v26 =	vadd.s32 $0x400, v21;
	v30 =	vld.idx.msk [tilespmem:v30+s5+$0x0], $0xffff  }
0x69c: {  	v16 =	vadd.s32 $0x600, v21;
	v10 =	vadd.s32 $0x680, v11;
	v8 =	vadd.s32 $0x700, v11;
	v29 =	vld.idx.msk [tilespmem:v29+s5+$0x0], $0xffff;
	[tilespmem:s6+$0x300] =	vst v61  }
0x69d: {  	v11 =	vadd.s32 $0x700, v21;
	v22 =	vadd.s32 $0x480, v21;
	v12 =	vadd.s32 $0x680, v21;
	v34 =	vld.idx.msk [tilespmem:v60+s5+$0x0], $0xffff;
	[tilespmem:s19+$0x500] =	vst v63  }
0x69e: {  	s31 =	simm.s32 $0x6;
	v23 =	vadd.s32 $0x380, v21;
	v17 =	vadd.s32 $0x580, v21;
	v21 =	vadd.s32 $0x780, v21;
	[tilespmem:s20+$0x100] =	vst v38;
	v31 =	vld.idx.msk [tilespmem:v31+s5+$0x0], $0xffff  }
.LBB2_17:
0x69f: {  	s31 =	sadd.s32 $0x2, s31;
	v37 =	vld.idx.msk [tilespmem:v37+s5+$0x0], $0xffff;
	[tilespmem:s9+$0x380] =	vst v33  }
0x6a0: {  	s29 =	sadd.s32 $0x20, s29;
	s7 =	sshll.u32 s31, $0x4;
	p0 =	slt.u32 s31, $0x3E;
	v33 =	vld.idx.msk [tilespmem:v35+s5+$0x0], $0xffff;
	[tilespmem:s17+$0x600] =	vst v30  }
0x6a1: {  	s1 =	sand.u32 $0x60, s29;
	v30 =	vadd.s32 $0x200, v2;
	s7 =	sand.u32 $0x3FFFFF80, s7;
	v32 =	vld.idx.msk [tilespmem:v32+s5+$0x0], $0xffff;
	[tilespmem:s16+$0x700] =	vst v29  }
0x6a2: {  	v29 =	vadd.s32 $0x480, v1;
	s21 =	sadd.s32 $0x1400, s7;
	s7 =	sor.u32 $0x10, s1;
	[tilespmem:s13+$0x100] =	vst v36;
	v35 =	vld.idx.msk [tilespmem:v6+s5+$0x0], $0xffff;
	v6 =	vmovc v3;
	v3 =	vmov v4;
	v4 =	vmov v21  }
0x6a3: {  	s22 =	sor.u32 s1, s21;
	s21 =	sor.u32 s7, s21;
	v21 =	vld.idx.msk [tilespmem:v28+s5+$0x0], $0xffff;
	[tilespmem:s6+$0x380] =	vst v34;
	v28 =	vadd.s32 $0x700, v0  }
0x6a4: {  	v34 =	vld [tilespmem:s21+$0x0];
	[tilespmem:s19+$0x580] =	vst v31  }
0x6a5: {  	v31 =	vld [tilespmem:s22+$0x0];
	[tilespmem:s20+$0x180] =	vst v37  }
0x6a6: {  	v30 =	vld.idx.msk [tilespmem:v30+s5+$0x0], $0xffff;
	[tilespmem:s9+$0x400] =	vst v33  }
0x6a7: {  	v29 =	vld.idx.msk [tilespmem:v29+s5+$0x0], $0xffff;
	[tilespmem:s17+$0x680] =	vst v32  }
0x6a8: {  	v32 =	vadd.s32 $0x280, v2;
	v33 =	vld.idx.msk [tilespmem:v28+s5+$0x0], $0xffff;
	[tilespmem:s16+$0x780] =	vst v35;
	s16 =	smov.u32 s19;
	s19 =	smov.u32 s6;
	s6 =	smov.u32 s13  }
0x6a9: {  	[tilespmem:s6+$0x180] =	vst v21;
	v35 =	vld.idx.msk [tilespmem:v19+s5+$0x0], $0xffff;
	v21 =	vadd.s32 $0x500, v1;
	v19 =	vmov v26  }
0x6aa: {  	v39 =	vadd.s32 $0x780, v0;
	v0 =	vmovc v1;
	v1 =	vmovc v2;
	v36 =	vadd.s32 $0x80, v31;
	v38 =	vadd.s32 $0x100, v31;
	v37 =	vld.idx.msk [tilespmem:v27+s5+$0x0], $0xffff  }
0x6ab: {  	v2 =	vmovc v34;
	v28 =	vadd.s32 $0x180, v31;
	v27 =	vadd.s32 $0x200, v31;
	v40 =	vadd.s32 $0x280, v31;
	v41 =	vld.idx.msk [tilespmem:v9+s5+$0x0], $0xffff;
	v9 =	vmovc v13  }
0x6ac: {  	v42 =	vadd.s32 $0x300, v31;
	v43 =	vadd.s32 $0x380, v31;
	v26 =	vadd.s32 $0x400, v31;
	v13 =	vmovc v16;
	v34 =	vld.idx.msk [tilespmem:v34+s5+$0x0], $0xffff;
	[tilespmem:s20+$0x200] =	vst v30  }
0x6ad: {  	v44 =	vadd.s32 $0x500, v31;
	v45 =	vadd.s32 $0x580, v31;
	v30 =	vadd.s32 $0x480, v31;
	v32 =	vld.idx.msk [tilespmem:v32+s5+$0x0], $0xffff;
	[tilespmem:s9+$0x480] =	vst v29  }
0x6ae: {  	s13 =	sshll.u32 s31, $0x8;
	v46 =	vadd.s32 $0x80, v2;
	v16 =	vadd.s32 $0x600, v31;
	v29 =	vadd.s32 $0x680, v31;
	v47 =	vld.idx.msk [tilespmem:v21+s5+$0x0], $0xffff;
	[tilespmem:s17+$0x700] =	vst v33  }
0x6af: {  	s13 =	sand.u32 $0x3FFFF800, s13;
	v48 =	vadd.s32 $0x700, v31;
	v21 =	vadd.s32 $0x780, v31;
	v33 =	vadd.s32 $0x300, v1;
	[tilespmem:s19+$0x400] =	vst v35;
	v35 =	vld.idx.msk [tilespmem:v39+s5+$0x0], $0xffff  }
0x6b0: {  	s21 =	sadd.s32 $0xD800, s13;
	v31 =	vld.idx.msk [tilespmem:v31+s5+$0x0], $0xffff;
	[tilespmem:s6+$0x200] =	vst v37;
	v37 =	vadd.s32 $0x580, v0  }
0x6b1: {  	s13 =	sor.u32 s1, s21;
	s1 =	sor.u32 s7, s21;
	v39 =	vld.idx.msk [tilespmem:v25+s5+$0x0], $0xffff;
	[tilespmem:s16+$0x600] =	vst v41;
	v25 =	vmov v40  }
0x6b2: {  	[tilespmem:s1+$0x0] =	vst v34;
	v34 =	vld.idx.msk [tilespmem:v18+s5+$0x0], $0xffff;
	v18 =	vmov v22;
	v22 =	vmov v30  }
0x6b3: {  	v30 =	vld.idx.msk [tilespmem:v46+s5+$0x0], $0xffff;
	[tilespmem:s20+$0x280] =	vst v32  }
0x6b4: {  	v32 =	vld.idx.msk [tilespmem:v33+s5+$0x0], $0xffff;
	[tilespmem:s9+$0x500] =	vst v47  }
0x6b5: {  	v33 =	vadd.s32 $0x100, v2;
	v37 =	vld.idx.msk [tilespmem:v37+s5+$0x0], $0xffff;
	[tilespmem:s17+$0x780] =	vst v35;
	s17 =	smov.u32 s9;
	s9 =	smov.u32 s20;
	s20 =	smov.u32 s1  }
0x6b6: {  	[tilespmem:s13+$0x0] =	vst v31;
	v31 =	vadd.s32 $0x380, v1;
	v35 =	vld.idx.msk [tilespmem:v7+s5+$0x0], $0xffff;
	v7 =	vmovc v10;
	v10 =	vmov v12;
	v12 =	vmov v29  }
0x6b7: {  	v29 =	vld.idx.msk [tilespmem:v36+s5+$0x0], $0xffff;
	[tilespmem:s6+$0x280] =	vst v39;
	v36 =	vadd.s32 $0x600, v0  }
0x6b8: {  	v39 =	vld.idx.msk [tilespmem:v24+s5+$0x0], $0xffff;
	[tilespmem:s19+$0x480] =	vst v34;
	v24 =	vmov v42  }
0x6b9: {  	[tilespmem:s20+$0x80] =	vst v30;
	v40 =	vld.idx.msk [tilespmem:v15+s5+$0x0], $0xffff;
	v15 =	vmov v20;
	v20 =	vmov v44  }
0x6ba: {  	v41 =	vld.idx.msk [tilespmem:v33+s5+$0x0], $0xffff;
	[tilespmem:s9+$0x300] =	vst v32  }
0x6bb: {  	v33 =	vld.idx.msk [tilespmem:v31+s5+$0x0], $0xffff;
	[tilespmem:s17+$0x580] =	vst v37  }
.Ltmp7:
0x6bc: {  	v37 =	vadd.s32 $0x180, v2;
	v30 =	vld.idx.msk [tilespmem:v36+s5+$0x0], $0xffff;
	[tilespmem:s16+$0x680] =	vst v35;
	(pc) =	sbr.rel @p0 .LBB2_17-.Ltmp7, $4  }
0x6bd: {  	v35 =	vadd.s32 $0x400, v1;
	[tilespmem:s13+$0x80] =	vst v29;
	v29 =	vld.idx.msk [tilespmem:v5+s5+$0x0], $0xffff;
	v5 =	vmovc v8;
	v8 =	vmov v11;
	v11 =	vmov v48  }
0x6be: {  	v32 =	vadd.s32 $0x680, v0;
	v36 =	vld.idx.msk [tilespmem:v38+s5+$0x0], $0xffff;
	[tilespmem:s6+$0x300] =	vst v39  }
0x6bf: {  	v34 =	vld.idx.msk [tilespmem:v23+s5+$0x0], $0xffff;
	[tilespmem:s19+$0x500] =	vst v40;
	v23 =	vmov v43  }
0x6c0: {  	[tilespmem:s20+$0x100] =	vst v41;
	v31 =	vld.idx.msk [tilespmem:v14+s5+$0x0], $0xffff;
	v14 =	vmov v17;
	v17 =	vmov v45  }
0x6c1: {  	_ =	sdelay $0x3  }
0x6c2: {  	v37 =	vld.idx.msk [tilespmem:v37+s5+$0x0], $0xffff;
	[tilespmem:s13+$0x100] =	vst v36  }
0x6c3: {  	v61 =	vadd.s32 $0x200, v2;
	v28 =	vld.idx.msk [tilespmem:v28+s5+$0x0], $0xffff;
	_ =	sdelay $0x3  }
0x6c4: {  	[tilespmem:s20+$0x180] =	vst v37  }
0x6c5: {  	v36 =	vld.idx.msk [tilespmem:v61+s5+$0x0], $0xffff;
	[tilespmem:s13+$0x180] =	vst v28  }
0x6c6: {  	v62 =	vadd.s32 $0x280, v2;
	v27 =	vld.idx.msk [tilespmem:v27+s5+$0x0], $0xffff;
	_ =	sdelay $0x3  }
0x6c7: {  	[tilespmem:s20+$0x200] =	vst v36  }
0x6c8: {  	v28 =	vld.idx.msk [tilespmem:v62+s5+$0x0], $0xffff;
	[tilespmem:s13+$0x200] =	vst v27  }
0x6c9: {  	v63 =	vadd.s32 $0x300, v2;
	v25 =	vld.idx.msk [tilespmem:v25+s5+$0x0], $0xffff;
	_ =	sdelay $0x3  }
0x6ca: {  	[tilespmem:s20+$0x280] =	vst v28  }
0x6cb: {  	v27 =	vld.idx.msk [tilespmem:v63+s5+$0x0], $0xffff;
	[tilespmem:s13+$0x280] =	vst v25  }
0x6cc: {  	v36 =	vadd.s32 $0x380, v2;
	v24 =	vld.idx.msk [tilespmem:v24+s5+$0x0], $0xffff;
	_ =	sdelay $0x3  }
0x6cd: {  	[tilespmem:s20+$0x300] =	vst v27  }
0x6ce: {  	v25 =	vld.idx.msk [tilespmem:v36+s5+$0x0], $0xffff;
	[tilespmem:s13+$0x300] =	vst v24  }
0x6cf: {  	v37 =	vadd.s32 $0x400, v2;
	v23 =	vld.idx.msk [tilespmem:v23+s5+$0x0], $0xffff;
	_ =	sdelay $0x1  }
0x6d0: {  	[tilespmem:s9+$0x380] =	vst v33  }
0x6d1: {  	v38 =	vld.idx.msk [tilespmem:v35+s5+$0x0], $0xffff;
	[tilespmem:s6+$0x380] =	vst v34  }
0x6d2: {  	v39 =	vadd.s32 $0x480, v1;
	v19 =	vld.idx.msk [tilespmem:v19+s5+$0x0], $0xffff;
	[tilespmem:s20+$0x380] =	vst v25  }
0x6d3: {  	v24 =	vld.idx.msk [tilespmem:v37+s5+$0x0], $0xffff;
	[tilespmem:s13+$0x380] =	vst v23  }
0x6d4: {  	v40 =	vadd.s32 $0x480, v2;
	v41 =	vld.idx.msk [tilespmem:v26+s5+$0x0], $0xffff;
	_ =	sdelay $0x1  }
0x6d5: {  	[tilespmem:s9+$0x400] =	vst v38  }
0x6d6: {  	v42 =	vld.idx.msk [tilespmem:v39+s5+$0x0], $0xffff;
	[tilespmem:s6+$0x400] =	vst v19  }
0x6d7: {  	v43 =	vadd.s32 $0x500, v1;
	v18 =	vld.idx.msk [tilespmem:v18+s5+$0x0], $0xffff;
	[tilespmem:s20+$0x400] =	vst v24  }
0x6d8: {  	v23 =	vld.idx.msk [tilespmem:v40+s5+$0x0], $0xffff;
	[tilespmem:s13+$0x400] =	vst v41  }
0x6d9: {  	v44 =	vadd.s32 $0x500, v2;
	v22 =	vld.idx.msk [tilespmem:v22+s5+$0x0], $0xffff;
	_ =	sdelay $0x1  }
0x6da: {  	[tilespmem:s9+$0x480] =	vst v42  }
0x6db: {  	v19 =	vld.idx.msk [tilespmem:v43+s5+$0x0], $0xffff;
	[tilespmem:s6+$0x480] =	vst v18  }
0x6dc: {  	v45 =	vadd.s32 $0x580, v1;
	v15 =	vld.idx.msk [tilespmem:v15+s5+$0x0], $0xffff;
	[tilespmem:s20+$0x480] =	vst v23  }
0x6dd: {  	v23 =	vld.idx.msk [tilespmem:v44+s5+$0x0], $0xffff;
	[tilespmem:s13+$0x480] =	vst v22  }
0x6de: {  	v46 =	vadd.s32 $0x580, v2;
	v20 =	vld.idx.msk [tilespmem:v20+s5+$0x0], $0xffff  }
0x6df: {  	[tilespmem:s17+$0x600] =	vst v30  }
0x6e0: {  	[tilespmem:s9+$0x500] =	vst v19  }
0x6e1: {  	v18 =	vld.idx.msk [tilespmem:v45+s5+$0x0], $0xffff;
	[tilespmem:s6+$0x500] =	vst v15  }
0x6e2: {  	v47 =	vadd.s32 $0x600, v1;
	v14 =	vld.idx.msk [tilespmem:v14+s5+$0x0], $0xffff;
	[tilespmem:s20+$0x500] =	vst v23  }
0x6e3: {  	v48 =	vld.idx.msk [tilespmem:v46+s5+$0x0], $0xffff;
	[tilespmem:s13+$0x500] =	vst v20  }
0x6e4: {  	v49 =	vadd.s32 $0x600, v2;
	[tilespmem:s16+$0x700] =	vst v29;
	v17 =	vld.idx.msk [tilespmem:v17+s5+$0x0], $0xffff  }
0x6e5: {  	v50 =	vld.idx.msk [tilespmem:v32+s5+$0x0], $0xffff;
	[tilespmem:s19+$0x580] =	vst v31  }
0x6e6: {  	v9 =	vld.idx.msk [tilespmem:v9+s5+$0x0], $0xffff;
	[tilespmem:s9+$0x580] =	vst v18  }
0x6e7: {  	v15 =	vld.idx.msk [tilespmem:v47+s5+$0x0], $0xffff;
	[tilespmem:s6+$0x580] =	vst v14  }
0x6e8: {  	v51 =	vadd.s32 $0x680, v1;
	v13 =	vld.idx.msk [tilespmem:v13+s5+$0x0], $0xffff;
	[tilespmem:s20+$0x580] =	vst v48  }
0x6e9: {  	v52 =	vld.idx.msk [tilespmem:v49+s5+$0x0], $0xffff;
	[tilespmem:s13+$0x580] =	vst v17  }
0x6ea: {  	v53 =	vadd.s32 $0x680, v2;
	[tilespmem:s17+$0x680] =	vst v50;
	v16 =	vld.idx.msk [tilespmem:v16+s5+$0x0], $0xffff  }
0x6eb: {  	v6 =	vld.idx.msk [tilespmem:v6+s5+$0x0], $0xffff;
	[tilespmem:s19+$0x600] =	vst v9  }
0x6ec: {  	v54 =	vadd.s32 $0x700, v0;
	v7 =	vld.idx.msk [tilespmem:v7+s5+$0x0], $0xffff;
	[tilespmem:s9+$0x600] =	vst v15  }
0x6ed: {  	v14 =	vld.idx.msk [tilespmem:v51+s5+$0x0], $0xffff;
	[tilespmem:s6+$0x600] =	vst v13  }
0x6ee: {  	v55 =	vadd.s32 $0x700, v1;
	v10 =	vld.idx.msk [tilespmem:v10+s5+$0x0], $0xffff;
	[tilespmem:s20+$0x600] =	vst v52  }
0x6ef: {  	v56 =	vld.idx.msk [tilespmem:v53+s5+$0x0], $0xffff;
	[tilespmem:s13+$0x600] =	vst v16  }
0x6f0: {  	v57 =	vadd.s32 $0x700, v2;
	[tilespmem:s16+$0x780] =	vst v6;
	v12 =	vld.idx.msk [tilespmem:v12+s5+$0x0], $0xffff  }
0x6f1: {  	v9 =	vld.idx.msk [tilespmem:v54+s5+$0x0], $0xffff;
	[tilespmem:s19+$0x680] =	vst v7  }
0x6f2: {  	v58 =	vadd.s32 $0x780, v0;
	v5 =	vld.idx.msk [tilespmem:v5+s5+$0x0], $0xffff;
	[tilespmem:s9+$0x680] =	vst v14  }
0x6f3: {  	v59 =	vld.idx.msk [tilespmem:v55+s5+$0x0], $0xffff;
	[tilespmem:s6+$0x680] =	vst v10  }
0x6f4: {  	v60 =	vadd.s32 $0x780, v1;
	v8 =	vld.idx.msk [tilespmem:v8+s5+$0x0], $0xffff;
	[tilespmem:s20+$0x680] =	vst v56  }
0x6f5: {  	v6 =	vld.idx.msk [tilespmem:v57+s5+$0x0], $0xffff;
	[tilespmem:s13+$0x680] =	vst v12  }
0x6f6: {  	v61 =	vadd.s32 $0x780, v2;
	[tilespmem:s17+$0x700] =	vst v9;
	v62 =	vld.idx.msk [tilespmem:v11+s5+$0x0], $0xffff  }
0x6f7: {  	v0 =	vld.idx.msk [tilespmem:v58+s5+$0x0], $0xffff;
	[tilespmem:s19+$0x700] =	vst v5  }
0x6f8: {  	s1 =	sor.u32 $0x3, s15;
	v3 =	vld.idx.msk [tilespmem:v3+s5+$0x0], $0xffff;
	[tilespmem:s9+$0x700] =	vst v59  }
0x6f9: {  	s7 =	smulhi.u32 $0x51EB851F, s1;
	v1 =	vld.idx.msk [tilespmem:v60+s5+$0x0], $0xffff;
	[tilespmem:s6+$0x700] =	vst v8  }
0x6fa: {  	v4 =	vld.idx.msk [tilespmem:v4+s5+$0x0], $0xffff;
	[tilespmem:s20+$0x700] =	vst v6  }
0x6fb: {  	s7 =	sshrl.u32 s7, $0x3;
	v2 =	vld.idx.msk [tilespmem:v61+s5+$0x0], $0xffff;
	[tilespmem:s13+$0x700] =	vst v62  }
0x6fc: {  	s29 =	smul.u32 $0x19, s7;
	[tilespmem:s17+$0x780] =	vst v0;
	v63 =	vld.idx.msk [tilespmem:v21+s5+$0x0], $0xffff  }
0x6fd: {  	s31 =	smin.u32 s15, $0x5C;
	[tilespmem:s19+$0x780] =	vst v3  }
0x6fe: {  	s22 =	simm.s32 $0xD800;
	s1 =	ssub.s32 s1, s29;
	s16 =	sadd.s32 $0x7, s31;
	[tilespmem:s9+$0x780] =	vst v1  }
0x6ff: {  	s1 =	sshll.u32 s1, $0x12;
	s17 =	sadd.s32 s18, s7;
	s19 =	smulhi.u32 $0xA3D70A4, s16;
	[tilespmem:s6+$0x780] =	vst v4  }
0x700: {  	s14 =	sadd.s32 $0x1, s14;
	s1 =	sadd.s32 s4, s1;
	s6 =	sshll.u32 s17, $0x7;
	[tilespmem:s20+$0x780] =	vst v2  }
0x701: {  	p0 =	sne.s32 s14, $0x19;
	s21 =	smul.u32 $0x19, s19;
	s1 =	sadd.s32 s6, s1;
	[tilespmem:s13+$0x780] =	vst v63  }
0x702: {  	[hbm4b:s1+s26] =	stream.strided.scatter [tilespmem:s22], [sflag:$0x8], $0x4000, s28, s26, $0x38;
	[tilespmem:$0x11800] =	vst v63  }
.Ltmp8:
0x703: {  	s29 =	ssub.s32 s16, s21;
	(pc) =	sbr.rel @p0 .LBB2_10-.Ltmp8, $4  }
0x704: {  	s31 =	sadd.s32 s18, s19;
	s1 =	sshll.u32 s29, $0xE  }
0x705: {  	s6 =	sshll.u32 s31, $0x7;
	s1 =	sadd.s32 s3, s1  }
0x706: {  	s1 =	sadd.s32 s6, s1  }
0x707: {  	[tilespmem:s24], [sflag:$0x4] =	stream.linear.gather [hbm4b:s1+s5], $0x400, $0x38;
	[tilespmem:$0x11800] =	vst v63  }
0x708: {  	_ =	swait.ge [sflag:s25], $0x400  }
0x709: {  	[sflag:s25] =	ssyncset.done $0x0  }
0x70a: {  	[sflag:s25] =	ssyncadd.s32 $0xFFFFFC00  }
0x70b: {  	_ =	swait.ge [sflag:s8], $0x4000  }
0x70c: {  	[sflag:s8] =	ssyncset.done $0x0  }
0x70d: {  	[sflag:s8] =	ssyncadd.s32 $0xFFFFC000  }
0x70e: {  	_ =	swait.ge [sflag:s30], $0x400  }
0x70f: {  	[sflag:s30] =	ssyncset.done $0x0  }
0x710: {  	[sflag:s30] =	ssyncadd.s32 $0xFFFFFC00  }
0x711: {  	_ =	swait.ge [sflag:s10], $0x4000  }
0x712: {  	[sflag:s10] =	ssyncset.done $0x0  }
0x713: {  	[sflag:s10] =	ssyncadd.s32 $0xFFFFC000  }
0x714: {  	_ =	swait.ge [sflag:s0], $0x400  }
0x715: {  	[sflag:s0] =	ssyncset.done $0x0  }
0x716: {  	[sflag:s0] =	ssyncadd.s32 $0xFFFFFC00  }
0x717: {  	_ =	swait.ge [sflag:s11], $0x4000  }
0x718: {  	[sflag:s11] =	ssyncset.done $0x0  }
0x719: {  	[sflag:s11] =	ssyncadd.s32 $0xFFFFC000  }
0x71a: {  	_ =	swait.ge [sflag:s2], $0x400  }
0x71b: {  	[sflag:s2] =	ssyncset.done $0x0  }
0x71c: {  	[sflag:s2] =	ssyncadd.s32 $0xFFFFFC00  }
0x71d: {  	_ =	swait.ge [sflag:s12], $0x4000  }
0x71e: {  	s6 =	rddreg [dreg:$0x11]  }
0x71f: {  	s1 =	rddreg [dreg:$0x10];
	s6 =	sadd.s32 $0x1, s6  }
0x720: {  	p0 =	sne.s32 s6, s1  }
.Ltmp9:
0x721: {  	_ = 	snop;
	(pc) =	sbr.rel @p0 .LBB2_1-.Ltmp9, $3  }
0x722: {  	_ =	sdelay $0x1  }
0x723: {  	[sflag:s12] =	ssyncset.done $0x0  }
0x724: {  	[sflag:s12] =	ssyncadd.s32 $0xFFFFC000  }
0x725: {  	_ =	sfence.sel $0x180000  }
0x726: {  	[bflag:$0x0] =	sbarrier.arrive $0xFFFF  }
0x727: {  	_ =	strace $0x90000047  }
0x728: {  	s0 =	stileid.u32;
	[bflag:$0x2] =	sbarrier.arrive $0xFFFF  }
0x729: {  	p0 =	sne.s32 s0, $0x0;
	s0 =	rddreg [dreg:$0x3]  }
0x72a: {  	s0 =	sadd.s32 @!p0 $0x100000, s0  }
0x72b: {  	[sflag:s0] =	ssyncadd.tile.s32 @!p0 $0x1;
	_ =	shalt  }
.Lfunc_end2:
_tile_overlayer_lowered:
.L_overlay_start_2:
0x72c: {  	(tag) =	ssettag $0x2  }
0x72d: {  	s0 =	rddreg [dreg:$0x0];
	s2 =	stileid.u32  }
0x72e: {  	s1 =	rddreg [dreg:$0x1];
	p0 =	sne.s32 s2, $0x0  }
0x72f: {  	s3 =	rddreg [dreg:$0x2];
	[bflag:$0x3] =	sbarrier.arrive $0xFFFF;
	s2 =	simm.s32 @!p0 $0x1C09  }
0x730: {  	[timem:s3], [sflag:s2] =	dma.local @!p0 [hbm:s0], s1  }
0x731: {  	s0 =	simm.s32 @!p0 $0x9  }
0x732: {  	_ =	swait.ge @!p0 [sflag:s0], s1  }
0x733: {  	s1 =	ssub.s32 @!p0 $0x0, s1;
	[sflag:s0] =	ssyncset.done @!p0 $0x0  }
0x734: {  	[sflag:s0] =	ssyncadd.s32 @!p0 s1  }
0x735: {  	[bflag:$0x3] =	sbarrier.arrive $0xFFFF  }
0x736: {  	_ =	shalt  }

</sc_bundles>
